<compile_context>
chip_gen: v7x
topology: tpu7x:2x2x1
jax: 0.10.2.dev20260603
libtpu: 0.0.44.dev20260713+nightly
codegen_flags: <defaults>
</compile_context>

<pallas_src>
import functools
import math

import jax
import jax.numpy as jnp
import numpy as np
from jax.experimental import pallas as pl
from jax.experimental.pallas import tpu as pltpu

_B = 2
_SEQ = 4096
_DIM = 2048
_NH = 16
_HD = 128
_LSH = 7
_BLOCK = 256
_SAMPLE = 256
_M = _B * _SEQ
_NPLANES = 3 * _NH
_MT = 512
_LOG_NS = math.log(_SEQ / _SAMPLE)

_rng = np.random.RandomState(42)
_PROJ = _rng.randn(_HD, _LSH).astype(np.float32)
_SAMPLED = _rng.randint(0, _SEQ, size=(_B, _NH, _SAMPLE)).astype(np.int32)
_PROJ_PAD = np.zeros((_HD, 8), np.float32)
_PROJ_PAD[:, :_LSH] = _PROJ
_POWERS = np.zeros((8,), np.int32)
_POWERS[:_LSH] = 2 ** np.arange(_LSH)


def _qkv_body(x_ref, w_ref, cos_ref, sin_ref, proj_ref, out_ref, hash_ref):
    n = pl.program_id(1)
    acc = jnp.dot(x_ref[...], w_ref[...], preferred_element_type=jnp.float32)
    x1 = acc[:, : _HD // 2]
    x2 = acc[:, _HD // 2:]
    rot = jnp.concatenate([-x2, x1], axis=1)
    rotated = acc * cos_ref[...] + rot * sin_ref[...]
    val = jnp.where(n < 2 * _NH, rotated, acc)
    val_bf = val.astype(jnp.bfloat16)
    out_ref[0] = val_bf
    hb = jnp.dot(val_bf, proj_ref[...], preferred_element_type=jnp.float32)
    bits = (hb > 0).astype(jnp.int32)
    h = bits[:, 0:1]
    for j in range(1, _LSH):
        h = h + bits[:, j:j + 1] * (2 ** j)
    hash_ref[0] = h


def _qkv_rotary_hash(x2d_bf, w_bf, cos, sin, proj_bf):
    grid = (_M // _MT, _NPLANES)
    return pl.pallas_call(
        _qkv_body,
        grid=grid,
        in_specs=[
            pl.BlockSpec((_MT, _DIM), lambda m, n: (m, 0)),
            pl.BlockSpec((_DIM, _HD), lambda m, n: (0, n)),
            pl.BlockSpec((_MT, _HD), lambda m, n: (m % (_SEQ // _MT), 0)),
            pl.BlockSpec((_MT, _HD), lambda m, n: (m % (_SEQ // _MT), 0)),
            pl.BlockSpec((_HD, 8), lambda m, n: (0, 0)),
        ],
        out_specs=[
            pl.BlockSpec((1, _MT, _HD), lambda m, n: (n, m, 0)),
            pl.BlockSpec((1, _MT, 1), lambda m, n: (n, m, 0)),
        ],
        out_shape=[
            jax.ShapeDtypeStruct((_NPLANES, _M, _HD), jnp.bfloat16),
            jax.ShapeDtypeStruct((_NPLANES, _M, 1), jnp.int32),
        ],
    )(x2d_bf, w_bf, cos, sin, proj_bf)


def _rank_body(hq_ref, hk_ref, pq_ref, pk_ref):
    w = pl.program_id(0)
    nc = _SEQ // _BLOCK

    def ranks(h_col, out_ref):
        iota_v = jax.lax.broadcasted_iota(jnp.int32, (_SEQ, 128), 1)
        O = (h_col == iota_v)
        Of = O.astype(jnp.float32)
        Ob = O.astype(jnp.bfloat16)
        cnt = jnp.sum(Of, axis=0, keepdims=True)
        incl = cnt
        for s in (1, 2, 4, 8, 16, 32, 64):
            incl = incl + jnp.concatenate(
                [jnp.zeros((1, s), jnp.float32), incl[:, :128 - s]], axis=1)
        ecum = incl - cnt
        O3f = Of.reshape(nc, _BLOCK, 128)
        less3 = jnp.sum(O3f * ecum[None, :, :], axis=2)
        S = jnp.sum(O3f, axis=1)
        inclS = S
        for s in (1, 2, 4, 8):
            inclS = inclS + jnp.concatenate(
                [jnp.zeros((s, 128), jnp.float32), inclS[:nc - s, :]], axis=0)
        Cex = inclS - S
        Cg = jnp.sum(O3f * Cex[:, None, :], axis=2)
        O3b = Ob.reshape(nc, _BLOCK, 128)
        eq3 = jax.lax.dot_general(O3b, O3b, (((2,), (2,)), ((0,), (0,))),
                                  preferred_element_type=jnp.float32)
        mi = jax.lax.broadcasted_iota(jnp.int32, (nc, _BLOCK, _BLOCK), 1)
        mj = jax.lax.broadcasted_iota(jnp.int32, (nc, _BLOCK, _BLOCK), 2)
        W = jnp.sum(eq3 * (mj < mi).astype(jnp.float32), axis=2)
        pos = less3 + Cg + W
        out_ref[0] = pos.astype(jnp.int32) + w * _SEQ

    ranks(hq_ref[0], pq_ref)
    ranks(hk_ref[0], pk_ref)


def _rank_kernel(hq, hk):
    bh = _B * _NH
    nc = _SEQ // _BLOCK
    return pl.pallas_call(
        _rank_body,
        grid=(bh,),
        in_specs=[
            pl.BlockSpec((1, _SEQ, 1), lambda w: (w, 0, 0)),
            pl.BlockSpec((1, _SEQ, 1), lambda w: (w, 0, 0)),
        ],
        out_specs=[
            pl.BlockSpec((1, nc, _BLOCK), lambda w: (w, 0, 0)),
            pl.BlockSpec((1, nc, _BLOCK), lambda w: (w, 0, 0)),
        ],
        out_shape=[
            jax.ShapeDtypeStruct((bh, nc, _BLOCK), jnp.int32),
            jax.ShapeDtypeStruct((bh, nc, _BLOCK), jnp.int32),
        ],
    )(hq, hk)


def _attn_body(qs_ref, ks_ref, vs_ref, ksub_ref, vsub_ref, out_ref):
    scale = _HD ** (-0.5)
    q = qs_ref[0]
    dn = (((1,), (1,)), ((), ()))
    s1 = jax.lax.dot_general(q, ks_ref[0], dn,
                             preferred_element_type=jnp.float32) * scale
    m1 = jnp.max(s1, axis=1, keepdims=True)
    p1 = jnp.exp(s1 - m1)
    d1 = jnp.sum(p1, axis=1, keepdims=True)
    o1 = jnp.dot(p1.astype(jnp.bfloat16), vs_ref[0],
                 preferred_element_type=jnp.float32)
    s2 = jax.lax.dot_general(q, ksub_ref[0], dn,
                             preferred_element_type=jnp.float32) * scale
    m2 = jnp.max(s2, axis=1, keepdims=True)
    p2 = jnp.exp(s2 - m2)
    d2 = jnp.sum(p2, axis=1, keepdims=True)
    o2 = jnp.dot(p2.astype(jnp.bfloat16), vsub_ref[0],
                 preferred_element_type=jnp.float32)
    lse1 = m1 + jnp.log(d1)
    lse2 = m2 + jnp.log(d2) + _LOG_NS
    el = jnp.maximum(lse1, lse2) + jnp.log1p(jnp.exp(-jnp.abs(lse1 - lse2)))
    w1 = jnp.exp(lse1 - el) / d1
    w2 = jnp.exp(lse2 - el) / d2
    out_ref[0] = (o1 * w1 + o2 * w2).astype(jnp.bfloat16)


def _attention(qs, ks, vs, ksub, vsub):
    bh = _B * _NH
    nt = _SEQ // _BLOCK
    return pl.pallas_call(
        _attn_body,
        grid=(bh, nt),
        in_specs=[
            pl.BlockSpec((1, _BLOCK, _HD), lambda i, t: (i, t, 0)),
            pl.BlockSpec((1, _BLOCK, _HD), lambda i, t: (i, t, 0)),
            pl.BlockSpec((1, _BLOCK, _HD), lambda i, t: (i, t, 0)),
            pl.BlockSpec((1, _SAMPLE, _HD), lambda i, t: (i, 0, 0)),
            pl.BlockSpec((1, _SAMPLE, _HD), lambda i, t: (i, 0, 0)),
        ],
        out_specs=pl.BlockSpec((1, _BLOCK, _HD), lambda i, t: (i, t, 0)),
        out_shape=jax.ShapeDtypeStruct((bh, _SEQ, _HD), jnp.bfloat16),
    )(qs, ks, vs, ksub, vsub)


def _out_body(o_ref, w_ref, out_ref):
    out_ref[...] = jnp.dot(o_ref[...], w_ref[...],
                           preferred_element_type=jnp.float32)


def _out_proj(o2d_bf, wout_bf):
    return pl.pallas_call(
        _out_body,
        grid=(_M // _MT,),
        in_specs=[
            pl.BlockSpec((_MT, _DIM), lambda m: (m, 0)),
            pl.BlockSpec((_DIM, _DIM), lambda m: (0, 0)),
        ],
        out_specs=pl.BlockSpec((_MT, _DIM), lambda m: (m, 0)),
        out_shape=jax.ShapeDtypeStruct((_M, _DIM), jnp.float32),
    )(o2d_bf, wout_bf)


def _rope_tables():
    inv_freq = 1.0 / (10000.0 ** (jnp.arange(0, _HD, 2, dtype=jnp.float32) / _HD))
    t = jnp.arange(_SEQ, dtype=jnp.float32)
    freqs = jnp.outer(t, inv_freq)
    emb = jnp.concatenate([freqs, freqs], axis=-1)
    return jnp.cos(emb), jnp.sin(emb)


def _to_bh(planes, lo):
    p = planes[lo:lo + _NH].reshape(_NH, _B, _SEQ, _HD)
    return jnp.transpose(p, (1, 0, 2, 3)).reshape(_B * _NH, _SEQ, _HD)


def kernel(x, W_in, W_out):
    cos, sin = _rope_tables()
    x2d_bf = x.reshape(_M, _DIM).astype(jnp.bfloat16)
    w_bf = W_in.astype(jnp.bfloat16)
    wout_bf = W_out.astype(jnp.bfloat16)
    proj_bf = jnp.asarray(_PROJ_PAD).astype(jnp.bfloat16)

    planes, hash3 = _qkv_rotary_hash(x2d_bf, w_bf, cos, sin, proj_bf)
    hashes = hash3.reshape(_NPLANES, _M)
    bh = _B * _NH

    def to_bh_hash(lo):
        hh = hashes[lo:lo + _NH].reshape(_NH, _B, _SEQ)
        return jnp.transpose(hh, (1, 0, 2)).reshape(bh, _SEQ, 1)

    pq3, pk3 = _rank_kernel(to_bh_hash(0), to_bh_hash(_NH))
    pq = pq3.reshape(bh * _SEQ)
    pk = pk3.reshape(bh * _SEQ)

    qp = _to_bh(planes, 0).reshape(bh * _SEQ, _HD)
    kp = _to_bh(planes, _NH).reshape(bh * _SEQ, _HD)
    vp = _to_bh(planes, 2 * _NH).reshape(bh * _SEQ, _HD)

    qs = jnp.zeros_like(qp).at[pq].set(qp, unique_indices=True)
    ks = jnp.zeros_like(kp).at[pk].set(kp, unique_indices=True)
    vs = jnp.zeros_like(vp).at[pk].set(vp, unique_indices=True)
    samp_g = jnp.asarray(
        (_SAMPLED.reshape(bh, _SAMPLE)
         + (np.arange(bh, dtype=np.int32) * _SEQ)[:, None]).reshape(-1))
    ksub = jnp.take(kp, samp_g, axis=0)
    vsub = jnp.take(vp, samp_g, axis=0)

    o_s = _attention(qs.reshape(bh, _SEQ, _HD), ks.reshape(bh, _SEQ, _HD),
                     vs.reshape(bh, _SEQ, _HD),
                     ksub.reshape(bh, _SAMPLE, _HD),
                     vsub.reshape(bh, _SAMPLE, _HD))

    o_u = jnp.take(o_s.reshape(bh * _SEQ, _HD), pq, axis=0)
    o2d = jnp.transpose(o_u.reshape(_B, _NH, _SEQ, _HD), (0, 2, 1, 3))
    o2d = o2d.reshape(_M, _DIM)

    out = _out_proj(o2d, wout_bf)
    return out.reshape(_B, _SEQ, _DIM)

# --- scband reference (transcript-rebuilt; emitter-appended) ---
"""Pipeline reference for scband-custom-open-lm-attn-27247272526207 (READ-ONLY COPY).

The authoritative reference and input builder live on the scoring server;
editing this copy changes nothing except your own understanding.
"""

import jax, jax.numpy as jnp
import numpy as np
import math

B = 2
SEQ = 4096
DIM = 2048
NH = 16
HD = 128
LSH_NUM_PROJS = 7
BLOCK = 256
SAMPLE = 256


def setup_inputs(seed: int = 0) -> dict:
    key = jax.random.key(seed)
    k1, k2, k3 = jax.random.split(key, 3)
    x = jax.random.normal(k1, (B, SEQ, DIM), dtype=jnp.float32)
    std = 1.0 / math.sqrt(DIM)
    W_in = jax.random.truncated_normal(k2, -3.0, 3.0, (DIM, 3 * DIM), dtype=jnp.float32) * std
    W_out = jax.random.truncated_normal(k3, -3.0, 3.0, (DIM, DIM), dtype=jnp.float32) * (std / math.sqrt(2.0))
    return {'x': x, 'W_in': W_in, 'W_out': W_out}


def _rotary(x, offset=0):
    # x: [B, S, H, D] xformers-style rotary (rotate_half on half-split)
    S = x.shape[1]
    D = x.shape[-1]
    inv_freq = 1.0 / (10000.0 ** (jnp.arange(0, D, 2, dtype=jnp.float32) / D))
    t = jnp.arange(S, dtype=jnp.float32) + offset
    freqs = jnp.outer(t, inv_freq)
    emb = jnp.concatenate([freqs, freqs], axis=-1)
    cos = jnp.cos(emb)[None, :, None, :]
    sin = jnp.sin(emb)[None, :, None, :]
    x1, x2 = jnp.split(x, 2, axis=-1)
    rot = jnp.concatenate([-x2, x1], axis=-1)
    return x * cos + rot * sin


def _exact_attn(q, k, v, scale):
    s = jnp.einsum('...nd,...md->...nm', q, k) * scale
    lse = jax.scipy.special.logsumexp(s, axis=-1, keepdims=True)
    p = jnp.exp(s - lse)
    o = jnp.einsum('...nm,...md->...nd', p, v)
    return o, lse


def _hyper_attention(q, k, v, scale):
    # q, k, v: [B, H, N, D]. HyperAttention (non-causal): angular-LSH bucket sort,
    # block-diagonal attention on sorted tokens + uniformly-sampled residual columns,
    # merged via log-sum-exp correction.
    Bb, H, N, D = q.shape
    rng = np.random.RandomState(42)
    proj = jnp.asarray(rng.randn(D, LSH_NUM_PROJS).astype(np.float32))
    powers = (2 ** jnp.arange(LSH_NUM_PROJS)).astype(jnp.int32)
    q_hash = jnp.sum((jnp.einsum('bhnd,dp->bhnp', q, proj) > 0).astype(jnp.int32) * powers, axis=-1)
    k_hash = jnp.sum((jnp.einsum('bhnd,dp->bhnp', k, proj) > 0).astype(jnp.int32) * powers, axis=-1)
    q_idx = jnp.argsort(q_hash, axis=-1)
    k_idx = jnp.argsort(k_hash, axis=-1)
    q_s = jnp.take_along_axis(q, q_idx[..., None], axis=2)
    k_s = jnp.take_along_axis(k, k_idx[..., None], axis=2)
    v_s = jnp.take_along_axis(v, k_idx[..., None], axis=2)
    nb = N // BLOCK
    qb = q_s.reshape(Bb, H, nb, BLOCK, D)
    kb = k_s.reshape(Bb, H, nb, BLOCK, D)
    vb = v_s.reshape(Bb, H, nb, BLOCK, D)
    o_b, lse_b = _exact_attn(qb, kb, vb, scale)
    o_b = o_b.reshape(Bb, H, N, D)
    lse_b = lse_b.reshape(Bb, H, N, 1)
    inv = jnp.argsort(q_idx, axis=-1)
    o_b = jnp.take_along_axis(o_b, inv[..., None], axis=2)
    lse_b = jnp.take_along_axis(lse_b, inv[..., None], axis=2)
    # residual: uniformly sampled key/value columns with importance weight N/SAMPLE
    sampled = jnp.asarray(rng.randint(0, N, size=(Bb, H, SAMPLE)).astype(np.int32))
    k_sub = jnp.take_along_axis(k, sampled[..., None], axis=2)
    v_sub = jnp.take_along_axis(v, sampled[..., None], axis=2)
    o_r, lse_r = _exact_attn(q, k_sub, v_sub, scale)
    lse_r = lse_r + math.log(N / SAMPLE)
    lse = jnp.logaddexp(lse_b, lse_r)
    return o_b * jnp.exp(lse_b - lse) + o_r * jnp.exp(lse_r - lse)


def reference(x, W_in, W_out):
    Bb, S, _ = x.shape
    qkv = x @ W_in
    q, k, v = jnp.split(qkv, 3, axis=-1)
    q = q.reshape(Bb, S, NH, HD)
    k = k.reshape(Bb, S, NH, HD)
    v = v.reshape(Bb, S, NH, HD)
    q = _rotary(q, 0)
    k = _rotary(k, 0)
    qt = jnp.transpose(q, (0, 2, 1, 3))
    kt = jnp.transpose(k, (0, 2, 1, 3))
    vt = jnp.transpose(v, (0, 2, 1, 3))
    scale = HD ** (-0.5)
    o = _hyper_attention(qt, kt, vt, scale)
    o = jnp.transpose(o, (0, 2, 1, 3)).reshape(Bb, S, NH * HD)
    return o @ W_out

if __name__ == "__main__":
    import jax
    _d = setup_inputs()
    print(jax.jit(kernel)(*tuple(_d.values())))

</pallas_src>

<mosaic_0001>
module attributes {stable_mosaic.version = 14 : i64} {
  func.func @_qkv_body(%arg0: i32, %arg1: i32, %arg2: memref<512x2048xbf16, #tpu.memory_space<vmem>>, %arg3: memref<2048x128xbf16, #tpu.memory_space<vmem>>, %arg4: memref<512x128xf32, #tpu.memory_space<vmem>>, %arg5: memref<512x128xf32, #tpu.memory_space<vmem>>, %arg6: memref<128x8xbf16, #tpu.memory_space<vmem>>, %arg7: memref<1x512x128xbf16, #tpu.memory_space<vmem>>, %arg8: memref<1x512x1xi32, #tpu.memory_space<vmem>>) attributes {dimension_semantics = [#tpu.dimension_semantics<arbitrary>, #tpu.dimension_semantics<arbitrary>], iteration_bounds = array<i64: 16, 48>, scalar_prefetch = 0 : i64, scratch_operands = 0 : i64, tpu.core_type = #tpu.core_type<tc>, window_params = [{transform_indices = @transform_0, window_bounds = array<i64: 512, 2048>}, {transform_indices = @transform_1, window_bounds = array<i64: 2048, 128>}, {transform_indices = @transform_2, window_bounds = array<i64: 512, 128>}, {transform_indices = @transform_3, window_bounds = array<i64: 512, 128>}, {pipeline_mode = #tpu.pipeline_mode<synchronous>, transform_indices = @transform_4, window_bounds = array<i64: 128, 8>}, {transform_indices = @transform_5, window_bounds = array<i64: 1, 512, 128>}, {transform_indices = @transform_6, window_bounds = array<i64: 1, 512, 1>}]} {
    %get3A = arith.constant 0 : index
    %get3A_0 = arith.constant 0 : index
    %get3A_1 = vector.load %arg2[%get3A, %get3A_0] : memref<512x2048xbf16, #tpu.memory_space<vmem>>, vector<512x2048xbf16>
    %get3A_2 = arith.constant 0 : index
    %get3A_3 = arith.constant 0 : index
    %get3A_4 = vector.load %arg3[%get3A_2, %get3A_3] : memref<2048x128xbf16, #tpu.memory_space<vmem>>, vector<2048x128xbf16>
    %dot_general3A = arith.constant dense<0.000000e+00> : vector<512x128xf32>
    %dot_general3A_5 = tpu.matmul %get3A_1, %get3A_4, %dot_general3A {dimension_numbers = #tpu.dot_dimension_numbers<[1], [0], [0], [1], [0, 0, 1, 1], [], []>, transpose_lhs_hint = false} : vector<512x2048xbf16>, vector<2048x128xbf16>, vector<512x128xf32> -> vector<512x128xf32>
    %slice3A = vector.extract_strided_slice %dot_general3A_5 {offsets = [0, 0], sizes = [512, 64], strides = [1, 1]} : vector<512x128xf32> to vector<512x64xf32>
    %slice3A_6 = vector.extract_strided_slice %dot_general3A_5 {offsets = [0, 64], sizes = [512, 64], strides = [1, 1]} : vector<512x128xf32> to vector<512x64xf32>
    %neg3A = arith.constant 0.000000e+00 : f32
    %neg3A_7 = vector.broadcast %neg3A : f32 to vector<512x64xf32>
    %neg3A_8 = arith.subf %neg3A_7, %slice3A_6 : vector<512x64xf32>
    %concatenate3A = tpu.concatenate %neg3A_8, %slice3A in 1 : vector<512x64xf32>, vector<512x64xf32> -> vector<512x128xf32>
    %get3A_9 = arith.constant 0 : index
    %get3A_10 = arith.constant 0 : index
    %get3A_11 = vector.load %arg4[%get3A_9, %get3A_10] : memref<512x128xf32, #tpu.memory_space<vmem>>, vector<512x128xf32>
    %mul3A = arith.mulf %dot_general3A_5, %get3A_11 : vector<512x128xf32>
    %get3A_12 = arith.constant 0 : index
    %get3A_13 = arith.constant 0 : index
    %get3A_14 = vector.load %arg5[%get3A_12, %get3A_13] : memref<512x128xf32, #tpu.memory_space<vmem>>, vector<512x128xf32>
    %mul3A_15 = arith.mulf %concatenate3A, %get3A_14 : vector<512x128xf32>
    %add3A = arith.addf %mul3A, %mul3A_15 : vector<512x128xf32>
    %lt3A = arith.constant 32 : i32
    %lt3A_16 = arith.cmpi slt, %arg1, %lt3A : i32
    %select_n3A = arith.select %lt3A_16, %add3A, %dot_general3A_5 : vector<512x128xf32>
    %convert_element_type3A = arith.truncf %select_n3A : vector<512x128xf32> to vector<512x128xbf16>
    %swap3A = arith.constant 0 : index
    %swap3A_17 = arith.constant 0 : index
    %swap3A_18 = arith.constant 0 : index
    %swap3A_19 = vector.load %arg7[%swap3A, %swap3A_17, %swap3A_18] : memref<1x512x128xbf16, #tpu.memory_space<vmem>>, vector<1x512x128xbf16>
    %swap3A_20 = vector.shape_cast %swap3A_19 : vector<1x512x128xbf16> to vector<512x128xbf16>
    %swap3A_21 = vector.shape_cast %convert_element_type3A : vector<512x128xbf16> to vector<1x512x128xbf16>
    tpu.vector_store %arg7[%swap3A, %swap3A_17, %swap3A_18], %swap3A_21 {strides = array<i32>} : memref<1x512x128xbf16, #tpu.memory_space<vmem>>, vector<1x512x128xbf16>,
    %get3A_22 = arith.constant 0 : index
    %get3A_23 = arith.constant 0 : index
    %get3A_24 = vector.load %arg6[%get3A_22, %get3A_23] : memref<128x8xbf16, #tpu.memory_space<vmem>>, vector<128x8xbf16>
    %dot_general3A_25 = arith.constant dense<0.000000e+00> : vector<512x8xf32>
    %dot_general3A_26 = tpu.matmul %convert_element_type3A, %get3A_24, %dot_general3A_25 {dimension_numbers = #tpu.dot_dimension_numbers<[1], [0], [0], [1], [0, 0, 1, 1], [], []>, transpose_lhs_hint = false} : vector<512x128xbf16>, vector<128x8xbf16>, vector<512x8xf32> -> vector<512x8xf32>
    %gt3A = arith.constant 0.000000e+00 : f32
    %gt3A_27 = vector.broadcast %gt3A : f32 to vector<512x8xf32>
    %gt3A_28 = arith.cmpf ogt, %dot_general3A_26, %gt3A_27 : vector<512x8xf32>
    %convert_element_type3A_29 = arith.extui %gt3A_28 : vector<512x8xi1> to vector<512x8xi32>
    %slice3A_30 = vector.extract_strided_slice %convert_element_type3A_29 {offsets = [0, 0], sizes = [512, 1], strides = [1, 1]} : vector<512x8xi32> to vector<512x1xi32>
    %slice3A_31 = vector.extract_strided_slice %convert_element_type3A_29 {offsets = [0, 1], sizes = [512, 1], strides = [1, 1]} : vector<512x8xi32> to vector<512x1xi32>
    %mul3A_32 = arith.constant 2 : i32
    %mul3A_33 = vector.broadcast %mul3A_32 : i32 to vector<512x1xi32>
    %mul3A_34 = arith.muli %slice3A_31, %mul3A_33 : vector<512x1xi32>
    %add3A_35 = arith.addi %slice3A_30, %mul3A_34 : vector<512x1xi32>
    %slice3A_36 = vector.extract_strided_slice %convert_element_type3A_29 {offsets = [0, 2], sizes = [512, 1], strides = [1, 1]} : vector<512x8xi32> to vector<512x1xi32>
    %mul3A_37 = arith.constant 4 : i32
    %mul3A_38 = vector.broadcast %mul3A_37 : i32 to vector<512x1xi32>
    %mul3A_39 = arith.muli %slice3A_36, %mul3A_38 : vector<512x1xi32>
    %add3A_40 = arith.addi %add3A_35, %mul3A_39 : vector<512x1xi32>
    %slice3A_41 = vector.extract_strided_slice %convert_element_type3A_29 {offsets = [0, 3], sizes = [512, 1], strides = [1, 1]} : vector<512x8xi32> to vector<512x1xi32>
    %mul3A_42 = arith.constant 8 : i32
    %mul3A_43 = vector.broadcast %mul3A_42 : i32 to vector<512x1xi32>
    %mul3A_44 = arith.muli %slice3A_41, %mul3A_43 : vector<512x1xi32>
    %add3A_45 = arith.addi %add3A_40, %mul3A_44 : vector<512x1xi32>
    %slice3A_46 = vector.extract_strided_slice %convert_element_type3A_29 {offsets = [0, 4], sizes = [512, 1], strides = [1, 1]} : vector<512x8xi32> to vector<512x1xi32>
    %mul3A_47 = arith.constant 16 : i32
    %mul3A_48 = vector.broadcast %mul3A_47 : i32 to vector<512x1xi32>
    %mul3A_49 = arith.muli %slice3A_46, %mul3A_48 : vector<512x1xi32>
    %add3A_50 = arith.addi %add3A_45, %mul3A_49 : vector<512x1xi32>
    %slice3A_51 = vector.extract_strided_slice %convert_element_type3A_29 {offsets = [0, 5], sizes = [512, 1], strides = [1, 1]} : vector<512x8xi32> to vector<512x1xi32>
    %mul3A_52 = arith.constant 32 : i32
    %mul3A_53 = vector.broadcast %mul3A_52 : i32 to vector<512x1xi32>
    %mul3A_54 = arith.muli %slice3A_51, %mul3A_53 : vector<512x1xi32>
    %add3A_55 = arith.addi %add3A_50, %mul3A_54 : vector<512x1xi32>
    %slice3A_56 = vector.extract_strided_slice %convert_element_type3A_29 {offsets = [0, 6], sizes = [512, 1], strides = [1, 1]} : vector<512x8xi32> to vector<512x1xi32>
    %mul3A_57 = arith.constant 64 : i32
    %mul3A_58 = vector.broadcast %mul3A_57 : i32 to vector<512x1xi32>
    %mul3A_59 = arith.muli %slice3A_56, %mul3A_58 : vector<512x1xi32>
    %add3A_60 = arith.addi %add3A_55, %mul3A_59 : vector<512x1xi32>
    %swap3A_61 = arith.constant 0 : index
    %swap3A_62 = arith.constant 0 : index
    %swap3A_63 = arith.constant 0 : index
    %swap3A_64 = vector.load %arg8[%swap3A_61, %swap3A_62, %swap3A_63] : memref<1x512x1xi32, #tpu.memory_space<vmem>>, vector<1x512x1xi32>
    %swap3A_65 = vector.shape_cast %swap3A_64 : vector<1x512x1xi32> to vector<512x1xi32>
    %swap3A_66 = vector.shape_cast %add3A_60 : vector<512x1xi32> to vector<1x512x1xi32>
    tpu.vector_store %arg8[%swap3A_61, %swap3A_62, %swap3A_63], %swap3A_66 {strides = array<i32>} : memref<1x512x1xi32, #tpu.memory_space<vmem>>, vector<1x512x1xi32>,
    return
  }
  func.func @transform_0(%arg0: i32, %arg1: i32) -> (i32, i32) {
    %c0_i32 = arith.constant 0 : i32
    %c0_i32_0 = arith.constant 0 : i32
    return %arg0, %c0_i32 : i32, i32
  }
  func.func @transform_1(%arg0: i32, %arg1: i32) -> (i32, i32) {
    %c0_i32 = arith.constant 0 : i32
    %c0_i32_0 = arith.constant 0 : i32
    return %c0_i32, %arg1 : i32, i32
  }
  func.func @transform_2(%arg0: i32, %arg1: i32) -> (i32, i32) {
    %jit3A = arith.constant 8 : i32
    %eq3A = arith.constant 0 : i32
    %eq3A_0 = arith.cmpi eq, %jit3A, %eq3A : i32
    %jit3A_1 = arith.constant 1 : i32
    %select_n3A = arith.select %eq3A_0, %jit3A_1, %jit3A : i32
    %rem3A = arith.remsi %arg0, %select_n3A : i32
    %ne3A = arith.constant 0 : i32
    %ne3A_2 = arith.cmpi ne, %rem3A, %ne3A : i32
    %lt3A = arith.constant 0 : i32
    %lt3A_3 = arith.cmpi slt, %rem3A, %lt3A : i32
    %lt3A_4 = arith.constant 0 : i32
    %lt3A_5 = arith.cmpi slt, %select_n3A, %lt3A_4 : i32
    %ne3A_6 = arith.xori %lt3A_3, %lt3A_5 : i1
    %and3A = arith.andi %ne3A_6, %ne3A_2 : i1
    %add3A = arith.addi %rem3A, %select_n3A : i32
    %select_n3A_7 = arith.select %and3A, %add3A, %rem3A : i32
    %c0_i32 = arith.constant 0 : i32
    %c0_i32_8 = arith.constant 0 : i32
    return %select_n3A_7, %c0_i32 : i32, i32
  }
  func.func @transform_3(%arg0: i32, %arg1: i32) -> (i32, i32) {
    %jit3A = arith.constant 8 : i32
    %eq3A = arith.constant 0 : i32
    %eq3A_0 = arith.cmpi eq, %jit3A, %eq3A : i32
    %jit3A_1 = arith.constant 1 : i32
    %select_n3A = arith.select %eq3A_0, %jit3A_1, %jit3A : i32
    %rem3A = arith.remsi %arg0, %select_n3A : i32
    %ne3A = arith.constant 0 : i32
    %ne3A_2 = arith.cmpi ne, %rem3A, %ne3A : i32
    %lt3A = arith.constant 0 : i32
    %lt3A_3 = arith.cmpi slt, %rem3A, %lt3A : i32
    %lt3A_4 = arith.constant 0 : i32
    %lt3A_5 = arith.cmpi slt, %select_n3A, %lt3A_4 : i32
    %ne3A_6 = arith.xori %lt3A_3, %lt3A_5 : i1
    %and3A = arith.andi %ne3A_6, %ne3A_2 : i1
    %add3A = arith.addi %rem3A, %select_n3A : i32
    %select_n3A_7 = arith.select %and3A, %add3A, %rem3A : i32
    %c0_i32 = arith.constant 0 : i32
    %c0_i32_8 = arith.constant 0 : i32
    return %select_n3A_7, %c0_i32 : i32, i32
  }
  func.func @transform_4(%arg0: i32, %arg1: i32) -> (i32, i32) {
    %c0_i32 = arith.constant 0 : i32
    %c0_i32_0 = arith.constant 0 : i32
    %c0_i32_1 = arith.constant 0 : i32
    return %c0_i32, %c0_i32_0 : i32, i32
  }
  func.func @transform_5(%arg0: i32, %arg1: i32) -> (i32, i32, i32) {
    %c0_i32 = arith.constant 0 : i32
    %c0_i32_0 = arith.constant 0 : i32
    return %arg1, %arg0, %c0_i32 : i32, i32, i32
  }
  func.func @transform_6(%arg0: i32, %arg1: i32) -> (i32, i32, i32) {
    %c0_i32 = arith.constant 0 : i32
    %c0_i32_0 = arith.constant 0 : i32
    return %arg1, %arg0, %c0_i32 : i32, i32, i32
  }
}

module attributes {stable_mosaic.version = 14 : i64} {
  func.func @_rank_body(%arg0: i32, %arg1: memref<1x4096x1xi32, #tpu.memory_space<vmem>>, %arg2: memref<1x4096x1xi32, #tpu.memory_space<vmem>>, %arg3: memref<1x16x256xi32, #tpu.memory_space<vmem>>, %arg4: memref<1x16x256xi32, #tpu.memory_space<vmem>>) attributes {dimension_semantics = [#tpu.dimension_semantics<arbitrary>], iteration_bounds = array<i64: 32>, scalar_prefetch = 0 : i64, scratch_operands = 0 : i64, tpu.core_type = #tpu.core_type<tc>, window_params = [{transform_indices = @transform_0, window_bounds = array<i64: 1, 4096, 1>}, {transform_indices = @transform_1, window_bounds = array<i64: 1, 4096, 1>}, {transform_indices = @transform_2, window_bounds = array<i64: 1, 16, 256>}, {transform_indices = @transform_3, window_bounds = array<i64: 1, 16, 256>}]} {
    %get3A = arith.constant 0 : index
    %get3A_0 = arith.constant 0 : index
    %get3A_1 = arith.constant 0 : index
    %get3A_2 = vector.load %arg1[%get3A, %get3A_0, %get3A_1] : memref<1x4096x1xi32, #tpu.memory_space<vmem>>, vector<1x4096x1xi32>
    %get3A_3 = vector.shape_cast %get3A_2 : vector<1x4096x1xi32> to vector<4096x1xi32>
    %iota3A = tpu.iota {dimensions = array<i32: 1>} : vector<4096x128xi32>
    %eq3A = vector.broadcast %get3A_3 : vector<4096x1xi32> to vector<4096x128xi32>
    %eq3A_4 = arith.cmpi eq, %eq3A, %iota3A : vector<4096x128xi32>
    %convert_element_type3A = arith.extui %eq3A_4 : vector<4096x128xi1> to vector<4096x128xi32>
    %convert_element_type3A_5 = arith.sitofp %convert_element_type3A : vector<4096x128xi32> to vector<4096x128xf32>
    %convert_element_type3A_6 = arith.extui %eq3A_4 : vector<4096x128xi1> to vector<4096x128xi32>
    %convert_element_type3A_7 = arith.sitofp %convert_element_type3A_6 : vector<4096x128xi32> to vector<4096x128xf32>
    %convert_element_type3A_8 = arith.truncf %convert_element_type3A_7 : vector<4096x128xf32> to vector<4096x128xbf16>
    %reduce_sum3A = arith.constant dense<0.000000e+00> : vector<128xf32>
    %reduce_sum3A_9 = vector.multi_reduction <add>, %convert_element_type3A_5, %reduce_sum3A [0] : vector<4096x128xf32> to vector<128xf32>
    %broadcast_in_dim3A = vector.shape_cast %reduce_sum3A_9 : vector<128xf32> to vector<1x128xf32>
    %broadcast_in_dim3A_10 = arith.constant 0.000000e+00 : f32
    %broadcast_in_dim3A_11 = vector.broadcast %broadcast_in_dim3A_10 : f32 to vector<1x1xf32>
    %slice3A = vector.extract_strided_slice %broadcast_in_dim3A {offsets = [0, 0], sizes = [1, 127], strides = [1, 1]} : vector<1x128xf32> to vector<1x127xf32>
    %concatenate3A = tpu.concatenate %broadcast_in_dim3A_11, %slice3A in 1 : vector<1x1xf32>, vector<1x127xf32> -> vector<1x128xf32>
    %add3A = arith.addf %broadcast_in_dim3A, %concatenate3A : vector<1x128xf32>
    %broadcast_in_dim3A_12 = arith.constant 0.000000e+00 : f32
    %broadcast_in_dim3A_13 = vector.broadcast %broadcast_in_dim3A_12 : f32 to vector<1x2xf32>
    %slice3A_14 = vector.extract_strided_slice %add3A {offsets = [0, 0], sizes = [1, 126], strides = [1, 1]} : vector<1x128xf32> to vector<1x126xf32>
    %concatenate3A_15 = tpu.concatenate %broadcast_in_dim3A_13, %slice3A_14 in 1 : vector<1x2xf32>, vector<1x126xf32> -> vector<1x128xf32>
    %add3A_16 = arith.addf %add3A, %concatenate3A_15 : vector<1x128xf32>
    %broadcast_in_dim3A_17 = arith.constant 0.000000e+00 : f32
    %broadcast_in_dim3A_18 = vector.broadcast %broadcast_in_dim3A_17 : f32 to vector<1x4xf32>
    %slice3A_19 = vector.extract_strided_slice %add3A_16 {offsets = [0, 0], sizes = [1, 124], strides = [1, 1]} : vector<1x128xf32> to vector<1x124xf32>
    %concatenate3A_20 = tpu.concatenate %broadcast_in_dim3A_18, %slice3A_19 in 1 : vector<1x4xf32>, vector<1x124xf32> -> vector<1x128xf32>
    %add3A_21 = arith.addf %add3A_16, %concatenate3A_20 : vector<1x128xf32>
    %broadcast_in_dim3A_22 = arith.constant 0.000000e+00 : f32
    %broadcast_in_dim3A_23 = vector.broadcast %broadcast_in_dim3A_22 : f32 to vector<1x8xf32>
    %slice3A_24 = vector.extract_strided_slice %add3A_21 {offsets = [0, 0], sizes = [1, 120], strides = [1, 1]} : vector<1x128xf32> to vector<1x120xf32>
    %concatenate3A_25 = tpu.concatenate %broadcast_in_dim3A_23, %slice3A_24 in 1 : vector<1x8xf32>, vector<1x120xf32> -> vector<1x128xf32>
    %add3A_26 = arith.addf %add3A_21, %concatenate3A_25 : vector<1x128xf32>
    %broadcast_in_dim3A_27 = arith.constant 0.000000e+00 : f32
    %broadcast_in_dim3A_28 = vector.broadcast %broadcast_in_dim3A_27 : f32 to vector<1x16xf32>
    %slice3A_29 = vector.extract_strided_slice %add3A_26 {offsets = [0, 0], sizes = [1, 112], strides = [1, 1]} : vector<1x128xf32> to vector<1x112xf32>
    %concatenate3A_30 = tpu.concatenate %broadcast_in_dim3A_28, %slice3A_29 in 1 : vector<1x16xf32>, vector<1x112xf32> -> vector<1x128xf32>
    %add3A_31 = arith.addf %add3A_26, %concatenate3A_30 : vector<1x128xf32>
    %broadcast_in_dim3A_32 = arith.constant 0.000000e+00 : f32
    %broadcast_in_dim3A_33 = vector.broadcast %broadcast_in_dim3A_32 : f32 to vector<1x32xf32>
    %slice3A_34 = vector.extract_strided_slice %add3A_31 {offsets = [0, 0], sizes = [1, 96], strides = [1, 1]} : vector<1x128xf32> to vector<1x96xf32>
    %concatenate3A_35 = tpu.concatenate %broadcast_in_dim3A_33, %slice3A_34 in 1 : vector<1x32xf32>, vector<1x96xf32> -> vector<1x128xf32>
    %add3A_36 = arith.addf %add3A_31, %concatenate3A_35 : vector<1x128xf32>
    %broadcast_in_dim3A_37 = arith.constant 0.000000e+00 : f32
    %broadcast_in_dim3A_38 = vector.broadcast %broadcast_in_dim3A_37 : f32 to vector<1x64xf32>
    %slice3A_39 = vector.extract_strided_slice %add3A_36 {offsets = [0, 0], sizes = [1, 64], strides = [1, 1]} : vector<1x128xf32> to vector<1x64xf32>
    %concatenate3A_40 = tpu.concatenate %broadcast_in_dim3A_38, %slice3A_39 in 1 : vector<1x64xf32>, vector<1x64xf32> -> vector<1x128xf32>
    %add3A_41 = arith.addf %add3A_36, %concatenate3A_40 : vector<1x128xf32>
    %sub3A = arith.subf %add3A_41, %broadcast_in_dim3A : vector<1x128xf32>
    %reshape3A = vector.shape_cast %convert_element_type3A_5 : vector<4096x128xf32> to vector<16x256x128xf32>
    %broadcast_in_dim3A_42 = vector.shape_cast %sub3A : vector<1x128xf32> to vector<1x1x128xf32>
    %mul3A = vector.broadcast %broadcast_in_dim3A_42 : vector<1x1x128xf32> to vector<16x256x128xf32>
    %mul3A_43 = arith.mulf %reshape3A, %mul3A : vector<16x256x128xf32>
    %reduce_sum3A_44 = arith.constant dense<0.000000e+00> : vector<16x256xf32>
    %reduce_sum3A_45 = vector.multi_reduction <add>, %mul3A_43, %reduce_sum3A_44 [2] : vector<16x256x128xf32> to vector<16x256xf32>
    %reduce_sum3A_46 = arith.constant dense<0.000000e+00> : vector<16x128xf32>
    %reduce_sum3A_47 = vector.multi_reduction <add>, %reshape3A, %reduce_sum3A_46 [1] : vector<16x256x128xf32> to vector<16x128xf32>
    %broadcast_in_dim3A_48 = arith.constant 0.000000e+00 : f32
    %broadcast_in_dim3A_49 = vector.broadcast %broadcast_in_dim3A_48 : f32 to vector<1x128xf32>
    %slice3A_50 = vector.extract_strided_slice %reduce_sum3A_47 {offsets = [0, 0], sizes = [15, 128], strides = [1, 1]} : vector<16x128xf32> to vector<15x128xf32>
    %concatenate3A_51 = tpu.concatenate %broadcast_in_dim3A_49, %slice3A_50 in 0 : vector<1x128xf32>, vector<15x128xf32> -> vector<16x128xf32>
    %add3A_52 = arith.addf %reduce_sum3A_47, %concatenate3A_51 : vector<16x128xf32>
    %broadcast_in_dim3A_53 = arith.constant 0.000000e+00 : f32
    %broadcast_in_dim3A_54 = vector.broadcast %broadcast_in_dim3A_53 : f32 to vector<2x128xf32>
    %slice3A_55 = vector.extract_strided_slice %add3A_52 {offsets = [0, 0], sizes = [14, 128], strides = [1, 1]} : vector<16x128xf32> to vector<14x128xf32>
    %concatenate3A_56 = tpu.concatenate %broadcast_in_dim3A_54, %slice3A_55 in 0 : vector<2x128xf32>, vector<14x128xf32> -> vector<16x128xf32>
    %add3A_57 = arith.addf %add3A_52, %concatenate3A_56 : vector<16x128xf32>
    %broadcast_in_dim3A_58 = arith.constant 0.000000e+00 : f32
    %broadcast_in_dim3A_59 = vector.broadcast %broadcast_in_dim3A_58 : f32 to vector<4x128xf32>
    %slice3A_60 = vector.extract_strided_slice %add3A_57 {offsets = [0, 0], sizes = [12, 128], strides = [1, 1]} : vector<16x128xf32> to vector<12x128xf32>
    %concatenate3A_61 = tpu.concatenate %broadcast_in_dim3A_59, %slice3A_60 in 0 : vector<4x128xf32>, vector<12x128xf32> -> vector<16x128xf32>
    %add3A_62 = arith.addf %add3A_57, %concatenate3A_61 : vector<16x128xf32>
    %broadcast_in_dim3A_63 = arith.constant 0.000000e+00 : f32
    %broadcast_in_dim3A_64 = vector.broadcast %broadcast_in_dim3A_63 : f32 to vector<8x128xf32>
    %slice3A_65 = vector.extract_strided_slice %add3A_62 {offsets = [0, 0], sizes = [8, 128], strides = [1, 1]} : vector<16x128xf32> to vector<8x128xf32>
    %concatenate3A_66 = tpu.concatenate %broadcast_in_dim3A_64, %slice3A_65 in 0 : vector<8x128xf32>, vector<8x128xf32> -> vector<16x128xf32>
    %add3A_67 = arith.addf %add3A_62, %concatenate3A_66 : vector<16x128xf32>
    %sub3A_68 = arith.subf %add3A_67, %reduce_sum3A_47 : vector<16x128xf32>
    %broadcast_in_dim3A_69 = vector.shape_cast %sub3A_68 : vector<16x128xf32> to vector<16x1x128xf32>
    %mul3A_70 = vector.broadcast %broadcast_in_dim3A_69 : vector<16x1x128xf32> to vector<16x256x128xf32>
    %mul3A_71 = arith.mulf %reshape3A, %mul3A_70 : vector<16x256x128xf32>
    %reduce_sum3A_72 = arith.constant dense<0.000000e+00> : vector<16x256xf32>
    %reduce_sum3A_73 = vector.multi_reduction <add>, %mul3A_71, %reduce_sum3A_72 [2] : vector<16x256x128xf32> to vector<16x256xf32>
    %reshape3A_74 = vector.shape_cast %convert_element_type3A_8 : vector<4096x128xbf16> to vector<16x256x128xbf16>
    %dot_general3A = arith.constant dense<0.000000e+00> : vector<16x256x256xf32>
    %dot_general3A_75 = tpu.matmul %reshape3A_74, %reshape3A_74, %dot_general3A {dimension_numbers = #tpu.dot_dimension_numbers<[2], [2], [1], [1], [0, 0, 0, 1, 1, 1], [0], [0]>, transpose_lhs_hint = false} : vector<16x256x128xbf16>, vector<16x256x128xbf16>, vector<16x256x256xf32> -> vector<16x256x256xf32>
    %iota3A_76 = tpu.iota {dimensions = array<i32: 1>} : vector<16x256x256xi32>
    %iota3A_77 = tpu.iota {dimensions = array<i32: 2>} : vector<16x256x256xi32>
    %lt3A = arith.cmpi slt, %iota3A_77, %iota3A_76 : vector<16x256x256xi32>
    %convert_element_type3A_78 = arith.extui %lt3A : vector<16x256x256xi1> to vector<16x256x256xi32>
    %convert_element_type3A_79 = arith.sitofp %convert_element_type3A_78 : vector<16x256x256xi32> to vector<16x256x256xf32>
    %mul3A_80 = arith.mulf %dot_general3A_75, %convert_element_type3A_79 : vector<16x256x256xf32>
    %reduce_sum3A_81 = arith.constant dense<0.000000e+00> : vector<16x256xf32>
    %reduce_sum3A_82 = vector.multi_reduction <add>, %mul3A_80, %reduce_sum3A_81 [2] : vector<16x256x256xf32> to vector<16x256xf32>
    %add3A_83 = arith.addf %reduce_sum3A_45, %reduce_sum3A_73 : vector<16x256xf32>
    %add3A_84 = arith.addf %add3A_83, %reduce_sum3A_82 : vector<16x256xf32>
    %convert_element_type3A_85 = arith.fptosi %add3A_84 : vector<16x256xf32> to vector<16x256xi32>
    %mul3A_86 = arith.constant 4096 : i32
    %mul3A_87 = arith.muli %arg0, %mul3A_86 : i32
    %add3A_88 = vector.broadcast %mul3A_87 : i32 to vector<16x256xi32>
    %add3A_89 = arith.addi %convert_element_type3A_85, %add3A_88 : vector<16x256xi32>
    %swap3A = arith.constant 0 : index
    %swap3A_90 = arith.constant 0 : index
    %swap3A_91 = arith.constant 0 : index
    %swap3A_92 = vector.load %arg3[%swap3A, %swap3A_90, %swap3A_91] : memref<1x16x256xi32, #tpu.memory_space<vmem>>, vector<1x16x256xi32>
    %swap3A_93 = vector.shape_cast %swap3A_92 : vector<1x16x256xi32> to vector<16x256xi32>
    %swap3A_94 = vector.shape_cast %add3A_89 : vector<16x256xi32> to vector<1x16x256xi32>
    tpu.vector_store %arg3[%swap3A, %swap3A_90, %swap3A_91], %swap3A_94 {strides = array<i32>} : memref<1x16x256xi32, #tpu.memory_space<vmem>>, vector<1x16x256xi32>,
    %get3A_95 = arith.constant 0 : index
    %get3A_96 = arith.constant 0 : index
    %get3A_97 = arith.constant 0 : index
    %get3A_98 = vector.load %arg2[%get3A_95, %get3A_96, %get3A_97] : memref<1x4096x1xi32, #tpu.memory_space<vmem>>, vector<1x4096x1xi32>
    %get3A_99 = vector.shape_cast %get3A_98 : vector<1x4096x1xi32> to vector<4096x1xi32>
    %iota3A_100 = tpu.iota {dimensions = array<i32: 1>} : vector<4096x128xi32>
    %eq3A_101 = vector.broadcast %get3A_99 : vector<4096x1xi32> to vector<4096x128xi32>
    %eq3A_102 = arith.cmpi eq, %eq3A_101, %iota3A_100 : vector<4096x128xi32>
    %convert_element_type3A_103 = arith.extui %eq3A_102 : vector<4096x128xi1> to vector<4096x128xi32>
    %convert_element_type3A_104 = arith.sitofp %convert_element_type3A_103 : vector<4096x128xi32> to vector<4096x128xf32>
    %convert_element_type3A_105 = arith.extui %eq3A_102 : vector<4096x128xi1> to vector<4096x128xi32>
    %convert_element_type3A_106 = arith.sitofp %convert_element_type3A_105 : vector<4096x128xi32> to vector<4096x128xf32>
    %convert_element_type3A_107 = arith.truncf %convert_element_type3A_106 : vector<4096x128xf32> to vector<4096x128xbf16>
    %reduce_sum3A_108 = arith.constant dense<0.000000e+00> : vector<128xf32>
    %reduce_sum3A_109 = vector.multi_reduction <add>, %convert_element_type3A_104, %reduce_sum3A_108 [0] : vector<4096x128xf32> to vector<128xf32>
    %broadcast_in_dim3A_110 = vector.shape_cast %reduce_sum3A_109 : vector<128xf32> to vector<1x128xf32>
    %broadcast_in_dim3A_111 = arith.constant 0.000000e+00 : f32
    %broadcast_in_dim3A_112 = vector.broadcast %broadcast_in_dim3A_111 : f32 to vector<1x1xf32>
    %slice3A_113 = vector.extract_strided_slice %broadcast_in_dim3A_110 {offsets = [0, 0], sizes = [1, 127], strides = [1, 1]} : vector<1x128xf32> to vector<1x127xf32>
    %concatenate3A_114 = tpu.concatenate %broadcast_in_dim3A_112, %slice3A_113 in 1 : vector<1x1xf32>, vector<1x127xf32> -> vector<1x128xf32>
    %add3A_115 = arith.addf %broadcast_in_dim3A_110, %concatenate3A_114 : vector<1x128xf32>
    %broadcast_in_dim3A_116 = arith.constant 0.000000e+00 : f32
    %broadcast_in_dim3A_117 = vector.broadcast %broadcast_in_dim3A_116 : f32 to vector<1x2xf32>
    %slice3A_118 = vector.extract_strided_slice %add3A_115 {offsets = [0, 0], sizes = [1, 126], strides = [1, 1]} : vector<1x128xf32> to vector<1x126xf32>
    %concatenate3A_119 = tpu.concatenate %broadcast_in_dim3A_117, %slice3A_118 in 1 : vector<1x2xf32>, vector<1x126xf32> -> vector<1x128xf32>
    %add3A_120 = arith.addf %add3A_115, %concatenate3A_119 : vector<1x128xf32>
    %broadcast_in_dim3A_121 = arith.constant 0.000000e+00 : f32
    %broadcast_in_dim3A_122 = vector.broadcast %broadcast_in_dim3A_121 : f32 to vector<1x4xf32>
    %slice3A_123 = vector.extract_strided_slice %add3A_120 {offsets = [0, 0], sizes = [1, 124], strides = [1, 1]} : vector<1x128xf32> to vector<1x124xf32>
    %concatenate3A_124 = tpu.concatenate %broadcast_in_dim3A_122, %slice3A_123 in 1 : vector<1x4xf32>, vector<1x124xf32> -> vector<1x128xf32>
    %add3A_125 = arith.addf %add3A_120, %concatenate3A_124 : vector<1x128xf32>
    %broadcast_in_dim3A_126 = arith.constant 0.000000e+00 : f32
    %broadcast_in_dim3A_127 = vector.broadcast %broadcast_in_dim3A_126 : f32 to vector<1x8xf32>
    %slice3A_128 = vector.extract_strided_slice %add3A_125 {offsets = [0, 0], sizes = [1, 120], strides = [1, 1]} : vector<1x128xf32> to vector<1x120xf32>
    %concatenate3A_129 = tpu.concatenate %broadcast_in_dim3A_127, %slice3A_128 in 1 : vector<1x8xf32>, vector<1x120xf32> -> vector<1x128xf32>
    %add3A_130 = arith.addf %add3A_125, %concatenate3A_129 : vector<1x128xf32>
    %broadcast_in_dim3A_131 = arith.constant 0.000000e+00 : f32
    %broadcast_in_dim3A_132 = vector.broadcast %broadcast_in_dim3A_131 : f32 to vector<1x16xf32>
    %slice3A_133 = vector.extract_strided_slice %add3A_130 {offsets = [0, 0], sizes = [1, 112], strides = [1, 1]} : vector<1x128xf32> to vector<1x112xf32>
    %concatenate3A_134 = tpu.concatenate %broadcast_in_dim3A_132, %slice3A_133 in 1 : vector<1x16xf32>, vector<1x112xf32> -> vector<1x128xf32>
    %add3A_135 = arith.addf %add3A_130, %concatenate3A_134 : vector<1x128xf32>
    %broadcast_in_dim3A_136 = arith.constant 0.000000e+00 : f32
    %broadcast_in_dim3A_137 = vector.broadcast %broadcast_in_dim3A_136 : f32 to vector<1x32xf32>
    %slice3A_138 = vector.extract_strided_slice %add3A_135 {offsets = [0, 0], sizes = [1, 96], strides = [1, 1]} : vector<1x128xf32> to vector<1x96xf32>
    %concatenate3A_139 = tpu.concatenate %broadcast_in_dim3A_137, %slice3A_138 in 1 : vector<1x32xf32>, vector<1x96xf32> -> vector<1x128xf32>
    %add3A_140 = arith.addf %add3A_135, %concatenate3A_139 : vector<1x128xf32>
    %broadcast_in_dim3A_141 = arith.constant 0.000000e+00 : f32
    %broadcast_in_dim3A_142 = vector.broadcast %broadcast_in_dim3A_141 : f32 to vector<1x64xf32>
    %slice3A_143 = vector.extract_strided_slice %add3A_140 {offsets = [0, 0], sizes = [1, 64], strides = [1, 1]} : vector<1x128xf32> to vector<1x64xf32>
    %concatenate3A_144 = tpu.concatenate %broadcast_in_dim3A_142, %slice3A_143 in 1 : vector<1x64xf32>, vector<1x64xf32> -> vector<1x128xf32>
    %add3A_145 = arith.addf %add3A_140, %concatenate3A_144 : vector<1x128xf32>
    %sub3A_146 = arith.subf %add3A_145, %broadcast_in_dim3A_110 : vector<1x128xf32>
    %reshape3A_147 = vector.shape_cast %convert_element_type3A_104 : vector<4096x128xf32> to vector<16x256x128xf32>
    %broadcast_in_dim3A_148 = vector.shape_cast %sub3A_146 : vector<1x128xf32> to vector<1x1x128xf32>
    %mul3A_149 = vector.broadcast %broadcast_in_dim3A_148 : vector<1x1x128xf32> to vector<16x256x128xf32>
    %mul3A_150 = arith.mulf %reshape3A_147, %mul3A_149 : vector<16x256x128xf32>
    %reduce_sum3A_151 = arith.constant dense<0.000000e+00> : vector<16x256xf32>
    %reduce_sum3A_152 = vector.multi_reduction <add>, %mul3A_150, %reduce_sum3A_151 [2] : vector<16x256x128xf32> to vector<16x256xf32>
    %reduce_sum3A_153 = arith.constant dense<0.000000e+00> : vector<16x128xf32>
    %reduce_sum3A_154 = vector.multi_reduction <add>, %reshape3A_147, %reduce_sum3A_153 [1] : vector<16x256x128xf32> to vector<16x128xf32>
    %broadcast_in_dim3A_155 = arith.constant 0.000000e+00 : f32
    %broadcast_in_dim3A_156 = vector.broadcast %broadcast_in_dim3A_155 : f32 to vector<1x128xf32>
    %slice3A_157 = vector.extract_strided_slice %reduce_sum3A_154 {offsets = [0, 0], sizes = [15, 128], strides = [1, 1]} : vector<16x128xf32> to vector<15x128xf32>
    %concatenate3A_158 = tpu.concatenate %broadcast_in_dim3A_156, %slice3A_157 in 0 : vector<1x128xf32>, vector<15x128xf32> -> vector<16x128xf32>
    %add3A_159 = arith.addf %reduce_sum3A_154, %concatenate3A_158 : vector<16x128xf32>
    %broadcast_in_dim3A_160 = arith.constant 0.000000e+00 : f32
    %broadcast_in_dim3A_161 = vector.broadcast %broadcast_in_dim3A_160 : f32 to vector<2x128xf32>
    %slice3A_162 = vector.extract_strided_slice %add3A_159 {offsets = [0, 0], sizes = [14, 128], strides = [1, 1]} : vector<16x128xf32> to vector<14x128xf32>
    %concatenate3A_163 = tpu.concatenate %broadcast_in_dim3A_161, %slice3A_162 in 0 : vector<2x128xf32>, vector<14x128xf32> -> vector<16x128xf32>
    %add3A_164 = arith.addf %add3A_159, %concatenate3A_163 : vector<16x128xf32>
    %broadcast_in_dim3A_165 = arith.constant 0.000000e+00 : f32
    %broadcast_in_dim3A_166 = vector.broadcast %broadcast_in_dim3A_165 : f32 to vector<4x128xf32>
    %slice3A_167 = vector.extract_strided_slice %add3A_164 {offsets = [0, 0], sizes = [12, 128], strides = [1, 1]} : vector<16x128xf32> to vector<12x128xf32>
    %concatenate3A_168 = tpu.concatenate %broadcast_in_dim3A_166, %slice3A_167 in 0 : vector<4x128xf32>, vector<12x128xf32> -> vector<16x128xf32>
    %add3A_169 = arith.addf %add3A_164, %concatenate3A_168 : vector<16x128xf32>
    %broadcast_in_dim3A_170 = arith.constant 0.000000e+00 : f32
    %broadcast_in_dim3A_171 = vector.broadcast %broadcast_in_dim3A_170 : f32 to vector<8x128xf32>
    %slice3A_172 = vector.extract_strided_slice %add3A_169 {offsets = [0, 0], sizes = [8, 128], strides = [1, 1]} : vector<16x128xf32> to vector<8x128xf32>
    %concatenate3A_173 = tpu.concatenate %broadcast_in_dim3A_171, %slice3A_172 in 0 : vector<8x128xf32>, vector<8x128xf32> -> vector<16x128xf32>
    %add3A_174 = arith.addf %add3A_169, %concatenate3A_173 : vector<16x128xf32>
    %sub3A_175 = arith.subf %add3A_174, %reduce_sum3A_154 : vector<16x128xf32>
    %broadcast_in_dim3A_176 = vector.shape_cast %sub3A_175 : vector<16x128xf32> to vector<16x1x128xf32>
    %mul3A_177 = vector.broadcast %broadcast_in_dim3A_176 : vector<16x1x128xf32> to vector<16x256x128xf32>
    %mul3A_178 = arith.mulf %reshape3A_147, %mul3A_177 : vector<16x256x128xf32>
    %reduce_sum3A_179 = arith.constant dense<0.000000e+00> : vector<16x256xf32>
    %reduce_sum3A_180 = vector.multi_reduction <add>, %mul3A_178, %reduce_sum3A_179 [2] : vector<16x256x128xf32> to vector<16x256xf32>
    %reshape3A_181 = vector.shape_cast %convert_element_type3A_107 : vector<4096x128xbf16> to vector<16x256x128xbf16>
    %dot_general3A_182 = arith.constant dense<0.000000e+00> : vector<16x256x256xf32>
    %dot_general3A_183 = tpu.matmul %reshape3A_181, %reshape3A_181, %dot_general3A_182 {dimension_numbers = #tpu.dot_dimension_numbers<[2], [2], [1], [1], [0, 0, 0, 1, 1, 1], [0], [0]>, transpose_lhs_hint = false} : vector<16x256x128xbf16>, vector<16x256x128xbf16>, vector<16x256x256xf32> -> vector<16x256x256xf32>
    %iota3A_184 = tpu.iota {dimensions = array<i32: 1>} : vector<16x256x256xi32>
    %iota3A_185 = tpu.iota {dimensions = array<i32: 2>} : vector<16x256x256xi32>
    %lt3A_186 = arith.cmpi slt, %iota3A_185, %iota3A_184 : vector<16x256x256xi32>
    %convert_element_type3A_187 = arith.extui %lt3A_186 : vector<16x256x256xi1> to vector<16x256x256xi32>
    %convert_element_type3A_188 = arith.sitofp %convert_element_type3A_187 : vector<16x256x256xi32> to vector<16x256x256xf32>
    %mul3A_189 = arith.mulf %dot_general3A_183, %convert_element_type3A_188 : vector<16x256x256xf32>
    %reduce_sum3A_190 = arith.constant dense<0.000000e+00> : vector<16x256xf32>
    %reduce_sum3A_191 = vector.multi_reduction <add>, %mul3A_189, %reduce_sum3A_190 [2] : vector<16x256x256xf32> to vector<16x256xf32>
    %add3A_192 = arith.addf %reduce_sum3A_152, %reduce_sum3A_180 : vector<16x256xf32>
    %add3A_193 = arith.addf %add3A_192, %reduce_sum3A_191 : vector<16x256xf32>
    %convert_element_type3A_194 = arith.fptosi %add3A_193 : vector<16x256xf32> to vector<16x256xi32>
    %mul3A_195 = arith.constant 4096 : i32
    %mul3A_196 = arith.muli %arg0, %mul3A_195 : i32
    %add3A_197 = vector.broadcast %mul3A_196 : i32 to vector<16x256xi32>
    %add3A_198 = arith.addi %convert_element_type3A_194, %add3A_197 : vector<16x256xi32>
    %swap3A_199 = arith.constant 0 : index
    %swap3A_200 = arith.constant 0 : index
    %swap3A_201 = arith.constant 0 : index
    %swap3A_202 = vector.load %arg4[%swap3A_199, %swap3A_200, %swap3A_201] : memref<1x16x256xi32, #tpu.memory_space<vmem>>, vector<1x16x256xi32>
    %swap3A_203 = vector.shape_cast %swap3A_202 : vector<1x16x256xi32> to vector<16x256xi32>
    %swap3A_204 = vector.shape_cast %add3A_198 : vector<16x256xi32> to vector<1x16x256xi32>
    tpu.vector_store %arg4[%swap3A_199, %swap3A_200, %swap3A_201], %swap3A_204 {strides = array<i32>} : memref<1x16x256xi32, #tpu.memory_space<vmem>>, vector<1x16x256xi32>,
    return
  }
  func.func @transform_0(%arg0: i32) -> (i32, i32, i32) {
    %c0_i32 = arith.constant 0 : i32
    %c0_i32_0 = arith.constant 0 : i32
    %c0_i32_1 = arith.constant 0 : i32
    return %arg0, %c0_i32, %c0_i32_0 : i32, i32, i32
  }
  func.func @transform_1(%arg0: i32) -> (i32, i32, i32) {
    %c0_i32 = arith.constant 0 : i32
    %c0_i32_0 = arith.constant 0 : i32
    %c0_i32_1 = arith.constant 0 : i32
    return %arg0, %c0_i32, %c0_i32_0 : i32, i32, i32
  }
  func.func @transform_2(%arg0: i32) -> (i32, i32, i32) {
    %c0_i32 = arith.constant 0 : i32
    %c0_i32_0 = arith.constant 0 : i32
    %c0_i32_1 = arith.constant 0 : i32
    return %arg0, %c0_i32, %c0_i32_0 : i32, i32, i32
  }
  func.func @transform_3(%arg0: i32) -> (i32, i32, i32) {
    %c0_i32 = arith.constant 0 : i32
    %c0_i32_0 = arith.constant 0 : i32
    %c0_i32_1 = arith.constant 0 : i32
    return %arg0, %c0_i32, %c0_i32_0 : i32, i32, i32
  }
}

module attributes {stable_mosaic.version = 14 : i64} {
  func.func @_attn_body(%arg0: i32, %arg1: i32, %arg2: memref<1x256x128xbf16, #tpu.memory_space<vmem>>, %arg3: memref<1x256x128xbf16, #tpu.memory_space<vmem>>, %arg4: memref<1x256x128xbf16, #tpu.memory_space<vmem>>, %arg5: memref<1x256x128xbf16, #tpu.memory_space<vmem>>, %arg6: memref<1x256x128xbf16, #tpu.memory_space<vmem>>, %arg7: memref<1x256x128xbf16, #tpu.memory_space<vmem>>) attributes {dimension_semantics = [#tpu.dimension_semantics<arbitrary>, #tpu.dimension_semantics<arbitrary>], iteration_bounds = array<i64: 32, 16>, scalar_prefetch = 0 : i64, scratch_operands = 0 : i64, tpu.core_type = #tpu.core_type<tc>, window_params = [{transform_indices = @transform_0, window_bounds = array<i64: 1, 256, 128>}, {transform_indices = @transform_1, window_bounds = array<i64: 1, 256, 128>}, {transform_indices = @transform_2, window_bounds = array<i64: 1, 256, 128>}, {transform_indices = @transform_3, window_bounds = array<i64: 1, 256, 128>}, {transform_indices = @transform_4, window_bounds = array<i64: 1, 256, 128>}, {transform_indices = @transform_5, window_bounds = array<i64: 1, 256, 128>}]} {
    %get3A = arith.constant 0 : index
    %get3A_0 = arith.constant 0 : index
    %get3A_1 = arith.constant 0 : index
    %get3A_2 = vector.load %arg2[%get3A, %get3A_0, %get3A_1] : memref<1x256x128xbf16, #tpu.memory_space<vmem>>, vector<1x256x128xbf16>
    %get3A_3 = vector.shape_cast %get3A_2 : vector<1x256x128xbf16> to vector<256x128xbf16>
    %get3A_4 = arith.constant 0 : index
    %get3A_5 = arith.constant 0 : index
    %get3A_6 = arith.constant 0 : index
    %get3A_7 = vector.load %arg3[%get3A_4, %get3A_5, %get3A_6] : memref<1x256x128xbf16, #tpu.memory_space<vmem>>, vector<1x256x128xbf16>
    %get3A_8 = vector.shape_cast %get3A_7 : vector<1x256x128xbf16> to vector<256x128xbf16>
    %dot_general3A = arith.constant dense<0.000000e+00> : vector<256x256xf32>
    %dot_general3A_9 = tpu.matmul %get3A_3, %get3A_8, %dot_general3A {dimension_numbers = #tpu.dot_dimension_numbers<[1], [1], [0], [0], [0, 0, 1, 0], [], []>, transpose_lhs_hint = false} : vector<256x128xbf16>, vector<256x128xbf16>, vector<256x256xf32> -> vector<256x256xf32>
    %mul3A = arith.constant 0.0883883461 : f32
    %mul3A_10 = vector.broadcast %mul3A : f32 to vector<256x256xf32>
    %mul3A_11 = arith.mulf %dot_general3A_9, %mul3A_10 : vector<256x256xf32>
    %reduce_max3A = arith.constant dense<0xFF800000> : vector<256xf32>
    %reduce_max3A_12 = vector.multi_reduction <maximumf>, %mul3A_11, %reduce_max3A [1] : vector<256x256xf32> to vector<256xf32>
    %broadcast_in_dim3A = vector.shape_cast %reduce_max3A_12 : vector<256xf32> to vector<256x1xf32>
    %sub3A = vector.broadcast %broadcast_in_dim3A : vector<256x1xf32> to vector<256x256xf32>
    %sub3A_13 = arith.subf %mul3A_11, %sub3A : vector<256x256xf32>
    %exp3A = math.exp %sub3A_13 : vector<256x256xf32>
    %reduce_sum3A = arith.constant dense<0.000000e+00> : vector<256xf32>
    %reduce_sum3A_14 = vector.multi_reduction <add>, %exp3A, %reduce_sum3A [1] : vector<256x256xf32> to vector<256xf32>
    %broadcast_in_dim3A_15 = vector.shape_cast %reduce_sum3A_14 : vector<256xf32> to vector<256x1xf32>
    %convert_element_type3A = arith.truncf %exp3A : vector<256x256xf32> to vector<256x256xbf16>
    %get3A_16 = arith.constant 0 : index
    %get3A_17 = arith.constant 0 : index
    %get3A_18 = arith.constant 0 : index
    %get3A_19 = vector.load %arg4[%get3A_16, %get3A_17, %get3A_18] : memref<1x256x128xbf16, #tpu.memory_space<vmem>>, vector<1x256x128xbf16>
    %get3A_20 = vector.shape_cast %get3A_19 : vector<1x256x128xbf16> to vector<256x128xbf16>
    %dot_general3A_21 = arith.constant dense<0.000000e+00> : vector<256x128xf32>
    %dot_general3A_22 = tpu.matmul %convert_element_type3A, %get3A_20, %dot_general3A_21 {dimension_numbers = #tpu.dot_dimension_numbers<[1], [0], [0], [1], [0, 0, 1, 1], [], []>, transpose_lhs_hint = false} : vector<256x256xbf16>, vector<256x128xbf16>, vector<256x128xf32> -> vector<256x128xf32>
    %get3A_23 = arith.constant 0 : index
    %get3A_24 = arith.constant 0 : index
    %get3A_25 = arith.constant 0 : index
    %get3A_26 = vector.load %arg5[%get3A_23, %get3A_24, %get3A_25] : memref<1x256x128xbf16, #tpu.memory_space<vmem>>, vector<1x256x128xbf16>
    %get3A_27 = vector.shape_cast %get3A_26 : vector<1x256x128xbf16> to vector<256x128xbf16>
    %dot_general3A_28 = arith.constant dense<0.000000e+00> : vector<256x256xf32>
    %dot_general3A_29 = tpu.matmul %get3A_3, %get3A_27, %dot_general3A_28 {dimension_numbers = #tpu.dot_dimension_numbers<[1], [1], [0], [0], [0, 0, 1, 0], [], []>, transpose_lhs_hint = false} : vector<256x128xbf16>, vector<256x128xbf16>, vector<256x256xf32> -> vector<256x256xf32>
    %mul3A_30 = arith.constant 0.0883883461 : f32
    %mul3A_31 = vector.broadcast %mul3A_30 : f32 to vector<256x256xf32>
    %mul3A_32 = arith.mulf %dot_general3A_29, %mul3A_31 : vector<256x256xf32>
    %reduce_max3A_33 = arith.constant dense<0xFF800000> : vector<256xf32>
    %reduce_max3A_34 = vector.multi_reduction <maximumf>, %mul3A_32, %reduce_max3A_33 [1] : vector<256x256xf32> to vector<256xf32>
    %broadcast_in_dim3A_35 = vector.shape_cast %reduce_max3A_34 : vector<256xf32> to vector<256x1xf32>
    %sub3A_36 = vector.broadcast %broadcast_in_dim3A_35 : vector<256x1xf32> to vector<256x256xf32>
    %sub3A_37 = arith.subf %mul3A_32, %sub3A_36 : vector<256x256xf32>
    %exp3A_38 = math.exp %sub3A_37 : vector<256x256xf32>
    %reduce_sum3A_39 = arith.constant dense<0.000000e+00> : vector<256xf32>
    %reduce_sum3A_40 = vector.multi_reduction <add>, %exp3A_38, %reduce_sum3A_39 [1] : vector<256x256xf32> to vector<256xf32>
    %broadcast_in_dim3A_41 = vector.shape_cast %reduce_sum3A_40 : vector<256xf32> to vector<256x1xf32>
    %convert_element_type3A_42 = arith.truncf %exp3A_38 : vector<256x256xf32> to vector<256x256xbf16>
    %get3A_43 = arith.constant 0 : index
    %get3A_44 = arith.constant 0 : index
    %get3A_45 = arith.constant 0 : index
    %get3A_46 = vector.load %arg6[%get3A_43, %get3A_44, %get3A_45] : memref<1x256x128xbf16, #tpu.memory_space<vmem>>, vector<1x256x128xbf16>
    %get3A_47 = vector.shape_cast %get3A_46 : vector<1x256x128xbf16> to vector<256x128xbf16>
    %dot_general3A_48 = arith.constant dense<0.000000e+00> : vector<256x128xf32>
    %dot_general3A_49 = tpu.matmul %convert_element_type3A_42, %get3A_47, %dot_general3A_48 {dimension_numbers = #tpu.dot_dimension_numbers<[1], [0], [0], [1], [0, 0, 1, 1], [], []>, transpose_lhs_hint = false} : vector<256x256xbf16>, vector<256x128xbf16>, vector<256x128xf32> -> vector<256x128xf32>
    %log3A = math.log %broadcast_in_dim3A_15 : vector<256x1xf32>
    %add3A = arith.addf %broadcast_in_dim3A, %log3A : vector<256x1xf32>
    %log3A_50 = math.log %broadcast_in_dim3A_41 : vector<256x1xf32>
    %add3A_51 = arith.addf %broadcast_in_dim3A_35, %log3A_50 : vector<256x1xf32>
    %add3A_52 = arith.constant 2.77258873 : f32
    %add3A_53 = vector.broadcast %add3A_52 : f32 to vector<256x1xf32>
    %add3A_54 = arith.addf %add3A_51, %add3A_53 : vector<256x1xf32>
    %max3A = arith.maximumf %add3A, %add3A_54 : vector<256x1xf32>
    %sub3A_55 = arith.subf %add3A, %add3A_54 : vector<256x1xf32>
    %abs3A = math.absf %sub3A_55 : vector<256x1xf32>
    %neg3A = arith.constant 0.000000e+00 : f32
    %neg3A_56 = vector.broadcast %neg3A : f32 to vector<256x1xf32>
    %neg3A_57 = arith.subf %neg3A_56, %abs3A : vector<256x1xf32>
    %exp3A_58 = math.exp %neg3A_57 : vector<256x1xf32>
    %log1p3A = math.log1p %exp3A_58 : vector<256x1xf32>
    %add3A_59 = arith.addf %max3A, %log1p3A : vector<256x1xf32>
    %sub3A_60 = arith.subf %add3A, %add3A_59 : vector<256x1xf32>
    %exp3A_61 = math.exp %sub3A_60 : vector<256x1xf32>
    %div3A = arith.divf %exp3A_61, %broadcast_in_dim3A_15 : vector<256x1xf32>
    %sub3A_62 = arith.subf %add3A_54, %add3A_59 : vector<256x1xf32>
    %exp3A_63 = math.exp %sub3A_62 : vector<256x1xf32>
    %div3A_64 = arith.divf %exp3A_63, %broadcast_in_dim3A_41 : vector<256x1xf32>
    %mul3A_65 = vector.broadcast %div3A : vector<256x1xf32> to vector<256x128xf32>
    %mul3A_66 = arith.mulf %dot_general3A_22, %mul3A_65 : vector<256x128xf32>
    %mul3A_67 = vector.broadcast %div3A_64 : vector<256x1xf32> to vector<256x128xf32>
    %mul3A_68 = arith.mulf %dot_general3A_49, %mul3A_67 : vector<256x128xf32>
    %add3A_69 = arith.addf %mul3A_66, %mul3A_68 : vector<256x128xf32>
    %convert_element_type3A_70 = arith.truncf %add3A_69 : vector<256x128xf32> to vector<256x128xbf16>
    %swap3A = arith.constant 0 : index
    %swap3A_71 = arith.constant 0 : index
    %swap3A_72 = arith.constant 0 : index
    %swap3A_73 = vector.load %arg7[%swap3A, %swap3A_71, %swap3A_72] : memref<1x256x128xbf16, #tpu.memory_space<vmem>>, vector<1x256x128xbf16>
    %swap3A_74 = vector.shape_cast %swap3A_73 : vector<1x256x128xbf16> to vector<256x128xbf16>
    %swap3A_75 = vector.shape_cast %convert_element_type3A_70 : vector<256x128xbf16> to vector<1x256x128xbf16>
    tpu.vector_store %arg7[%swap3A, %swap3A_71, %swap3A_72], %swap3A_75 {strides = array<i32>} : memref<1x256x128xbf16, #tpu.memory_space<vmem>>, vector<1x256x128xbf16>,
    return
  }
  func.func @transform_0(%arg0: i32, %arg1: i32) -> (i32, i32, i32) {
    %c0_i32 = arith.constant 0 : i32
    %c0_i32_0 = arith.constant 0 : i32
    return %arg0, %arg1, %c0_i32 : i32, i32, i32
  }
  func.func @transform_1(%arg0: i32, %arg1: i32) -> (i32, i32, i32) {
    %c0_i32 = arith.constant 0 : i32
    %c0_i32_0 = arith.constant 0 : i32
    return %arg0, %arg1, %c0_i32 : i32, i32, i32
  }
  func.func @transform_2(%arg0: i32, %arg1: i32) -> (i32, i32, i32) {
    %c0_i32 = arith.constant 0 : i32
    %c0_i32_0 = arith.constant 0 : i32
    return %arg0, %arg1, %c0_i32 : i32, i32, i32
  }
  func.func @transform_3(%arg0: i32, %arg1: i32) -> (i32, i32, i32) {
    %c0_i32 = arith.constant 0 : i32
    %c0_i32_0 = arith.constant 0 : i32
    %c0_i32_1 = arith.constant 0 : i32
    return %arg0, %c0_i32, %c0_i32_0 : i32, i32, i32
  }
  func.func @transform_4(%arg0: i32, %arg1: i32) -> (i32, i32, i32) {
    %c0_i32 = arith.constant 0 : i32
    %c0_i32_0 = arith.constant 0 : i32
    %c0_i32_1 = arith.constant 0 : i32
    return %arg0, %c0_i32, %c0_i32_0 : i32, i32, i32
  }
  func.func @transform_5(%arg0: i32, %arg1: i32) -> (i32, i32, i32) {
    %c0_i32 = arith.constant 0 : i32
    %c0_i32_0 = arith.constant 0 : i32
    return %arg0, %arg1, %c0_i32 : i32, i32, i32
  }
}

module attributes {stable_mosaic.version = 14 : i64} {
  func.func @_out_body(%arg0: i32, %arg1: memref<512x2048xbf16, #tpu.memory_space<vmem>>, %arg2: memref<2048x2048xbf16, #tpu.memory_space<vmem>>, %arg3: memref<512x2048xf32, #tpu.memory_space<vmem>>) attributes {dimension_semantics = [#tpu.dimension_semantics<arbitrary>], iteration_bounds = array<i64: 16>, scalar_prefetch = 0 : i64, scratch_operands = 0 : i64, tpu.core_type = #tpu.core_type<tc>, window_params = [{transform_indices = @transform_0, window_bounds = array<i64: 512, 2048>}, {pipeline_mode = #tpu.pipeline_mode<synchronous>, transform_indices = @transform_1, window_bounds = array<i64: 2048, 2048>}, {transform_indices = @transform_2, window_bounds = array<i64: 512, 2048>}]} {
    %get3A = arith.constant 0 : index
    %get3A_0 = arith.constant 0 : index
    %get3A_1 = vector.load %arg1[%get3A, %get3A_0] : memref<512x2048xbf16, #tpu.memory_space<vmem>>, vector<512x2048xbf16>
    %get3A_2 = arith.constant 0 : index
    %get3A_3 = arith.constant 0 : index
    %get3A_4 = vector.load %arg2[%get3A_2, %get3A_3] : memref<2048x2048xbf16, #tpu.memory_space<vmem>>, vector<2048x2048xbf16>
    %dot_general3A = arith.constant dense<0.000000e+00> : vector<512x2048xf32>
    %dot_general3A_5 = tpu.matmul %get3A_1, %get3A_4, %dot_general3A {dimension_numbers = #tpu.dot_dimension_numbers<[1], [0], [0], [1], [0, 0, 1, 1], [], []>, transpose_lhs_hint = false} : vector<512x2048xbf16>, vector<2048x2048xbf16>, vector<512x2048xf32> -> vector<512x2048xf32>
    %swap3A = arith.constant 0 : index
    %swap3A_6 = arith.constant 0 : index
    %swap3A_7 = vector.load %arg3[%swap3A, %swap3A_6] : memref<512x2048xf32, #tpu.memory_space<vmem>>, vector<512x2048xf32>
    tpu.vector_store %arg3[%swap3A, %swap3A_6], %dot_general3A_5 {strides = array<i32>} : memref<512x2048xf32, #tpu.memory_space<vmem>>, vector<512x2048xf32>,
    return
  }
  func.func @transform_0(%arg0: i32) -> (i32, i32) {
    %c0_i32 = arith.constant 0 : i32
    %c0_i32_0 = arith.constant 0 : i32
    return %arg0, %c0_i32 : i32, i32
  }
  func.func @transform_1(%arg0: i32) -> (i32, i32) {
    %c0_i32 = arith.constant 0 : i32
    %c0_i32_0 = arith.constant 0 : i32
    %c0_i32_1 = arith.constant 0 : i32
    return %c0_i32, %c0_i32_0 : i32, i32
  }
  func.func @transform_2(%arg0: i32) -> (i32, i32) {
    %c0_i32 = arith.constant 0 : i32
    %c0_i32_0 = arith.constant 0 : i32
    return %arg0, %c0_i32 : i32, i32
  }
}

</mosaic_0001>

<sc_bundles>
// kernel: gather_offload_async_start.1
scs
__scs_entry_jumppad:
0x0: {  	(pc) =	sbr.rel $0x88, $3  }
0x1: {  	(tag) =	ssettag $0x0;
	lr =	simm.s32 $0x1  }
0x2: {  	[smem:$0x3F9E] =	sst lr;
	_ =	strace $0xD0000000  }
0x3: {  	_ = 	snop  }
0x4: {  	_ = 	snop  }
0x5: {  	_ = 	snop  }
0x6: {  	_ = 	snop  }
0x7: {  	_ = 	snop  }
__scs_overlays_trampoline_lowered:
0x8: {  	[smem:$0x3FAD] =	sst s0  }
0x9: {  	[smem:$0x3FAE] =	sst s1  }
0xa: {  	[smem:$0x3FAF] =	sst s2  }
0xb: {  	[smem:$0x3FB0] =	sst s3  }
0xc: {  	[smem:$0x3FB1] =	sst s4  }
0xd: {  	[smem:$0x3FB2] =	sst s5  }
0xe: {  	[smem:$0x3FB3] =	sst s6  }
0xf: {  	[smem:$0x3FB4] =	sst s7  }
0x10: {  	[smem:$0x3FB5] =	sst s8  }
0x11: {  	[smem:$0x3FB6] =	sst s9;
	s0 =	simm.s32 @!p0 $0x0  }
0x12: {  	s1 =	sld [smem:$0x3F9C];
	s0 =	simm.s32 @p0 $0x1  }
0x13: {  	[smem:$0x3FB7] =	sst s0;
	s0 =	simm.s32 @!p1 $0x0  }
0x14: {  	s2 =	sld [smem:$0x3F9B];
	s0 =	simm.s32 @p1 $0x1  }
0x15: {  	[smem:$0x3FB8] =	sst s0;
	s0 =	simm.s32 @!p2 $0x0  }
0x16: {  	s3 =	sld [smem:$0x3FDB];
	s0 =	simm.s32 @p2 $0x1  }
0x17: {  	s4 =	simm.s32 $0x1BF5;
	[smem:$0x3FBA] =	sst s0  }
0x18: {  	s0 =	sld [smem:$0x3F9D];
	_ =	swait.ge [sflag:s4], $0x0  }
0x19: {  	s7 =	sld [smem:$0x3F9E]  }
0x1a: {  	s8 =	sadd.s32 $0xFFFFE003, lr  }
0x1b: {  	s9 =	sadd.s32 $0xFFFFFEF7, lr;
	s5 =	simm.s32 $0xFFFFFFFF;
	p2 =	slt.u32 s8, $0xFFFFF086  }
0x1c: {  	p1 =	slt.u32 s9, $0xF7A;
	s5 =	simm.s32 @!p2 $0x0  }
0x1d: {  	s5 =	simm.s32 @p1 $0x1;
	p0 =	seq.s32 s7, s2  }
0x1e: {  	s7 =	smul.u32 @!p0 $0xF7A, s2;
	p2 =	seq.s32 @!p0 s5, $0x0  }
0x1f: {  	s9 =	smul.u32 $0xF7A, s1;
	s8 =	simm.s32 @!p0 $0x1BF5;
	p2 =	por !p2, p0  }
0x20: {  	[sflag:s8] =	ssyncset.s32 @!p0 $0xFFFFF086;
	s6 =	sadd.s32 @!p0 s3, s7;
	s7 =	simm.s32 @!p0 $0x108  }
0x21: {  	s3 =	sadd.s32 s3, s9;
	s6 =	sadd.s32 @!p0 $0x88, s6;
	s7 =	simm.s32 @p2 $0x1082  }
0x22: {  	[simem:s7], [sflag:s8] =	dma.local @!p0 [hbm:s6], $0xF7A  }
0x23: {  	s9 =	sor.u32 $0xD0000000, s2;
	s6 =	simm.s32 $0x108;
	_ =	swait.ge @!p0 [sflag:s8], $0x0  }
0x24: {  	s3 =	sadd.s32 $0x88, s3;
	s6 =	simm.s32 @!p1 $0x1082;
	[sflag:s4] =	ssyncset.s32 $0xFFFFF086  }
0x25: {  	[simem:s6], [sflag:s4] =	dma.local [hbm:s3], $0xF7A  }
0x26: {  	[smem:$0x3F9E] =	sst s1;
	(tag) =	ssettag s2;
	_ =	strace s9  }
0x27: {  	s1 =	sld [smem:$0x3FAE]  }
0x28: {  	s2 =	sld [smem:$0x3FAF]  }
0x29: {  	s4 =	sld [smem:$0x3FB1]  }
0x2a: {  	p0 =	seq.s32 s5, $0x0;
	s5 =	sld [smem:$0x3FB2]  }
0x2b: {  	s6 =	sld [smem:$0x3FB3]  }
0x2c: {  	s7 =	sld [smem:$0x3FB4]  }
0x2d: {  	s3 =	simm.s32 $0x108;
	s8 =	sld [smem:$0x3FB5]  }
0x2e: {  	s3 =	simm.s32 @!p0 $0x1082;
	s9 =	sld [smem:$0x3FB6]  }
0x2f: {  	lr =	sadd.s32 s0, s3;
	s0 =	sld [smem:$0x3FAD]  }
0x30: {  	s3 =	sld [smem:$0x3FB0]  }
0x31: {  	[smem:$0x3FB9] =	sst s10  }
0x32: {  	s10 =	sld [smem:$0x3FB7];
	_ =	sdelay $0x3  }
0x33: {  	p0 =	seq.s32 s10, $0x1;
	s10 =	sld [smem:$0x3FB9];
	_ =	sdelay $0x3  }
0x34: {  	[smem:$0x3FB9] =	sst s10  }
0x35: {  	s10 =	sld [smem:$0x3FB8];
	_ =	sdelay $0x3  }
0x36: {  	p1 =	seq.s32 s10, $0x1;
	s10 =	sld [smem:$0x3FB9];
	_ =	sdelay $0x3  }
0x37: {  	[smem:$0x3FB9] =	sst s10  }
0x38: {  	s10 =	sld [smem:$0x3FBA]  }
0x39: {  	_ = 	snop;
	(pc) =	sbr.ind lr, $3  }
0x3a: {  	_ = 	snop  }
0x3b: {  	_ = 	snop  }
0x3c: {  	p2 =	seq.s32 s10, $0x1;
	s10 =	sld [smem:$0x3FB9]  }
0x3d: {  	_ =	shalt  }
0x3e: {  	_ =	shalt  }
0x3f: {  	_ =	shalt  }
0x40: {  	_ =	shalt  }
0x41: {  	_ =	shalt  }
0x42: {  	_ =	shalt  }
0x43: {  	_ =	shalt  }
0x44: {  	_ =	shalt  }
0x45: {  	_ =	shalt  }
0x46: {  	_ =	shalt  }
0x47: {  	_ =	shalt  }
0x48: {  	_ =	shalt  }
0x49: {  	_ =	shalt  }
0x4a: {  	_ =	shalt  }
0x4b: {  	_ =	shalt  }
0x4c: {  	_ =	shalt  }
0x4d: {  	_ =	shalt  }
0x4e: {  	_ =	shalt  }
0x4f: {  	_ =	shalt  }
0x50: {  	_ =	shalt  }
0x51: {  	_ =	shalt  }
0x52: {  	_ =	shalt  }
0x53: {  	_ =	shalt  }
0x54: {  	_ =	shalt  }
0x55: {  	_ =	shalt  }
0x56: {  	_ =	shalt  }
0x57: {  	_ =	shalt  }
0x58: {  	_ =	shalt  }
0x59: {  	_ =	shalt  }
0x5a: {  	_ =	shalt  }
0x5b: {  	_ =	shalt  }
0x5c: {  	_ =	shalt  }
0x5d: {  	_ =	shalt  }
0x5e: {  	_ =	shalt  }
0x5f: {  	_ =	shalt  }
0x60: {  	_ =	shalt  }
0x61: {  	_ =	shalt  }
0x62: {  	_ =	shalt  }
0x63: {  	_ =	shalt  }
0x64: {  	_ =	shalt  }
0x65: {  	_ =	shalt  }
0x66: {  	_ =	shalt  }
0x67: {  	_ =	shalt  }
0x68: {  	_ =	shalt  }
0x69: {  	_ =	shalt  }
0x6a: {  	_ =	shalt  }
0x6b: {  	_ =	shalt  }
0x6c: {  	_ =	shalt  }
0x6d: {  	_ =	shalt  }
0x6e: {  	_ =	shalt  }
0x6f: {  	_ =	shalt  }
0x70: {  	_ =	shalt  }
0x71: {  	_ =	shalt  }
0x72: {  	_ =	shalt  }
0x73: {  	_ =	shalt  }
0x74: {  	_ =	shalt  }
0x75: {  	_ =	shalt  }
0x76: {  	_ =	shalt  }
0x77: {  	_ =	shalt  }
0x78: {  	_ =	shalt  }
0x79: {  	_ =	shalt  }
0x7a: {  	_ =	shalt  }
0x7b: {  	_ =	shalt  }
0x7c: {  	_ =	shalt  }
0x7d: {  	_ =	shalt  }
0x7e: {  	_ =	shalt  }
0x7f: {  	_ =	shalt  }
0x80: {  	_ =	shalt  }
0x81: {  	_ =	shalt  }
0x82: {  	_ =	shalt  }
0x83: {  	_ =	shalt  }
0x84: {  	_ =	shalt  }
0x85: {  	_ =	shalt  }
0x86: {  	_ =	shalt  }
0x87: {  	_ =	shalt  }
.Lfunc_end0:
.L_simem_size_0:
called_computation.5_lowered:
.L_overlay_start_0:
0x88: {  	s2 =	sld [smem:$0x3FD9]  }
0x89: {  	s3 =	sld [smem:$0x3FFE];
	_ =	sdelay $0x1  }
0x8a: {  	s1 =	srdreg.scid  }
0x8b: {  	s0 =	sand.u32 $0x1, s1  }
0x8c: {  	s17 =	sshll.u32 s0, $0xA;
	s2 =	sadd.s32 s3, s2  }
0x8d: {  	s2 =	sadd.s32 s2, s17  }
0x8e: {  	[smem:$0x3FC5] =	sst s2  }
0x8f: {  	_ = 	snop  }
0x90: {  	(tm) =	ssettm $0x1  }
0x91: {  	s18 =	sld [smem:$0x3FFB];
	_ =	sdelay $0x3  }
0x92: {  	_ =	strace s18  }
0x93: {  	s2 =	sld [smem:$0x3FFC];
	_ =	sdelay $0x3  }
0x94: {  	_ =	strace s2  }
0x95: {  	s2 =	sld [smem:$0x3FFD];
	_ =	sdelay $0x3  }
0x96: {  	_ =	strace s2  }
0x97: {  	_ =	strace $0x8FFFFFFF  }
0x98: {  	s19 =	sld [smem:$0x3FDB];
	_ =	sdelay $0x1  }
0x99: {  	s20 =	simm.s32 $_scs_section_size  }
0x9a: {  	s4 =	simm.s32 $_size__tile_overlayer_lowered;
	s5 =	simm.s32 $_tile_overlayer_lowered  }
0x9b: {  	s6 =	simm.s32 $0x1BFF;
	s21 =	sshll.u32 s5, $0x1;
	s3 =	sadd.s32 s20, s19  }
0x9c: {  	s22 =	simm.s32 $0x0;
	s4 =	sshll.u32 s4, $0x1;
	s5 =	sadd.s32 s21, s3  }
0x9d: {  	[timem:s22], [sflag:s6] =	dma.local [hbm:s5], s4  }
0x9e: {  	_ =	swait.ge [sflag:s6], s4  }
0x9f: {  	s4 =	ssub.s32 $0x0, s4;
	[sflag:s6] =	ssyncset.done $0x0  }
0xa0: {  	[sflag:s6] =	ssyncadd.s32 s4;
	_ =	sdelay $0x1  }
0xa1: {  	s23 =	simm.s32 $0x1B8B  }
0xa2: {  	_ =	swait.ge [sflag:s23], $0x1  }
0xa3: {  	[sflag:s23] =	ssyncset.done $0x0  }
0xa4: {  	[sflag:s23] =	ssyncadd.s32 $0xFFFFFFFF  }
0xa5: {  	s4 =	sld [smem:$0x0]  }
0xa6: {  	s5 =	sand.u32 $0xFFFFFFFE, s1  }
0xa7: {  	p0 =	sne.s32 s1, s5  }
0xa8: {  	s5 =	sshll.u32 @p0 s5, $0xE  }
0xa9: {  	s5 =	sadd.s32 @p0 $0x11B8D, s5;
	s6 =	sshll.u32 @p0 s4, $0x11  }
0xaa: {  	s5 =	sor.u32 @p0 s6, s5  }
0xab: {  	[sflag:s5] =	ssyncadd.remote.s32 @p0 $0x1;
	_ =	sdelay $0x1  }
0xac: {  	s5 =	simm.s32 @p0 $0x1B8D  }
0xad: {  	_ =	swait.eq @p0 [sflag:s5], $0x1  }
0xae: {  	[sflag:s5] =	ssyncadd.s32 @p0 $0xFFFFFFFF  }
0xaf: {  	s6 =	sshll.u32 @!p0 s1, $0xE  }
0xb0: {  	s6 =	sor.u32 @!p0 $0x4000, s6;
	s5 =	simm.s32 @!p0 $0x1B8D  }
0xb1: {  	s4 =	sshll.u32 @!p0 s4, $0x11;
	s6 =	sadd.s32 @!p0 $0x11B8D, s6;
	_ =	swait.eq @!p0 [sflag:s5], $0x1  }
0xb2: {  	s4 =	sor.u32 @!p0 s4, s6;
	[sflag:s5] =	ssyncadd.s32 @!p0 $0xFFFFFFFF  }
0xb3: {  	s25 =	simm.s32 $0x1B8E;
	s24 =	sld [smem:$0x3FFE];
	[sflag:s4] =	ssyncadd.remote.s32 @!p0 $0x1  }
0xb4: {  	s26 =	simm.s32 $execute0_lowered;
	[smem:$0x3FD2] =	sst s25  }
0xb5: {  	s5 =	sshll.u32 s26, $0x1;
	_ =	strace $0x8000004F;
	[dreg:$0x1] =	wrdreg $0xFFFFFFFF  }
0xb6: {  	s28 =	simm.s32 $_size_execute0_lowered;
	s3 =	sadd.s32 s3, s5;
	[dreg:$0x0] =	wrdreg $0x0  }
0xb7: {  	s5 =	sshll.u32 s28, $0x1;
	[dreg:$0x2] =	wrdreg s3  }
0xb8: {  	[dreg:$0x3] =	wrdreg s5  }
0xb9: {  	[dreg:$0x4] =	wrdreg $0xC0  }
0xba: {  	_ =	task [dreg:s22], $0x5FFFF  }
0xbb: {  	[dreg:$0x1] =	wrdreg $0xFFFFFFFF  }
0xbc: {  	[dreg:$0x0] =	wrdreg $0x60  }
0xbd: {  	[dreg:$0x2] =	wrdreg s24  }
0xbe: {  	[dreg:$0x3] =	wrdreg $0xB  }
0xbf: {  	_ =	task.clear_ibuf [dreg:s22], $0x4FFFF;
	_ =	strace $0x9000004F  }
0xc0: {  	s29 =	simm.s32 $0xB;
	_ =	strace $0x80000051  }
0xc1: {  	_ =	swait.ge [sflag:s29], $0x1  }
0xc2: {  	[sflag:s29] =	ssyncadd.s32 $0xFFFFFFFF  }
0xc3: {  	_ =	strace $0x90000051  }
0xc4: {  	_ =	sfence  }
0xc5: {  	s30 =	sld [smem:$0x0];
	_ =	sdelay $0x2  }
0xc6: {  	s31 =	sshll.u32 s1, $0xD;
	s1 =	sshrl.u32 s1, $0x2  }
0xc7: {  	s4 =	sand.u32 $0x4000, s31;
	s1 =	sadd.s32 s1, s30  }
0xc8: {  	s0 =	sor.u32 s4, s0;
	s1 =	sshll.u32 s1, $0x11  }
0xc9: {  	s0 =	sor.u32 s1, s0  }
0xca: {  	s0 =	sadd.s32 $0x8F2B, s0  }
0xcb: {  	[sflag:s0] =	ssyncadd.remote.s32 $0x1  }
0xcc: {  	_ =	sfence.sel $0xFFFF  }
0xcd: {  	[dreg:$0x0] =	wrdreg $0xFFFFFFFF;
	(pc) =	sbr.abs _section_cstart, $3  }
0xce: {  	[dreg:$0x1] =	wrdreg $0xFFFFFFFF  }
0xcf: {  	_ =	task.clear_ibuf [dreg:s22], $0x2FFFF;
	_ =	strace $0x9FFFFFFF  }
0xd0: {  	(tm) =	ssettm $0x7FFFFFFF  }
0xd1: {  	_ =	shalt  }
tec
execute0_lowered:
.L_overlay_start_1:
0x0: {  	(tag) =	ssettag $0x1  }
0x1: {  	s4 =	rddreg [dreg:$0x0]  }
0x2: {  	s0 =	rddreg [dreg:$0x1]  }
0x3: {  	s1 =	srdreg.scid;
	_ =	strace $0x80000050;
	s7 =	simm.s32 $0x2  }
0x4: {  	s9 =	simm.s32 $0x3;
	p0 =	por $0x0, $0x0;
	s13 =	simm.s32 $0x0  }
0x5: {  	s10 =	simm.s32 $0x0;
	s11 =	simm.s32 $0x0;
	s5 =	sshll.u32 s1, $0x4  }
.Ltmp0:
0x6: {  	s1 =	stileid.u32;
	s5 =	sand.u32 $0x10, s5;
	(pc) =	sbr.rel .LBB2_1-.Ltmp0, $4  }
0x7: {  	vm0 =	vmmov $0xff;
	s2 =	sadd.s32 $0xE00, s4;
	s6 =	sor.u32 s1, s5;
	s5 =	simm.s32 $0x1  }
0x8: {  	vm1 =	vcmask $0x3F20;
	v0 =	vimm.s32 $0x4;
	v1 =	vimm.s32 $0x0;
	s3 =	sadd.s32 $0x308E00, s4;
	s6 =	sshll.u32 s6, $0x8;
	[sflag:s5] =	ssyncpa.u1 $0x0  }
0x9: {  	v2 =	vimm.s32 $0x1;
	v3 =	vimm.s32 $0x2;
	v4 =	vimm.s32 $0x3;
	s4 =	sadd.s32 $0x309200, s4;
	s8 =	sadd.s32 $0x100, s6;
	[sflag:s7] =	ssyncpa.u1 $0x0  }
0xa: {  	v5 =	vimm.s32 $0x5;
	v6 =	vimm.s32 $0x6;
	v7 =	vimm.s32 $0x7;
	s12 =	smov.u32 s6;
	[sflag:s9] =	ssyncpa.u1 $0x0;
	s9 =	simm.s32 $0x0  }
.LBB2_3:
0xb: {  	s13 =	sshrl.u32 s12, $0x3  }
0xc: {  	s14 =	sand.u32 $0x7, s12;
	s13 =	sadd.s32 s3, s13  }
0xd: {  	[tilespmem:s9], [sflag:$0x1] =	stream.linear.gather [hbm4b:s13+s14], $0x100, $0x38;
	[tilespmem:$0x18300] =	vst v63  }
.LBB2_12:
0xe: {  	s14 =	sadd.s32 $0x100, s12  }
0xf: {  	s15 =	smov.u32 s6;
	p1 =	slt.s32 s14, s8  }
0x10: {  	s13 =	smov.u32 s10;
	s10 =	smov.u32 s12;
	s15 =	smov.u32 @p1 s14  }
0x11: {  	s11 =	sadd.s32 $0x1, s11;
	p0 =	por !p0, !p0;
	s12 =	smov.u32 s15  }
.LBB2_1:
0x12: {  	p1 =	sgt.s32 s11, $0x1  }
.Ltmp1:
0x13: {  	_ = 	snop;
	(pc) =	sbr.rel @p1 .LBB2_13-.Ltmp1, $1  }
0x14: {  	_ =	sdelay $0x3  }
0x15: {  	p1 =	seq.s32 s11, $0x0  }
.Ltmp2:
0x16: {  	_ = 	snop;
	(pc) =	sbr.rel @p1 .LBB2_3-.Ltmp2, $1  }
0x17: {  	_ =	sdelay $0x3  }
0x18: {  	_ =	swait.ge [sflag:s5], $0x100  }
0x19: {  	[sflag:s5] =	ssyncset.done $0x0  }
0x1a: {  	s13 =	simm.s32 $0x0;
	[sflag:s5] =	ssyncadd.s32 $0xFFFFFF00  }
0x1b: {  	v8 =	vld.msk [tilespmem:s13+$0x0 ss:$0x1], $0xffff;
	_ =	sdelay $0x4  }
0x1c: {  	vm2 =	vgt.s32 v8, $0x0  }
0x1d: {  	v8 =	vnsel vm2, $0x0, v8  }
0x1e: {  	v8 =	vmin.u32 v8, $0x1FFFF  }
0x1f: {  	v9 =	vshll.u32 v8, $0x3  }
0x20: {  	v9 =	vand.u32 $0xFFFF0, v9;
	_ =	sdelay $0x2  }
0x21: {  	v8 =	vand.u32 $0x1, v8  }
0x22: {  	s14 =	simm.s32 $0x300;
	[tilespmem:s13+$0x0] =	vst v8  }
0x23: {  	[tilespmem:s14], [sflag:$0x2] =	stream.indirect_vreg.gather [hbm:s2], $0x80, v9, vm0, $0x38;
	[tilespmem:$0x18300] =	vst v63  }
0x24: {  	s13 =	simm.s32 $0x700;
	s14 =	simm.s32 $0x10  }
0x25: {  	[tilespmem:s13], [sflag:$0x2] =	stream.indirect_vreg.gather [hbm:s2], $0x80, v9, vm1, $0x38;
	[tilespmem:$0x18300] =	vst v63  }
0x26: {  	s15 =	simm.s32 $0x80;
	v8 =	vld.msk [tilespmem:s14+$0x0 ss:$0x1], $0xffff  }
.LBB2_5:
0x27: {  	p1 =	seq.s32 s15, $0x3C0;
	_ =	sdelay $0x4  }
0x28: {  	vm2 =	vgt.s32 v8, $0x0  }
0x29: {  	v8 =	vnsel vm2, $0x0, v8  }
0x2a: {  	v8 =	vmin.u32 v8, $0x1FFFF  }
0x2b: {  	v9 =	vshll.u32 v8, $0x3  }
0x2c: {  	v9 =	vand.u32 $0xFFFF0, v9;
	_ =	sdelay $0x2  }
0x2d: {  	s13 =	sadd.s32 $0x800, s13  }
.Ltmp3:
0x2e: {  	s16 =	sadd.s32 $0xFFFFFC00, s13;
	v8 =	vand.u32 $0x1, v8;
	(pc) =	sbr.rel @!p1 .LBB2_5-.Ltmp3, $4  }
0x2f: {  	[tilespmem:s14+$0x0] =	vst v8;
	[tilespmem:s16], [sflag:$0x2] =	stream.indirect_vreg.gather [hbm:s2], $0x80, v9, vm0, $0x38  }
0x30: {  	s14 =	sshra.s32 s15, $0x2  }
0x31: {  	[tilespmem:s13], [sflag:$0x2] =	stream.indirect_vreg.gather [hbm:s2], $0x80, v9, vm1, $0x38;
	[tilespmem:$0x18300] =	vst v63  }
0x32: {  	s15 =	sadd.s32 $0x40, s15;
	v8 =	vld.msk [tilespmem:s14+$0x0 ss:$0x1], $0xffff  }
0x33: {  	_ =	sdelay $0x3  }
0x34: {  	vm2 =	vgt.s32 v8, $0x0  }
0x35: {  	v8 =	vnsel vm2, $0x0, v8  }
0x36: {  	v8 =	vmin.u32 v8, $0x1FFFF  }
0x37: {  	v9 =	vshll.u32 v8, $0x3  }
0x38: {  	v9 =	vand.u32 $0xFFFF0, v9;
	_ =	sdelay $0x2  }
.Ltmp4:
0x39: {  	s13 =	sadd.s32 $0x800, s13;
	v8 =	vand.u32 $0x1, v8;
	(pc) =	sbr.rel .LBB2_12-.Ltmp4, $4  }
0x3a: {  	s15 =	sadd.s32 $0xFFFFFC00, s13;
	[tilespmem:s14+$0x0] =	vst v8  }
0x3b: {  	[tilespmem:s15], [sflag:$0x2] =	stream.indirect_vreg.gather [hbm:s2], $0x80, v9, vm0, $0x38;
	[tilespmem:$0x18300] =	vst v63  }
0x3c: {  	_ = 	snop  }
0x3d: {  	[tilespmem:s13], [sflag:$0x2] =	stream.indirect_vreg.gather [hbm:s2], $0x80, v9, vm1, $0x38;
	[tilespmem:$0x18300] =	vst v63  }
.LBB2_13:
0x3e: {  	p1 =	seq.s32 s11, $0x2  }
.Ltmp5:
0x3f: {  	_ = 	snop;
	(pc) =	sbr.rel @!p1 .LBB2_14-.Ltmp5, $1  }
0x40: {  	_ =	sdelay $0x3  }
0x41: {  	s14 =	simm.s32 $0x1  }
0x42: {  	_ =	swait.ge [sflag:s7], $0x8000;
	s15 =	sand.u32 $0x1, s11;
	s16 =	sshll.u32 s11, $0xA  }
0x43: {  	s14 =	simm.s32 @!p0 $0x0;
	[sflag:s7] =	ssyncset.done $0x0;
	s17 =	sshll.u32 s15, $0xF  }
0x44: {  	s15 =	sshll.u32 s15, $0xE;
	s16 =	sshra.s32 s16, $0x2;
	s14 =	sshll.u32 s14, $0xE  }
0x45: {  	s17 =	sor.u32 $0x300, s17;
	s18 =	sor.u32 $0x10300, s15;
	[sflag:s7] =	ssyncadd.s32 $0xFFFF8000  }
0x46: {  	s15 =	sadd.s32 $0xFFFFFE00, s16;
	s16 =	simm.s32 $0x0;
	s14 =	sor.u32 $0x10300, s14;
	v8 =	vmov s17;
	v9 =	vmov s18  }
.LBB2_8:
0x47: {  	s17 =	sshll.u32 s16, $0x3  }
0x48: {  	s17 =	sand.u32 $0x3FFFFFF8, s17  }
0x49: {  	s17 =	sadd.s32 s17, s15  }
0x4a: {  	v10 =	vld.msk [tilespmem:s17+$0x0 ss:$0x1], $0xff  }
0x4b: {  	s21 =	sshll.u32 s16, $0xA  }
0x4c: {  	s19 =	sand.u32 $0x3FFFFC00, s21  }
0x4d: {  	v11 =	vld.idx.msk [tilespmem:v8+s19+$0x0 ss:$0x1], $0xffff  }
0x4e: {  	v12 =	vld.idx.msk [tilespmem:v8+s19+$0x80 ss:$0x1], $0xffff  }
0x4f: {  	v10 =	vshll.u32 v10, $0x4  }
0x50: {  	v13 =	vperm.xlane v10, v2  }
0x51: {  	v15 =	vperm.xlane v10, v1  }
0x52: {  	v20 =	vsub.s32 $0x10, v13  }
0x53: {  	v11 =	vshrl.u32 v11, v15;
	v12 =	vshll.u32 v12, v20  }
0x54: {  	s22 =	sshll.u32 s16, $0x9;
	v14 =	vld.idx.msk [tilespmem:v8+s19+$0x10 ss:$0x1], $0xffff;
	v11 =	vand.u32 $0xFFFF, v11;
	v12 =	vand.u32 $0xFFFF0000, v12  }
0x55: {  	v17 =	vld.idx.msk [tilespmem:v8+s19+$0x90 ss:$0x1], $0xffff;
	s17 =	sand.u32 $0x3FFFFE00, s22;
	v11 =	vor.u32 v11, v12  }
0x56: {  	v63 =	vld.idx.msk [tilespmem:v8+s19+$0x20 ss:$0x1], $0xffff;
	[tilespmem:v9+s17+$0x0 ss:$0x1] =	vst.idx.msk $0xffff, v11  }
0x57: {  	v59 =	vld.idx.msk [tilespmem:v8+s19+$0x100 ss:$0x1], $0xffff  }
0x58: {  	v60 =	vld.idx.msk [tilespmem:v8+s19+$0x180 ss:$0x1], $0xffff  }
0x59: {  	v25 =	vld.idx.msk [tilespmem:v8+s19+$0xA0 ss:$0x1], $0xffff  }
0x5a: {  	v23 =	vld.idx.msk [tilespmem:v8+s19+$0x30 ss:$0x1], $0xffff;
	v16 =	vperm.xlane v10, v4  }
0x5b: {  	v33 =	vld.idx.msk [tilespmem:v8+s19+$0x40 ss:$0x1], $0xffff;
	v11 =	vperm.xlane v10, v3  }
0x5c: {  	v38 =	vld.idx.msk [tilespmem:v8+s19+$0x50 ss:$0x1], $0xffff;
	v19 =	vsub.s32 $0x10, v16  }
0x5d: {  	v53 =	vld.idx.msk [tilespmem:v8+s19+$0x60 ss:$0x1], $0xffff;
	v61 =	vshrl.u32 v14, v15;
	v12 =	vshrl.u32 v59, v11;
	v13 =	vshll.u32 v60, v19  }
0x5e: {  	v54 =	vld.idx.msk [tilespmem:v8+s19+$0xE0 ss:$0x1], $0xffff;
	v62 =	vshll.u32 v17, v20;
	v12 =	vand.u32 $0xFFFF, v12;
	v13 =	vand.u32 $0xFFFF0000, v13  }
0x5f: {  	v56 =	vld.idx.msk [tilespmem:v8+s19+$0x70 ss:$0x1], $0xffff;
	v18 =	vand.u32 $0xFFFF, v61;
	v24 =	vand.u32 $0xFFFF0000, v62;
	v12 =	vor.u32 v12, v13  }
0x60: {  	[tilespmem:v9+s17+$0x80 ss:$0x1] =	vst.idx.msk $0xffff, v12;
	v12 =	vor.u32 v18, v24;
	v24 =	vld.idx.msk [tilespmem:v8+s19+$0xB0 ss:$0x1], $0xffff  }
0x61: {  	v21 =	vld.idx.msk [tilespmem:v8+s19+$0x200 ss:$0x1], $0xffff  }
0x62: {  	v16 =	vshrl.u32 v63, v15;
	v14 =	vshll.u32 v25, v20;
	v26 =	vld.idx.msk [tilespmem:v8+s19+$0x280 ss:$0x1], $0xffff  }
0x63: {  	v57 =	vld.idx.msk [tilespmem:v8+s19+$0xF0 ss:$0x1], $0xffff;
	v16 =	vand.u32 $0xFFFF, v16;
	v14 =	vand.u32 $0xFFFF0000, v14;
	[tilespmem:v9+s17+$0x10 ss:$0x1] =	vst.idx.msk $0xffff, v12  }
0x64: {  	v14 =	vor.u32 v16, v14;
	v18 =	vperm.xlane v10, v5;
	v12 =	vld.idx.msk [tilespmem:v8+s19+$0x110 ss:$0x1], $0xffff  }
0x65: {  	v36 =	vshrl.u32 v23, v15;
	v17 =	vperm.xlane v10, v0;
	[tilespmem:v9+s17+$0x20 ss:$0x1] =	vst.idx.msk $0xffff, v14;
	v22 =	vld.idx.msk [tilespmem:v8+s19+$0x190 ss:$0x1], $0xffff  }
0x66: {  	v46 =	vshrl.u32 v38, v15;
	v39 =	vand.u32 $0xFFFF, v36;
	v29 =	vld.idx.msk [tilespmem:v8+s19+$0x120 ss:$0x1], $0xffff;
	v18 =	vsub.s32 $0x10, v18  }
0x67: {  	s18 =	sor.u32 $0x1, s16;
	v31 =	vld.idx.msk [tilespmem:v8+s19+$0x1A0 ss:$0x1], $0xffff;
	v37 =	vshll.u32 v24, v20;
	v21 =	vshrl.u32 v21, v17;
	v13 =	vshll.u32 v26, v18  }
0x68: {  	s23 =	sshll.u32 s18, $0xA;
	v25 =	vld.idx.msk [tilespmem:v8+s19+$0xC0 ss:$0x1], $0xffff;
	v23 =	vand.u32 $0xFFFF0000, v37;
	v27 =	vand.u32 $0xFFFF, v21;
	v13 =	vand.u32 $0xFFFF0000, v13  }
0x69: {  	s21 =	sand.u32 $0x3FFFFC00, s23;
	v12 =	vshrl.u32 v12, v11;
	v23 =	vor.u32 v39, v23;
	v13 =	vor.u32 v27, v13;
	v27 =	vld.idx.msk [tilespmem:v8+s19+$0xD0 ss:$0x1], $0xffff  }
0x6a: {  	v28 =	vshll.u32 v22, v19;
	[tilespmem:v9+s17+$0x30 ss:$0x1] =	vst.idx.msk $0xffff, v23;
	v23 =	vand.u32 $0xFFFF, v46;
	v46 =	vld.idx.msk [tilespmem:v8+s21+$0x10 ss:$0x1], $0xffff  }
0x6b: {  	v16 =	vshrl.u32 v29, v11;
	v30 =	vand.u32 $0xFFFF, v12;
	v14 =	vand.u32 $0xFFFF0000, v28;
	v28 =	vld.idx.msk [tilespmem:v8+s19+$0x130 ss:$0x1], $0xffff  }
0x6c: {  	v21 =	vshll.u32 v31, v19;
	[tilespmem:v9+s17+$0x100 ss:$0x1] =	vst.idx.msk $0xffff, v13;
	v14 =	vor.u32 v30, v14;
	v43 =	vld.idx.msk [tilespmem:v8+s19+$0x1B0 ss:$0x1], $0xffff  }
0x6d: {  	v16 =	vand.u32 $0xFFFF, v16;
	v21 =	vand.u32 $0xFFFF0000, v21;
	v12 =	vld.idx.msk [tilespmem:v8+s19+$0x300 ss:$0x1], $0xffff;
	[tilespmem:v9+s17+$0x90 ss:$0x1] =	vst.idx.msk $0xffff, v14  }
0x6e: {  	v16 =	vor.u32 v16, v21;
	v14 =	vld.idx.msk [tilespmem:v8+s19+$0x210 ss:$0x1], $0xffff  }
0x6f: {  	v25 =	vshll.u32 v25, v20;
	v21 =	vshrl.u32 v33, v15;
	[tilespmem:v9+s17+$0xA0 ss:$0x1] =	vst.idx.msk $0xffff, v16;
	v32 =	vld.idx.msk [tilespmem:v8+s19+$0x290 ss:$0x1], $0xffff  }
0x70: {  	v40 =	vand.u32 $0xFFFF0000, v25;
	v21 =	vand.u32 $0xFFFF, v21;
	v35 =	vld.idx.msk [tilespmem:v8+s19+$0x220 ss:$0x1], $0xffff  }
0x71: {  	v26 =	vld.idx.msk [tilespmem:v8+s19+$0x2A0 ss:$0x1], $0xffff;
	v21 =	vor.u32 v21, v40  }
0x72: {  	s20 =	sshll.u32 s18, $0x3;
	v13 =	vld.idx.msk [tilespmem:v8+s19+$0x380 ss:$0x1], $0xffff;
	[tilespmem:v9+s17+$0x40 ss:$0x1] =	vst.idx.msk $0xffff, v21;
	v47 =	vshll.u32 v27, v20  }
0x73: {  	s20 =	sand.u32 $0x3FFFFFF8, s20;
	v45 =	vld.idx.msk [tilespmem:v8+s19+$0x140 ss:$0x1], $0xffff;
	v24 =	vand.u32 $0xFFFF0000, v47  }
0x74: {  	s20 =	sadd.s32 s20, s15;
	v48 =	vld.idx.msk [tilespmem:v8+s19+$0x1C0 ss:$0x1], $0xffff;
	v50 =	vshll.u32 v43, v19;
	v23 =	vor.u32 v23, v24  }
0x75: {  	v49 =	vshrl.u32 v28, v11;
	v43 =	vld.msk [tilespmem:s20+$0x0 ss:$0x1], $0xff;
	v24 =	vand.u32 $0xFFFF0000, v50;
	v14 =	vshrl.u32 v14, v17;
	[tilespmem:v9+s17+$0x50 ss:$0x1] =	vst.idx.msk $0xffff, v23  }
0x76: {  	v34 =	vshll.u32 v32, v18;
	v22 =	vshrl.u32 v35, v17;
	v41 =	vshll.u32 v26, v18;
	v51 =	vld.idx.msk [tilespmem:v8+s19+$0x150 ss:$0x1], $0xffff  }
0x77: {  	v23 =	vand.u32 $0xFFFF, v49;
	v22 =	vand.u32 $0xFFFF, v22;
	v42 =	vand.u32 $0xFFFF0000, v41;
	v52 =	vld.idx.msk [tilespmem:v8+s19+$0x1D0 ss:$0x1], $0xffff  }
0x78: {  	v23 =	vor.u32 v23, v24;
	v44 =	vor.u32 v22, v42;
	v22 =	vshrl.u32 v45, v11;
	v45 =	vld.idx.msk [tilespmem:v8+s21+$0x80 ss:$0x1], $0xffff  }
0x79: {  	v14 =	vand.u32 $0xFFFF, v14;
	v16 =	vand.u32 $0xFFFF0000, v34;
	v21 =	vshll.u32 v48, v19;
	[tilespmem:v9+s17+$0xB0 ss:$0x1] =	vst.idx.msk $0xffff, v23;
	v48 =	vld.idx.msk [tilespmem:v8+s21+$0x90 ss:$0x1], $0xffff  }
0x7a: {  	v14 =	vor.u32 v14, v16;
	v29 =	vld.idx.msk [tilespmem:v8+s19+$0x230 ss:$0x1], $0xffff  }
0x7b: {  	[tilespmem:v9+s17+$0x110 ss:$0x1] =	vst.idx.msk $0xffff, v14;
	v55 =	vld.idx.msk [tilespmem:v8+s19+$0x2B0 ss:$0x1], $0xffff  }
0x7c: {  	[tilespmem:v9+s17+$0x120 ss:$0x1] =	vst.idx.msk $0xffff, v44;
	v44 =	vld.idx.msk [tilespmem:v8+s21+$0x0 ss:$0x1], $0xffff  }
0x7d: {  	v16 =	vld.idx.msk [tilespmem:v8+s19+$0x310 ss:$0x1], $0xffff  }
0x7e: {  	v22 =	vand.u32 $0xFFFF, v22;
	v21 =	vand.u32 $0xFFFF0000, v21;
	v14 =	vld.idx.msk [tilespmem:v8+s19+$0x390 ss:$0x1], $0xffff  }
0x7f: {  	v24 =	vshrl.u32 v53, v15;
	v23 =	vshll.u32 v54, v20;
	v27 =	vld.idx.msk [tilespmem:v8+s19+$0x320 ss:$0x1], $0xffff;
	v21 =	vor.u32 v22, v21  }
0x80: {  	v24 =	vand.u32 $0xFFFF, v24;
	v23 =	vand.u32 $0xFFFF0000, v23;
	v26 =	vld.idx.msk [tilespmem:v8+s19+$0x3A0 ss:$0x1], $0xffff;
	[tilespmem:v9+s17+$0xC0 ss:$0x1] =	vst.idx.msk $0xffff, v21  }
0x81: {  	v15 =	vshrl.u32 v56, v15;
	v20 =	vshll.u32 v57, v20;
	v23 =	vor.u32 v24, v23;
	v21 =	vld.idx.msk [tilespmem:v8+s19+$0x240 ss:$0x1], $0xffff  }
0x82: {  	v15 =	vand.u32 $0xFFFF, v15;
	v20 =	vand.u32 $0xFFFF0000, v20;
	[tilespmem:v9+s17+$0x60 ss:$0x1] =	vst.idx.msk $0xffff, v23;
	v30 =	vld.idx.msk [tilespmem:v8+s19+$0x2C0 ss:$0x1], $0xffff  }
0x83: {  	v15 =	vor.u32 v15, v20;
	v61 =	vld.idx.msk [tilespmem:v8+s19+$0x160 ss:$0x1], $0xffff  }
0x84: {  	[tilespmem:v9+s17+$0x70 ss:$0x1] =	vst.idx.msk $0xffff, v15;
	v25 =	vshrl.u32 v51, v11;
	v28 =	vshll.u32 v52, v19;
	v63 =	vld.idx.msk [tilespmem:v8+s19+$0x1E0 ss:$0x1], $0xffff  }
0x85: {  	v39 =	vld.idx.msk [tilespmem:v8+s19+$0x170 ss:$0x1], $0xffff;
	v25 =	vand.u32 $0xFFFF, v25;
	v28 =	vand.u32 $0xFFFF0000, v28  }
0x86: {  	v42 =	vld.idx.msk [tilespmem:v8+s19+$0x1F0 ss:$0x1], $0xffff;
	v25 =	vor.u32 v25, v28;
	v29 =	vshrl.u32 v29, v17;
	v22 =	vshll.u32 v55, v18  }
0x87: {  	v51 =	vld.idx.msk [tilespmem:v8+s21+$0x20 ss:$0x1], $0xffff;
	[tilespmem:v9+s17+$0xD0 ss:$0x1] =	vst.idx.msk $0xffff, v25;
	v58 =	vand.u32 $0xFFFF, v29;
	v22 =	vand.u32 $0xFFFF0000, v22  }
0x88: {  	v31 =	vld.idx.msk [tilespmem:v8+s19+$0x250 ss:$0x1], $0xffff;
	v22 =	vor.u32 v58, v22;
	v21 =	vshrl.u32 v21, v17;
	v60 =	vshll.u32 v30, v18  }
0x89: {  	v59 =	vld.idx.msk [tilespmem:v8+s19+$0x2D0 ss:$0x1], $0xffff;
	[tilespmem:v9+s17+$0x130 ss:$0x1] =	vst.idx.msk $0xffff, v22;
	v21 =	vand.u32 $0xFFFF, v21;
	v62 =	vand.u32 $0xFFFF0000, v60  }
0x8a: {  	v37 =	vshrl.u32 v61, v11;
	v38 =	vshll.u32 v63, v19;
	v33 =	vld.idx.msk [tilespmem:v8+s19+$0x330 ss:$0x1], $0xffff;
	v21 =	vor.u32 v21, v62  }
0x8b: {  	v32 =	vld.idx.msk [tilespmem:v8+s19+$0x3B0 ss:$0x1], $0xffff;
	v40 =	vand.u32 $0xFFFF, v37;
	v41 =	vand.u32 $0xFFFF0000, v38;
	[tilespmem:v9+s17+$0x140 ss:$0x1] =	vst.idx.msk $0xffff, v21  }
0x8c: {  	v11 =	vshrl.u32 v39, v11;
	v19 =	vshll.u32 v42, v19;
	v20 =	vor.u32 v40, v41;
	v30 =	vld.idx.msk [tilespmem:v8+s19+$0x340 ss:$0x1], $0xffff  }
0x8d: {  	v23 =	vand.u32 $0xFFFF, v11;
	v19 =	vand.u32 $0xFFFF0000, v19;
	v11 =	vshll.u32 v43, $0x4;
	[tilespmem:v9+s17+$0xE0 ss:$0x1] =	vst.idx.msk $0xffff, v20;
	v28 =	vld.idx.msk [tilespmem:v8+s19+$0x3C0 ss:$0x1], $0xffff  }
0x8e: {  	v19 =	vor.u32 v23, v19;
	v47 =	vperm.xlane v11, v2;
	v39 =	vperm.xlane v11, v1;
	v20 =	vld.idx.msk [tilespmem:v8+s19+$0x260 ss:$0x1], $0xffff  }
0x8f: {  	[tilespmem:v9+s17+$0xF0 ss:$0x1] =	vst.idx.msk $0xffff, v19;
	v25 =	vshrl.u32 v31, v17;
	v35 =	vshll.u32 v59, v18;
	v49 =	vld.idx.msk [tilespmem:v8+s19+$0x2E0 ss:$0x1], $0xffff  }
0x90: {  	v19 =	vld.idx.msk [tilespmem:v8+s19+$0x270 ss:$0x1], $0xffff;
	v40 =	vsub.s32 $0x10, v47;
	v34 =	vand.u32 $0xFFFF, v25;
	v36 =	vand.u32 $0xFFFF0000, v35  }
0x91: {  	v50 =	vshrl.u32 v44, v39;
	v54 =	vld.idx.msk [tilespmem:v8+s19+$0x2F0 ss:$0x1], $0xffff;
	v22 =	vshll.u32 v45, v40;
	v15 =	vor.u32 v34, v36  }
0x92: {  	s18 =	sshll.u32 s18, $0x9;
	v23 =	vand.u32 $0xFFFF, v50;
	v22 =	vand.u32 $0xFFFF0000, v22;
	v34 =	vld.idx.msk [tilespmem:v8+s21+$0xA0 ss:$0x1], $0xffff;
	[tilespmem:v9+s17+$0x150 ss:$0x1] =	vst.idx.msk $0xffff, v15  }
0x93: {  	s18 =	sand.u32 $0x3FFFFE00, s18;
	v21 =	vshrl.u32 v46, v39;
	v52 =	vshll.u32 v48, v40;
	v22 =	vor.u32 v23, v22;
	v15 =	vld.idx.msk [tilespmem:v8+s19+$0x350 ss:$0x1], $0xffff  }
0x94: {  	v21 =	vand.u32 $0xFFFF, v21;
	v55 =	vand.u32 $0xFFFF0000, v52;
	v25 =	vld.idx.msk [tilespmem:v8+s19+$0x3D0 ss:$0x1], $0xffff;
	[tilespmem:v9+s18+$0x0 ss:$0x1] =	vst.idx.msk $0xffff, v22  }
0x95: {  	v21 =	vor.u32 v21, v55;
	v57 =	vld.idx.msk [tilespmem:v8+s21+$0x100 ss:$0x1], $0xffff  }
0x96: {  	[tilespmem:v9+s18+$0x10 ss:$0x1] =	vst.idx.msk $0xffff, v21;
	v58 =	vld.idx.msk [tilespmem:v8+s21+$0x180 ss:$0x1], $0xffff  }
0x97: {  	v35 =	vld.idx.msk [tilespmem:v8+s21+$0x110 ss:$0x1], $0xffff  }
0x98: {  	v62 =	vperm.xlane v11, v4;
	v20 =	vshrl.u32 v20, v17;
	v53 =	vshll.u32 v49, v18;
	v63 =	vld.idx.msk [tilespmem:v8+s21+$0x190 ss:$0x1], $0xffff  }
0x99: {  	v18 =	vshll.u32 v54, v18;
	v54 =	vld.idx.msk [tilespmem:v8+s21+$0xB0 ss:$0x1], $0xffff;
	v20 =	vand.u32 $0xFFFF, v20;
	v56 =	vand.u32 $0xFFFF0000, v53  }
0x9a: {  	v60 =	vshrl.u32 v51, v39;
	v59 =	vshrl.u32 v19, v17;
	v53 =	vld.idx.msk [tilespmem:v8+s21+$0x30 ss:$0x1], $0xffff;
	v20 =	vor.u32 v20, v56  }
0x9b: {  	v21 =	vand.u32 $0xFFFF, v59;
	v18 =	vand.u32 $0xFFFF0000, v18;
	v61 =	vshll.u32 v34, v40;
	v56 =	vld.idx.msk [tilespmem:v8+s21+$0x40 ss:$0x1], $0xffff;
	[tilespmem:v9+s17+$0x160 ss:$0x1] =	vst.idx.msk $0xffff, v20  }
0x9c: {  	v34 =	vand.u32 $0xFFFF, v60;
	v18 =	vor.u32 v21, v18;
	v19 =	vand.u32 $0xFFFF0000, v61;
	v17 =	vld.idx.msk [tilespmem:v8+s19+$0x360 ss:$0x1], $0xffff  }
0x9d: {  	v37 =	vperm.xlane v11, v3;
	[tilespmem:v9+s17+$0x170 ss:$0x1] =	vst.idx.msk $0xffff, v18;
	v23 =	vor.u32 v34, v19;
	v19 =	vld.idx.msk [tilespmem:v8+s19+$0x3E0 ss:$0x1], $0xffff  }
0x9e: {  	v38 =	vsub.s32 $0x10, v62;
	v24 =	vld.idx.msk [tilespmem:v8+s19+$0x3F0 ss:$0x1], $0xffff  }
0x9f: {  	[tilespmem:v9+s18+$0x20 ss:$0x1] =	vst.idx.msk $0xffff, v23;
	v36 =	vshrl.u32 v57, v37;
	v41 =	vshll.u32 v58, v38;
	v23 =	vld.idx.msk [tilespmem:v8+s19+$0x370 ss:$0x1], $0xffff  }
0xa0: {  	v42 =	vld.idx.msk [tilespmem:v8+s21+$0x120 ss:$0x1], $0xffff;
	v43 =	vand.u32 $0xFFFF, v36;
	v44 =	vand.u32 $0xFFFF0000, v41  }
0xa1: {  	v46 =	vshrl.u32 v35, v37;
	v47 =	vshll.u32 v63, v38;
	v45 =	vld.idx.msk [tilespmem:v8+s21+$0x1A0 ss:$0x1], $0xffff;
	v18 =	vor.u32 v43, v44  }
0xa2: {  	v48 =	vand.u32 $0xFFFF, v46;
	v49 =	vand.u32 $0xFFFF0000, v47;
	v43 =	vld.idx.msk [tilespmem:v8+s21+$0xC0 ss:$0x1], $0xffff;
	[tilespmem:v9+s18+$0x80 ss:$0x1] =	vst.idx.msk $0xffff, v18  }
0xa3: {  	v18 =	vor.u32 v48, v49;
	v50 =	vld.idx.msk [tilespmem:v8+s21+$0x200 ss:$0x1], $0xffff  }
0xa4: {  	v52 =	vperm.xlane v11, v5;
	v51 =	vld.idx.msk [tilespmem:v8+s21+$0x280 ss:$0x1], $0xffff;
	[tilespmem:v9+s18+$0x90 ss:$0x1] =	vst.idx.msk $0xffff, v18  }
0xa5: {  	v34 =	vperm.xlane v11, v0;
	v18 =	vld.idx.msk [tilespmem:v8+s21+$0x210 ss:$0x1], $0xffff  }
0xa6: {  	v35 =	vsub.s32 $0x10, v52;
	v63 =	vperm.xlane v10, v7;
	v10 =	vperm.xlane v10, v6;
	v36 =	vld.idx.msk [tilespmem:v8+s21+$0x290 ss:$0x1], $0xffff  }
0xa7: {  	v58 =	vshrl.u32 v53, v39;
	v47 =	vld.idx.msk [tilespmem:v8+s21+$0x70 ss:$0x1], $0xffff;
	v22 =	vshrl.u32 v42, v37;
	v21 =	vshll.u32 v45, v38  }
0xa8: {  	v59 =	vand.u32 $0xFFFF, v58;
	v58 =	vld.idx.msk [tilespmem:v8+s21+$0x60 ss:$0x1], $0xffff;
	v22 =	vand.u32 $0xFFFF, v22;
	v21 =	vand.u32 $0xFFFF0000, v21  }
0xa9: {  	v45 =	vld.idx.msk [tilespmem:v8+s21+$0xD0 ss:$0x1], $0xffff;
	v21 =	vor.u32 v22, v21;
	v29 =	vshrl.u32 v50, v34;
	v20 =	vshll.u32 v51, v35  }
0xaa: {  	[tilespmem:v9+s18+$0xA0 ss:$0x1] =	vst.idx.msk $0xffff, v21;
	v50 =	vshrl.u32 v56, v39;
	v51 =	vshll.u32 v43, v40;
	v29 =	vand.u32 $0xFFFF, v29  }
0xab: {  	v41 =	vld.idx.msk [tilespmem:v8+s21+$0x220 ss:$0x1], $0xffff;
	v20 =	vand.u32 $0xFFFF0000, v20;
	v18 =	vshrl.u32 v18, v34;
	v55 =	vshll.u32 v36, v35  }
0xac: {  	v42 =	vld.idx.msk [tilespmem:v8+s21+$0x2A0 ss:$0x1], $0xffff;
	v20 =	vor.u32 v29, v20;
	v18 =	vand.u32 $0xFFFF, v18;
	v57 =	vand.u32 $0xFFFF0000, v55  }
0xad: {  	v53 =	vand.u32 $0xFFFF, v50;
	v44 =	vand.u32 $0xFFFF0000, v51;
	[tilespmem:v9+s18+$0x100 ss:$0x1] =	vst.idx.msk $0xffff, v20;
	v18 =	vor.u32 v18, v57;
	v57 =	vld.idx.msk [tilespmem:v8+s21+$0x50 ss:$0x1], $0xffff  }
0xae: {  	s24 =	sor.u32 $0x2, s16;
	v12 =	vshrl.u32 v12, v10;
	v21 =	vshll.u32 v54, v40;
	v54 =	vor.u32 v53, v44;
	v31 =	vld.idx.msk [tilespmem:v8+s21+$0x300 ss:$0x1], $0xffff  }
0xaf: {  	s25 =	sshll.u32 s24, $0x3;
	v27 =	vshrl.u32 v27, v10;
	v36 =	vsub.s32 $0x10, v63;
	[tilespmem:v9+s18+$0x40 ss:$0x1] =	vst.idx.msk $0xffff, v54;
	v29 =	vld.idx.msk [tilespmem:v8+s21+$0x380 ss:$0x1], $0xffff  }
0xb0: {  	s20 =	sand.u32 $0x3FFFFFF8, s25;
	v60 =	vand.u32 $0xFFFF0000, v21;
	v13 =	vshll.u32 v13, v36;
	v55 =	vshrl.u32 v16, v10;
	v56 =	vld.idx.msk [tilespmem:v8+s21+$0x1C0 ss:$0x1], $0xffff  }
0xb1: {  	s20 =	sadd.s32 s20, s15;
	v12 =	vand.u32 $0xFFFF, v12;
	v13 =	vand.u32 $0xFFFF0000, v13;
	[tilespmem:v9+s18+$0x110 ss:$0x1] =	vst.idx.msk $0xffff, v18;
	v18 =	vor.u32 v59, v60;
	v60 =	vld.idx.msk [tilespmem:v8+s21+$0xE0 ss:$0x1], $0xffff  }
0xb2: {  	v33 =	vshrl.u32 v33, v10;
	v12 =	vor.u32 v12, v13;
	v13 =	vand.u32 $0xFFFF, v55;
	v55 =	vld.msk [tilespmem:s20+$0x0 ss:$0x1], $0xff  }
0xb3: {  	v30 =	vshrl.u32 v30, v10;
	v15 =	vshrl.u32 v15, v10;
	v22 =	vld.idx.msk [tilespmem:v8+s21+$0x310 ss:$0x1], $0xffff;
	[tilespmem:v9+s18+$0x30 ss:$0x1] =	vst.idx.msk $0xffff, v18  }
0xb4: {  	v33 =	vand.u32 $0xFFFF, v33;
	v30 =	vand.u32 $0xFFFF, v30;
	v17 =	vshrl.u32 v17, v10;
	v49 =	vld.idx.msk [tilespmem:v8+s21+$0x130 ss:$0x1], $0xffff  }
0xb5: {  	v14 =	vshll.u32 v14, v36;
	v26 =	vshll.u32 v26, v36;
	v45 =	vshll.u32 v45, v40;
	v52 =	vld.idx.msk [tilespmem:v8+s21+$0x1B0 ss:$0x1], $0xffff  }
0xb6: {  	s26 =	sshll.u32 s24, $0xA;
	v14 =	vand.u32 $0xFFFF0000, v14;
	v20 =	vld.idx.msk [tilespmem:v8+s21+$0x390 ss:$0x1], $0xffff;
	v61 =	vshrl.u32 v41, v34;
	v62 =	vshll.u32 v42, v35  }
0xb7: {  	s20 =	sand.u32 $0x3FFFFC00, s26;
	v46 =	vor.u32 v13, v14;
	v42 =	vld.idx.msk [tilespmem:v8+s21+$0x140 ss:$0x1], $0xffff;
	v21 =	vand.u32 $0xFFFF, v61;
	v41 =	vand.u32 $0xFFFF0000, v62  }
0xb8: {  	[tilespmem:v9+s17+$0x190 ss:$0x1] =	vst.idx.msk $0xffff, v46;
	v46 =	vld.idx.msk [tilespmem:v8+s20+$0xD0 ss:$0x1], $0xffff;
	v48 =	vor.u32 v21, v41;
	v44 =	vshrl.u32 v57, v39  }
0xb9: {  	v32 =	vshll.u32 v32, v36;
	v45 =	vand.u32 $0xFFFF0000, v45;
	[tilespmem:v9+s18+$0x120 ss:$0x1] =	vst.idx.msk $0xffff, v48;
	v44 =	vand.u32 $0xFFFF, v44;
	v48 =	vld.idx.msk [tilespmem:v8+s21+$0xF0 ss:$0x1], $0xffff  }
0xba: {  	v21 =	vld.idx.msk [tilespmem:v8+s21+$0x320 ss:$0x1], $0xffff;
	v13 =	vor.u32 v44, v45;
	v41 =	vshrl.u32 v49, v37;
	v43 =	vshll.u32 v52, v38  }
0xbb: {  	v26 =	vand.u32 $0xFFFF0000, v26;
	v18 =	vld.idx.msk [tilespmem:v8+s21+$0x3A0 ss:$0x1], $0xffff;
	[tilespmem:v9+s18+$0x50 ss:$0x1] =	vst.idx.msk $0xffff, v13;
	v41 =	vand.u32 $0xFFFF, v41;
	v43 =	vand.u32 $0xFFFF0000, v43  }
0xbc: {  	v16 =	vshll.u32 v56, v38;
	v62 =	vshrl.u32 v42, v37;
	v51 =	vld.idx.msk [tilespmem:v8+s21+$0x150 ss:$0x1], $0xffff;
	v41 =	vor.u32 v41, v43  }
0xbd: {  	v59 =	vand.u32 $0xFFFF, v27;
	v16 =	vand.u32 $0xFFFF0000, v16;
	v52 =	vld.idx.msk [tilespmem:v8+s21+$0x1D0 ss:$0x1], $0xffff;
	[tilespmem:v9+s18+$0xB0 ss:$0x1] =	vst.idx.msk $0xffff, v41;
	v41 =	vand.u32 $0xFFFF, v62  }
0xbe: {  	v14 =	vshll.u32 v60, v40;
	v43 =	vshrl.u32 v58, v39;
	v61 =	vld.idx.msk [tilespmem:v8+s21+$0x230 ss:$0x1], $0xffff;
	v16 =	vor.u32 v41, v16  }
0xbf: {  	v14 =	vand.u32 $0xFFFF0000, v14;
	v39 =	vshrl.u32 v47, v39;
	v43 =	vand.u32 $0xFFFF, v43;
	v63 =	vld.idx.msk [tilespmem:v8+s21+$0x2B0 ss:$0x1], $0xffff;
	[tilespmem:v9+s18+$0xC0 ss:$0x1] =	vst.idx.msk $0xffff, v16  }
0xc0: {  	v41 =	vor.u32 v59, v26;
	v14 =	vor.u32 v43, v14;
	v26 =	vshll.u32 v48, v40;
	v49 =	vld.idx.msk [tilespmem:v8+s21+$0x240 ss:$0x1], $0xffff  }
0xc1: {  	v28 =	vshll.u32 v28, v36;
	v39 =	vand.u32 $0xFFFF, v39;
	[tilespmem:v9+s18+$0x60 ss:$0x1] =	vst.idx.msk $0xffff, v14;
	v40 =	vand.u32 $0xFFFF0000, v26;
	v50 =	vld.idx.msk [tilespmem:v8+s21+$0x2C0 ss:$0x1], $0xffff  }
0xc2: {  	v25 =	vshll.u32 v25, v36;
	v19 =	vshll.u32 v19, v36;
	v53 =	vld.idx.msk [tilespmem:v8+s21+$0x160 ss:$0x1], $0xffff;
	v40 =	vor.u32 v39, v40  }
0xc3: {  	v10 =	vshrl.u32 v23, v10;
	v32 =	vand.u32 $0xFFFF0000, v32;
	v28 =	vand.u32 $0xFFFF0000, v28;
	v54 =	vld.idx.msk [tilespmem:v8+s21+$0x1E0 ss:$0x1], $0xffff;
	[tilespmem:v9+s18+$0x70 ss:$0x1] =	vst.idx.msk $0xffff, v40  }
0xc4: {  	v57 =	vshrl.u32 v51, v37;
	v58 =	vld.idx.msk [tilespmem:v8+s21+$0x1F0 ss:$0x1], $0xffff;
	v27 =	vshrl.u32 v61, v34;
	v42 =	vshll.u32 v63, v35  }
0xc5: {  	v14 =	vshll.u32 v52, v38;
	v40 =	vld.idx.msk [tilespmem:v8+s21+$0x170 ss:$0x1], $0xffff;
	v27 =	vand.u32 $0xFFFF, v27;
	v42 =	vand.u32 $0xFFFF0000, v42  }
0xc6: {  	v59 =	vld.idx.msk [tilespmem:v8+s20+$0x0 ss:$0x1], $0xffff;
	v14 =	vand.u32 $0xFFFF0000, v14;
	v27 =	vor.u32 v27, v42;
	v16 =	vshrl.u32 v49, v34  }
0xc7: {  	v63 =	vld.idx.msk [tilespmem:v8+s20+$0x80 ss:$0x1], $0xffff;
	v13 =	vshll.u32 v50, v35;
	v42 =	vshrl.u32 v53, v37;
	[tilespmem:v9+s18+$0x130 ss:$0x1] =	vst.idx.msk $0xffff, v27  }
0xc8: {  	v56 =	vand.u32 $0xFFFF, v16;
	v16 =	vand.u32 $0xFFFF, v57;
	v27 =	vshll.u32 v54, v38;
	v26 =	vld.idx.msk [tilespmem:v8+s21+$0x330 ss:$0x1], $0xffff  }
0xc9: {  	v60 =	vor.u32 v16, v14;
	v62 =	vand.u32 $0xFFFF0000, v27;
	v27 =	vld.idx.msk [tilespmem:v8+s21+$0x3B0 ss:$0x1], $0xffff;
	v53 =	vshll.u32 v58, v38  }
0xca: {  	v13 =	vand.u32 $0xFFFF0000, v13;
	v52 =	vshrl.u32 v40, v37;
	[tilespmem:v9+s18+$0xD0 ss:$0x1] =	vst.idx.msk $0xffff, v60;
	v37 =	vand.u32 $0xFFFF0000, v53;
	v53 =	vld.idx.msk [tilespmem:v8+s20+$0x10 ss:$0x1], $0xffff  }
0xcb: {  	v39 =	vor.u32 v33, v32;
	v61 =	vand.u32 $0xFFFF, v42;
	v48 =	vor.u32 v56, v13;
	v49 =	vld.idx.msk [tilespmem:v8+s21+$0x250 ss:$0x1], $0xffff  }
0xcc: {  	v16 =	vshll.u32 v55, $0x4;
	v47 =	vor.u32 v61, v62;
	[tilespmem:v9+s18+$0x140 ss:$0x1] =	vst.idx.msk $0xffff, v48;
	v33 =	vand.u32 $0xFFFF, v52;
	v51 =	vld.idx.msk [tilespmem:v8+s21+$0x2D0 ss:$0x1], $0xffff  }
0xcd: {  	v50 =	vperm.xlane v16, v2;
	[tilespmem:v9+s18+$0xE0 ss:$0x1] =	vst.idx.msk $0xffff, v47;
	v37 =	vor.u32 v33, v37;
	v33 =	vld.idx.msk [tilespmem:v8+s21+$0x340 ss:$0x1], $0xffff  }
0xce: {  	v25 =	vand.u32 $0xFFFF0000, v25;
	v19 =	vand.u32 $0xFFFF0000, v19;
	v13 =	vperm.xlane v16, v1;
	v54 =	vld.idx.msk [tilespmem:v8+s21+$0x260 ss:$0x1], $0xffff  }
0xcf: {  	v10 =	vand.u32 $0xFFFF, v10;
	v61 =	vand.u32 $0xFFFF, v15;
	v14 =	vsub.s32 $0x10, v50;
	v55 =	vld.idx.msk [tilespmem:v8+s21+$0x2E0 ss:$0x1], $0xffff;
	[tilespmem:v9+s18+$0xF0 ss:$0x1] =	vst.idx.msk $0xffff, v37  }
0xd0: {  	v40 =	vor.u32 v61, v25;
	v56 =	vshrl.u32 v59, v13;
	v42 =	vshll.u32 v63, v14;
	v59 =	vld.idx.msk [tilespmem:v8+s21+$0x270 ss:$0x1], $0xffff  }
0xd1: {  	s19 =	sshll.u32 s24, $0x9;
	v57 =	vand.u32 $0xFFFF, v56;
	v63 =	vld.idx.msk [tilespmem:v8+s21+$0x2F0 ss:$0x1], $0xffff;
	v58 =	vand.u32 $0xFFFF0000, v42;
	v42 =	vor.u32 v30, v28  }
0xd2: {  	s19 =	sand.u32 $0x3FFFFE00, s19;
	v56 =	vld.idx.msk [tilespmem:v8+s20+$0x90 ss:$0x1], $0xffff;
	v60 =	vor.u32 v57, v58;
	[tilespmem:v9+s17+$0x1C0 ss:$0x1] =	vst.idx.msk $0xffff, v42;
	v42 =	vshll.u32 v46, v14  }
0xd3: {  	v62 =	vshrl.u32 v49, v34;
	[tilespmem:v9+s19+$0x0 ss:$0x1] =	vst.idx.msk $0xffff, v60;
	v48 =	vshll.u32 v51, v35;
	v42 =	vand.u32 $0xFFFF0000, v42  }
0xd4: {  	[tilespmem:v9+s17+$0x180 ss:$0x1] =	vst.idx.msk $0xffff, v12;
	v15 =	vand.u32 $0xFFFF, v62;
	v49 =	vld.idx.msk [tilespmem:v8+s20+$0x100 ss:$0x1], $0xffff;
	v30 =	vand.u32 $0xFFFF0000, v48;
	v50 =	vshrl.u32 v54, v34  }
0xd5: {  	v12 =	vshll.u32 v55, v35;
	v51 =	vld.idx.msk [tilespmem:v8+s20+$0x180 ss:$0x1], $0xffff;
	v55 =	vperm.xlane v16, v4;
	v48 =	vand.u32 $0xFFFF, v17  }
0xd6: {  	v37 =	vld.idx.msk [tilespmem:v8+s21+$0x3C0 ss:$0x1], $0xffff;
	v17 =	vperm.xlane v11, v6;
	v15 =	vor.u32 v15, v30;
	v52 =	vand.u32 $0xFFFF, v50  }
0xd7: {  	v12 =	vand.u32 $0xFFFF0000, v12;
	v28 =	vshrl.u32 v59, v34;
	v32 =	vshll.u32 v63, v35;
	[tilespmem:v9+s18+$0x150 ss:$0x1] =	vst.idx.msk $0xffff, v15  }
0xd8: {  	v54 =	vor.u32 v52, v12;
	v12 =	vperm.xlane v16, v3;
	v15 =	vsub.s32 $0x10, v55;
	v55 =	vld.idx.msk [tilespmem:v8+s20+$0xA0 ss:$0x1], $0xffff  }
0xd9: {  	v59 =	vshrl.u32 v53, v13;
	v60 =	vshll.u32 v56, v14;
	v28 =	vand.u32 $0xFFFF, v28;
	v34 =	vld.idx.msk [tilespmem:v8+s21+$0x350 ss:$0x1], $0xffff  }
0xda: {  	v35 =	vand.u32 $0xFFFF0000, v32;
	v32 =	vld.idx.msk [tilespmem:v8+s21+$0x3D0 ss:$0x1], $0xffff;
	v58 =	vshrl.u32 v49, v12;
	v38 =	vshll.u32 v51, v15  }
0xdb: {  	[tilespmem:v9+s18+$0x160 ss:$0x1] =	vst.idx.msk $0xffff, v54;
	v57 =	vor.u32 v28, v35;
	v54 =	vld.idx.msk [tilespmem:v8+s20+$0x20 ss:$0x1], $0xffff;
	v35 =	vand.u32 $0xFFFF, v58;
	v38 =	vand.u32 $0xFFFF0000, v38  }
0xdc: {  	v61 =	vand.u32 $0xFFFF, v59;
	v62 =	vand.u32 $0xFFFF0000, v60;
	v58 =	vld.idx.msk [tilespmem:v8+s20+$0x30 ss:$0x1], $0xffff;
	v35 =	vor.u32 v35, v38  }
0xdd: {  	v50 =	vshll.u32 v24, v36;
	[tilespmem:v9+s19+$0x80 ss:$0x1] =	vst.idx.msk $0xffff, v35;
	v35 =	vor.u32 v61, v62;
	v61 =	vld.idx.msk [tilespmem:v8+s20+$0xB0 ss:$0x1], $0xffff  }
0xde: {  	v11 =	vperm.xlane v11, v7;
	v19 =	vor.u32 v48, v19;
	v23 =	vand.u32 $0xFFFF0000, v50;
	v62 =	vld.idx.msk [tilespmem:v8+s20+$0x40 ss:$0x1], $0xffff  }
0xdf: {  	v52 =	vperm.xlane v16, v5;
	v31 =	vshrl.u32 v31, v17;
	v22 =	vshrl.u32 v22, v17;
	v63 =	vld.idx.msk [tilespmem:v8+s20+$0x200 ss:$0x1], $0xffff  }
0xe0: {  	v21 =	vshrl.u32 v21, v17;
	v26 =	vshrl.u32 v26, v17;
	v49 =	vld.idx.msk [tilespmem:v8+s20+$0x280 ss:$0x1], $0xffff;
	[tilespmem:v9+s19+$0x10 ss:$0x1] =	vst.idx.msk $0xffff, v35  }
0xe1: {  	[tilespmem:v9+s17+$0x1A0 ss:$0x1] =	vst.idx.msk $0xffff, v41;
	v31 =	vand.u32 $0xFFFF, v31;
	v22 =	vand.u32 $0xFFFF, v22;
	v38 =	vor.u32 v10, v23;
	v51 =	vld.idx.msk [tilespmem:v8+s20+$0x110 ss:$0x1], $0xffff  }
0xe2: {  	[tilespmem:v9+s18+$0x170 ss:$0x1] =	vst.idx.msk $0xffff, v57;
	v10 =	vperm.xlane v16, v0;
	v23 =	vsub.s32 $0x10, v11;
	v11 =	vsub.s32 $0x10, v52;
	v53 =	vld.idx.msk [tilespmem:v8+s20+$0x190 ss:$0x1], $0xffff  }
0xe3: {  	v28 =	vld.idx.msk [tilespmem:v8+s21+$0x360 ss:$0x1], $0xffff;
	v29 =	vshll.u32 v29, v23;
	v50 =	vshrl.u32 v54, v13;
	v44 =	vshrl.u32 v58, v13  }
0xe4: {  	v30 =	vld.idx.msk [tilespmem:v8+s21+$0x3E0 ss:$0x1], $0xffff;
	v44 =	vand.u32 $0xFFFF, v44;
	v43 =	vshll.u32 v61, v14;
	v41 =	vshrl.u32 v62, v13  }
0xe5: {  	v25 =	vld.idx.msk [tilespmem:v8+s21+$0x370 ss:$0x1], $0xffff;
	v56 =	vshrl.u32 v63, v10;
	v57 =	vshll.u32 v49, v11;
	v63 =	vand.u32 $0xFFFF0000, v29  }
0xe6: {  	[tilespmem:v9+s17+$0x1B0 ss:$0x1] =	vst.idx.msk $0xffff, v39;
	v62 =	vld.idx.msk [tilespmem:v8+s20+$0x50 ss:$0x1], $0xffff;
	v43 =	vand.u32 $0xFFFF0000, v43;
	v59 =	vand.u32 $0xFFFF, v56;
	v60 =	vand.u32 $0xFFFF0000, v57  }
0xe7: {  	v49 =	vld.idx.msk [tilespmem:v8+s20+$0xC0 ss:$0x1], $0xffff;
	v24 =	vshrl.u32 v51, v12;
	v36 =	vshll.u32 v53, v15;
	v43 =	vor.u32 v44, v43  }
0xe8: {  	v29 =	vld.idx.msk [tilespmem:v8+s21+$0x3F0 ss:$0x1], $0xffff;
	v39 =	vor.u32 v59, v60;
	v24 =	vand.u32 $0xFFFF, v24;
	v48 =	vand.u32 $0xFFFF0000, v36;
	[tilespmem:v9+s19+$0x30 ss:$0x1] =	vst.idx.msk $0xffff, v43  }
0xe9: {  	v35 =	vshll.u32 v55, v14;
	[tilespmem:v9+s19+$0x100 ss:$0x1] =	vst.idx.msk $0xffff, v39;
	v24 =	vor.u32 v24, v48;
	v55 =	vld.idx.msk [tilespmem:v8+s20+$0x130 ss:$0x1], $0xffff  }
0xea: {  	v21 =	vand.u32 $0xFFFF, v21;
	v35 =	vand.u32 $0xFFFF0000, v35;
	v39 =	vand.u32 $0xFFFF, v50;
	v56 =	vld.idx.msk [tilespmem:v8+s20+$0x1B0 ss:$0x1], $0xffff;
	[tilespmem:v9+s19+$0x90 ss:$0x1] =	vst.idx.msk $0xffff, v24  }
0xeb: {  	v20 =	vshll.u32 v20, v23;
	v18 =	vshll.u32 v18, v23;
	v35 =	vor.u32 v39, v35;
	v51 =	vld.idx.msk [tilespmem:v8+s20+$0x210 ss:$0x1], $0xffff  }
0xec: {  	v27 =	vshll.u32 v27, v23;
	v20 =	vand.u32 $0xFFFF0000, v20;
	v18 =	vand.u32 $0xFFFF0000, v18;
	[tilespmem:v9+s19+$0x20 ss:$0x1] =	vst.idx.msk $0xffff, v35;
	v52 =	vld.idx.msk [tilespmem:v8+s20+$0x290 ss:$0x1], $0xffff  }
0xed: {  	v20 =	vor.u32 v22, v20;
	v18 =	vor.u32 v21, v18;
	v36 =	vshll.u32 v49, v14;
	v53 =	vld.idx.msk [tilespmem:v8+s20+$0x120 ss:$0x1], $0xffff  }
0xee: {  	v41 =	vand.u32 $0xFFFF, v41;
	v31 =	vor.u32 v31, v63;
	v54 =	vld.idx.msk [tilespmem:v8+s20+$0x1A0 ss:$0x1], $0xffff;
	v36 =	vand.u32 $0xFFFF0000, v36  }
0xef: {  	v44 =	vld.idx.msk [tilespmem:v8+s20+$0xE0 ss:$0x1], $0xffff;
	v36 =	vor.u32 v41, v36;
	v41 =	vshrl.u32 v55, v12;
	v22 =	vshll.u32 v56, v15  }
0xf0: {  	v24 =	vld.idx.msk [tilespmem:v8+s20+$0x300 ss:$0x1], $0xffff;
	[tilespmem:v9+s19+$0x40 ss:$0x1] =	vst.idx.msk $0xffff, v36;
	v47 =	vand.u32 $0xFFFF, v41;
	v22 =	vand.u32 $0xFFFF0000, v22;
	v57 =	vshrl.u32 v51, v10  }
0xf1: {  	v58 =	vld.idx.msk [tilespmem:v8+s20+$0x140 ss:$0x1], $0xffff;
	v35 =	vshll.u32 v52, v11;
	v21 =	vor.u32 v47, v22;
	v51 =	vshrl.u32 v62, v13  }
0xf2: {  	v59 =	vld.idx.msk [tilespmem:v8+s20+$0x1C0 ss:$0x1], $0xffff;
	v36 =	vand.u32 $0xFFFF, v57;
	v35 =	vand.u32 $0xFFFF0000, v35;
	v60 =	vshrl.u32 v53, v12  }
0xf3: {  	v61 =	vshll.u32 v54, v15;
	[tilespmem:v9+s19+$0xB0 ss:$0x1] =	vst.idx.msk $0xffff, v21;
	v35 =	vor.u32 v36, v35;
	v36 =	vld.idx.msk [tilespmem:v8+s20+$0x380 ss:$0x1], $0xffff  }
0xf4: {  	v41 =	vand.u32 $0xFFFF, v51;
	v53 =	vand.u32 $0xFFFF, v26;
	v54 =	vand.u32 $0xFFFF0000, v27;
	v50 =	vld.idx.msk [tilespmem:v8+s20+$0x230 ss:$0x1], $0xffff  }
0xf5: {  	[tilespmem:v9+s17+$0x1D0 ss:$0x1] =	vst.idx.msk $0xffff, v40;
	v63 =	vand.u32 $0xFFFF, v60;
	v45 =	vand.u32 $0xFFFF0000, v61;
	v52 =	vld.idx.msk [tilespmem:v8+s20+$0x2B0 ss:$0x1], $0xffff;
	v55 =	vor.u32 v41, v42  }
0xf6: {  	v42 =	vor.u32 v53, v54;
	v53 =	vshll.u32 v44, v14;
	v44 =	vld.idx.msk [tilespmem:v8+s20+$0x70 ss:$0x1], $0xffff;
	[tilespmem:v9+s19+$0x110 ss:$0x1] =	vst.idx.msk $0xffff, v35  }
0xf7: {  	v34 =	vshrl.u32 v34, v17;
	v35 =	vor.u32 v63, v45;
	[tilespmem:v9+s19+$0x50 ss:$0x1] =	vst.idx.msk $0xffff, v55;
	v63 =	vld.idx.msk [tilespmem:v8+s20+$0x60 ss:$0x1], $0xffff  }
0xf8: {  	v28 =	vshrl.u32 v28, v17;
	v30 =	vshll.u32 v30, v23;
	[tilespmem:v9+s19+$0xA0 ss:$0x1] =	vst.idx.msk $0xffff, v35;
	v27 =	vld.idx.msk [tilespmem:v8+s20+$0x150 ss:$0x1], $0xffff  }
0xf9: {  	[tilespmem:v9+s17+$0x1E0 ss:$0x1] =	vst.idx.msk $0xffff, v19;
	v32 =	vshll.u32 v32, v23;
	v28 =	vand.u32 $0xFFFF, v28;
	v30 =	vand.u32 $0xFFFF0000, v30;
	v48 =	vld.idx.msk [tilespmem:v8+s20+$0x220 ss:$0x1], $0xffff  }
0xfa: {  	v28 =	vor.u32 v28, v30;
	v39 =	vshrl.u32 v58, v12;
	v40 =	vshll.u32 v59, v15;
	v49 =	vld.idx.msk [tilespmem:v8+s20+$0x2A0 ss:$0x1], $0xffff  }
0xfb: {  	[tilespmem:v9+s17+$0x1F0 ss:$0x1] =	vst.idx.msk $0xffff, v38;
	v57 =	vshrl.u32 v33, v17;
	v35 =	vld.idx.msk [tilespmem:v8+s20+$0x310 ss:$0x1], $0xffff;
	v39 =	vand.u32 $0xFFFF, v39;
	v40 =	vand.u32 $0xFFFF0000, v40  }
0xfc: {  	s28 =	sor.u32 $0x3, s16;
	v17 =	vshrl.u32 v25, v17;
	v59 =	vshll.u32 v37, v23;
	v60 =	vld.idx.msk [tilespmem:v8+s20+$0x1D0 ss:$0x1], $0xffff;
	v39 =	vor.u32 v39, v40  }
0xfd: {  	s29 =	sshll.u32 s28, $0x3;
	v37 =	vand.u32 $0xFFFF0000, v53;
	[tilespmem:v9+s19+$0xC0 ss:$0x1] =	vst.idx.msk $0xffff, v39;
	v61 =	vshrl.u32 v50, v10;
	v62 =	vshll.u32 v52, v11  }
0xfe: {  	s17 =	sand.u32 $0x3FFFFFF8, s29;
	v56 =	vld.idx.msk [tilespmem:v8+s20+$0x240 ss:$0x1], $0xffff;
	v43 =	vand.u32 $0xFFFF0000, v62;
	v52 =	vshrl.u32 v63, v13;
	v22 =	vshrl.u32 v48, v10  }
0xff: {  	s30 =	sshll.u32 s28, $0xA;
	s17 =	sadd.s32 s17, s15;
	v58 =	vld.idx.msk [tilespmem:v8+s20+$0x2C0 ss:$0x1], $0xffff;
	v21 =	vshll.u32 v49, v11;
	v48 =	vshrl.u32 v27, v12;
	v27 =	vand.u32 $0xFFFF, v52  }
0x100: {  	[tilespmem:v9+s18+$0x1A0 ss:$0x1] =	vst.idx.msk $0xffff, v18;
	v62 =	vld.msk [tilespmem:s17+$0x0 ss:$0x1], $0xff;
	s17 =	sand.u32 $0x3FFFFC00, s30;
	v22 =	vand.u32 $0xFFFF, v22;
	v21 =	vand.u32 $0xFFFF0000, v21;
	v27 =	vor.u32 v27, v37  }
0x101: {  	v40 =	vand.u32 $0xFFFF, v61;
	v50 =	vand.u32 $0xFFFF, v48;
	v48 =	vld.idx.msk [tilespmem:v8+s17+$0x80 ss:$0x1], $0xffff;
	v21 =	vor.u32 v22, v21;
	[tilespmem:v9+s19+$0x60 ss:$0x1] =	vst.idx.msk $0xffff, v27  }
0x102: {  	v32 =	vand.u32 $0xFFFF0000, v32;
	v19 =	vand.u32 $0xFFFF, v57;
	[tilespmem:v9+s19+$0x120 ss:$0x1] =	vst.idx.msk $0xffff, v21;
	v21 =	vor.u32 v40, v43;
	v40 =	vld.idx.msk [tilespmem:v8+s20+$0x390 ss:$0x1], $0xffff  }
0x103: {  	[tilespmem:v9+s18+$0x180 ss:$0x1] =	vst.idx.msk $0xffff, v31;
	v54 =	vand.u32 $0xFFFF, v34;
	v33 =	vand.u32 $0xFFFF0000, v59;
	v59 =	vperm.xlane v16, v7;
	v57 =	vld.idx.msk [tilespmem:v8+s20+$0x160 ss:$0x1], $0xffff  }
0x104: {  	v31 =	vor.u32 v54, v32;
	[tilespmem:v9+s18+$0x1B0 ss:$0x1] =	vst.idx.msk $0xffff, v42;
	v49 =	vshll.u32 v60, v15;
	v60 =	vld.idx.msk [tilespmem:v8+s20+$0x1E0 ss:$0x1], $0xffff  }
0x105: {  	v33 =	vor.u32 v19, v33;
	v18 =	vsub.s32 $0x10, v59;
	v26 =	vshll.u32 v58, v11;
	v41 =	vld.idx.msk [tilespmem:v8+s20+$0x320 ss:$0x1], $0xffff  }
0x106: {  	v34 =	vshrl.u32 v44, v13;
	v45 =	vshrl.u32 v56, v10;
	v47 =	vand.u32 $0xFFFF0000, v26;
	v26 =	vld.idx.msk [tilespmem:v8+s20+$0x3A0 ss:$0x1], $0xffff  }
0x107: {  	v61 =	vand.u32 $0xFFFF, v17;
	v17 =	vperm.xlane v16, v6;
	[tilespmem:v9+s19+$0x130 ss:$0x1] =	vst.idx.msk $0xffff, v21;
	v46 =	vand.u32 $0xFFFF, v45;
	v45 =	vld.idx.msk [tilespmem:v8+s20+$0xF0 ss:$0x1], $0xffff  }
0x108: {  	v42 =	vshll.u32 v36, v18;
	v51 =	vand.u32 $0xFFFF0000, v49;
	v19 =	vor.u32 v46, v47;
	v22 =	vld.idx.msk [tilespmem:v8+s20+$0x330 ss:$0x1], $0xffff  }
0x109: {  	v34 =	vand.u32 $0xFFFF, v34;
	v21 =	vld.idx.msk [tilespmem:v8+s20+$0x3B0 ss:$0x1], $0xffff;
	[tilespmem:v9+s19+$0x140 ss:$0x1] =	vst.idx.msk $0xffff, v19;
	v19 =	vor.u32 v50, v51  }
0x10a: {  	v63 =	vshrl.u32 v24, v17;
	v35 =	vshrl.u32 v35, v17;
	v46 =	vld.idx.msk [tilespmem:v8+s17+$0x0 ss:$0x1], $0xffff;
	[tilespmem:v9+s19+$0xD0 ss:$0x1] =	vst.idx.msk $0xffff, v19  }
0x10b: {  	v52 =	vand.u32 $0xFFFF0000, v42;
	v55 =	vld.idx.msk [tilespmem:v8+s20+$0x250 ss:$0x1], $0xffff;
	v32 =	vshrl.u32 v57, v12;
	v25 =	vshll.u32 v60, v15  }
0x10c: {  	[tilespmem:v9+s18+$0x190 ss:$0x1] =	vst.idx.msk $0xffff, v20;
	v58 =	vshll.u32 v29, v23;
	v56 =	vld.idx.msk [tilespmem:v8+s20+$0x2D0 ss:$0x1], $0xffff;
	v47 =	vand.u32 $0xFFFF, v32;
	v25 =	vand.u32 $0xFFFF0000, v25  }
0x10d: {  	[tilespmem:v9+s18+$0x1E0 ss:$0x1] =	vst.idx.msk $0xffff, v28;
	v16 =	vshll.u32 v62, $0x4;
	v29 =	vand.u32 $0xFFFF0000, v58;
	v51 =	vld.idx.msk [tilespmem:v8+s17+$0x10 ss:$0x1], $0xffff;
	v50 =	vor.u32 v47, v25  }
0x10e: {  	v54 =	vperm.xlane v16, v2;
	v19 =	vld.idx.msk [tilespmem:v8+s20+$0x340 ss:$0x1], $0xffff;
	v14 =	vshll.u32 v45, v14;
	[tilespmem:v9+s19+$0xE0 ss:$0x1] =	vst.idx.msk $0xffff, v50  }
0x10f: {  	v13 =	vperm.xlane v16, v1;
	v29 =	vor.u32 v61, v29;
	v36 =	vand.u32 $0xFFFF0000, v14;
	v58 =	vld.idx.msk [tilespmem:v8+s20+$0x2E0 ss:$0x1], $0xffff  }
0x110: {  	v60 =	vshll.u32 v40, v18;
	v57 =	vor.u32 v34, v36;
	v43 =	vshrl.u32 v55, v10;
	v55 =	vld.idx.msk [tilespmem:v8+s17+$0x90 ss:$0x1], $0xffff  }
0x111: {  	v49 =	vand.u32 $0xFFFF, v63;
	v14 =	vsub.s32 $0x10, v54;
	[tilespmem:v9+s19+$0x70 ss:$0x1] =	vst.idx.msk $0xffff, v57;
	v27 =	vshll.u32 v56, v11;
	v56 =	vld.idx.msk [tilespmem:v8+s20+$0x260 ss:$0x1], $0xffff  }
0x112: {  	v59 =	vshrl.u32 v46, v13;
	v46 =	vperm.xlane v16, v4;
	v32 =	vshll.u32 v48, v14;
	v61 =	vld.idx.msk [tilespmem:v8+s20+$0x170 ss:$0x1], $0xffff  }
0x113: {  	s21 =	sshll.u32 s28, $0x9;
	[tilespmem:v9+s18+$0x1D0 ss:$0x1] =	vst.idx.msk $0xffff, v31;
	v36 =	vand.u32 $0xFFFF, v59;
	v25 =	vshrl.u32 v51, v13;
	v32 =	vand.u32 $0xFFFF0000, v32;
	v62 =	vld.idx.msk [tilespmem:v8+s20+$0x1F0 ss:$0x1], $0xffff  }
0x114: {  	s21 =	sand.u32 $0x3FFFFE00, s21;
	[tilespmem:v9+s18+$0x1C0 ss:$0x1] =	vst.idx.msk $0xffff, v33;
	v20 =	vld.idx.msk [tilespmem:v8+s20+$0x3C0 ss:$0x1], $0xffff;
	v32 =	vor.u32 v36, v32;
	v30 =	vand.u32 $0xFFFF, v43;
	v27 =	vand.u32 $0xFFFF0000, v27  }
0x115: {  	v53 =	vand.u32 $0xFFFF, v35;
	v48 =	vld.idx.msk [tilespmem:v8+s17+$0x20 ss:$0x1], $0xffff;
	v25 =	vand.u32 $0xFFFF, v25;
	[tilespmem:v9+s21+$0x0 ss:$0x1] =	vst.idx.msk $0xffff, v32;
	v27 =	vor.u32 v30, v27  }
0x116: {  	v63 =	vld.idx.msk [tilespmem:v8+s17+$0x100 ss:$0x1], $0xffff;
	[tilespmem:v9+s19+$0x150 ss:$0x1] =	vst.idx.msk $0xffff, v27;
	v27 =	vor.u32 v49, v52;
	v34 =	vshll.u32 v58, v11  }
0x117: {  	v40 =	vld.idx.msk [tilespmem:v8+s17+$0x180 ss:$0x1], $0xffff;
	v35 =	vshll.u32 v55, v14;
	v31 =	vshrl.u32 v56, v10;
	v44 =	vand.u32 $0xFFFF0000, v34  }
0x118: {  	v51 =	vld.idx.msk [tilespmem:v8+s17+$0xA0 ss:$0x1], $0xffff;
	v36 =	vshrl.u32 v61, v12;
	v15 =	vshll.u32 v62, v15;
	v35 =	vand.u32 $0xFFFF0000, v35  }
0x119: {  	v23 =	vld.idx.msk [tilespmem:v8+s20+$0x350 ss:$0x1], $0xffff;
	v12 =	vperm.xlane v16, v3;
	v43 =	vand.u32 $0xFFFF, v31;
	v25 =	vor.u32 v25, v35  }
0x11a: {  	v24 =	vld.idx.msk [tilespmem:v8+s20+$0x3D0 ss:$0x1], $0xffff;
	v49 =	vand.u32 $0xFFFF, v36;
	v50 =	vand.u32 $0xFFFF0000, v15;
	v28 =	vor.u32 v43, v44;
	[tilespmem:v9+s21+$0x10 ss:$0x1] =	vst.idx.msk $0xffff, v25  }
0x11b: {  	v15 =	vsub.s32 $0x10, v46;
	[tilespmem:v9+s19+$0x160 ss:$0x1] =	vst.idx.msk $0xffff, v28;
	v28 =	vor.u32 v49, v50;
	v50 =	vld.idx.msk [tilespmem:v8+s17+$0xB0 ss:$0x1], $0xffff  }
0x11c: {  	v37 =	vand.u32 $0xFFFF0000, v60;
	v33 =	vshrl.u32 v63, v12;
	v35 =	vshll.u32 v40, v15;
	v45 =	vld.idx.msk [tilespmem:v8+s17+$0x110 ss:$0x1], $0xffff  }
0x11d: {  	v30 =	vor.u32 v53, v37;
	v52 =	vand.u32 $0xFFFF, v33;
	v53 =	vand.u32 $0xFFFF0000, v35;
	v47 =	vld.idx.msk [tilespmem:v8+s17+$0x190 ss:$0x1], $0xffff;
	[tilespmem:v9+s19+$0xF0 ss:$0x1] =	vst.idx.msk $0xffff, v28  }
0x11e: {  	v28 =	vor.u32 v52, v53;
	v57 =	vld.idx.msk [tilespmem:v8+s20+$0x2F0 ss:$0x1], $0xffff  }
0x11f: {  	v38 =	vld.idx.msk [tilespmem:v8+s20+$0x360 ss:$0x1], $0xffff;
	[tilespmem:v9+s21+$0x80 ss:$0x1] =	vst.idx.msk $0xffff, v28  }
0x120: {  	v42 =	vshrl.u32 v41, v17;
	v26 =	vshll.u32 v26, v18;
	v32 =	vshrl.u32 v48, v13;
	v61 =	vld.idx.msk [tilespmem:v8+s17+$0x280 ss:$0x1], $0xffff  }
0x121: {  	v22 =	vshrl.u32 v22, v17;
	v62 =	vand.u32 $0xFFFF, v32;
	v31 =	vshll.u32 v51, v14;
	v54 =	vld.idx.msk [tilespmem:v8+s20+$0x270 ss:$0x1], $0xffff  }
0x122: {  	v40 =	vperm.xlane v16, v5;
	v36 =	vld.idx.msk [tilespmem:v8+s20+$0x3E0 ss:$0x1], $0xffff;
	v55 =	vshrl.u32 v45, v12;
	v56 =	vshll.u32 v47, v15  }
0x123: {  	v60 =	vld.idx.msk [tilespmem:v8+s17+$0x200 ss:$0x1], $0xffff;
	v58 =	vand.u32 $0xFFFF, v55;
	v59 =	vand.u32 $0xFFFF0000, v56;
	v11 =	vshll.u32 v57, v11  }
0x124: {  	v47 =	vld.idx.msk [tilespmem:v8+s17+$0x30 ss:$0x1], $0xffff;
	v28 =	vor.u32 v58, v59;
	v44 =	vand.u32 $0xFFFF0000, v11;
	v11 =	vsub.s32 $0x10, v40  }
0x125: {  	v31 =	vand.u32 $0xFFFF0000, v31;
	v25 =	vand.u32 $0xFFFF, v42;
	[tilespmem:v9+s21+$0x90 ss:$0x1] =	vst.idx.msk $0xffff, v28;
	v33 =	vshll.u32 v61, v11;
	v61 =	vld.idx.msk [tilespmem:v8+s17+$0x40 ss:$0x1], $0xffff  }
0x126: {  	v42 =	vshrl.u32 v54, v10;
	v10 =	vperm.xlane v16, v0;
	v28 =	vor.u32 v62, v31;
	v63 =	vld.idx.msk [tilespmem:v8+s17+$0x210 ss:$0x1], $0xffff  }
0x127: {  	v21 =	vshll.u32 v21, v18;
	v22 =	vand.u32 $0xFFFF, v22;
	v41 =	vld.idx.msk [tilespmem:v8+s17+$0x290 ss:$0x1], $0xffff;
	[tilespmem:v9+s21+$0x20 ss:$0x1] =	vst.idx.msk $0xffff, v28  }
0x128: {  	v21 =	vand.u32 $0xFFFF0000, v21;
	v46 =	vshrl.u32 v60, v10;
	v28 =	vand.u32 $0xFFFF, v42;
	v43 =	vld.idx.msk [tilespmem:v8+s17+$0x120 ss:$0x1], $0xffff  }
0x129: {  	v48 =	vand.u32 $0xFFFF, v46;
	v49 =	vand.u32 $0xFFFF0000, v33;
	v45 =	vld.idx.msk [tilespmem:v8+s17+$0x1A0 ss:$0x1], $0xffff;
	v28 =	vor.u32 v28, v44  }
0x12a: {  	v20 =	vshll.u32 v20, v18;
	[tilespmem:v9+s19+$0x170 ss:$0x1] =	vst.idx.msk $0xffff, v28;
	v28 =	vor.u32 v48, v49;
	v48 =	vld.idx.msk [tilespmem:v8+s17+$0xD0 ss:$0x1], $0xffff  }
0x12b: {  	[tilespmem:v9+s18+$0x1F0 ss:$0x1] =	vst.idx.msk $0xffff, v29;
	v26 =	vand.u32 $0xFFFF0000, v26;
	v21 =	vor.u32 v22, v21;
	v20 =	vand.u32 $0xFFFF0000, v20;
	v49 =	vld.idx.msk [tilespmem:v8+s17+$0x60 ss:$0x1], $0xffff  }
0x12c: {  	[tilespmem:v9+s19+$0x1B0 ss:$0x1] =	vst.idx.msk $0xffff, v21;
	v33 =	vshll.u32 v50, v14;
	v34 =	vshrl.u32 v47, v13;
	v51 =	vld.idx.msk [tilespmem:v8+s20+$0x370 ss:$0x1], $0xffff  }
0x12d: {  	[tilespmem:v9+s19+$0x190 ss:$0x1] =	vst.idx.msk $0xffff, v30;
	v25 =	vor.u32 v25, v26;
	v60 =	vand.u32 $0xFFFF0000, v33;
	v59 =	vand.u32 $0xFFFF, v34;
	v53 =	vld.idx.msk [tilespmem:v8+s20+$0x3F0 ss:$0x1], $0xffff  }
0x12e: {  	v23 =	vshrl.u32 v23, v17;
	[tilespmem:v9+s21+$0x100 ss:$0x1] =	vst.idx.msk $0xffff, v28;
	v62 =	vor.u32 v59, v60;
	v59 =	vld.idx.msk [tilespmem:v8+s17+$0x70 ss:$0x1], $0xffff  }
0x12f: {  	v56 =	vshrl.u32 v19, v17;
	v40 =	vand.u32 $0xFFFF, v23;
	v44 =	vshll.u32 v36, v18;
	v29 =	vld.idx.msk [tilespmem:v8+s17+$0x300 ss:$0x1], $0xffff  }
0x130: {  	[tilespmem:v9+s19+$0x180 ss:$0x1] =	vst.idx.msk $0xffff, v27;
	v47 =	vand.u32 $0xFFFF0000, v44;
	v28 =	vand.u32 $0xFFFF, v56;
	v33 =	vshrl.u32 v61, v13;
	v61 =	vld.idx.msk [tilespmem:v8+s17+$0xF0 ss:$0x1], $0xffff  }
0x131: {  	[tilespmem:v9+s21+$0x30 ss:$0x1] =	vst.idx.msk $0xffff, v62;
	v20 =	vor.u32 v28, v20;
	v26 =	vshrl.u32 v63, v10;
	v63 =	vld.idx.msk [tilespmem:v8+s17+$0xC0 ss:$0x1], $0xffff  }
0x132: {  	v52 =	vshll.u32 v41, v11;
	v41 =	vshll.u32 v24, v18;
	v42 =	vld.idx.msk [tilespmem:v8+s17+$0x130 ss:$0x1], $0xffff;
	v50 =	vand.u32 $0xFFFF, v33  }
0x133: {  	[tilespmem:v9+s19+$0x1A0 ss:$0x1] =	vst.idx.msk $0xffff, v25;
	v54 =	vand.u32 $0xFFFF, v26;
	v55 =	vand.u32 $0xFFFF0000, v52;
	v58 =	vshrl.u32 v43, v12;
	v26 =	vld.idx.msk [tilespmem:v8+s17+$0x380 ss:$0x1], $0xffff  }
0x134: {  	v31 =	vshll.u32 v45, v15;
	v23 =	vand.u32 $0xFFFF0000, v41;
	v43 =	vshrl.u32 v38, v17;
	v45 =	vld.idx.msk [tilespmem:v8+s17+$0x50 ss:$0x1], $0xffff  }
0x135: {  	v57 =	vor.u32 v54, v55;
	v22 =	vand.u32 $0xFFFF, v58;
	v17 =	vshrl.u32 v51, v17;
	v51 =	vld.idx.msk [tilespmem:v8+s17+$0xE0 ss:$0x1], $0xffff  }
0x136: {  	v31 =	vand.u32 $0xFFFF0000, v31;
	v46 =	vand.u32 $0xFFFF, v43;
	[tilespmem:v9+s21+$0x110 ss:$0x1] =	vst.idx.msk $0xffff, v57;
	v18 =	vshll.u32 v53, v18;
	v53 =	vld.idx.msk [tilespmem:v8+s17+$0x1B0 ss:$0x1], $0xffff  }
0x137: {  	v30 =	vshll.u32 v48, v14;
	v60 =	vshrl.u32 v49, v13;
	v22 =	vor.u32 v22, v31;
	v19 =	vld.idx.msk [tilespmem:v8+s17+$0x310 ss:$0x1], $0xffff  }
0x138: {  	[tilespmem:v9+s21+$0xA0 ss:$0x1] =	vst.idx.msk $0xffff, v22;
	v22 =	vor.u32 v40, v23;
	v17 =	vand.u32 $0xFFFF, v17;
	v27 =	vshll.u32 v63, v14  }
0x139: {  	[tilespmem:v9+s19+$0x1C0 ss:$0x1] =	vst.idx.msk $0xffff, v20;
	v18 =	vand.u32 $0xFFFF0000, v18;
	v23 =	vor.u32 v46, v47;
	v41 =	vld.idx.msk [tilespmem:v8+s17+$0x390 ss:$0x1], $0xffff;
	v27 =	vand.u32 $0xFFFF0000, v27  }
0x13a: {  	v39 =	vld.idx.msk [tilespmem:v8+s17+$0x220 ss:$0x1], $0xffff;
	[tilespmem:v9+s19+$0x1D0 ss:$0x1] =	vst.idx.msk $0xffff, v22;
	v55 =	vshrl.u32 v45, v13;
	v52 =	vor.u32 v50, v27  }
0x13b: {  	v58 =	vand.u32 $0xFFFF0000, v30;
	v18 =	vor.u32 v17, v18;
	v54 =	vld.idx.msk [tilespmem:v8+s17+$0x2A0 ss:$0x1], $0xffff;
	v57 =	vand.u32 $0xFFFF, v55;
	[tilespmem:v9+s21+$0x40 ss:$0x1] =	vst.idx.msk $0xffff, v52  }
0x13c: {  	[tilespmem:v9+s19+$0x1E0 ss:$0x1] =	vst.idx.msk $0xffff, v23;
	v24 =	vor.u32 v57, v58;
	v32 =	vshll.u32 v51, v14;
	v21 =	vld.idx.msk [tilespmem:v8+s17+$0x140 ss:$0x1], $0xffff  }
0x13d: {  	v28 =	vand.u32 $0xFFFF, v60;
	v56 =	vshrl.u32 v42, v12;
	[tilespmem:v9+s21+$0x50 ss:$0x1] =	vst.idx.msk $0xffff, v24;
	v62 =	vld.idx.msk [tilespmem:v8+s17+$0x1C0 ss:$0x1], $0xffff;
	v32 =	vand.u32 $0xFFFF0000, v32  }
0x13e: {  	[tilespmem:v9+s19+$0x1F0 ss:$0x1] =	vst.idx.msk $0xffff, v18;
	v25 =	vshll.u32 v53, v15;
	v34 =	vor.u32 v28, v32;
	v35 =	vld.idx.msk [tilespmem:v8+s17+$0x150 ss:$0x1], $0xffff  }
0x13f: {  	v20 =	vand.u32 $0xFFFF, v56;
	v13 =	vshrl.u32 v59, v13;
	v63 =	vand.u32 $0xFFFF0000, v25;
	v36 =	vld.idx.msk [tilespmem:v8+s17+$0x1D0 ss:$0x1], $0xffff;
	[tilespmem:v9+s21+$0x60 ss:$0x1] =	vst.idx.msk $0xffff, v34  }
0x140: {  	v14 =	vshll.u32 v61, v14;
	v20 =	vor.u32 v20, v63;
	v38 =	vshrl.u32 v39, v10;
	v39 =	vld.idx.msk [tilespmem:v8+s17+$0x160 ss:$0x1], $0xffff  }
0x141: {  	v13 =	vand.u32 $0xFFFF, v13;
	v14 =	vand.u32 $0xFFFF0000, v14;
	[tilespmem:v9+s21+$0xB0 ss:$0x1] =	vst.idx.msk $0xffff, v20;
	v40 =	vld.idx.msk [tilespmem:v8+s17+$0x1E0 ss:$0x1], $0xffff  }
0x142: {  	v13 =	vor.u32 v13, v14;
	v42 =	vld.idx.msk [tilespmem:v8+s17+$0x230 ss:$0x1], $0xffff;
	v21 =	vshrl.u32 v21, v12;
	v24 =	vshll.u32 v62, v15  }
0x143: {  	v17 =	vperm.xlane v16, v6;
	[tilespmem:v9+s21+$0x70 ss:$0x1] =	vst.idx.msk $0xffff, v13;
	v44 =	vld.idx.msk [tilespmem:v8+s17+$0x2B0 ss:$0x1], $0xffff;
	v21 =	vand.u32 $0xFFFF, v21;
	v43 =	vand.u32 $0xFFFF0000, v24  }
0x144: {  	v48 =	vld.idx.msk [tilespmem:v8+s17+$0x170 ss:$0x1], $0xffff;
	v45 =	vshrl.u32 v35, v12;
	v47 =	vshll.u32 v36, v15;
	v21 =	vor.u32 v21, v43  }
0x145: {  	v16 =	vperm.xlane v16, v7;
	v51 =	vld.idx.msk [tilespmem:v8+s17+$0x1F0 ss:$0x1], $0xffff;
	v46 =	vand.u32 $0xFFFF, v45;
	[tilespmem:v9+s21+$0xC0 ss:$0x1] =	vst.idx.msk $0xffff, v21;
	v21 =	vand.u32 $0xFFFF0000, v47  }
0x146: {  	v49 =	vshrl.u32 v39, v12;
	v50 =	vshll.u32 v40, v15;
	v13 =	vor.u32 v46, v21;
	v52 =	vld.idx.msk [tilespmem:v8+s17+$0x240 ss:$0x1], $0xffff  }
0x147: {  	v27 =	vshll.u32 v54, v11;
	v53 =	vand.u32 $0xFFFF, v49;
	v54 =	vand.u32 $0xFFFF0000, v50;
	v56 =	vld.idx.msk [tilespmem:v8+s17+$0x2C0 ss:$0x1], $0xffff;
	[tilespmem:v9+s21+$0xD0 ss:$0x1] =	vst.idx.msk $0xffff, v13  }
0x148: {  	v37 =	vshrl.u32 v29, v17;
	v16 =	vsub.s32 $0x10, v16;
	v21 =	vor.u32 v53, v54;
	v57 =	vld.idx.msk [tilespmem:v8+s17+$0x250 ss:$0x1], $0xffff  }
0x149: {  	v26 =	vshll.u32 v26, v16;
	v55 =	vand.u32 $0xFFFF, v38;
	v27 =	vand.u32 $0xFFFF0000, v27;
	[tilespmem:v9+s21+$0xE0 ss:$0x1] =	vst.idx.msk $0xffff, v21;
	v58 =	vld.idx.msk [tilespmem:v8+s17+$0x2D0 ss:$0x1], $0xffff  }
0x14a: {  	v12 =	vshrl.u32 v48, v12;
	v15 =	vshll.u32 v51, v15;
	v13 =	vor.u32 v55, v27;
	v59 =	vld.idx.msk [tilespmem:v8+s17+$0x260 ss:$0x1], $0xffff  }
0x14b: {  	v25 =	vand.u32 $0xFFFF, v37;
	v12 =	vand.u32 $0xFFFF, v12;
	v15 =	vand.u32 $0xFFFF0000, v15;
	[tilespmem:v9+s21+$0x120 ss:$0x1] =	vst.idx.msk $0xffff, v13;
	v61 =	vld.idx.msk [tilespmem:v8+s17+$0x2E0 ss:$0x1], $0xffff  }
0x14c: {  	v14 =	vshrl.u32 v42, v10;
	v23 =	vshll.u32 v44, v11;
	v12 =	vor.u32 v12, v15;
	v62 =	vld.idx.msk [tilespmem:v8+s17+$0x320 ss:$0x1], $0xffff  }
0x14d: {  	v26 =	vand.u32 $0xFFFF0000, v26;
	v14 =	vand.u32 $0xFFFF, v14;
	v60 =	vand.u32 $0xFFFF0000, v23;
	[tilespmem:v9+s21+$0xF0 ss:$0x1] =	vst.idx.msk $0xffff, v12;
	v63 =	vld.idx.msk [tilespmem:v8+s17+$0x3A0 ss:$0x1], $0xffff  }
0x14e: {  	v13 =	vor.u32 v14, v60;
	v31 =	vld.idx.msk [tilespmem:v8+s17+$0x270 ss:$0x1], $0xffff;
	v18 =	vshrl.u32 v52, v10;
	v24 =	vshll.u32 v56, v11  }
0x14f: {  	v19 =	vshrl.u32 v19, v17;
	[tilespmem:v9+s21+$0x130 ss:$0x1] =	vst.idx.msk $0xffff, v13;
	v34 =	vld.idx.msk [tilespmem:v8+s17+$0x2F0 ss:$0x1], $0xffff;
	v28 =	vand.u32 $0xFFFF, v18;
	v29 =	vand.u32 $0xFFFF0000, v24  }
0x150: {  	v35 =	vld.idx.msk [tilespmem:v8+s17+$0x330 ss:$0x1], $0xffff;
	v30 =	vshrl.u32 v57, v10;
	v12 =	vor.u32 v28, v29;
	v33 =	vshll.u32 v58, v11  }
0x151: {  	v19 =	vand.u32 $0xFFFF, v19;
	v37 =	vld.idx.msk [tilespmem:v8+s17+$0x3B0 ss:$0x1], $0xffff;
	v32 =	vand.u32 $0xFFFF, v30;
	v18 =	vand.u32 $0xFFFF0000, v33;
	[tilespmem:v9+s21+$0x140 ss:$0x1] =	vst.idx.msk $0xffff, v12  }
0x152: {  	v27 =	vshrl.u32 v59, v10;
	v23 =	vshll.u32 v61, v11;
	v36 =	vor.u32 v32, v18;
	v40 =	vld.idx.msk [tilespmem:v8+s17+$0x340 ss:$0x1], $0xffff  }
0x153: {  	v20 =	vshll.u32 v41, v16;
	v38 =	vand.u32 $0xFFFF, v27;
	v23 =	vand.u32 $0xFFFF0000, v23;
	v41 =	vld.idx.msk [tilespmem:v8+s17+$0x3C0 ss:$0x1], $0xffff;
	[tilespmem:v9+s21+$0x150 ss:$0x1] =	vst.idx.msk $0xffff, v36  }
0x154: {  	v10 =	vshrl.u32 v31, v10;
	v11 =	vshll.u32 v34, v11;
	v39 =	vor.u32 v38, v23;
	v42 =	vld.idx.msk [tilespmem:v8+s17+$0x350 ss:$0x1], $0xffff  }
0x155: {  	v20 =	vand.u32 $0xFFFF0000, v20;
	v10 =	vand.u32 $0xFFFF, v10;
	v11 =	vand.u32 $0xFFFF0000, v11;
	v43 =	vld.idx.msk [tilespmem:v8+s17+$0x3D0 ss:$0x1], $0xffff;
	[tilespmem:v9+s21+$0x160 ss:$0x1] =	vst.idx.msk $0xffff, v39  }
0x156: {  	v25 =	vor.u32 v25, v26;
	v19 =	vor.u32 v19, v20;
	v10 =	vor.u32 v10, v11;
	v46 =	vld.idx.msk [tilespmem:v8+s17+$0x360 ss:$0x1], $0xffff  }
0x157: {  	v44 =	vshrl.u32 v62, v17;
	v45 =	vshll.u32 v63, v16;
	[tilespmem:v9+s21+$0x170 ss:$0x1] =	vst.idx.msk $0xffff, v10;
	v49 =	vld.idx.msk [tilespmem:v8+s17+$0x3E0 ss:$0x1], $0xffff  }
0x158: {  	[tilespmem:v9+s21+$0x180 ss:$0x1] =	vst.idx.msk $0xffff, v25;
	v47 =	vand.u32 $0xFFFF0000, v45;
	v50 =	vshll.u32 v37, v16;
	v11 =	vand.u32 $0xFFFF, v44;
	v51 =	vld.idx.msk [tilespmem:v8+s17+$0x370 ss:$0x1], $0xffff  }
0x159: {  	v48 =	vshrl.u32 v35, v17;
	v12 =	vand.u32 $0xFFFF0000, v50;
	v10 =	vor.u32 v11, v47;
	v54 =	vld.idx.msk [tilespmem:v8+s17+$0x3F0 ss:$0x1], $0xffff  }
0x15a: {  	[tilespmem:v9+s21+$0x190 ss:$0x1] =	vst.idx.msk $0xffff, v19;
	v11 =	vand.u32 $0xFFFF, v48;
	v52 =	vshrl.u32 v40, v17;
	v53 =	vshll.u32 v41, v16  }
0x15b: {  	v11 =	vor.u32 v11, v12;
	[tilespmem:v9+s21+$0x1A0 ss:$0x1] =	vst.idx.msk $0xffff, v10;
	v55 =	vand.u32 $0xFFFF, v52;
	v56 =	vand.u32 $0xFFFF0000, v53  }
0x15c: {  	v12 =	vor.u32 v55, v56;
	v57 =	vshrl.u32 v42, v17;
	v58 =	vshll.u32 v43, v16  }
0x15d: {  	p1 =	slt.u32 s16, $0x1C;
	[tilespmem:v9+s21+$0x1B0 ss:$0x1] =	vst.idx.msk $0xffff, v11;
	v10 =	vand.u32 $0xFFFF, v57;
	v59 =	vand.u32 $0xFFFF0000, v58;
	v15 =	vshrl.u32 v46, v17  }
.Ltmp6:
0x15e: {  	v60 =	vshll.u32 v49, v16;
	v13 =	vshrl.u32 v51, v17;
	v62 =	vshll.u32 v54, v16;
	(pc) =	sbr.rel @p1 .LBB2_8-.Ltmp6, $4  }
0x15f: {  	[tilespmem:v9+s21+$0x1C0 ss:$0x1] =	vst.idx.msk $0xffff, v12;
	v10 =	vor.u32 v10, v59;
	v11 =	vand.u32 $0xFFFF, v15;
	v61 =	vand.u32 $0xFFFF0000, v60  }
0x160: {  	v63 =	vand.u32 $0xFFFF0000, v62;
	[tilespmem:v9+s21+$0x1D0 ss:$0x1] =	vst.idx.msk $0xffff, v10;
	v10 =	vor.u32 v11, v61;
	v11 =	vand.u32 $0xFFFF, v13  }
0x161: {  	s31 =	sadd.s32 $0x4, s16;
	[tilespmem:v9+s21+$0x1E0 ss:$0x1] =	vst.idx.msk $0xffff, v10;
	v10 =	vor.u32 v11, v63  }
0x162: {  	s16 =	smov.u32 s31;
	[tilespmem:v9+s21+$0x1F0 ss:$0x1] =	vst.idx.msk $0xffff, v10  }
0x163: {  	s13 =	sshll.u32 s13, $0x3  }
0x164: {  	s13 =	sadd.s32 s13, s4  }
0x165: {  	s15 =	simm.s32 $0x40;
	s16 =	sadd.s32 $0x200, s14;
	s17 =	sadd.s32 $0x0, s13  }
.LBB2_10:
0x166: {  	[hbm:s17] =	stream.linear.scatter [tilespmem:s14], [sflag:$0x3], $0x200, $0x38;
	[tilespmem:$0x18300] =	vst v63  }
0x167: {  	s17 =	smov.u32 s15;
	s14 =	smov.u32 s16;
	p1 =	sne.s32 s15, $0x7C0  }
.Ltmp7:
0x168: {  	s15 =	sadd.s32 $0x40, s15;
	(pc) =	sbr.rel @p1 .LBB2_10-.Ltmp7, $2  }
0x169: {  	_ =	sdelay $0x2  }
0x16a: {  	s16 =	sadd.s32 $0x200, s16;
	s17 =	sadd.s32 s17, s13  }
.Ltmp8:
0x16b: {  	(pc) =	sbr.rel .LBB2_12-.Ltmp8, $2  }
0x16c: {  	_ =	sdelay $0x2  }
0x16d: {  	[hbm:s17] =	stream.linear.scatter [tilespmem:s14], [sflag:$0x3], $0x200, $0x38;
	[tilespmem:$0x18300] =	vst v63  }
.LBB2_14:
0x16e: {  	s2 =	simm.s32 $0x3  }
0x16f: {  	_ =	swait.ge [sflag:s2], $0x4000  }
0x170: {  	[sflag:s2] =	ssyncset.done $0x0  }
0x171: {  	[sflag:s2] =	ssyncadd.s32 $0xFFFFC000  }
0x172: {  	_ =	sfence.sel $0x180000  }
0x173: {  	s3 =	simm.s32 $0x1;
	[bflag:$0x0] =	sbarrier.arrive $0xFFFF  }
0x174: {  	s31 =	simm.s32 $0x2;
	[sflag:s3] =	ssyncpa.u1 $0x1  }
0x175: {  	[sflag:s31] =	ssyncpa.u1 $0x1  }
0x176: {  	[sflag:s2] =	ssyncpa.u1 $0x1  }
0x177: {  	p0 =	sne.s32 s1, $0x0;
	_ =	strace $0x90000050  }
0x178: {  	s0 =	sadd.s32 @!p0 $0x100000, s0;
	[bflag:$0x2] =	sbarrier.arrive $0xFFFF  }
0x179: {  	[sflag:s0] =	ssyncadd.tile.s32 @!p0 $0x1;
	_ =	shalt  }
.Lfunc_end2:
_tile_overlayer_lowered:
.L_overlay_start_2:
0x17a: {  	(tag) =	ssettag $0x2  }
0x17b: {  	s0 =	rddreg [dreg:$0x0];
	s2 =	stileid.u32  }
0x17c: {  	s1 =	rddreg [dreg:$0x1];
	p0 =	sne.s32 s2, $0x0  }
0x17d: {  	s3 =	rddreg [dreg:$0x2];
	[bflag:$0x3] =	sbarrier.arrive $0xFFFF;
	s2 =	simm.s32 @!p0 $0x1C01  }
0x17e: {  	[timem:s3], [sflag:s2] =	dma.local @!p0 [hbm:s0], s1  }
0x17f: {  	s0 =	simm.s32 @!p0 $0x1  }
0x180: {  	_ =	swait.ge @!p0 [sflag:s0], s1  }
0x181: {  	s1 =	ssub.s32 @!p0 $0x0, s1;
	[sflag:s0] =	ssyncset.done @!p0 $0x0  }
0x182: {  	[sflag:s0] =	ssyncadd.s32 @!p0 s1  }
0x183: {  	[bflag:$0x3] =	sbarrier.arrive $0xFFFF  }
0x184: {  	_ =	shalt  }

// kernel: gather_offload_async_start.2
scs
__scs_entry_jumppad:
0x0: {  	(pc) =	sbr.rel $0x88, $3  }
0x1: {  	(tag) =	ssettag $0x0;
	lr =	simm.s32 $0x1  }
0x2: {  	[smem:$0x3F9E] =	sst lr;
	_ =	strace $0xD0000000  }
0x3: {  	_ = 	snop  }
0x4: {  	_ = 	snop  }
0x5: {  	_ = 	snop  }
0x6: {  	_ = 	snop  }
0x7: {  	_ = 	snop  }
__scs_overlays_trampoline_lowered:
0x8: {  	[smem:$0x3FAD] =	sst s0  }
0x9: {  	[smem:$0x3FAE] =	sst s1  }
0xa: {  	[smem:$0x3FAF] =	sst s2  }
0xb: {  	[smem:$0x3FB0] =	sst s3  }
0xc: {  	[smem:$0x3FB1] =	sst s4  }
0xd: {  	[smem:$0x3FB2] =	sst s5  }
0xe: {  	[smem:$0x3FB3] =	sst s6  }
0xf: {  	[smem:$0x3FB4] =	sst s7  }
0x10: {  	[smem:$0x3FB5] =	sst s8  }
0x11: {  	[smem:$0x3FB6] =	sst s9;
	s0 =	simm.s32 @!p0 $0x0  }
0x12: {  	s1 =	sld [smem:$0x3F9C];
	s0 =	simm.s32 @p0 $0x1  }
0x13: {  	[smem:$0x3FB7] =	sst s0;
	s0 =	simm.s32 @!p1 $0x0  }
0x14: {  	s2 =	sld [smem:$0x3F9B];
	s0 =	simm.s32 @p1 $0x1  }
0x15: {  	[smem:$0x3FB8] =	sst s0;
	s0 =	simm.s32 @!p2 $0x0  }
0x16: {  	s3 =	sld [smem:$0x3FDB];
	s0 =	simm.s32 @p2 $0x1  }
0x17: {  	s4 =	simm.s32 $0x1BF5;
	[smem:$0x3FBA] =	sst s0  }
0x18: {  	s0 =	sld [smem:$0x3F9D];
	_ =	swait.ge [sflag:s4], $0x0  }
0x19: {  	s7 =	sld [smem:$0x3F9E]  }
0x1a: {  	s8 =	sadd.s32 $0xFFFFE003, lr  }
0x1b: {  	s9 =	sadd.s32 $0xFFFFFEF7, lr;
	s5 =	simm.s32 $0xFFFFFFFF;
	p2 =	slt.u32 s8, $0xFFFFF086  }
0x1c: {  	p1 =	slt.u32 s9, $0xF7A;
	s5 =	simm.s32 @!p2 $0x0  }
0x1d: {  	s5 =	simm.s32 @p1 $0x1;
	p0 =	seq.s32 s7, s2  }
0x1e: {  	s7 =	smul.u32 @!p0 $0xF7A, s2;
	p2 =	seq.s32 @!p0 s5, $0x0  }
0x1f: {  	s9 =	smul.u32 $0xF7A, s1;
	s8 =	simm.s32 @!p0 $0x1BF5;
	p2 =	por !p2, p0  }
0x20: {  	[sflag:s8] =	ssyncset.s32 @!p0 $0xFFFFF086;
	s6 =	sadd.s32 @!p0 s3, s7;
	s7 =	simm.s32 @!p0 $0x108  }
0x21: {  	s3 =	sadd.s32 s3, s9;
	s6 =	sadd.s32 @!p0 $0x88, s6;
	s7 =	simm.s32 @p2 $0x1082  }
0x22: {  	[simem:s7], [sflag:s8] =	dma.local @!p0 [hbm:s6], $0xF7A  }
0x23: {  	s9 =	sor.u32 $0xD0000000, s2;
	s6 =	simm.s32 $0x108;
	_ =	swait.ge @!p0 [sflag:s8], $0x0  }
0x24: {  	s3 =	sadd.s32 $0x88, s3;
	s6 =	simm.s32 @!p1 $0x1082;
	[sflag:s4] =	ssyncset.s32 $0xFFFFF086  }
0x25: {  	[simem:s6], [sflag:s4] =	dma.local [hbm:s3], $0xF7A  }
0x26: {  	[smem:$0x3F9E] =	sst s1;
	(tag) =	ssettag s2;
	_ =	strace s9  }
0x27: {  	s1 =	sld [smem:$0x3FAE]  }
0x28: {  	s2 =	sld [smem:$0x3FAF]  }
0x29: {  	s4 =	sld [smem:$0x3FB1]  }
0x2a: {  	p0 =	seq.s32 s5, $0x0;
	s5 =	sld [smem:$0x3FB2]  }
0x2b: {  	s6 =	sld [smem:$0x3FB3]  }
0x2c: {  	s7 =	sld [smem:$0x3FB4]  }
0x2d: {  	s3 =	simm.s32 $0x108;
	s8 =	sld [smem:$0x3FB5]  }
0x2e: {  	s3 =	simm.s32 @!p0 $0x1082;
	s9 =	sld [smem:$0x3FB6]  }
0x2f: {  	lr =	sadd.s32 s0, s3;
	s0 =	sld [smem:$0x3FAD]  }
0x30: {  	s3 =	sld [smem:$0x3FB0]  }
0x31: {  	[smem:$0x3FB9] =	sst s10  }
0x32: {  	s10 =	sld [smem:$0x3FB7];
	_ =	sdelay $0x3  }
0x33: {  	p0 =	seq.s32 s10, $0x1;
	s10 =	sld [smem:$0x3FB9];
	_ =	sdelay $0x3  }
0x34: {  	[smem:$0x3FB9] =	sst s10  }
0x35: {  	s10 =	sld [smem:$0x3FB8];
	_ =	sdelay $0x3  }
0x36: {  	p1 =	seq.s32 s10, $0x1;
	s10 =	sld [smem:$0x3FB9];
	_ =	sdelay $0x3  }
0x37: {  	[smem:$0x3FB9] =	sst s10  }
0x38: {  	s10 =	sld [smem:$0x3FBA]  }
0x39: {  	_ = 	snop;
	(pc) =	sbr.ind lr, $3  }
0x3a: {  	_ = 	snop  }
0x3b: {  	_ = 	snop  }
0x3c: {  	p2 =	seq.s32 s10, $0x1;
	s10 =	sld [smem:$0x3FB9]  }
0x3d: {  	_ =	shalt  }
0x3e: {  	_ =	shalt  }
0x3f: {  	_ =	shalt  }
0x40: {  	_ =	shalt  }
0x41: {  	_ =	shalt  }
0x42: {  	_ =	shalt  }
0x43: {  	_ =	shalt  }
0x44: {  	_ =	shalt  }
0x45: {  	_ =	shalt  }
0x46: {  	_ =	shalt  }
0x47: {  	_ =	shalt  }
0x48: {  	_ =	shalt  }
0x49: {  	_ =	shalt  }
0x4a: {  	_ =	shalt  }
0x4b: {  	_ =	shalt  }
0x4c: {  	_ =	shalt  }
0x4d: {  	_ =	shalt  }
0x4e: {  	_ =	shalt  }
0x4f: {  	_ =	shalt  }
0x50: {  	_ =	shalt  }
0x51: {  	_ =	shalt  }
0x52: {  	_ =	shalt  }
0x53: {  	_ =	shalt  }
0x54: {  	_ =	shalt  }
0x55: {  	_ =	shalt  }
0x56: {  	_ =	shalt  }
0x57: {  	_ =	shalt  }
0x58: {  	_ =	shalt  }
0x59: {  	_ =	shalt  }
0x5a: {  	_ =	shalt  }
0x5b: {  	_ =	shalt  }
0x5c: {  	_ =	shalt  }
0x5d: {  	_ =	shalt  }
0x5e: {  	_ =	shalt  }
0x5f: {  	_ =	shalt  }
0x60: {  	_ =	shalt  }
0x61: {  	_ =	shalt  }
0x62: {  	_ =	shalt  }
0x63: {  	_ =	shalt  }
0x64: {  	_ =	shalt  }
0x65: {  	_ =	shalt  }
0x66: {  	_ =	shalt  }
0x67: {  	_ =	shalt  }
0x68: {  	_ =	shalt  }
0x69: {  	_ =	shalt  }
0x6a: {  	_ =	shalt  }
0x6b: {  	_ =	shalt  }
0x6c: {  	_ =	shalt  }
0x6d: {  	_ =	shalt  }
0x6e: {  	_ =	shalt  }
0x6f: {  	_ =	shalt  }
0x70: {  	_ =	shalt  }
0x71: {  	_ =	shalt  }
0x72: {  	_ =	shalt  }
0x73: {  	_ =	shalt  }
0x74: {  	_ =	shalt  }
0x75: {  	_ =	shalt  }
0x76: {  	_ =	shalt  }
0x77: {  	_ =	shalt  }
0x78: {  	_ =	shalt  }
0x79: {  	_ =	shalt  }
0x7a: {  	_ =	shalt  }
0x7b: {  	_ =	shalt  }
0x7c: {  	_ =	shalt  }
0x7d: {  	_ =	shalt  }
0x7e: {  	_ =	shalt  }
0x7f: {  	_ =	shalt  }
0x80: {  	_ =	shalt  }
0x81: {  	_ =	shalt  }
0x82: {  	_ =	shalt  }
0x83: {  	_ =	shalt  }
0x84: {  	_ =	shalt  }
0x85: {  	_ =	shalt  }
0x86: {  	_ =	shalt  }
0x87: {  	_ =	shalt  }
.Lfunc_end0:
.L_simem_size_0:
called_computation.6_lowered:
.L_overlay_start_0:
0x88: {  	s2 =	sld [smem:$0x3FD9]  }
0x89: {  	s3 =	sld [smem:$0x3FFE];
	_ =	sdelay $0x1  }
0x8a: {  	s1 =	srdreg.scid  }
0x8b: {  	s0 =	sand.u32 $0x1, s1  }
0x8c: {  	s17 =	sshll.u32 s0, $0xA;
	s2 =	sadd.s32 s3, s2  }
0x8d: {  	s2 =	sadd.s32 s2, s17  }
0x8e: {  	[smem:$0x3FC5] =	sst s2  }
0x8f: {  	_ = 	snop  }
0x90: {  	(tm) =	ssettm $0x1  }
0x91: {  	s18 =	sld [smem:$0x3FFB];
	_ =	sdelay $0x3  }
0x92: {  	_ =	strace s18  }
0x93: {  	s2 =	sld [smem:$0x3FFC];
	_ =	sdelay $0x3  }
0x94: {  	_ =	strace s2  }
0x95: {  	s2 =	sld [smem:$0x3FFD];
	_ =	sdelay $0x3  }
0x96: {  	_ =	strace s2  }
0x97: {  	_ =	strace $0x8FFFFFFF  }
0x98: {  	s19 =	sld [smem:$0x3FDB];
	_ =	sdelay $0x1  }
0x99: {  	s20 =	simm.s32 $_scs_section_size  }
0x9a: {  	s4 =	simm.s32 $_size__tile_overlayer_lowered;
	s5 =	simm.s32 $_tile_overlayer_lowered  }
0x9b: {  	s6 =	simm.s32 $0x1BFF;
	s21 =	sshll.u32 s5, $0x1;
	s3 =	sadd.s32 s20, s19  }
0x9c: {  	s22 =	simm.s32 $0x0;
	s4 =	sshll.u32 s4, $0x1;
	s5 =	sadd.s32 s21, s3  }
0x9d: {  	[timem:s22], [sflag:s6] =	dma.local [hbm:s5], s4  }
0x9e: {  	_ =	swait.ge [sflag:s6], s4  }
0x9f: {  	s4 =	ssub.s32 $0x0, s4;
	[sflag:s6] =	ssyncset.done $0x0  }
0xa0: {  	[sflag:s6] =	ssyncadd.s32 s4;
	_ =	sdelay $0x1  }
0xa1: {  	s23 =	simm.s32 $0x1B8B  }
0xa2: {  	_ =	swait.ge [sflag:s23], $0x1  }
0xa3: {  	[sflag:s23] =	ssyncset.done $0x0  }
0xa4: {  	[sflag:s23] =	ssyncadd.s32 $0xFFFFFFFF  }
0xa5: {  	s4 =	sld [smem:$0x0]  }
0xa6: {  	s5 =	sand.u32 $0xFFFFFFFE, s1  }
0xa7: {  	p0 =	sne.s32 s1, s5  }
0xa8: {  	s5 =	sshll.u32 @p0 s5, $0xE  }
0xa9: {  	s5 =	sadd.s32 @p0 $0x11B8D, s5;
	s6 =	sshll.u32 @p0 s4, $0x11  }
0xaa: {  	s5 =	sor.u32 @p0 s6, s5  }
0xab: {  	[sflag:s5] =	ssyncadd.remote.s32 @p0 $0x1;
	_ =	sdelay $0x1  }
0xac: {  	s5 =	simm.s32 @p0 $0x1B8D  }
0xad: {  	_ =	swait.eq @p0 [sflag:s5], $0x1  }
0xae: {  	[sflag:s5] =	ssyncadd.s32 @p0 $0xFFFFFFFF  }
0xaf: {  	s6 =	sshll.u32 @!p0 s1, $0xE  }
0xb0: {  	s6 =	sor.u32 @!p0 $0x4000, s6;
	s5 =	simm.s32 @!p0 $0x1B8D  }
0xb1: {  	s4 =	sshll.u32 @!p0 s4, $0x11;
	s6 =	sadd.s32 @!p0 $0x11B8D, s6;
	_ =	swait.eq @!p0 [sflag:s5], $0x1  }
0xb2: {  	s4 =	sor.u32 @!p0 s4, s6;
	[sflag:s5] =	ssyncadd.s32 @!p0 $0xFFFFFFFF  }
0xb3: {  	s25 =	simm.s32 $0x1B8E;
	s24 =	sld [smem:$0x3FFE];
	[sflag:s4] =	ssyncadd.remote.s32 @!p0 $0x1  }
0xb4: {  	s26 =	simm.s32 $execute0_lowered;
	[smem:$0x3FD2] =	sst s25  }
0xb5: {  	s5 =	sshll.u32 s26, $0x1;
	_ =	strace $0x80000052;
	[dreg:$0x1] =	wrdreg $0xFFFFFFFF  }
0xb6: {  	s28 =	simm.s32 $_size_execute0_lowered;
	s3 =	sadd.s32 s3, s5;
	[dreg:$0x0] =	wrdreg $0x0  }
0xb7: {  	s5 =	sshll.u32 s28, $0x1;
	[dreg:$0x2] =	wrdreg s3  }
0xb8: {  	[dreg:$0x3] =	wrdreg s5  }
0xb9: {  	[dreg:$0x4] =	wrdreg $0xC0  }
0xba: {  	_ =	task [dreg:s22], $0x5FFFF  }
0xbb: {  	[dreg:$0x1] =	wrdreg $0xFFFFFFFF  }
0xbc: {  	[dreg:$0x0] =	wrdreg $0x60  }
0xbd: {  	[dreg:$0x2] =	wrdreg s24  }
0xbe: {  	[dreg:$0x3] =	wrdreg $0xA  }
0xbf: {  	_ =	task.clear_ibuf [dreg:s22], $0x4FFFF;
	_ =	strace $0x90000052  }
0xc0: {  	s29 =	simm.s32 $0xA;
	_ =	strace $0x80000054  }
0xc1: {  	_ =	swait.ge [sflag:s29], $0x1  }
0xc2: {  	[sflag:s29] =	ssyncadd.s32 $0xFFFFFFFF  }
0xc3: {  	_ =	strace $0x90000054  }
0xc4: {  	_ =	sfence  }
0xc5: {  	s30 =	sld [smem:$0x0];
	_ =	sdelay $0x2  }
0xc6: {  	s31 =	sshll.u32 s1, $0xD;
	s1 =	sshrl.u32 s1, $0x2  }
0xc7: {  	s4 =	sand.u32 $0x4000, s31;
	s1 =	sadd.s32 s1, s30  }
0xc8: {  	s0 =	sor.u32 s4, s0;
	s1 =	sshll.u32 s1, $0x11  }
0xc9: {  	s0 =	sor.u32 s1, s0  }
0xca: {  	s0 =	sadd.s32 $0x8F2B, s0  }
0xcb: {  	[sflag:s0] =	ssyncadd.remote.s32 $0x1  }
0xcc: {  	_ =	sfence.sel $0xFFFF  }
0xcd: {  	[dreg:$0x0] =	wrdreg $0xFFFFFFFF;
	(pc) =	sbr.abs _section_cstart, $3  }
0xce: {  	[dreg:$0x1] =	wrdreg $0xFFFFFFFF  }
0xcf: {  	_ =	task.clear_ibuf [dreg:s22], $0x2FFFF;
	_ =	strace $0x9FFFFFFF  }
0xd0: {  	(tm) =	ssettm $0x7FFFFFFF  }
0xd1: {  	_ =	shalt  }
tec
execute0_lowered:
.L_overlay_start_1:
0x0: {  	(tag) =	ssettag $0x1  }
0x1: {  	s4 =	rddreg [dreg:$0x0]  }
0x2: {  	s0 =	rddreg [dreg:$0x1]  }
0x3: {  	s1 =	srdreg.scid;
	_ =	strace $0x80000053;
	s7 =	simm.s32 $0x2  }
0x4: {  	s9 =	simm.s32 $0x3;
	p0 =	por $0x0, $0x0;
	s13 =	simm.s32 $0x0  }
0x5: {  	s10 =	simm.s32 $0x0;
	s11 =	simm.s32 $0x0;
	s5 =	sshll.u32 s1, $0x4  }
.Ltmp0:
0x6: {  	s1 =	stileid.u32;
	s5 =	sand.u32 $0x10, s5;
	(pc) =	sbr.rel .LBB2_1-.Ltmp0, $4  }
0x7: {  	vm0 =	vmmov $0xff;
	s2 =	sadd.s32 $0x100E00, s4;
	s6 =	sor.u32 s1, s5;
	s5 =	simm.s32 $0x1  }
0x8: {  	vm1 =	vcmask $0x3F20;
	v0 =	vimm.s32 $0x4;
	v1 =	vimm.s32 $0x0;
	s3 =	sadd.s32 $0x308E00, s4;
	s6 =	sshll.u32 s6, $0x8;
	[sflag:s5] =	ssyncpa.u1 $0x0  }
0x9: {  	v2 =	vimm.s32 $0x1;
	v3 =	vimm.s32 $0x2;
	v4 =	vimm.s32 $0x3;
	s4 =	sadd.s32 $0x319200, s4;
	s8 =	sadd.s32 $0x100, s6;
	[sflag:s7] =	ssyncpa.u1 $0x0  }
0xa: {  	v5 =	vimm.s32 $0x5;
	v6 =	vimm.s32 $0x6;
	v7 =	vimm.s32 $0x7;
	s12 =	smov.u32 s6;
	[sflag:s9] =	ssyncpa.u1 $0x0;
	s9 =	simm.s32 $0x0  }
.LBB2_3:
0xb: {  	s13 =	sshrl.u32 s12, $0x3  }
0xc: {  	s14 =	sand.u32 $0x7, s12;
	s13 =	sadd.s32 s3, s13  }
0xd: {  	[tilespmem:s9], [sflag:$0x1] =	stream.linear.gather [hbm4b:s13+s14], $0x100, $0x38;
	[tilespmem:$0x18300] =	vst v63  }
.LBB2_12:
0xe: {  	s14 =	sadd.s32 $0x100, s12  }
0xf: {  	s15 =	smov.u32 s6;
	p1 =	slt.s32 s14, s8  }
0x10: {  	s13 =	smov.u32 s10;
	s10 =	smov.u32 s12;
	s15 =	smov.u32 @p1 s14  }
0x11: {  	s11 =	sadd.s32 $0x1, s11;
	p0 =	por !p0, !p0;
	s12 =	smov.u32 s15  }
.LBB2_1:
0x12: {  	p1 =	sgt.s32 s11, $0x1  }
.Ltmp1:
0x13: {  	_ = 	snop;
	(pc) =	sbr.rel @p1 .LBB2_13-.Ltmp1, $1  }
0x14: {  	_ =	sdelay $0x3  }
0x15: {  	p1 =	seq.s32 s11, $0x0  }
.Ltmp2:
0x16: {  	_ = 	snop;
	(pc) =	sbr.rel @p1 .LBB2_3-.Ltmp2, $1  }
0x17: {  	_ =	sdelay $0x3  }
0x18: {  	_ =	swait.ge [sflag:s5], $0x100  }
0x19: {  	[sflag:s5] =	ssyncset.done $0x0  }
0x1a: {  	s13 =	simm.s32 $0x0;
	[sflag:s5] =	ssyncadd.s32 $0xFFFFFF00  }
0x1b: {  	v8 =	vld.msk [tilespmem:s13+$0x0 ss:$0x1], $0xffff;
	_ =	sdelay $0x4  }
0x1c: {  	vm2 =	vgt.s32 v8, $0x0  }
0x1d: {  	v8 =	vnsel vm2, $0x0, v8  }
0x1e: {  	v8 =	vmin.u32 v8, $0x1FFFF  }
0x1f: {  	v9 =	vshll.u32 v8, $0x3  }
0x20: {  	v9 =	vand.u32 $0xFFFF0, v9;
	_ =	sdelay $0x2  }
0x21: {  	v8 =	vand.u32 $0x1, v8  }
0x22: {  	s14 =	simm.s32 $0x300;
	[tilespmem:s13+$0x0] =	vst v8  }
0x23: {  	[tilespmem:s14], [sflag:$0x2] =	stream.indirect_vreg.gather [hbm:s2], $0x80, v9, vm0, $0x38;
	[tilespmem:$0x18300] =	vst v63  }
0x24: {  	s13 =	simm.s32 $0x700;
	s14 =	simm.s32 $0x10  }
0x25: {  	[tilespmem:s13], [sflag:$0x2] =	stream.indirect_vreg.gather [hbm:s2], $0x80, v9, vm1, $0x38;
	[tilespmem:$0x18300] =	vst v63  }
0x26: {  	s15 =	simm.s32 $0x80;
	v8 =	vld.msk [tilespmem:s14+$0x0 ss:$0x1], $0xffff  }
.LBB2_5:
0x27: {  	p1 =	seq.s32 s15, $0x3C0;
	_ =	sdelay $0x4  }
0x28: {  	vm2 =	vgt.s32 v8, $0x0  }
0x29: {  	v8 =	vnsel vm2, $0x0, v8  }
0x2a: {  	v8 =	vmin.u32 v8, $0x1FFFF  }
0x2b: {  	v9 =	vshll.u32 v8, $0x3  }
0x2c: {  	v9 =	vand.u32 $0xFFFF0, v9;
	_ =	sdelay $0x2  }
0x2d: {  	s13 =	sadd.s32 $0x800, s13  }
.Ltmp3:
0x2e: {  	s16 =	sadd.s32 $0xFFFFFC00, s13;
	v8 =	vand.u32 $0x1, v8;
	(pc) =	sbr.rel @!p1 .LBB2_5-.Ltmp3, $4  }
0x2f: {  	[tilespmem:s14+$0x0] =	vst v8;
	[tilespmem:s16], [sflag:$0x2] =	stream.indirect_vreg.gather [hbm:s2], $0x80, v9, vm0, $0x38  }
0x30: {  	s14 =	sshra.s32 s15, $0x2  }
0x31: {  	[tilespmem:s13], [sflag:$0x2] =	stream.indirect_vreg.gather [hbm:s2], $0x80, v9, vm1, $0x38;
	[tilespmem:$0x18300] =	vst v63  }
0x32: {  	s15 =	sadd.s32 $0x40, s15;
	v8 =	vld.msk [tilespmem:s14+$0x0 ss:$0x1], $0xffff  }
0x33: {  	_ =	sdelay $0x3  }
0x34: {  	vm2 =	vgt.s32 v8, $0x0  }
0x35: {  	v8 =	vnsel vm2, $0x0, v8  }
0x36: {  	v8 =	vmin.u32 v8, $0x1FFFF  }
0x37: {  	v9 =	vshll.u32 v8, $0x3  }
0x38: {  	v9 =	vand.u32 $0xFFFF0, v9;
	_ =	sdelay $0x2  }
.Ltmp4:
0x39: {  	s13 =	sadd.s32 $0x800, s13;
	v8 =	vand.u32 $0x1, v8;
	(pc) =	sbr.rel .LBB2_12-.Ltmp4, $4  }
0x3a: {  	s15 =	sadd.s32 $0xFFFFFC00, s13;
	[tilespmem:s14+$0x0] =	vst v8  }
0x3b: {  	[tilespmem:s15], [sflag:$0x2] =	stream.indirect_vreg.gather [hbm:s2], $0x80, v9, vm0, $0x38;
	[tilespmem:$0x18300] =	vst v63  }
0x3c: {  	_ = 	snop  }
0x3d: {  	[tilespmem:s13], [sflag:$0x2] =	stream.indirect_vreg.gather [hbm:s2], $0x80, v9, vm1, $0x38;
	[tilespmem:$0x18300] =	vst v63  }
.LBB2_13:
0x3e: {  	p1 =	seq.s32 s11, $0x2  }
.Ltmp5:
0x3f: {  	_ = 	snop;
	(pc) =	sbr.rel @!p1 .LBB2_14-.Ltmp5, $1  }
0x40: {  	_ =	sdelay $0x3  }
0x41: {  	s14 =	simm.s32 $0x1  }
0x42: {  	_ =	swait.ge [sflag:s7], $0x8000;
	s15 =	sand.u32 $0x1, s11;
	s16 =	sshll.u32 s11, $0xA  }
0x43: {  	s14 =	simm.s32 @!p0 $0x0;
	[sflag:s7] =	ssyncset.done $0x0;
	s17 =	sshll.u32 s15, $0xF  }
0x44: {  	s15 =	sshll.u32 s15, $0xE;
	s16 =	sshra.s32 s16, $0x2;
	s14 =	sshll.u32 s14, $0xE  }
0x45: {  	s17 =	sor.u32 $0x300, s17;
	s18 =	sor.u32 $0x10300, s15;
	[sflag:s7] =	ssyncadd.s32 $0xFFFF8000  }
0x46: {  	s15 =	sadd.s32 $0xFFFFFE00, s16;
	s16 =	simm.s32 $0x0;
	s14 =	sor.u32 $0x10300, s14;
	v8 =	vmov s17;
	v9 =	vmov s18  }
.LBB2_8:
0x47: {  	s17 =	sshll.u32 s16, $0x3  }
0x48: {  	s17 =	sand.u32 $0x3FFFFFF8, s17  }
0x49: {  	s17 =	sadd.s32 s17, s15  }
0x4a: {  	v10 =	vld.msk [tilespmem:s17+$0x0 ss:$0x1], $0xff  }
0x4b: {  	s21 =	sshll.u32 s16, $0xA  }
0x4c: {  	s19 =	sand.u32 $0x3FFFFC00, s21  }
0x4d: {  	v11 =	vld.idx.msk [tilespmem:v8+s19+$0x0 ss:$0x1], $0xffff  }
0x4e: {  	v12 =	vld.idx.msk [tilespmem:v8+s19+$0x80 ss:$0x1], $0xffff  }
0x4f: {  	v10 =	vshll.u32 v10, $0x4  }
0x50: {  	v13 =	vperm.xlane v10, v2  }
0x51: {  	v15 =	vperm.xlane v10, v1  }
0x52: {  	v20 =	vsub.s32 $0x10, v13  }
0x53: {  	v11 =	vshrl.u32 v11, v15;
	v12 =	vshll.u32 v12, v20  }
0x54: {  	s22 =	sshll.u32 s16, $0x9;
	v14 =	vld.idx.msk [tilespmem:v8+s19+$0x10 ss:$0x1], $0xffff;
	v11 =	vand.u32 $0xFFFF, v11;
	v12 =	vand.u32 $0xFFFF0000, v12  }
0x55: {  	v17 =	vld.idx.msk [tilespmem:v8+s19+$0x90 ss:$0x1], $0xffff;
	s17 =	sand.u32 $0x3FFFFE00, s22;
	v11 =	vor.u32 v11, v12  }
0x56: {  	v63 =	vld.idx.msk [tilespmem:v8+s19+$0x20 ss:$0x1], $0xffff;
	[tilespmem:v9+s17+$0x0 ss:$0x1] =	vst.idx.msk $0xffff, v11  }
0x57: {  	v59 =	vld.idx.msk [tilespmem:v8+s19+$0x100 ss:$0x1], $0xffff  }
0x58: {  	v60 =	vld.idx.msk [tilespmem:v8+s19+$0x180 ss:$0x1], $0xffff  }
0x59: {  	v25 =	vld.idx.msk [tilespmem:v8+s19+$0xA0 ss:$0x1], $0xffff  }
0x5a: {  	v23 =	vld.idx.msk [tilespmem:v8+s19+$0x30 ss:$0x1], $0xffff;
	v16 =	vperm.xlane v10, v4  }
0x5b: {  	v33 =	vld.idx.msk [tilespmem:v8+s19+$0x40 ss:$0x1], $0xffff;
	v11 =	vperm.xlane v10, v3  }
0x5c: {  	v38 =	vld.idx.msk [tilespmem:v8+s19+$0x50 ss:$0x1], $0xffff;
	v19 =	vsub.s32 $0x10, v16  }
0x5d: {  	v53 =	vld.idx.msk [tilespmem:v8+s19+$0x60 ss:$0x1], $0xffff;
	v61 =	vshrl.u32 v14, v15;
	v12 =	vshrl.u32 v59, v11;
	v13 =	vshll.u32 v60, v19  }
0x5e: {  	v54 =	vld.idx.msk [tilespmem:v8+s19+$0xE0 ss:$0x1], $0xffff;
	v62 =	vshll.u32 v17, v20;
	v12 =	vand.u32 $0xFFFF, v12;
	v13 =	vand.u32 $0xFFFF0000, v13  }
0x5f: {  	v56 =	vld.idx.msk [tilespmem:v8+s19+$0x70 ss:$0x1], $0xffff;
	v18 =	vand.u32 $0xFFFF, v61;
	v24 =	vand.u32 $0xFFFF0000, v62;
	v12 =	vor.u32 v12, v13  }
0x60: {  	[tilespmem:v9+s17+$0x80 ss:$0x1] =	vst.idx.msk $0xffff, v12;
	v12 =	vor.u32 v18, v24;
	v24 =	vld.idx.msk [tilespmem:v8+s19+$0xB0 ss:$0x1], $0xffff  }
0x61: {  	v21 =	vld.idx.msk [tilespmem:v8+s19+$0x200 ss:$0x1], $0xffff  }
0x62: {  	v16 =	vshrl.u32 v63, v15;
	v14 =	vshll.u32 v25, v20;
	v26 =	vld.idx.msk [tilespmem:v8+s19+$0x280 ss:$0x1], $0xffff  }
0x63: {  	v57 =	vld.idx.msk [tilespmem:v8+s19+$0xF0 ss:$0x1], $0xffff;
	v16 =	vand.u32 $0xFFFF, v16;
	v14 =	vand.u32 $0xFFFF0000, v14;
	[tilespmem:v9+s17+$0x10 ss:$0x1] =	vst.idx.msk $0xffff, v12  }
0x64: {  	v14 =	vor.u32 v16, v14;
	v18 =	vperm.xlane v10, v5;
	v12 =	vld.idx.msk [tilespmem:v8+s19+$0x110 ss:$0x1], $0xffff  }
0x65: {  	v36 =	vshrl.u32 v23, v15;
	v17 =	vperm.xlane v10, v0;
	[tilespmem:v9+s17+$0x20 ss:$0x1] =	vst.idx.msk $0xffff, v14;
	v22 =	vld.idx.msk [tilespmem:v8+s19+$0x190 ss:$0x1], $0xffff  }
0x66: {  	v46 =	vshrl.u32 v38, v15;
	v39 =	vand.u32 $0xFFFF, v36;
	v29 =	vld.idx.msk [tilespmem:v8+s19+$0x120 ss:$0x1], $0xffff;
	v18 =	vsub.s32 $0x10, v18  }
0x67: {  	s18 =	sor.u32 $0x1, s16;
	v31 =	vld.idx.msk [tilespmem:v8+s19+$0x1A0 ss:$0x1], $0xffff;
	v37 =	vshll.u32 v24, v20;
	v21 =	vshrl.u32 v21, v17;
	v13 =	vshll.u32 v26, v18  }
0x68: {  	s23 =	sshll.u32 s18, $0xA;
	v25 =	vld.idx.msk [tilespmem:v8+s19+$0xC0 ss:$0x1], $0xffff;
	v23 =	vand.u32 $0xFFFF0000, v37;
	v27 =	vand.u32 $0xFFFF, v21;
	v13 =	vand.u32 $0xFFFF0000, v13  }
0x69: {  	s21 =	sand.u32 $0x3FFFFC00, s23;
	v12 =	vshrl.u32 v12, v11;
	v23 =	vor.u32 v39, v23;
	v13 =	vor.u32 v27, v13;
	v27 =	vld.idx.msk [tilespmem:v8+s19+$0xD0 ss:$0x1], $0xffff  }
0x6a: {  	v28 =	vshll.u32 v22, v19;
	[tilespmem:v9+s17+$0x30 ss:$0x1] =	vst.idx.msk $0xffff, v23;
	v23 =	vand.u32 $0xFFFF, v46;
	v46 =	vld.idx.msk [tilespmem:v8+s21+$0x10 ss:$0x1], $0xffff  }
0x6b: {  	v16 =	vshrl.u32 v29, v11;
	v30 =	vand.u32 $0xFFFF, v12;
	v14 =	vand.u32 $0xFFFF0000, v28;
	v28 =	vld.idx.msk [tilespmem:v8+s19+$0x130 ss:$0x1], $0xffff  }
0x6c: {  	v21 =	vshll.u32 v31, v19;
	[tilespmem:v9+s17+$0x100 ss:$0x1] =	vst.idx.msk $0xffff, v13;
	v14 =	vor.u32 v30, v14;
	v43 =	vld.idx.msk [tilespmem:v8+s19+$0x1B0 ss:$0x1], $0xffff  }
0x6d: {  	v16 =	vand.u32 $0xFFFF, v16;
	v21 =	vand.u32 $0xFFFF0000, v21;
	v12 =	vld.idx.msk [tilespmem:v8+s19+$0x300 ss:$0x1], $0xffff;
	[tilespmem:v9+s17+$0x90 ss:$0x1] =	vst.idx.msk $0xffff, v14  }
0x6e: {  	v16 =	vor.u32 v16, v21;
	v14 =	vld.idx.msk [tilespmem:v8+s19+$0x210 ss:$0x1], $0xffff  }
0x6f: {  	v25 =	vshll.u32 v25, v20;
	v21 =	vshrl.u32 v33, v15;
	[tilespmem:v9+s17+$0xA0 ss:$0x1] =	vst.idx.msk $0xffff, v16;
	v32 =	vld.idx.msk [tilespmem:v8+s19+$0x290 ss:$0x1], $0xffff  }
0x70: {  	v40 =	vand.u32 $0xFFFF0000, v25;
	v21 =	vand.u32 $0xFFFF, v21;
	v35 =	vld.idx.msk [tilespmem:v8+s19+$0x220 ss:$0x1], $0xffff  }
0x71: {  	v26 =	vld.idx.msk [tilespmem:v8+s19+$0x2A0 ss:$0x1], $0xffff;
	v21 =	vor.u32 v21, v40  }
0x72: {  	s20 =	sshll.u32 s18, $0x3;
	v13 =	vld.idx.msk [tilespmem:v8+s19+$0x380 ss:$0x1], $0xffff;
	[tilespmem:v9+s17+$0x40 ss:$0x1] =	vst.idx.msk $0xffff, v21;
	v47 =	vshll.u32 v27, v20  }
0x73: {  	s20 =	sand.u32 $0x3FFFFFF8, s20;
	v45 =	vld.idx.msk [tilespmem:v8+s19+$0x140 ss:$0x1], $0xffff;
	v24 =	vand.u32 $0xFFFF0000, v47  }
0x74: {  	s20 =	sadd.s32 s20, s15;
	v48 =	vld.idx.msk [tilespmem:v8+s19+$0x1C0 ss:$0x1], $0xffff;
	v50 =	vshll.u32 v43, v19;
	v23 =	vor.u32 v23, v24  }
0x75: {  	v49 =	vshrl.u32 v28, v11;
	v43 =	vld.msk [tilespmem:s20+$0x0 ss:$0x1], $0xff;
	v24 =	vand.u32 $0xFFFF0000, v50;
	v14 =	vshrl.u32 v14, v17;
	[tilespmem:v9+s17+$0x50 ss:$0x1] =	vst.idx.msk $0xffff, v23  }
0x76: {  	v34 =	vshll.u32 v32, v18;
	v22 =	vshrl.u32 v35, v17;
	v41 =	vshll.u32 v26, v18;
	v51 =	vld.idx.msk [tilespmem:v8+s19+$0x150 ss:$0x1], $0xffff  }
0x77: {  	v23 =	vand.u32 $0xFFFF, v49;
	v22 =	vand.u32 $0xFFFF, v22;
	v42 =	vand.u32 $0xFFFF0000, v41;
	v52 =	vld.idx.msk [tilespmem:v8+s19+$0x1D0 ss:$0x1], $0xffff  }
0x78: {  	v23 =	vor.u32 v23, v24;
	v44 =	vor.u32 v22, v42;
	v22 =	vshrl.u32 v45, v11;
	v45 =	vld.idx.msk [tilespmem:v8+s21+$0x80 ss:$0x1], $0xffff  }
0x79: {  	v14 =	vand.u32 $0xFFFF, v14;
	v16 =	vand.u32 $0xFFFF0000, v34;
	v21 =	vshll.u32 v48, v19;
	[tilespmem:v9+s17+$0xB0 ss:$0x1] =	vst.idx.msk $0xffff, v23;
	v48 =	vld.idx.msk [tilespmem:v8+s21+$0x90 ss:$0x1], $0xffff  }
0x7a: {  	v14 =	vor.u32 v14, v16;
	v29 =	vld.idx.msk [tilespmem:v8+s19+$0x230 ss:$0x1], $0xffff  }
0x7b: {  	[tilespmem:v9+s17+$0x110 ss:$0x1] =	vst.idx.msk $0xffff, v14;
	v55 =	vld.idx.msk [tilespmem:v8+s19+$0x2B0 ss:$0x1], $0xffff  }
0x7c: {  	[tilespmem:v9+s17+$0x120 ss:$0x1] =	vst.idx.msk $0xffff, v44;
	v44 =	vld.idx.msk [tilespmem:v8+s21+$0x0 ss:$0x1], $0xffff  }
0x7d: {  	v16 =	vld.idx.msk [tilespmem:v8+s19+$0x310 ss:$0x1], $0xffff  }
0x7e: {  	v22 =	vand.u32 $0xFFFF, v22;
	v21 =	vand.u32 $0xFFFF0000, v21;
	v14 =	vld.idx.msk [tilespmem:v8+s19+$0x390 ss:$0x1], $0xffff  }
0x7f: {  	v24 =	vshrl.u32 v53, v15;
	v23 =	vshll.u32 v54, v20;
	v27 =	vld.idx.msk [tilespmem:v8+s19+$0x320 ss:$0x1], $0xffff;
	v21 =	vor.u32 v22, v21  }
0x80: {  	v24 =	vand.u32 $0xFFFF, v24;
	v23 =	vand.u32 $0xFFFF0000, v23;
	v26 =	vld.idx.msk [tilespmem:v8+s19+$0x3A0 ss:$0x1], $0xffff;
	[tilespmem:v9+s17+$0xC0 ss:$0x1] =	vst.idx.msk $0xffff, v21  }
0x81: {  	v15 =	vshrl.u32 v56, v15;
	v20 =	vshll.u32 v57, v20;
	v23 =	vor.u32 v24, v23;
	v21 =	vld.idx.msk [tilespmem:v8+s19+$0x240 ss:$0x1], $0xffff  }
0x82: {  	v15 =	vand.u32 $0xFFFF, v15;
	v20 =	vand.u32 $0xFFFF0000, v20;
	[tilespmem:v9+s17+$0x60 ss:$0x1] =	vst.idx.msk $0xffff, v23;
	v30 =	vld.idx.msk [tilespmem:v8+s19+$0x2C0 ss:$0x1], $0xffff  }
0x83: {  	v15 =	vor.u32 v15, v20;
	v61 =	vld.idx.msk [tilespmem:v8+s19+$0x160 ss:$0x1], $0xffff  }
0x84: {  	[tilespmem:v9+s17+$0x70 ss:$0x1] =	vst.idx.msk $0xffff, v15;
	v25 =	vshrl.u32 v51, v11;
	v28 =	vshll.u32 v52, v19;
	v63 =	vld.idx.msk [tilespmem:v8+s19+$0x1E0 ss:$0x1], $0xffff  }
0x85: {  	v39 =	vld.idx.msk [tilespmem:v8+s19+$0x170 ss:$0x1], $0xffff;
	v25 =	vand.u32 $0xFFFF, v25;
	v28 =	vand.u32 $0xFFFF0000, v28  }
0x86: {  	v42 =	vld.idx.msk [tilespmem:v8+s19+$0x1F0 ss:$0x1], $0xffff;
	v25 =	vor.u32 v25, v28;
	v29 =	vshrl.u32 v29, v17;
	v22 =	vshll.u32 v55, v18  }
0x87: {  	v51 =	vld.idx.msk [tilespmem:v8+s21+$0x20 ss:$0x1], $0xffff;
	[tilespmem:v9+s17+$0xD0 ss:$0x1] =	vst.idx.msk $0xffff, v25;
	v58 =	vand.u32 $0xFFFF, v29;
	v22 =	vand.u32 $0xFFFF0000, v22  }
0x88: {  	v31 =	vld.idx.msk [tilespmem:v8+s19+$0x250 ss:$0x1], $0xffff;
	v22 =	vor.u32 v58, v22;
	v21 =	vshrl.u32 v21, v17;
	v60 =	vshll.u32 v30, v18  }
0x89: {  	v59 =	vld.idx.msk [tilespmem:v8+s19+$0x2D0 ss:$0x1], $0xffff;
	[tilespmem:v9+s17+$0x130 ss:$0x1] =	vst.idx.msk $0xffff, v22;
	v21 =	vand.u32 $0xFFFF, v21;
	v62 =	vand.u32 $0xFFFF0000, v60  }
0x8a: {  	v37 =	vshrl.u32 v61, v11;
	v38 =	vshll.u32 v63, v19;
	v33 =	vld.idx.msk [tilespmem:v8+s19+$0x330 ss:$0x1], $0xffff;
	v21 =	vor.u32 v21, v62  }
0x8b: {  	v32 =	vld.idx.msk [tilespmem:v8+s19+$0x3B0 ss:$0x1], $0xffff;
	v40 =	vand.u32 $0xFFFF, v37;
	v41 =	vand.u32 $0xFFFF0000, v38;
	[tilespmem:v9+s17+$0x140 ss:$0x1] =	vst.idx.msk $0xffff, v21  }
0x8c: {  	v11 =	vshrl.u32 v39, v11;
	v19 =	vshll.u32 v42, v19;
	v20 =	vor.u32 v40, v41;
	v30 =	vld.idx.msk [tilespmem:v8+s19+$0x340 ss:$0x1], $0xffff  }
0x8d: {  	v23 =	vand.u32 $0xFFFF, v11;
	v19 =	vand.u32 $0xFFFF0000, v19;
	v11 =	vshll.u32 v43, $0x4;
	[tilespmem:v9+s17+$0xE0 ss:$0x1] =	vst.idx.msk $0xffff, v20;
	v28 =	vld.idx.msk [tilespmem:v8+s19+$0x3C0 ss:$0x1], $0xffff  }
0x8e: {  	v19 =	vor.u32 v23, v19;
	v47 =	vperm.xlane v11, v2;
	v39 =	vperm.xlane v11, v1;
	v20 =	vld.idx.msk [tilespmem:v8+s19+$0x260 ss:$0x1], $0xffff  }
0x8f: {  	[tilespmem:v9+s17+$0xF0 ss:$0x1] =	vst.idx.msk $0xffff, v19;
	v25 =	vshrl.u32 v31, v17;
	v35 =	vshll.u32 v59, v18;
	v49 =	vld.idx.msk [tilespmem:v8+s19+$0x2E0 ss:$0x1], $0xffff  }
0x90: {  	v19 =	vld.idx.msk [tilespmem:v8+s19+$0x270 ss:$0x1], $0xffff;
	v40 =	vsub.s32 $0x10, v47;
	v34 =	vand.u32 $0xFFFF, v25;
	v36 =	vand.u32 $0xFFFF0000, v35  }
0x91: {  	v50 =	vshrl.u32 v44, v39;
	v54 =	vld.idx.msk [tilespmem:v8+s19+$0x2F0 ss:$0x1], $0xffff;
	v22 =	vshll.u32 v45, v40;
	v15 =	vor.u32 v34, v36  }
0x92: {  	s18 =	sshll.u32 s18, $0x9;
	v23 =	vand.u32 $0xFFFF, v50;
	v22 =	vand.u32 $0xFFFF0000, v22;
	v34 =	vld.idx.msk [tilespmem:v8+s21+$0xA0 ss:$0x1], $0xffff;
	[tilespmem:v9+s17+$0x150 ss:$0x1] =	vst.idx.msk $0xffff, v15  }
0x93: {  	s18 =	sand.u32 $0x3FFFFE00, s18;
	v21 =	vshrl.u32 v46, v39;
	v52 =	vshll.u32 v48, v40;
	v22 =	vor.u32 v23, v22;
	v15 =	vld.idx.msk [tilespmem:v8+s19+$0x350 ss:$0x1], $0xffff  }
0x94: {  	v21 =	vand.u32 $0xFFFF, v21;
	v55 =	vand.u32 $0xFFFF0000, v52;
	v25 =	vld.idx.msk [tilespmem:v8+s19+$0x3D0 ss:$0x1], $0xffff;
	[tilespmem:v9+s18+$0x0 ss:$0x1] =	vst.idx.msk $0xffff, v22  }
0x95: {  	v21 =	vor.u32 v21, v55;
	v57 =	vld.idx.msk [tilespmem:v8+s21+$0x100 ss:$0x1], $0xffff  }
0x96: {  	[tilespmem:v9+s18+$0x10 ss:$0x1] =	vst.idx.msk $0xffff, v21;
	v58 =	vld.idx.msk [tilespmem:v8+s21+$0x180 ss:$0x1], $0xffff  }
0x97: {  	v35 =	vld.idx.msk [tilespmem:v8+s21+$0x110 ss:$0x1], $0xffff  }
0x98: {  	v62 =	vperm.xlane v11, v4;
	v20 =	vshrl.u32 v20, v17;
	v53 =	vshll.u32 v49, v18;
	v63 =	vld.idx.msk [tilespmem:v8+s21+$0x190 ss:$0x1], $0xffff  }
0x99: {  	v18 =	vshll.u32 v54, v18;
	v54 =	vld.idx.msk [tilespmem:v8+s21+$0xB0 ss:$0x1], $0xffff;
	v20 =	vand.u32 $0xFFFF, v20;
	v56 =	vand.u32 $0xFFFF0000, v53  }
0x9a: {  	v60 =	vshrl.u32 v51, v39;
	v59 =	vshrl.u32 v19, v17;
	v53 =	vld.idx.msk [tilespmem:v8+s21+$0x30 ss:$0x1], $0xffff;
	v20 =	vor.u32 v20, v56  }
0x9b: {  	v21 =	vand.u32 $0xFFFF, v59;
	v18 =	vand.u32 $0xFFFF0000, v18;
	v61 =	vshll.u32 v34, v40;
	v56 =	vld.idx.msk [tilespmem:v8+s21+$0x40 ss:$0x1], $0xffff;
	[tilespmem:v9+s17+$0x160 ss:$0x1] =	vst.idx.msk $0xffff, v20  }
0x9c: {  	v34 =	vand.u32 $0xFFFF, v60;
	v18 =	vor.u32 v21, v18;
	v19 =	vand.u32 $0xFFFF0000, v61;
	v17 =	vld.idx.msk [tilespmem:v8+s19+$0x360 ss:$0x1], $0xffff  }
0x9d: {  	v37 =	vperm.xlane v11, v3;
	[tilespmem:v9+s17+$0x170 ss:$0x1] =	vst.idx.msk $0xffff, v18;
	v23 =	vor.u32 v34, v19;
	v19 =	vld.idx.msk [tilespmem:v8+s19+$0x3E0 ss:$0x1], $0xffff  }
0x9e: {  	v38 =	vsub.s32 $0x10, v62;
	v24 =	vld.idx.msk [tilespmem:v8+s19+$0x3F0 ss:$0x1], $0xffff  }
0x9f: {  	[tilespmem:v9+s18+$0x20 ss:$0x1] =	vst.idx.msk $0xffff, v23;
	v36 =	vshrl.u32 v57, v37;
	v41 =	vshll.u32 v58, v38;
	v23 =	vld.idx.msk [tilespmem:v8+s19+$0x370 ss:$0x1], $0xffff  }
0xa0: {  	v42 =	vld.idx.msk [tilespmem:v8+s21+$0x120 ss:$0x1], $0xffff;
	v43 =	vand.u32 $0xFFFF, v36;
	v44 =	vand.u32 $0xFFFF0000, v41  }
0xa1: {  	v46 =	vshrl.u32 v35, v37;
	v47 =	vshll.u32 v63, v38;
	v45 =	vld.idx.msk [tilespmem:v8+s21+$0x1A0 ss:$0x1], $0xffff;
	v18 =	vor.u32 v43, v44  }
0xa2: {  	v48 =	vand.u32 $0xFFFF, v46;
	v49 =	vand.u32 $0xFFFF0000, v47;
	v43 =	vld.idx.msk [tilespmem:v8+s21+$0xC0 ss:$0x1], $0xffff;
	[tilespmem:v9+s18+$0x80 ss:$0x1] =	vst.idx.msk $0xffff, v18  }
0xa3: {  	v18 =	vor.u32 v48, v49;
	v50 =	vld.idx.msk [tilespmem:v8+s21+$0x200 ss:$0x1], $0xffff  }
0xa4: {  	v52 =	vperm.xlane v11, v5;
	v51 =	vld.idx.msk [tilespmem:v8+s21+$0x280 ss:$0x1], $0xffff;
	[tilespmem:v9+s18+$0x90 ss:$0x1] =	vst.idx.msk $0xffff, v18  }
0xa5: {  	v34 =	vperm.xlane v11, v0;
	v18 =	vld.idx.msk [tilespmem:v8+s21+$0x210 ss:$0x1], $0xffff  }
0xa6: {  	v35 =	vsub.s32 $0x10, v52;
	v63 =	vperm.xlane v10, v7;
	v10 =	vperm.xlane v10, v6;
	v36 =	vld.idx.msk [tilespmem:v8+s21+$0x290 ss:$0x1], $0xffff  }
0xa7: {  	v58 =	vshrl.u32 v53, v39;
	v47 =	vld.idx.msk [tilespmem:v8+s21+$0x70 ss:$0x1], $0xffff;
	v22 =	vshrl.u32 v42, v37;
	v21 =	vshll.u32 v45, v38  }
0xa8: {  	v59 =	vand.u32 $0xFFFF, v58;
	v58 =	vld.idx.msk [tilespmem:v8+s21+$0x60 ss:$0x1], $0xffff;
	v22 =	vand.u32 $0xFFFF, v22;
	v21 =	vand.u32 $0xFFFF0000, v21  }
0xa9: {  	v45 =	vld.idx.msk [tilespmem:v8+s21+$0xD0 ss:$0x1], $0xffff;
	v21 =	vor.u32 v22, v21;
	v29 =	vshrl.u32 v50, v34;
	v20 =	vshll.u32 v51, v35  }
0xaa: {  	[tilespmem:v9+s18+$0xA0 ss:$0x1] =	vst.idx.msk $0xffff, v21;
	v50 =	vshrl.u32 v56, v39;
	v51 =	vshll.u32 v43, v40;
	v29 =	vand.u32 $0xFFFF, v29  }
0xab: {  	v41 =	vld.idx.msk [tilespmem:v8+s21+$0x220 ss:$0x1], $0xffff;
	v20 =	vand.u32 $0xFFFF0000, v20;
	v18 =	vshrl.u32 v18, v34;
	v55 =	vshll.u32 v36, v35  }
0xac: {  	v42 =	vld.idx.msk [tilespmem:v8+s21+$0x2A0 ss:$0x1], $0xffff;
	v20 =	vor.u32 v29, v20;
	v18 =	vand.u32 $0xFFFF, v18;
	v57 =	vand.u32 $0xFFFF0000, v55  }
0xad: {  	v53 =	vand.u32 $0xFFFF, v50;
	v44 =	vand.u32 $0xFFFF0000, v51;
	[tilespmem:v9+s18+$0x100 ss:$0x1] =	vst.idx.msk $0xffff, v20;
	v18 =	vor.u32 v18, v57;
	v57 =	vld.idx.msk [tilespmem:v8+s21+$0x50 ss:$0x1], $0xffff  }
0xae: {  	s24 =	sor.u32 $0x2, s16;
	v12 =	vshrl.u32 v12, v10;
	v21 =	vshll.u32 v54, v40;
	v54 =	vor.u32 v53, v44;
	v31 =	vld.idx.msk [tilespmem:v8+s21+$0x300 ss:$0x1], $0xffff  }
0xaf: {  	s25 =	sshll.u32 s24, $0x3;
	v27 =	vshrl.u32 v27, v10;
	v36 =	vsub.s32 $0x10, v63;
	[tilespmem:v9+s18+$0x40 ss:$0x1] =	vst.idx.msk $0xffff, v54;
	v29 =	vld.idx.msk [tilespmem:v8+s21+$0x380 ss:$0x1], $0xffff  }
0xb0: {  	s20 =	sand.u32 $0x3FFFFFF8, s25;
	v60 =	vand.u32 $0xFFFF0000, v21;
	v13 =	vshll.u32 v13, v36;
	v55 =	vshrl.u32 v16, v10;
	v56 =	vld.idx.msk [tilespmem:v8+s21+$0x1C0 ss:$0x1], $0xffff  }
0xb1: {  	s20 =	sadd.s32 s20, s15;
	v12 =	vand.u32 $0xFFFF, v12;
	v13 =	vand.u32 $0xFFFF0000, v13;
	[tilespmem:v9+s18+$0x110 ss:$0x1] =	vst.idx.msk $0xffff, v18;
	v18 =	vor.u32 v59, v60;
	v60 =	vld.idx.msk [tilespmem:v8+s21+$0xE0 ss:$0x1], $0xffff  }
0xb2: {  	v33 =	vshrl.u32 v33, v10;
	v12 =	vor.u32 v12, v13;
	v13 =	vand.u32 $0xFFFF, v55;
	v55 =	vld.msk [tilespmem:s20+$0x0 ss:$0x1], $0xff  }
0xb3: {  	v30 =	vshrl.u32 v30, v10;
	v15 =	vshrl.u32 v15, v10;
	v22 =	vld.idx.msk [tilespmem:v8+s21+$0x310 ss:$0x1], $0xffff;
	[tilespmem:v9+s18+$0x30 ss:$0x1] =	vst.idx.msk $0xffff, v18  }
0xb4: {  	v33 =	vand.u32 $0xFFFF, v33;
	v30 =	vand.u32 $0xFFFF, v30;
	v17 =	vshrl.u32 v17, v10;
	v49 =	vld.idx.msk [tilespmem:v8+s21+$0x130 ss:$0x1], $0xffff  }
0xb5: {  	v14 =	vshll.u32 v14, v36;
	v26 =	vshll.u32 v26, v36;
	v45 =	vshll.u32 v45, v40;
	v52 =	vld.idx.msk [tilespmem:v8+s21+$0x1B0 ss:$0x1], $0xffff  }
0xb6: {  	s26 =	sshll.u32 s24, $0xA;
	v14 =	vand.u32 $0xFFFF0000, v14;
	v20 =	vld.idx.msk [tilespmem:v8+s21+$0x390 ss:$0x1], $0xffff;
	v61 =	vshrl.u32 v41, v34;
	v62 =	vshll.u32 v42, v35  }
0xb7: {  	s20 =	sand.u32 $0x3FFFFC00, s26;
	v46 =	vor.u32 v13, v14;
	v42 =	vld.idx.msk [tilespmem:v8+s21+$0x140 ss:$0x1], $0xffff;
	v21 =	vand.u32 $0xFFFF, v61;
	v41 =	vand.u32 $0xFFFF0000, v62  }
0xb8: {  	[tilespmem:v9+s17+$0x190 ss:$0x1] =	vst.idx.msk $0xffff, v46;
	v46 =	vld.idx.msk [tilespmem:v8+s20+$0xD0 ss:$0x1], $0xffff;
	v48 =	vor.u32 v21, v41;
	v44 =	vshrl.u32 v57, v39  }
0xb9: {  	v32 =	vshll.u32 v32, v36;
	v45 =	vand.u32 $0xFFFF0000, v45;
	[tilespmem:v9+s18+$0x120 ss:$0x1] =	vst.idx.msk $0xffff, v48;
	v44 =	vand.u32 $0xFFFF, v44;
	v48 =	vld.idx.msk [tilespmem:v8+s21+$0xF0 ss:$0x1], $0xffff  }
0xba: {  	v21 =	vld.idx.msk [tilespmem:v8+s21+$0x320 ss:$0x1], $0xffff;
	v13 =	vor.u32 v44, v45;
	v41 =	vshrl.u32 v49, v37;
	v43 =	vshll.u32 v52, v38  }
0xbb: {  	v26 =	vand.u32 $0xFFFF0000, v26;
	v18 =	vld.idx.msk [tilespmem:v8+s21+$0x3A0 ss:$0x1], $0xffff;
	[tilespmem:v9+s18+$0x50 ss:$0x1] =	vst.idx.msk $0xffff, v13;
	v41 =	vand.u32 $0xFFFF, v41;
	v43 =	vand.u32 $0xFFFF0000, v43  }
0xbc: {  	v16 =	vshll.u32 v56, v38;
	v62 =	vshrl.u32 v42, v37;
	v51 =	vld.idx.msk [tilespmem:v8+s21+$0x150 ss:$0x1], $0xffff;
	v41 =	vor.u32 v41, v43  }
0xbd: {  	v59 =	vand.u32 $0xFFFF, v27;
	v16 =	vand.u32 $0xFFFF0000, v16;
	v52 =	vld.idx.msk [tilespmem:v8+s21+$0x1D0 ss:$0x1], $0xffff;
	[tilespmem:v9+s18+$0xB0 ss:$0x1] =	vst.idx.msk $0xffff, v41;
	v41 =	vand.u32 $0xFFFF, v62  }
0xbe: {  	v14 =	vshll.u32 v60, v40;
	v43 =	vshrl.u32 v58, v39;
	v61 =	vld.idx.msk [tilespmem:v8+s21+$0x230 ss:$0x1], $0xffff;
	v16 =	vor.u32 v41, v16  }
0xbf: {  	v14 =	vand.u32 $0xFFFF0000, v14;
	v39 =	vshrl.u32 v47, v39;
	v43 =	vand.u32 $0xFFFF, v43;
	v63 =	vld.idx.msk [tilespmem:v8+s21+$0x2B0 ss:$0x1], $0xffff;
	[tilespmem:v9+s18+$0xC0 ss:$0x1] =	vst.idx.msk $0xffff, v16  }
0xc0: {  	v41 =	vor.u32 v59, v26;
	v14 =	vor.u32 v43, v14;
	v26 =	vshll.u32 v48, v40;
	v49 =	vld.idx.msk [tilespmem:v8+s21+$0x240 ss:$0x1], $0xffff  }
0xc1: {  	v28 =	vshll.u32 v28, v36;
	v39 =	vand.u32 $0xFFFF, v39;
	[tilespmem:v9+s18+$0x60 ss:$0x1] =	vst.idx.msk $0xffff, v14;
	v40 =	vand.u32 $0xFFFF0000, v26;
	v50 =	vld.idx.msk [tilespmem:v8+s21+$0x2C0 ss:$0x1], $0xffff  }
0xc2: {  	v25 =	vshll.u32 v25, v36;
	v19 =	vshll.u32 v19, v36;
	v53 =	vld.idx.msk [tilespmem:v8+s21+$0x160 ss:$0x1], $0xffff;
	v40 =	vor.u32 v39, v40  }
0xc3: {  	v10 =	vshrl.u32 v23, v10;
	v32 =	vand.u32 $0xFFFF0000, v32;
	v28 =	vand.u32 $0xFFFF0000, v28;
	v54 =	vld.idx.msk [tilespmem:v8+s21+$0x1E0 ss:$0x1], $0xffff;
	[tilespmem:v9+s18+$0x70 ss:$0x1] =	vst.idx.msk $0xffff, v40  }
0xc4: {  	v57 =	vshrl.u32 v51, v37;
	v58 =	vld.idx.msk [tilespmem:v8+s21+$0x1F0 ss:$0x1], $0xffff;
	v27 =	vshrl.u32 v61, v34;
	v42 =	vshll.u32 v63, v35  }
0xc5: {  	v14 =	vshll.u32 v52, v38;
	v40 =	vld.idx.msk [tilespmem:v8+s21+$0x170 ss:$0x1], $0xffff;
	v27 =	vand.u32 $0xFFFF, v27;
	v42 =	vand.u32 $0xFFFF0000, v42  }
0xc6: {  	v59 =	vld.idx.msk [tilespmem:v8+s20+$0x0 ss:$0x1], $0xffff;
	v14 =	vand.u32 $0xFFFF0000, v14;
	v27 =	vor.u32 v27, v42;
	v16 =	vshrl.u32 v49, v34  }
0xc7: {  	v63 =	vld.idx.msk [tilespmem:v8+s20+$0x80 ss:$0x1], $0xffff;
	v13 =	vshll.u32 v50, v35;
	v42 =	vshrl.u32 v53, v37;
	[tilespmem:v9+s18+$0x130 ss:$0x1] =	vst.idx.msk $0xffff, v27  }
0xc8: {  	v56 =	vand.u32 $0xFFFF, v16;
	v16 =	vand.u32 $0xFFFF, v57;
	v27 =	vshll.u32 v54, v38;
	v26 =	vld.idx.msk [tilespmem:v8+s21+$0x330 ss:$0x1], $0xffff  }
0xc9: {  	v60 =	vor.u32 v16, v14;
	v62 =	vand.u32 $0xFFFF0000, v27;
	v27 =	vld.idx.msk [tilespmem:v8+s21+$0x3B0 ss:$0x1], $0xffff;
	v53 =	vshll.u32 v58, v38  }
0xca: {  	v13 =	vand.u32 $0xFFFF0000, v13;
	v52 =	vshrl.u32 v40, v37;
	[tilespmem:v9+s18+$0xD0 ss:$0x1] =	vst.idx.msk $0xffff, v60;
	v37 =	vand.u32 $0xFFFF0000, v53;
	v53 =	vld.idx.msk [tilespmem:v8+s20+$0x10 ss:$0x1], $0xffff  }
0xcb: {  	v39 =	vor.u32 v33, v32;
	v61 =	vand.u32 $0xFFFF, v42;
	v48 =	vor.u32 v56, v13;
	v49 =	vld.idx.msk [tilespmem:v8+s21+$0x250 ss:$0x1], $0xffff  }
0xcc: {  	v16 =	vshll.u32 v55, $0x4;
	v47 =	vor.u32 v61, v62;
	[tilespmem:v9+s18+$0x140 ss:$0x1] =	vst.idx.msk $0xffff, v48;
	v33 =	vand.u32 $0xFFFF, v52;
	v51 =	vld.idx.msk [tilespmem:v8+s21+$0x2D0 ss:$0x1], $0xffff  }
0xcd: {  	v50 =	vperm.xlane v16, v2;
	[tilespmem:v9+s18+$0xE0 ss:$0x1] =	vst.idx.msk $0xffff, v47;
	v37 =	vor.u32 v33, v37;
	v33 =	vld.idx.msk [tilespmem:v8+s21+$0x340 ss:$0x1], $0xffff  }
0xce: {  	v25 =	vand.u32 $0xFFFF0000, v25;
	v19 =	vand.u32 $0xFFFF0000, v19;
	v13 =	vperm.xlane v16, v1;
	v54 =	vld.idx.msk [tilespmem:v8+s21+$0x260 ss:$0x1], $0xffff  }
0xcf: {  	v10 =	vand.u32 $0xFFFF, v10;
	v61 =	vand.u32 $0xFFFF, v15;
	v14 =	vsub.s32 $0x10, v50;
	v55 =	vld.idx.msk [tilespmem:v8+s21+$0x2E0 ss:$0x1], $0xffff;
	[tilespmem:v9+s18+$0xF0 ss:$0x1] =	vst.idx.msk $0xffff, v37  }
0xd0: {  	v40 =	vor.u32 v61, v25;
	v56 =	vshrl.u32 v59, v13;
	v42 =	vshll.u32 v63, v14;
	v59 =	vld.idx.msk [tilespmem:v8+s21+$0x270 ss:$0x1], $0xffff  }
0xd1: {  	s19 =	sshll.u32 s24, $0x9;
	v57 =	vand.u32 $0xFFFF, v56;
	v63 =	vld.idx.msk [tilespmem:v8+s21+$0x2F0 ss:$0x1], $0xffff;
	v58 =	vand.u32 $0xFFFF0000, v42;
	v42 =	vor.u32 v30, v28  }
0xd2: {  	s19 =	sand.u32 $0x3FFFFE00, s19;
	v56 =	vld.idx.msk [tilespmem:v8+s20+$0x90 ss:$0x1], $0xffff;
	v60 =	vor.u32 v57, v58;
	[tilespmem:v9+s17+$0x1C0 ss:$0x1] =	vst.idx.msk $0xffff, v42;
	v42 =	vshll.u32 v46, v14  }
0xd3: {  	v62 =	vshrl.u32 v49, v34;
	[tilespmem:v9+s19+$0x0 ss:$0x1] =	vst.idx.msk $0xffff, v60;
	v48 =	vshll.u32 v51, v35;
	v42 =	vand.u32 $0xFFFF0000, v42  }
0xd4: {  	[tilespmem:v9+s17+$0x180 ss:$0x1] =	vst.idx.msk $0xffff, v12;
	v15 =	vand.u32 $0xFFFF, v62;
	v49 =	vld.idx.msk [tilespmem:v8+s20+$0x100 ss:$0x1], $0xffff;
	v30 =	vand.u32 $0xFFFF0000, v48;
	v50 =	vshrl.u32 v54, v34  }
0xd5: {  	v12 =	vshll.u32 v55, v35;
	v51 =	vld.idx.msk [tilespmem:v8+s20+$0x180 ss:$0x1], $0xffff;
	v55 =	vperm.xlane v16, v4;
	v48 =	vand.u32 $0xFFFF, v17  }
0xd6: {  	v37 =	vld.idx.msk [tilespmem:v8+s21+$0x3C0 ss:$0x1], $0xffff;
	v17 =	vperm.xlane v11, v6;
	v15 =	vor.u32 v15, v30;
	v52 =	vand.u32 $0xFFFF, v50  }
0xd7: {  	v12 =	vand.u32 $0xFFFF0000, v12;
	v28 =	vshrl.u32 v59, v34;
	v32 =	vshll.u32 v63, v35;
	[tilespmem:v9+s18+$0x150 ss:$0x1] =	vst.idx.msk $0xffff, v15  }
0xd8: {  	v54 =	vor.u32 v52, v12;
	v12 =	vperm.xlane v16, v3;
	v15 =	vsub.s32 $0x10, v55;
	v55 =	vld.idx.msk [tilespmem:v8+s20+$0xA0 ss:$0x1], $0xffff  }
0xd9: {  	v59 =	vshrl.u32 v53, v13;
	v60 =	vshll.u32 v56, v14;
	v28 =	vand.u32 $0xFFFF, v28;
	v34 =	vld.idx.msk [tilespmem:v8+s21+$0x350 ss:$0x1], $0xffff  }
0xda: {  	v35 =	vand.u32 $0xFFFF0000, v32;
	v32 =	vld.idx.msk [tilespmem:v8+s21+$0x3D0 ss:$0x1], $0xffff;
	v58 =	vshrl.u32 v49, v12;
	v38 =	vshll.u32 v51, v15  }
0xdb: {  	[tilespmem:v9+s18+$0x160 ss:$0x1] =	vst.idx.msk $0xffff, v54;
	v57 =	vor.u32 v28, v35;
	v54 =	vld.idx.msk [tilespmem:v8+s20+$0x20 ss:$0x1], $0xffff;
	v35 =	vand.u32 $0xFFFF, v58;
	v38 =	vand.u32 $0xFFFF0000, v38  }
0xdc: {  	v61 =	vand.u32 $0xFFFF, v59;
	v62 =	vand.u32 $0xFFFF0000, v60;
	v58 =	vld.idx.msk [tilespmem:v8+s20+$0x30 ss:$0x1], $0xffff;
	v35 =	vor.u32 v35, v38  }
0xdd: {  	v50 =	vshll.u32 v24, v36;
	[tilespmem:v9+s19+$0x80 ss:$0x1] =	vst.idx.msk $0xffff, v35;
	v35 =	vor.u32 v61, v62;
	v61 =	vld.idx.msk [tilespmem:v8+s20+$0xB0 ss:$0x1], $0xffff  }
0xde: {  	v11 =	vperm.xlane v11, v7;
	v19 =	vor.u32 v48, v19;
	v23 =	vand.u32 $0xFFFF0000, v50;
	v62 =	vld.idx.msk [tilespmem:v8+s20+$0x40 ss:$0x1], $0xffff  }
0xdf: {  	v52 =	vperm.xlane v16, v5;
	v31 =	vshrl.u32 v31, v17;
	v22 =	vshrl.u32 v22, v17;
	v63 =	vld.idx.msk [tilespmem:v8+s20+$0x200 ss:$0x1], $0xffff  }
0xe0: {  	v21 =	vshrl.u32 v21, v17;
	v26 =	vshrl.u32 v26, v17;
	v49 =	vld.idx.msk [tilespmem:v8+s20+$0x280 ss:$0x1], $0xffff;
	[tilespmem:v9+s19+$0x10 ss:$0x1] =	vst.idx.msk $0xffff, v35  }
0xe1: {  	[tilespmem:v9+s17+$0x1A0 ss:$0x1] =	vst.idx.msk $0xffff, v41;
	v31 =	vand.u32 $0xFFFF, v31;
	v22 =	vand.u32 $0xFFFF, v22;
	v38 =	vor.u32 v10, v23;
	v51 =	vld.idx.msk [tilespmem:v8+s20+$0x110 ss:$0x1], $0xffff  }
0xe2: {  	[tilespmem:v9+s18+$0x170 ss:$0x1] =	vst.idx.msk $0xffff, v57;
	v10 =	vperm.xlane v16, v0;
	v23 =	vsub.s32 $0x10, v11;
	v11 =	vsub.s32 $0x10, v52;
	v53 =	vld.idx.msk [tilespmem:v8+s20+$0x190 ss:$0x1], $0xffff  }
0xe3: {  	v28 =	vld.idx.msk [tilespmem:v8+s21+$0x360 ss:$0x1], $0xffff;
	v29 =	vshll.u32 v29, v23;
	v50 =	vshrl.u32 v54, v13;
	v44 =	vshrl.u32 v58, v13  }
0xe4: {  	v30 =	vld.idx.msk [tilespmem:v8+s21+$0x3E0 ss:$0x1], $0xffff;
	v44 =	vand.u32 $0xFFFF, v44;
	v43 =	vshll.u32 v61, v14;
	v41 =	vshrl.u32 v62, v13  }
0xe5: {  	v25 =	vld.idx.msk [tilespmem:v8+s21+$0x370 ss:$0x1], $0xffff;
	v56 =	vshrl.u32 v63, v10;
	v57 =	vshll.u32 v49, v11;
	v63 =	vand.u32 $0xFFFF0000, v29  }
0xe6: {  	[tilespmem:v9+s17+$0x1B0 ss:$0x1] =	vst.idx.msk $0xffff, v39;
	v62 =	vld.idx.msk [tilespmem:v8+s20+$0x50 ss:$0x1], $0xffff;
	v43 =	vand.u32 $0xFFFF0000, v43;
	v59 =	vand.u32 $0xFFFF, v56;
	v60 =	vand.u32 $0xFFFF0000, v57  }
0xe7: {  	v49 =	vld.idx.msk [tilespmem:v8+s20+$0xC0 ss:$0x1], $0xffff;
	v24 =	vshrl.u32 v51, v12;
	v36 =	vshll.u32 v53, v15;
	v43 =	vor.u32 v44, v43  }
0xe8: {  	v29 =	vld.idx.msk [tilespmem:v8+s21+$0x3F0 ss:$0x1], $0xffff;
	v39 =	vor.u32 v59, v60;
	v24 =	vand.u32 $0xFFFF, v24;
	v48 =	vand.u32 $0xFFFF0000, v36;
	[tilespmem:v9+s19+$0x30 ss:$0x1] =	vst.idx.msk $0xffff, v43  }
0xe9: {  	v35 =	vshll.u32 v55, v14;
	[tilespmem:v9+s19+$0x100 ss:$0x1] =	vst.idx.msk $0xffff, v39;
	v24 =	vor.u32 v24, v48;
	v55 =	vld.idx.msk [tilespmem:v8+s20+$0x130 ss:$0x1], $0xffff  }
0xea: {  	v21 =	vand.u32 $0xFFFF, v21;
	v35 =	vand.u32 $0xFFFF0000, v35;
	v39 =	vand.u32 $0xFFFF, v50;
	v56 =	vld.idx.msk [tilespmem:v8+s20+$0x1B0 ss:$0x1], $0xffff;
	[tilespmem:v9+s19+$0x90 ss:$0x1] =	vst.idx.msk $0xffff, v24  }
0xeb: {  	v20 =	vshll.u32 v20, v23;
	v18 =	vshll.u32 v18, v23;
	v35 =	vor.u32 v39, v35;
	v51 =	vld.idx.msk [tilespmem:v8+s20+$0x210 ss:$0x1], $0xffff  }
0xec: {  	v27 =	vshll.u32 v27, v23;
	v20 =	vand.u32 $0xFFFF0000, v20;
	v18 =	vand.u32 $0xFFFF0000, v18;
	[tilespmem:v9+s19+$0x20 ss:$0x1] =	vst.idx.msk $0xffff, v35;
	v52 =	vld.idx.msk [tilespmem:v8+s20+$0x290 ss:$0x1], $0xffff  }
0xed: {  	v20 =	vor.u32 v22, v20;
	v18 =	vor.u32 v21, v18;
	v36 =	vshll.u32 v49, v14;
	v53 =	vld.idx.msk [tilespmem:v8+s20+$0x120 ss:$0x1], $0xffff  }
0xee: {  	v41 =	vand.u32 $0xFFFF, v41;
	v31 =	vor.u32 v31, v63;
	v54 =	vld.idx.msk [tilespmem:v8+s20+$0x1A0 ss:$0x1], $0xffff;
	v36 =	vand.u32 $0xFFFF0000, v36  }
0xef: {  	v44 =	vld.idx.msk [tilespmem:v8+s20+$0xE0 ss:$0x1], $0xffff;
	v36 =	vor.u32 v41, v36;
	v41 =	vshrl.u32 v55, v12;
	v22 =	vshll.u32 v56, v15  }
0xf0: {  	v24 =	vld.idx.msk [tilespmem:v8+s20+$0x300 ss:$0x1], $0xffff;
	[tilespmem:v9+s19+$0x40 ss:$0x1] =	vst.idx.msk $0xffff, v36;
	v47 =	vand.u32 $0xFFFF, v41;
	v22 =	vand.u32 $0xFFFF0000, v22;
	v57 =	vshrl.u32 v51, v10  }
0xf1: {  	v58 =	vld.idx.msk [tilespmem:v8+s20+$0x140 ss:$0x1], $0xffff;
	v35 =	vshll.u32 v52, v11;
	v21 =	vor.u32 v47, v22;
	v51 =	vshrl.u32 v62, v13  }
0xf2: {  	v59 =	vld.idx.msk [tilespmem:v8+s20+$0x1C0 ss:$0x1], $0xffff;
	v36 =	vand.u32 $0xFFFF, v57;
	v35 =	vand.u32 $0xFFFF0000, v35;
	v60 =	vshrl.u32 v53, v12  }
0xf3: {  	v61 =	vshll.u32 v54, v15;
	[tilespmem:v9+s19+$0xB0 ss:$0x1] =	vst.idx.msk $0xffff, v21;
	v35 =	vor.u32 v36, v35;
	v36 =	vld.idx.msk [tilespmem:v8+s20+$0x380 ss:$0x1], $0xffff  }
0xf4: {  	v41 =	vand.u32 $0xFFFF, v51;
	v53 =	vand.u32 $0xFFFF, v26;
	v54 =	vand.u32 $0xFFFF0000, v27;
	v50 =	vld.idx.msk [tilespmem:v8+s20+$0x230 ss:$0x1], $0xffff  }
0xf5: {  	[tilespmem:v9+s17+$0x1D0 ss:$0x1] =	vst.idx.msk $0xffff, v40;
	v63 =	vand.u32 $0xFFFF, v60;
	v45 =	vand.u32 $0xFFFF0000, v61;
	v52 =	vld.idx.msk [tilespmem:v8+s20+$0x2B0 ss:$0x1], $0xffff;
	v55 =	vor.u32 v41, v42  }
0xf6: {  	v42 =	vor.u32 v53, v54;
	v53 =	vshll.u32 v44, v14;
	v44 =	vld.idx.msk [tilespmem:v8+s20+$0x70 ss:$0x1], $0xffff;
	[tilespmem:v9+s19+$0x110 ss:$0x1] =	vst.idx.msk $0xffff, v35  }
0xf7: {  	v34 =	vshrl.u32 v34, v17;
	v35 =	vor.u32 v63, v45;
	[tilespmem:v9+s19+$0x50 ss:$0x1] =	vst.idx.msk $0xffff, v55;
	v63 =	vld.idx.msk [tilespmem:v8+s20+$0x60 ss:$0x1], $0xffff  }
0xf8: {  	v28 =	vshrl.u32 v28, v17;
	v30 =	vshll.u32 v30, v23;
	[tilespmem:v9+s19+$0xA0 ss:$0x1] =	vst.idx.msk $0xffff, v35;
	v27 =	vld.idx.msk [tilespmem:v8+s20+$0x150 ss:$0x1], $0xffff  }
0xf9: {  	[tilespmem:v9+s17+$0x1E0 ss:$0x1] =	vst.idx.msk $0xffff, v19;
	v32 =	vshll.u32 v32, v23;
	v28 =	vand.u32 $0xFFFF, v28;
	v30 =	vand.u32 $0xFFFF0000, v30;
	v48 =	vld.idx.msk [tilespmem:v8+s20+$0x220 ss:$0x1], $0xffff  }
0xfa: {  	v28 =	vor.u32 v28, v30;
	v39 =	vshrl.u32 v58, v12;
	v40 =	vshll.u32 v59, v15;
	v49 =	vld.idx.msk [tilespmem:v8+s20+$0x2A0 ss:$0x1], $0xffff  }
0xfb: {  	[tilespmem:v9+s17+$0x1F0 ss:$0x1] =	vst.idx.msk $0xffff, v38;
	v57 =	vshrl.u32 v33, v17;
	v35 =	vld.idx.msk [tilespmem:v8+s20+$0x310 ss:$0x1], $0xffff;
	v39 =	vand.u32 $0xFFFF, v39;
	v40 =	vand.u32 $0xFFFF0000, v40  }
0xfc: {  	s28 =	sor.u32 $0x3, s16;
	v17 =	vshrl.u32 v25, v17;
	v59 =	vshll.u32 v37, v23;
	v60 =	vld.idx.msk [tilespmem:v8+s20+$0x1D0 ss:$0x1], $0xffff;
	v39 =	vor.u32 v39, v40  }
0xfd: {  	s29 =	sshll.u32 s28, $0x3;
	v37 =	vand.u32 $0xFFFF0000, v53;
	[tilespmem:v9+s19+$0xC0 ss:$0x1] =	vst.idx.msk $0xffff, v39;
	v61 =	vshrl.u32 v50, v10;
	v62 =	vshll.u32 v52, v11  }
0xfe: {  	s17 =	sand.u32 $0x3FFFFFF8, s29;
	v56 =	vld.idx.msk [tilespmem:v8+s20+$0x240 ss:$0x1], $0xffff;
	v43 =	vand.u32 $0xFFFF0000, v62;
	v52 =	vshrl.u32 v63, v13;
	v22 =	vshrl.u32 v48, v10  }
0xff: {  	s30 =	sshll.u32 s28, $0xA;
	s17 =	sadd.s32 s17, s15;
	v58 =	vld.idx.msk [tilespmem:v8+s20+$0x2C0 ss:$0x1], $0xffff;
	v21 =	vshll.u32 v49, v11;
	v48 =	vshrl.u32 v27, v12;
	v27 =	vand.u32 $0xFFFF, v52  }
0x100: {  	[tilespmem:v9+s18+$0x1A0 ss:$0x1] =	vst.idx.msk $0xffff, v18;
	v62 =	vld.msk [tilespmem:s17+$0x0 ss:$0x1], $0xff;
	s17 =	sand.u32 $0x3FFFFC00, s30;
	v22 =	vand.u32 $0xFFFF, v22;
	v21 =	vand.u32 $0xFFFF0000, v21;
	v27 =	vor.u32 v27, v37  }
0x101: {  	v40 =	vand.u32 $0xFFFF, v61;
	v50 =	vand.u32 $0xFFFF, v48;
	v48 =	vld.idx.msk [tilespmem:v8+s17+$0x80 ss:$0x1], $0xffff;
	v21 =	vor.u32 v22, v21;
	[tilespmem:v9+s19+$0x60 ss:$0x1] =	vst.idx.msk $0xffff, v27  }
0x102: {  	v32 =	vand.u32 $0xFFFF0000, v32;
	v19 =	vand.u32 $0xFFFF, v57;
	[tilespmem:v9+s19+$0x120 ss:$0x1] =	vst.idx.msk $0xffff, v21;
	v21 =	vor.u32 v40, v43;
	v40 =	vld.idx.msk [tilespmem:v8+s20+$0x390 ss:$0x1], $0xffff  }
0x103: {  	[tilespmem:v9+s18+$0x180 ss:$0x1] =	vst.idx.msk $0xffff, v31;
	v54 =	vand.u32 $0xFFFF, v34;
	v33 =	vand.u32 $0xFFFF0000, v59;
	v59 =	vperm.xlane v16, v7;
	v57 =	vld.idx.msk [tilespmem:v8+s20+$0x160 ss:$0x1], $0xffff  }
0x104: {  	v31 =	vor.u32 v54, v32;
	[tilespmem:v9+s18+$0x1B0 ss:$0x1] =	vst.idx.msk $0xffff, v42;
	v49 =	vshll.u32 v60, v15;
	v60 =	vld.idx.msk [tilespmem:v8+s20+$0x1E0 ss:$0x1], $0xffff  }
0x105: {  	v33 =	vor.u32 v19, v33;
	v18 =	vsub.s32 $0x10, v59;
	v26 =	vshll.u32 v58, v11;
	v41 =	vld.idx.msk [tilespmem:v8+s20+$0x320 ss:$0x1], $0xffff  }
0x106: {  	v34 =	vshrl.u32 v44, v13;
	v45 =	vshrl.u32 v56, v10;
	v47 =	vand.u32 $0xFFFF0000, v26;
	v26 =	vld.idx.msk [tilespmem:v8+s20+$0x3A0 ss:$0x1], $0xffff  }
0x107: {  	v61 =	vand.u32 $0xFFFF, v17;
	v17 =	vperm.xlane v16, v6;
	[tilespmem:v9+s19+$0x130 ss:$0x1] =	vst.idx.msk $0xffff, v21;
	v46 =	vand.u32 $0xFFFF, v45;
	v45 =	vld.idx.msk [tilespmem:v8+s20+$0xF0 ss:$0x1], $0xffff  }
0x108: {  	v42 =	vshll.u32 v36, v18;
	v51 =	vand.u32 $0xFFFF0000, v49;
	v19 =	vor.u32 v46, v47;
	v22 =	vld.idx.msk [tilespmem:v8+s20+$0x330 ss:$0x1], $0xffff  }
0x109: {  	v34 =	vand.u32 $0xFFFF, v34;
	v21 =	vld.idx.msk [tilespmem:v8+s20+$0x3B0 ss:$0x1], $0xffff;
	[tilespmem:v9+s19+$0x140 ss:$0x1] =	vst.idx.msk $0xffff, v19;
	v19 =	vor.u32 v50, v51  }
0x10a: {  	v63 =	vshrl.u32 v24, v17;
	v35 =	vshrl.u32 v35, v17;
	v46 =	vld.idx.msk [tilespmem:v8+s17+$0x0 ss:$0x1], $0xffff;
	[tilespmem:v9+s19+$0xD0 ss:$0x1] =	vst.idx.msk $0xffff, v19  }
0x10b: {  	v52 =	vand.u32 $0xFFFF0000, v42;
	v55 =	vld.idx.msk [tilespmem:v8+s20+$0x250 ss:$0x1], $0xffff;
	v32 =	vshrl.u32 v57, v12;
	v25 =	vshll.u32 v60, v15  }
0x10c: {  	[tilespmem:v9+s18+$0x190 ss:$0x1] =	vst.idx.msk $0xffff, v20;
	v58 =	vshll.u32 v29, v23;
	v56 =	vld.idx.msk [tilespmem:v8+s20+$0x2D0 ss:$0x1], $0xffff;
	v47 =	vand.u32 $0xFFFF, v32;
	v25 =	vand.u32 $0xFFFF0000, v25  }
0x10d: {  	[tilespmem:v9+s18+$0x1E0 ss:$0x1] =	vst.idx.msk $0xffff, v28;
	v16 =	vshll.u32 v62, $0x4;
	v29 =	vand.u32 $0xFFFF0000, v58;
	v51 =	vld.idx.msk [tilespmem:v8+s17+$0x10 ss:$0x1], $0xffff;
	v50 =	vor.u32 v47, v25  }
0x10e: {  	v54 =	vperm.xlane v16, v2;
	v19 =	vld.idx.msk [tilespmem:v8+s20+$0x340 ss:$0x1], $0xffff;
	v14 =	vshll.u32 v45, v14;
	[tilespmem:v9+s19+$0xE0 ss:$0x1] =	vst.idx.msk $0xffff, v50  }
0x10f: {  	v13 =	vperm.xlane v16, v1;
	v29 =	vor.u32 v61, v29;
	v36 =	vand.u32 $0xFFFF0000, v14;
	v58 =	vld.idx.msk [tilespmem:v8+s20+$0x2E0 ss:$0x1], $0xffff  }
0x110: {  	v60 =	vshll.u32 v40, v18;
	v57 =	vor.u32 v34, v36;
	v43 =	vshrl.u32 v55, v10;
	v55 =	vld.idx.msk [tilespmem:v8+s17+$0x90 ss:$0x1], $0xffff  }
0x111: {  	v49 =	vand.u32 $0xFFFF, v63;
	v14 =	vsub.s32 $0x10, v54;
	[tilespmem:v9+s19+$0x70 ss:$0x1] =	vst.idx.msk $0xffff, v57;
	v27 =	vshll.u32 v56, v11;
	v56 =	vld.idx.msk [tilespmem:v8+s20+$0x260 ss:$0x1], $0xffff  }
0x112: {  	v59 =	vshrl.u32 v46, v13;
	v46 =	vperm.xlane v16, v4;
	v32 =	vshll.u32 v48, v14;
	v61 =	vld.idx.msk [tilespmem:v8+s20+$0x170 ss:$0x1], $0xffff  }
0x113: {  	s21 =	sshll.u32 s28, $0x9;
	[tilespmem:v9+s18+$0x1D0 ss:$0x1] =	vst.idx.msk $0xffff, v31;
	v36 =	vand.u32 $0xFFFF, v59;
	v25 =	vshrl.u32 v51, v13;
	v32 =	vand.u32 $0xFFFF0000, v32;
	v62 =	vld.idx.msk [tilespmem:v8+s20+$0x1F0 ss:$0x1], $0xffff  }
0x114: {  	s21 =	sand.u32 $0x3FFFFE00, s21;
	[tilespmem:v9+s18+$0x1C0 ss:$0x1] =	vst.idx.msk $0xffff, v33;
	v20 =	vld.idx.msk [tilespmem:v8+s20+$0x3C0 ss:$0x1], $0xffff;
	v32 =	vor.u32 v36, v32;
	v30 =	vand.u32 $0xFFFF, v43;
	v27 =	vand.u32 $0xFFFF0000, v27  }
0x115: {  	v53 =	vand.u32 $0xFFFF, v35;
	v48 =	vld.idx.msk [tilespmem:v8+s17+$0x20 ss:$0x1], $0xffff;
	v25 =	vand.u32 $0xFFFF, v25;
	[tilespmem:v9+s21+$0x0 ss:$0x1] =	vst.idx.msk $0xffff, v32;
	v27 =	vor.u32 v30, v27  }
0x116: {  	v63 =	vld.idx.msk [tilespmem:v8+s17+$0x100 ss:$0x1], $0xffff;
	[tilespmem:v9+s19+$0x150 ss:$0x1] =	vst.idx.msk $0xffff, v27;
	v27 =	vor.u32 v49, v52;
	v34 =	vshll.u32 v58, v11  }
0x117: {  	v40 =	vld.idx.msk [tilespmem:v8+s17+$0x180 ss:$0x1], $0xffff;
	v35 =	vshll.u32 v55, v14;
	v31 =	vshrl.u32 v56, v10;
	v44 =	vand.u32 $0xFFFF0000, v34  }
0x118: {  	v51 =	vld.idx.msk [tilespmem:v8+s17+$0xA0 ss:$0x1], $0xffff;
	v36 =	vshrl.u32 v61, v12;
	v15 =	vshll.u32 v62, v15;
	v35 =	vand.u32 $0xFFFF0000, v35  }
0x119: {  	v23 =	vld.idx.msk [tilespmem:v8+s20+$0x350 ss:$0x1], $0xffff;
	v12 =	vperm.xlane v16, v3;
	v43 =	vand.u32 $0xFFFF, v31;
	v25 =	vor.u32 v25, v35  }
0x11a: {  	v24 =	vld.idx.msk [tilespmem:v8+s20+$0x3D0 ss:$0x1], $0xffff;
	v49 =	vand.u32 $0xFFFF, v36;
	v50 =	vand.u32 $0xFFFF0000, v15;
	v28 =	vor.u32 v43, v44;
	[tilespmem:v9+s21+$0x10 ss:$0x1] =	vst.idx.msk $0xffff, v25  }
0x11b: {  	v15 =	vsub.s32 $0x10, v46;
	[tilespmem:v9+s19+$0x160 ss:$0x1] =	vst.idx.msk $0xffff, v28;
	v28 =	vor.u32 v49, v50;
	v50 =	vld.idx.msk [tilespmem:v8+s17+$0xB0 ss:$0x1], $0xffff  }
0x11c: {  	v37 =	vand.u32 $0xFFFF0000, v60;
	v33 =	vshrl.u32 v63, v12;
	v35 =	vshll.u32 v40, v15;
	v45 =	vld.idx.msk [tilespmem:v8+s17+$0x110 ss:$0x1], $0xffff  }
0x11d: {  	v30 =	vor.u32 v53, v37;
	v52 =	vand.u32 $0xFFFF, v33;
	v53 =	vand.u32 $0xFFFF0000, v35;
	v47 =	vld.idx.msk [tilespmem:v8+s17+$0x190 ss:$0x1], $0xffff;
	[tilespmem:v9+s19+$0xF0 ss:$0x1] =	vst.idx.msk $0xffff, v28  }
0x11e: {  	v28 =	vor.u32 v52, v53;
	v57 =	vld.idx.msk [tilespmem:v8+s20+$0x2F0 ss:$0x1], $0xffff  }
0x11f: {  	v38 =	vld.idx.msk [tilespmem:v8+s20+$0x360 ss:$0x1], $0xffff;
	[tilespmem:v9+s21+$0x80 ss:$0x1] =	vst.idx.msk $0xffff, v28  }
0x120: {  	v42 =	vshrl.u32 v41, v17;
	v26 =	vshll.u32 v26, v18;
	v32 =	vshrl.u32 v48, v13;
	v61 =	vld.idx.msk [tilespmem:v8+s17+$0x280 ss:$0x1], $0xffff  }
0x121: {  	v22 =	vshrl.u32 v22, v17;
	v62 =	vand.u32 $0xFFFF, v32;
	v31 =	vshll.u32 v51, v14;
	v54 =	vld.idx.msk [tilespmem:v8+s20+$0x270 ss:$0x1], $0xffff  }
0x122: {  	v40 =	vperm.xlane v16, v5;
	v36 =	vld.idx.msk [tilespmem:v8+s20+$0x3E0 ss:$0x1], $0xffff;
	v55 =	vshrl.u32 v45, v12;
	v56 =	vshll.u32 v47, v15  }
0x123: {  	v60 =	vld.idx.msk [tilespmem:v8+s17+$0x200 ss:$0x1], $0xffff;
	v58 =	vand.u32 $0xFFFF, v55;
	v59 =	vand.u32 $0xFFFF0000, v56;
	v11 =	vshll.u32 v57, v11  }
0x124: {  	v47 =	vld.idx.msk [tilespmem:v8+s17+$0x30 ss:$0x1], $0xffff;
	v28 =	vor.u32 v58, v59;
	v44 =	vand.u32 $0xFFFF0000, v11;
	v11 =	vsub.s32 $0x10, v40  }
0x125: {  	v31 =	vand.u32 $0xFFFF0000, v31;
	v25 =	vand.u32 $0xFFFF, v42;
	[tilespmem:v9+s21+$0x90 ss:$0x1] =	vst.idx.msk $0xffff, v28;
	v33 =	vshll.u32 v61, v11;
	v61 =	vld.idx.msk [tilespmem:v8+s17+$0x40 ss:$0x1], $0xffff  }
0x126: {  	v42 =	vshrl.u32 v54, v10;
	v10 =	vperm.xlane v16, v0;
	v28 =	vor.u32 v62, v31;
	v63 =	vld.idx.msk [tilespmem:v8+s17+$0x210 ss:$0x1], $0xffff  }
0x127: {  	v21 =	vshll.u32 v21, v18;
	v22 =	vand.u32 $0xFFFF, v22;
	v41 =	vld.idx.msk [tilespmem:v8+s17+$0x290 ss:$0x1], $0xffff;
	[tilespmem:v9+s21+$0x20 ss:$0x1] =	vst.idx.msk $0xffff, v28  }
0x128: {  	v21 =	vand.u32 $0xFFFF0000, v21;
	v46 =	vshrl.u32 v60, v10;
	v28 =	vand.u32 $0xFFFF, v42;
	v43 =	vld.idx.msk [tilespmem:v8+s17+$0x120 ss:$0x1], $0xffff  }
0x129: {  	v48 =	vand.u32 $0xFFFF, v46;
	v49 =	vand.u32 $0xFFFF0000, v33;
	v45 =	vld.idx.msk [tilespmem:v8+s17+$0x1A0 ss:$0x1], $0xffff;
	v28 =	vor.u32 v28, v44  }
0x12a: {  	v20 =	vshll.u32 v20, v18;
	[tilespmem:v9+s19+$0x170 ss:$0x1] =	vst.idx.msk $0xffff, v28;
	v28 =	vor.u32 v48, v49;
	v48 =	vld.idx.msk [tilespmem:v8+s17+$0xD0 ss:$0x1], $0xffff  }
0x12b: {  	[tilespmem:v9+s18+$0x1F0 ss:$0x1] =	vst.idx.msk $0xffff, v29;
	v26 =	vand.u32 $0xFFFF0000, v26;
	v21 =	vor.u32 v22, v21;
	v20 =	vand.u32 $0xFFFF0000, v20;
	v49 =	vld.idx.msk [tilespmem:v8+s17+$0x60 ss:$0x1], $0xffff  }
0x12c: {  	[tilespmem:v9+s19+$0x1B0 ss:$0x1] =	vst.idx.msk $0xffff, v21;
	v33 =	vshll.u32 v50, v14;
	v34 =	vshrl.u32 v47, v13;
	v51 =	vld.idx.msk [tilespmem:v8+s20+$0x370 ss:$0x1], $0xffff  }
0x12d: {  	[tilespmem:v9+s19+$0x190 ss:$0x1] =	vst.idx.msk $0xffff, v30;
	v25 =	vor.u32 v25, v26;
	v60 =	vand.u32 $0xFFFF0000, v33;
	v59 =	vand.u32 $0xFFFF, v34;
	v53 =	vld.idx.msk [tilespmem:v8+s20+$0x3F0 ss:$0x1], $0xffff  }
0x12e: {  	v23 =	vshrl.u32 v23, v17;
	[tilespmem:v9+s21+$0x100 ss:$0x1] =	vst.idx.msk $0xffff, v28;
	v62 =	vor.u32 v59, v60;
	v59 =	vld.idx.msk [tilespmem:v8+s17+$0x70 ss:$0x1], $0xffff  }
0x12f: {  	v56 =	vshrl.u32 v19, v17;
	v40 =	vand.u32 $0xFFFF, v23;
	v44 =	vshll.u32 v36, v18;
	v29 =	vld.idx.msk [tilespmem:v8+s17+$0x300 ss:$0x1], $0xffff  }
0x130: {  	[tilespmem:v9+s19+$0x180 ss:$0x1] =	vst.idx.msk $0xffff, v27;
	v47 =	vand.u32 $0xFFFF0000, v44;
	v28 =	vand.u32 $0xFFFF, v56;
	v33 =	vshrl.u32 v61, v13;
	v61 =	vld.idx.msk [tilespmem:v8+s17+$0xF0 ss:$0x1], $0xffff  }
0x131: {  	[tilespmem:v9+s21+$0x30 ss:$0x1] =	vst.idx.msk $0xffff, v62;
	v20 =	vor.u32 v28, v20;
	v26 =	vshrl.u32 v63, v10;
	v63 =	vld.idx.msk [tilespmem:v8+s17+$0xC0 ss:$0x1], $0xffff  }
0x132: {  	v52 =	vshll.u32 v41, v11;
	v41 =	vshll.u32 v24, v18;
	v42 =	vld.idx.msk [tilespmem:v8+s17+$0x130 ss:$0x1], $0xffff;
	v50 =	vand.u32 $0xFFFF, v33  }
0x133: {  	[tilespmem:v9+s19+$0x1A0 ss:$0x1] =	vst.idx.msk $0xffff, v25;
	v54 =	vand.u32 $0xFFFF, v26;
	v55 =	vand.u32 $0xFFFF0000, v52;
	v58 =	vshrl.u32 v43, v12;
	v26 =	vld.idx.msk [tilespmem:v8+s17+$0x380 ss:$0x1], $0xffff  }
0x134: {  	v31 =	vshll.u32 v45, v15;
	v23 =	vand.u32 $0xFFFF0000, v41;
	v43 =	vshrl.u32 v38, v17;
	v45 =	vld.idx.msk [tilespmem:v8+s17+$0x50 ss:$0x1], $0xffff  }
0x135: {  	v57 =	vor.u32 v54, v55;
	v22 =	vand.u32 $0xFFFF, v58;
	v17 =	vshrl.u32 v51, v17;
	v51 =	vld.idx.msk [tilespmem:v8+s17+$0xE0 ss:$0x1], $0xffff  }
0x136: {  	v31 =	vand.u32 $0xFFFF0000, v31;
	v46 =	vand.u32 $0xFFFF, v43;
	[tilespmem:v9+s21+$0x110 ss:$0x1] =	vst.idx.msk $0xffff, v57;
	v18 =	vshll.u32 v53, v18;
	v53 =	vld.idx.msk [tilespmem:v8+s17+$0x1B0 ss:$0x1], $0xffff  }
0x137: {  	v30 =	vshll.u32 v48, v14;
	v60 =	vshrl.u32 v49, v13;
	v22 =	vor.u32 v22, v31;
	v19 =	vld.idx.msk [tilespmem:v8+s17+$0x310 ss:$0x1], $0xffff  }
0x138: {  	[tilespmem:v9+s21+$0xA0 ss:$0x1] =	vst.idx.msk $0xffff, v22;
	v22 =	vor.u32 v40, v23;
	v17 =	vand.u32 $0xFFFF, v17;
	v27 =	vshll.u32 v63, v14  }
0x139: {  	[tilespmem:v9+s19+$0x1C0 ss:$0x1] =	vst.idx.msk $0xffff, v20;
	v18 =	vand.u32 $0xFFFF0000, v18;
	v23 =	vor.u32 v46, v47;
	v41 =	vld.idx.msk [tilespmem:v8+s17+$0x390 ss:$0x1], $0xffff;
	v27 =	vand.u32 $0xFFFF0000, v27  }
0x13a: {  	v39 =	vld.idx.msk [tilespmem:v8+s17+$0x220 ss:$0x1], $0xffff;
	[tilespmem:v9+s19+$0x1D0 ss:$0x1] =	vst.idx.msk $0xffff, v22;
	v55 =	vshrl.u32 v45, v13;
	v52 =	vor.u32 v50, v27  }
0x13b: {  	v58 =	vand.u32 $0xFFFF0000, v30;
	v18 =	vor.u32 v17, v18;
	v54 =	vld.idx.msk [tilespmem:v8+s17+$0x2A0 ss:$0x1], $0xffff;
	v57 =	vand.u32 $0xFFFF, v55;
	[tilespmem:v9+s21+$0x40 ss:$0x1] =	vst.idx.msk $0xffff, v52  }
0x13c: {  	[tilespmem:v9+s19+$0x1E0 ss:$0x1] =	vst.idx.msk $0xffff, v23;
	v24 =	vor.u32 v57, v58;
	v32 =	vshll.u32 v51, v14;
	v21 =	vld.idx.msk [tilespmem:v8+s17+$0x140 ss:$0x1], $0xffff  }
0x13d: {  	v28 =	vand.u32 $0xFFFF, v60;
	v56 =	vshrl.u32 v42, v12;
	[tilespmem:v9+s21+$0x50 ss:$0x1] =	vst.idx.msk $0xffff, v24;
	v62 =	vld.idx.msk [tilespmem:v8+s17+$0x1C0 ss:$0x1], $0xffff;
	v32 =	vand.u32 $0xFFFF0000, v32  }
0x13e: {  	[tilespmem:v9+s19+$0x1F0 ss:$0x1] =	vst.idx.msk $0xffff, v18;
	v25 =	vshll.u32 v53, v15;
	v34 =	vor.u32 v28, v32;
	v35 =	vld.idx.msk [tilespmem:v8+s17+$0x150 ss:$0x1], $0xffff  }
0x13f: {  	v20 =	vand.u32 $0xFFFF, v56;
	v13 =	vshrl.u32 v59, v13;
	v63 =	vand.u32 $0xFFFF0000, v25;
	v36 =	vld.idx.msk [tilespmem:v8+s17+$0x1D0 ss:$0x1], $0xffff;
	[tilespmem:v9+s21+$0x60 ss:$0x1] =	vst.idx.msk $0xffff, v34  }
0x140: {  	v14 =	vshll.u32 v61, v14;
	v20 =	vor.u32 v20, v63;
	v38 =	vshrl.u32 v39, v10;
	v39 =	vld.idx.msk [tilespmem:v8+s17+$0x160 ss:$0x1], $0xffff  }
0x141: {  	v13 =	vand.u32 $0xFFFF, v13;
	v14 =	vand.u32 $0xFFFF0000, v14;
	[tilespmem:v9+s21+$0xB0 ss:$0x1] =	vst.idx.msk $0xffff, v20;
	v40 =	vld.idx.msk [tilespmem:v8+s17+$0x1E0 ss:$0x1], $0xffff  }
0x142: {  	v13 =	vor.u32 v13, v14;
	v42 =	vld.idx.msk [tilespmem:v8+s17+$0x230 ss:$0x1], $0xffff;
	v21 =	vshrl.u32 v21, v12;
	v24 =	vshll.u32 v62, v15  }
0x143: {  	v17 =	vperm.xlane v16, v6;
	[tilespmem:v9+s21+$0x70 ss:$0x1] =	vst.idx.msk $0xffff, v13;
	v44 =	vld.idx.msk [tilespmem:v8+s17+$0x2B0 ss:$0x1], $0xffff;
	v21 =	vand.u32 $0xFFFF, v21;
	v43 =	vand.u32 $0xFFFF0000, v24  }
0x144: {  	v48 =	vld.idx.msk [tilespmem:v8+s17+$0x170 ss:$0x1], $0xffff;
	v45 =	vshrl.u32 v35, v12;
	v47 =	vshll.u32 v36, v15;
	v21 =	vor.u32 v21, v43  }
0x145: {  	v16 =	vperm.xlane v16, v7;
	v51 =	vld.idx.msk [tilespmem:v8+s17+$0x1F0 ss:$0x1], $0xffff;
	v46 =	vand.u32 $0xFFFF, v45;
	[tilespmem:v9+s21+$0xC0 ss:$0x1] =	vst.idx.msk $0xffff, v21;
	v21 =	vand.u32 $0xFFFF0000, v47  }
0x146: {  	v49 =	vshrl.u32 v39, v12;
	v50 =	vshll.u32 v40, v15;
	v13 =	vor.u32 v46, v21;
	v52 =	vld.idx.msk [tilespmem:v8+s17+$0x240 ss:$0x1], $0xffff  }
0x147: {  	v27 =	vshll.u32 v54, v11;
	v53 =	vand.u32 $0xFFFF, v49;
	v54 =	vand.u32 $0xFFFF0000, v50;
	v56 =	vld.idx.msk [tilespmem:v8+s17+$0x2C0 ss:$0x1], $0xffff;
	[tilespmem:v9+s21+$0xD0 ss:$0x1] =	vst.idx.msk $0xffff, v13  }
0x148: {  	v37 =	vshrl.u32 v29, v17;
	v16 =	vsub.s32 $0x10, v16;
	v21 =	vor.u32 v53, v54;
	v57 =	vld.idx.msk [tilespmem:v8+s17+$0x250 ss:$0x1], $0xffff  }
0x149: {  	v26 =	vshll.u32 v26, v16;
	v55 =	vand.u32 $0xFFFF, v38;
	v27 =	vand.u32 $0xFFFF0000, v27;
	[tilespmem:v9+s21+$0xE0 ss:$0x1] =	vst.idx.msk $0xffff, v21;
	v58 =	vld.idx.msk [tilespmem:v8+s17+$0x2D0 ss:$0x1], $0xffff  }
0x14a: {  	v12 =	vshrl.u32 v48, v12;
	v15 =	vshll.u32 v51, v15;
	v13 =	vor.u32 v55, v27;
	v59 =	vld.idx.msk [tilespmem:v8+s17+$0x260 ss:$0x1], $0xffff  }
0x14b: {  	v25 =	vand.u32 $0xFFFF, v37;
	v12 =	vand.u32 $0xFFFF, v12;
	v15 =	vand.u32 $0xFFFF0000, v15;
	[tilespmem:v9+s21+$0x120 ss:$0x1] =	vst.idx.msk $0xffff, v13;
	v61 =	vld.idx.msk [tilespmem:v8+s17+$0x2E0 ss:$0x1], $0xffff  }
0x14c: {  	v14 =	vshrl.u32 v42, v10;
	v23 =	vshll.u32 v44, v11;
	v12 =	vor.u32 v12, v15;
	v62 =	vld.idx.msk [tilespmem:v8+s17+$0x320 ss:$0x1], $0xffff  }
0x14d: {  	v26 =	vand.u32 $0xFFFF0000, v26;
	v14 =	vand.u32 $0xFFFF, v14;
	v60 =	vand.u32 $0xFFFF0000, v23;
	[tilespmem:v9+s21+$0xF0 ss:$0x1] =	vst.idx.msk $0xffff, v12;
	v63 =	vld.idx.msk [tilespmem:v8+s17+$0x3A0 ss:$0x1], $0xffff  }
0x14e: {  	v13 =	vor.u32 v14, v60;
	v31 =	vld.idx.msk [tilespmem:v8+s17+$0x270 ss:$0x1], $0xffff;
	v18 =	vshrl.u32 v52, v10;
	v24 =	vshll.u32 v56, v11  }
0x14f: {  	v19 =	vshrl.u32 v19, v17;
	[tilespmem:v9+s21+$0x130 ss:$0x1] =	vst.idx.msk $0xffff, v13;
	v34 =	vld.idx.msk [tilespmem:v8+s17+$0x2F0 ss:$0x1], $0xffff;
	v28 =	vand.u32 $0xFFFF, v18;
	v29 =	vand.u32 $0xFFFF0000, v24  }
0x150: {  	v35 =	vld.idx.msk [tilespmem:v8+s17+$0x330 ss:$0x1], $0xffff;
	v30 =	vshrl.u32 v57, v10;
	v12 =	vor.u32 v28, v29;
	v33 =	vshll.u32 v58, v11  }
0x151: {  	v19 =	vand.u32 $0xFFFF, v19;
	v37 =	vld.idx.msk [tilespmem:v8+s17+$0x3B0 ss:$0x1], $0xffff;
	v32 =	vand.u32 $0xFFFF, v30;
	v18 =	vand.u32 $0xFFFF0000, v33;
	[tilespmem:v9+s21+$0x140 ss:$0x1] =	vst.idx.msk $0xffff, v12  }
0x152: {  	v27 =	vshrl.u32 v59, v10;
	v23 =	vshll.u32 v61, v11;
	v36 =	vor.u32 v32, v18;
	v40 =	vld.idx.msk [tilespmem:v8+s17+$0x340 ss:$0x1], $0xffff  }
0x153: {  	v20 =	vshll.u32 v41, v16;
	v38 =	vand.u32 $0xFFFF, v27;
	v23 =	vand.u32 $0xFFFF0000, v23;
	v41 =	vld.idx.msk [tilespmem:v8+s17+$0x3C0 ss:$0x1], $0xffff;
	[tilespmem:v9+s21+$0x150 ss:$0x1] =	vst.idx.msk $0xffff, v36  }
0x154: {  	v10 =	vshrl.u32 v31, v10;
	v11 =	vshll.u32 v34, v11;
	v39 =	vor.u32 v38, v23;
	v42 =	vld.idx.msk [tilespmem:v8+s17+$0x350 ss:$0x1], $0xffff  }
0x155: {  	v20 =	vand.u32 $0xFFFF0000, v20;
	v10 =	vand.u32 $0xFFFF, v10;
	v11 =	vand.u32 $0xFFFF0000, v11;
	v43 =	vld.idx.msk [tilespmem:v8+s17+$0x3D0 ss:$0x1], $0xffff;
	[tilespmem:v9+s21+$0x160 ss:$0x1] =	vst.idx.msk $0xffff, v39  }
0x156: {  	v25 =	vor.u32 v25, v26;
	v19 =	vor.u32 v19, v20;
	v10 =	vor.u32 v10, v11;
	v46 =	vld.idx.msk [tilespmem:v8+s17+$0x360 ss:$0x1], $0xffff  }
0x157: {  	v44 =	vshrl.u32 v62, v17;
	v45 =	vshll.u32 v63, v16;
	[tilespmem:v9+s21+$0x170 ss:$0x1] =	vst.idx.msk $0xffff, v10;
	v49 =	vld.idx.msk [tilespmem:v8+s17+$0x3E0 ss:$0x1], $0xffff  }
0x158: {  	[tilespmem:v9+s21+$0x180 ss:$0x1] =	vst.idx.msk $0xffff, v25;
	v47 =	vand.u32 $0xFFFF0000, v45;
	v50 =	vshll.u32 v37, v16;
	v11 =	vand.u32 $0xFFFF, v44;
	v51 =	vld.idx.msk [tilespmem:v8+s17+$0x370 ss:$0x1], $0xffff  }
0x159: {  	v48 =	vshrl.u32 v35, v17;
	v12 =	vand.u32 $0xFFFF0000, v50;
	v10 =	vor.u32 v11, v47;
	v54 =	vld.idx.msk [tilespmem:v8+s17+$0x3F0 ss:$0x1], $0xffff  }
0x15a: {  	[tilespmem:v9+s21+$0x190 ss:$0x1] =	vst.idx.msk $0xffff, v19;
	v11 =	vand.u32 $0xFFFF, v48;
	v52 =	vshrl.u32 v40, v17;
	v53 =	vshll.u32 v41, v16  }
0x15b: {  	v11 =	vor.u32 v11, v12;
	[tilespmem:v9+s21+$0x1A0 ss:$0x1] =	vst.idx.msk $0xffff, v10;
	v55 =	vand.u32 $0xFFFF, v52;
	v56 =	vand.u32 $0xFFFF0000, v53  }
0x15c: {  	v12 =	vor.u32 v55, v56;
	v57 =	vshrl.u32 v42, v17;
	v58 =	vshll.u32 v43, v16  }
0x15d: {  	p1 =	slt.u32 s16, $0x1C;
	[tilespmem:v9+s21+$0x1B0 ss:$0x1] =	vst.idx.msk $0xffff, v11;
	v10 =	vand.u32 $0xFFFF, v57;
	v59 =	vand.u32 $0xFFFF0000, v58;
	v15 =	vshrl.u32 v46, v17  }
.Ltmp6:
0x15e: {  	v60 =	vshll.u32 v49, v16;
	v13 =	vshrl.u32 v51, v17;
	v62 =	vshll.u32 v54, v16;
	(pc) =	sbr.rel @p1 .LBB2_8-.Ltmp6, $4  }
0x15f: {  	[tilespmem:v9+s21+$0x1C0 ss:$0x1] =	vst.idx.msk $0xffff, v12;
	v10 =	vor.u32 v10, v59;
	v11 =	vand.u32 $0xFFFF, v15;
	v61 =	vand.u32 $0xFFFF0000, v60  }
0x160: {  	v63 =	vand.u32 $0xFFFF0000, v62;
	[tilespmem:v9+s21+$0x1D0 ss:$0x1] =	vst.idx.msk $0xffff, v10;
	v10 =	vor.u32 v11, v61;
	v11 =	vand.u32 $0xFFFF, v13  }
0x161: {  	s31 =	sadd.s32 $0x4, s16;
	[tilespmem:v9+s21+$0x1E0 ss:$0x1] =	vst.idx.msk $0xffff, v10;
	v10 =	vor.u32 v11, v63  }
0x162: {  	s16 =	smov.u32 s31;
	[tilespmem:v9+s21+$0x1F0 ss:$0x1] =	vst.idx.msk $0xffff, v10  }
0x163: {  	s13 =	sshll.u32 s13, $0x3  }
0x164: {  	s13 =	sadd.s32 s13, s4  }
0x165: {  	s15 =	simm.s32 $0x40;
	s16 =	sadd.s32 $0x200, s14;
	s17 =	sadd.s32 $0x0, s13  }
.LBB2_10:
0x166: {  	[hbm:s17] =	stream.linear.scatter [tilespmem:s14], [sflag:$0x3], $0x200, $0x38;
	[tilespmem:$0x18300] =	vst v63  }
0x167: {  	s17 =	smov.u32 s15;
	s14 =	smov.u32 s16;
	p1 =	sne.s32 s15, $0x7C0  }
.Ltmp7:
0x168: {  	s15 =	sadd.s32 $0x40, s15;
	(pc) =	sbr.rel @p1 .LBB2_10-.Ltmp7, $2  }
0x169: {  	_ =	sdelay $0x2  }
0x16a: {  	s16 =	sadd.s32 $0x200, s16;
	s17 =	sadd.s32 s17, s13  }
.Ltmp8:
0x16b: {  	(pc) =	sbr.rel .LBB2_12-.Ltmp8, $2  }
0x16c: {  	_ =	sdelay $0x2  }
0x16d: {  	[hbm:s17] =	stream.linear.scatter [tilespmem:s14], [sflag:$0x3], $0x200, $0x38;
	[tilespmem:$0x18300] =	vst v63  }
.LBB2_14:
0x16e: {  	s2 =	simm.s32 $0x3  }
0x16f: {  	_ =	swait.ge [sflag:s2], $0x4000  }
0x170: {  	[sflag:s2] =	ssyncset.done $0x0  }
0x171: {  	[sflag:s2] =	ssyncadd.s32 $0xFFFFC000  }
0x172: {  	_ =	sfence.sel $0x180000  }
0x173: {  	s3 =	simm.s32 $0x1;
	[bflag:$0x0] =	sbarrier.arrive $0xFFFF  }
0x174: {  	s31 =	simm.s32 $0x2;
	[sflag:s3] =	ssyncpa.u1 $0x1  }
0x175: {  	[sflag:s31] =	ssyncpa.u1 $0x1  }
0x176: {  	[sflag:s2] =	ssyncpa.u1 $0x1  }
0x177: {  	p0 =	sne.s32 s1, $0x0;
	_ =	strace $0x90000053  }
0x178: {  	s0 =	sadd.s32 @!p0 $0x100000, s0;
	[bflag:$0x2] =	sbarrier.arrive $0xFFFF  }
0x179: {  	[sflag:s0] =	ssyncadd.tile.s32 @!p0 $0x1;
	_ =	shalt  }
.Lfunc_end2:
_tile_overlayer_lowered:
.L_overlay_start_2:
0x17a: {  	(tag) =	ssettag $0x2  }
0x17b: {  	s0 =	rddreg [dreg:$0x0];
	s2 =	stileid.u32  }
0x17c: {  	s1 =	rddreg [dreg:$0x1];
	p0 =	sne.s32 s2, $0x0  }
0x17d: {  	s3 =	rddreg [dreg:$0x2];
	[bflag:$0x3] =	sbarrier.arrive $0xFFFF;
	s2 =	simm.s32 @!p0 $0x1C01  }
0x17e: {  	[timem:s3], [sflag:s2] =	dma.local @!p0 [hbm:s0], s1  }
0x17f: {  	s0 =	simm.s32 @!p0 $0x1  }
0x180: {  	_ =	swait.ge @!p0 [sflag:s0], s1  }
0x181: {  	s1 =	ssub.s32 @!p0 $0x0, s1;
	[sflag:s0] =	ssyncset.done @!p0 $0x0  }
0x182: {  	[sflag:s0] =	ssyncadd.s32 @!p0 s1  }
0x183: {  	[bflag:$0x3] =	sbarrier.arrive $0xFFFF  }
0x184: {  	_ =	shalt  }

// kernel: gather_offload_async_start
scs
__scs_entry_jumppad:
0x0: {  	(pc) =	sbr.rel $0x88, $3  }
0x1: {  	(tag) =	ssettag $0x0;
	lr =	simm.s32 $0x1  }
0x2: {  	[smem:$0x3F9E] =	sst lr;
	_ =	strace $0xD0000000  }
0x3: {  	_ = 	snop  }
0x4: {  	_ = 	snop  }
0x5: {  	_ = 	snop  }
0x6: {  	_ = 	snop  }
0x7: {  	_ = 	snop  }
__scs_overlays_trampoline_lowered:
0x8: {  	[smem:$0x3FAD] =	sst s0  }
0x9: {  	[smem:$0x3FAE] =	sst s1  }
0xa: {  	[smem:$0x3FAF] =	sst s2  }
0xb: {  	[smem:$0x3FB0] =	sst s3  }
0xc: {  	[smem:$0x3FB1] =	sst s4  }
0xd: {  	[smem:$0x3FB2] =	sst s5  }
0xe: {  	[smem:$0x3FB3] =	sst s6  }
0xf: {  	[smem:$0x3FB4] =	sst s7  }
0x10: {  	[smem:$0x3FB5] =	sst s8  }
0x11: {  	[smem:$0x3FB6] =	sst s9;
	s0 =	simm.s32 @!p0 $0x0  }
0x12: {  	s1 =	sld [smem:$0x3F9C];
	s0 =	simm.s32 @p0 $0x1  }
0x13: {  	[smem:$0x3FB7] =	sst s0;
	s0 =	simm.s32 @!p1 $0x0  }
0x14: {  	s2 =	sld [smem:$0x3F9B];
	s0 =	simm.s32 @p1 $0x1  }
0x15: {  	[smem:$0x3FB8] =	sst s0;
	s0 =	simm.s32 @!p2 $0x0  }
0x16: {  	s3 =	sld [smem:$0x3FDB];
	s0 =	simm.s32 @p2 $0x1  }
0x17: {  	s4 =	simm.s32 $0x1BF5;
	[smem:$0x3FBA] =	sst s0  }
0x18: {  	s0 =	sld [smem:$0x3F9D];
	_ =	swait.ge [sflag:s4], $0x0  }
0x19: {  	s7 =	sld [smem:$0x3F9E]  }
0x1a: {  	s8 =	sadd.s32 $0xFFFFE003, lr  }
0x1b: {  	s9 =	sadd.s32 $0xFFFFFEF7, lr;
	s5 =	simm.s32 $0xFFFFFFFF;
	p2 =	slt.u32 s8, $0xFFFFF086  }
0x1c: {  	p1 =	slt.u32 s9, $0xF7A;
	s5 =	simm.s32 @!p2 $0x0  }
0x1d: {  	s5 =	simm.s32 @p1 $0x1;
	p0 =	seq.s32 s7, s2  }
0x1e: {  	s7 =	smul.u32 @!p0 $0xF7A, s2;
	p2 =	seq.s32 @!p0 s5, $0x0  }
0x1f: {  	s9 =	smul.u32 $0xF7A, s1;
	s8 =	simm.s32 @!p0 $0x1BF5;
	p2 =	por !p2, p0  }
0x20: {  	[sflag:s8] =	ssyncset.s32 @!p0 $0xFFFFF086;
	s6 =	sadd.s32 @!p0 s3, s7;
	s7 =	simm.s32 @!p0 $0x108  }
0x21: {  	s3 =	sadd.s32 s3, s9;
	s6 =	sadd.s32 @!p0 $0x88, s6;
	s7 =	simm.s32 @p2 $0x1082  }
0x22: {  	[simem:s7], [sflag:s8] =	dma.local @!p0 [hbm:s6], $0xF7A  }
0x23: {  	s9 =	sor.u32 $0xD0000000, s2;
	s6 =	simm.s32 $0x108;
	_ =	swait.ge @!p0 [sflag:s8], $0x0  }
0x24: {  	s3 =	sadd.s32 $0x88, s3;
	s6 =	simm.s32 @!p1 $0x1082;
	[sflag:s4] =	ssyncset.s32 $0xFFFFF086  }
0x25: {  	[simem:s6], [sflag:s4] =	dma.local [hbm:s3], $0xF7A  }
0x26: {  	[smem:$0x3F9E] =	sst s1;
	(tag) =	ssettag s2;
	_ =	strace s9  }
0x27: {  	s1 =	sld [smem:$0x3FAE]  }
0x28: {  	s2 =	sld [smem:$0x3FAF]  }
0x29: {  	s4 =	sld [smem:$0x3FB1]  }
0x2a: {  	p0 =	seq.s32 s5, $0x0;
	s5 =	sld [smem:$0x3FB2]  }
0x2b: {  	s6 =	sld [smem:$0x3FB3]  }
0x2c: {  	s7 =	sld [smem:$0x3FB4]  }
0x2d: {  	s3 =	simm.s32 $0x108;
	s8 =	sld [smem:$0x3FB5]  }
0x2e: {  	s3 =	simm.s32 @!p0 $0x1082;
	s9 =	sld [smem:$0x3FB6]  }
0x2f: {  	lr =	sadd.s32 s0, s3;
	s0 =	sld [smem:$0x3FAD]  }
0x30: {  	s3 =	sld [smem:$0x3FB0]  }
0x31: {  	[smem:$0x3FB9] =	sst s10  }
0x32: {  	s10 =	sld [smem:$0x3FB7];
	_ =	sdelay $0x3  }
0x33: {  	p0 =	seq.s32 s10, $0x1;
	s10 =	sld [smem:$0x3FB9];
	_ =	sdelay $0x3  }
0x34: {  	[smem:$0x3FB9] =	sst s10  }
0x35: {  	s10 =	sld [smem:$0x3FB8];
	_ =	sdelay $0x3  }
0x36: {  	p1 =	seq.s32 s10, $0x1;
	s10 =	sld [smem:$0x3FB9];
	_ =	sdelay $0x3  }
0x37: {  	[smem:$0x3FB9] =	sst s10  }
0x38: {  	s10 =	sld [smem:$0x3FBA]  }
0x39: {  	_ = 	snop;
	(pc) =	sbr.ind lr, $3  }
0x3a: {  	_ = 	snop  }
0x3b: {  	_ = 	snop  }
0x3c: {  	p2 =	seq.s32 s10, $0x1;
	s10 =	sld [smem:$0x3FB9]  }
0x3d: {  	_ =	shalt  }
0x3e: {  	_ =	shalt  }
0x3f: {  	_ =	shalt  }
0x40: {  	_ =	shalt  }
0x41: {  	_ =	shalt  }
0x42: {  	_ =	shalt  }
0x43: {  	_ =	shalt  }
0x44: {  	_ =	shalt  }
0x45: {  	_ =	shalt  }
0x46: {  	_ =	shalt  }
0x47: {  	_ =	shalt  }
0x48: {  	_ =	shalt  }
0x49: {  	_ =	shalt  }
0x4a: {  	_ =	shalt  }
0x4b: {  	_ =	shalt  }
0x4c: {  	_ =	shalt  }
0x4d: {  	_ =	shalt  }
0x4e: {  	_ =	shalt  }
0x4f: {  	_ =	shalt  }
0x50: {  	_ =	shalt  }
0x51: {  	_ =	shalt  }
0x52: {  	_ =	shalt  }
0x53: {  	_ =	shalt  }
0x54: {  	_ =	shalt  }
0x55: {  	_ =	shalt  }
0x56: {  	_ =	shalt  }
0x57: {  	_ =	shalt  }
0x58: {  	_ =	shalt  }
0x59: {  	_ =	shalt  }
0x5a: {  	_ =	shalt  }
0x5b: {  	_ =	shalt  }
0x5c: {  	_ =	shalt  }
0x5d: {  	_ =	shalt  }
0x5e: {  	_ =	shalt  }
0x5f: {  	_ =	shalt  }
0x60: {  	_ =	shalt  }
0x61: {  	_ =	shalt  }
0x62: {  	_ =	shalt  }
0x63: {  	_ =	shalt  }
0x64: {  	_ =	shalt  }
0x65: {  	_ =	shalt  }
0x66: {  	_ =	shalt  }
0x67: {  	_ =	shalt  }
0x68: {  	_ =	shalt  }
0x69: {  	_ =	shalt  }
0x6a: {  	_ =	shalt  }
0x6b: {  	_ =	shalt  }
0x6c: {  	_ =	shalt  }
0x6d: {  	_ =	shalt  }
0x6e: {  	_ =	shalt  }
0x6f: {  	_ =	shalt  }
0x70: {  	_ =	shalt  }
0x71: {  	_ =	shalt  }
0x72: {  	_ =	shalt  }
0x73: {  	_ =	shalt  }
0x74: {  	_ =	shalt  }
0x75: {  	_ =	shalt  }
0x76: {  	_ =	shalt  }
0x77: {  	_ =	shalt  }
0x78: {  	_ =	shalt  }
0x79: {  	_ =	shalt  }
0x7a: {  	_ =	shalt  }
0x7b: {  	_ =	shalt  }
0x7c: {  	_ =	shalt  }
0x7d: {  	_ =	shalt  }
0x7e: {  	_ =	shalt  }
0x7f: {  	_ =	shalt  }
0x80: {  	_ =	shalt  }
0x81: {  	_ =	shalt  }
0x82: {  	_ =	shalt  }
0x83: {  	_ =	shalt  }
0x84: {  	_ =	shalt  }
0x85: {  	_ =	shalt  }
0x86: {  	_ =	shalt  }
0x87: {  	_ =	shalt  }
.Lfunc_end0:
.L_simem_size_0:
called_computation.4_lowered:
.L_overlay_start_0:
0x88: {  	s2 =	sld [smem:$0x3FD9]  }
0x89: {  	s3 =	sld [smem:$0x3FFE];
	_ =	sdelay $0x1  }
0x8a: {  	s1 =	srdreg.scid  }
0x8b: {  	s0 =	sand.u32 $0x1, s1  }
0x8c: {  	s16 =	sshll.u32 s0, $0xA;
	s2 =	sadd.s32 s3, s2  }
0x8d: {  	s2 =	sadd.s32 s2, s16  }
0x8e: {  	[smem:$0x3FC5] =	sst s2  }
0x8f: {  	_ = 	snop  }
0x90: {  	(tm) =	ssettm $0x1  }
0x91: {  	s17 =	sld [smem:$0x3FFB];
	_ =	sdelay $0x3  }
0x92: {  	_ =	strace s17  }
0x93: {  	s2 =	sld [smem:$0x3FFC];
	_ =	sdelay $0x3  }
0x94: {  	_ =	strace s2  }
0x95: {  	s2 =	sld [smem:$0x3FFD];
	_ =	sdelay $0x3  }
0x96: {  	_ =	strace s2  }
0x97: {  	_ =	strace $0x8FFFFFFF  }
0x98: {  	s18 =	sld [smem:$0x3FDB];
	_ =	sdelay $0x1  }
0x99: {  	s19 =	simm.s32 $_scs_section_size  }
0x9a: {  	s4 =	simm.s32 $_size__tile_overlayer_lowered;
	s5 =	simm.s32 $_tile_overlayer_lowered  }
0x9b: {  	s22 =	simm.s32 $0x1BFF;
	s21 =	sshll.u32 s5, $0x1;
	s2 =	sadd.s32 s19, s18  }
0x9c: {  	s6 =	simm.s32 $0x0;
	s20 =	sshll.u32 s4, $0x1;
	s4 =	sadd.s32 s21, s2  }
0x9d: {  	[timem:s6], [sflag:s22] =	dma.local [hbm:s4], s20  }
0x9e: {  	_ =	swait.ge [sflag:s22], s20  }
0x9f: {  	s3 =	ssub.s32 $0x0, s20;
	[sflag:s22] =	ssyncset.done $0x0  }
0xa0: {  	[sflag:s22] =	ssyncadd.s32 s3;
	_ =	sdelay $0x1  }
0xa1: {  	s23 =	simm.s32 $0x1B8B  }
0xa2: {  	_ =	swait.ge [sflag:s23], $0x1  }
0xa3: {  	[sflag:s23] =	ssyncset.done $0x0  }
0xa4: {  	s25 =	simm.s32 $0x1B8E;
	s24 =	sld [smem:$0x3FFE];
	[sflag:s23] =	ssyncadd.s32 $0xFFFFFFFF  }
0xa5: {  	s26 =	simm.s32 $execute0_lowered;
	[smem:$0x3FD2] =	sst s25  }
0xa6: {  	s4 =	sshll.u32 s26, $0x1;
	_ =	strace $0x80000055;
	[dreg:$0x1] =	wrdreg $0xFFFFFFFF  }
0xa7: {  	s28 =	simm.s32 $_size_execute0_lowered;
	s2 =	sadd.s32 s2, s4;
	[dreg:$0x0] =	wrdreg $0x0  }
0xa8: {  	s4 =	sshll.u32 s28, $0x1;
	[dreg:$0x2] =	wrdreg s2  }
0xa9: {  	[dreg:$0x3] =	wrdreg s4  }
0xaa: {  	[dreg:$0x4] =	wrdreg $0xC0  }
0xab: {  	_ =	task [dreg:s6], $0x5FFFF  }
0xac: {  	[dreg:$0x1] =	wrdreg $0xFFFFFFFF  }
0xad: {  	[dreg:$0x0] =	wrdreg $0x60  }
0xae: {  	[dreg:$0x2] =	wrdreg s24  }
0xaf: {  	[dreg:$0x3] =	wrdreg $0x9  }
0xb0: {  	_ =	task.clear_ibuf [dreg:s6], $0x4FFFF;
	_ =	strace $0x90000055  }
0xb1: {  	s29 =	simm.s32 $0x9;
	_ =	strace $0x80000057  }
0xb2: {  	_ =	swait.ge [sflag:s29], $0x1  }
0xb3: {  	[sflag:s29] =	ssyncadd.s32 $0xFFFFFFFF  }
0xb4: {  	_ =	strace $0x90000057  }
0xb5: {  	_ =	sfence  }
0xb6: {  	s30 =	sld [smem:$0x0];
	_ =	sdelay $0x2  }
0xb7: {  	s31 =	sshll.u32 s1, $0xD;
	s1 =	sshrl.u32 s1, $0x2  }
0xb8: {  	s3 =	sand.u32 $0x4000, s31;
	s1 =	sadd.s32 s1, s30  }
0xb9: {  	s0 =	sor.u32 s3, s0;
	s1 =	sshll.u32 s1, $0x11  }
0xba: {  	s0 =	sor.u32 s1, s0  }
0xbb: {  	s0 =	sadd.s32 $0x8F2B, s0  }
0xbc: {  	[sflag:s0] =	ssyncadd.remote.s32 $0x1  }
0xbd: {  	_ =	sfence.sel $0xFFFF  }
0xbe: {  	[dreg:$0x0] =	wrdreg $0xFFFFFFFF;
	(pc) =	sbr.abs _section_cstart, $3  }
0xbf: {  	[dreg:$0x1] =	wrdreg $0xFFFFFFFF  }
0xc0: {  	_ =	task.clear_ibuf [dreg:s6], $0x2FFFF;
	_ =	strace $0x9FFFFFFF  }
0xc1: {  	(tm) =	ssettm $0x7FFFFFFF  }
tec
execute0_lowered:
.L_overlay_start_1:
0x0: {  	(tag) =	ssettag $0x1  }
0x1: {  	s7 =	rddreg [dreg:$0x0]  }
0x2: {  	s0 =	rddreg [dreg:$0x1];
	_ =	strace $0x80000056  }
0x3: {  	s1 =	srdreg.scid;
	s9 =	simm.s32 $0x3;
	s14 =	simm.s32 $0x0  }
0x4: {  	s10 =	simm.s32 $0xFF;
	p0 =	por $0x0, $0x0;
	s12 =	simm.s32 $0x0  }
0x5: {  	s11 =	simm.s32 $0x0;
	s2 =	sadd.s32 $0xE00, s7;
	s4 =	sshll.u32 s1, $0x4  }
.Ltmp0:
0x6: {  	s1 =	stileid.u32;
	s5 =	sand.u32 $0x10, s4;
	(pc) =	sbr.rel .LBB2_1-.Ltmp0, $4  }
0x7: {  	vm0 =	vmmov $0xff;
	s3 =	sadd.s32 $0x304E00, s7;
	s4 =	simm.s32 $0x1;
	s6 =	sor.u32 s1, s5  }
0x8: {  	vm1 =	vcmask $0x3F20;
	v0 =	vimm.s32 $0x4;
	v1 =	vimm.s32 $0x0;
	[sflag:s4] =	ssyncpa.u1 $0x0;
	s5 =	simm.s32 $0x2;
	s6 =	sshll.u32 s6, $0xC  }
0x9: {  	v2 =	vimm.s32 $0x1;
	v3 =	vimm.s32 $0x2;
	v4 =	vimm.s32 $0x3;
	s7 =	sadd.s32 $0x100E00, s7;
	[sflag:s5] =	ssyncpa.u1 $0x0;
	s8 =	sadd.s32 $0x1000, s6  }
0xa: {  	v5 =	vimm.s32 $0x5;
	v6 =	vimm.s32 $0x6;
	v7 =	vimm.s32 $0x7;
	[sflag:s9] =	ssyncpa.u1 $0x0;
	s9 =	simm.s32 $0xFFFF0000;
	s13 =	smov.u32 s6  }
.LBB2_12:
0xb: {  	p1 =	slt.u32 s11, $0x3  }
0xc: {  	s15 =	simm.s32 @!p1 $0x3  }
0xd: {  	_ =	swait.ge @!p1 [sflag:s15], $0x4000  }
0xe: {  	s11 =	sadd.s32 $0x1, s11;
	[sflag:s15] =	ssyncset.done @!p1 $0x0  }
0xf: {  	[sflag:s15] =	ssyncadd.s32 @!p1 $0xFFFFC000;
	p1 =	sne.s32 s11, $0x13  }
.Ltmp1:
0x10: {  	_ = 	snop;
	(pc) =	sbr.rel @!p1 .LBB2_13-.Ltmp1, $4  }
0x11: {  	s16 =	sadd.s32 $0x100, s13  }
0x12: {  	s17 =	smov.u32 s6;
	s14 =	smov.u32 s12;
	p2 =	slt.s32 s16, s8  }
0x13: {  	s12 =	smov.u32 s13;
	s9 =	sadd.s32 $0x10000, s9;
	s17 =	smov.u32 @p2 s16  }
0x14: {  	s10 =	sadd.s32 $0x1, s10;
	p0 =	por !p0, !p0;
	s13 =	smov.u32 s17  }
.LBB2_1:
0x15: {  	p1 =	sgt.u32 s11, $0xF  }
0x16: {  	s15 =	smul.u32 @!p1 $0xAB, s11;
	_ =	sdelay $0x1  }
0x17: {  	s15 =	sshrl.u32 @!p1 s15, $0x9  }
0x18: {  	s15 =	sand.u32 @!p1 $0x7F, s15  }
0x19: {  	s15 =	smul.u32 @!p1 $0x3, s15;
	_ =	sdelay $0x1  }
0x1a: {  	s15 =	ssub.s32 @!p1 s11, s15  }
0x1b: {  	s31 =	sadd.s32 $0xFFFFFFFF, s11;
	s16 =	sshrl.u32 @!p1 s13, $0x3;
	s15 =	sand.u32 @!p1 $0xFF, s15  }
0x1c: {  	s17 =	sand.u32 @!p1 $0x7, s13;
	s16 =	sadd.s32 @!p1 s3, s16;
	s15 =	sshll.u32 @!p1 s15, $0x8  }
0x1d: {  	[tilespmem:s15], [sflag:$0x1] =	stream.linear.gather @!p1 [hbm4b:s16+s17], $0x100, $0x38;
	[tilespmem:$0x18300] =	vst v63  }
0x1e: {  	p1 =	sgt.u32 s31, $0xF  }
.Ltmp2:
0x1f: {  	_ = 	snop;
	(pc) =	sbr.rel @p1 .LBB2_5-.Ltmp2, $1  }
0x20: {  	_ =	sdelay $0x3  }
0x21: {  	s15 =	sand.u32 $0xFF, s10  }
0x22: {  	s16 =	smulhi.u32 $0x55555556, s15;
	_ =	sdelay $0x1  }
0x23: {  	s16 =	smul.u32 $0xC00, s16  }
0x24: {  	s15 =	sshll.u32 s15, $0xA  }
0x25: {  	_ =	swait.ge [sflag:s4], $0x100;
	s15 =	ssub.s32 s15, s16  }
0x26: {  	[sflag:s4] =	ssyncset.done $0x0;
	s15 =	sshra.s32 s15, $0x2  }
0x27: {  	[sflag:s4] =	ssyncadd.s32 $0xFFFFFF00;
	s29 =	sadd.s32 $0x0, s15  }
0x28: {  	v8 =	vld.msk [tilespmem:s29+$0x0 ss:$0x1], $0xffff;
	_ =	sdelay $0x4  }
0x29: {  	vm2 =	vgt.s32 v8, $0x0  }
0x2a: {  	v8 =	vnsel vm2, $0x0, v8  }
0x2b: {  	v9 =	vmin.u32 v8, $0x1FFFF  }
0x2c: {  	v8 =	vmov s15;
	v10 =	vshll.u32 v9, $0x3  }
0x2d: {  	v10 =	vand.u32 $0xFFFF0, v10  }
0x2e: {  	s30 =	sshrl.u32 s9, $0x1  }
0x2f: {  	s16 =	sand.u32 $0x8000, s30  }
0x30: {  	s17 =	simm.s32 $0x0;
	s16 =	sor.u32 $0x700, s16;
	v9 =	vand.u32 $0x1, v9  }
0x31: {  	s18 =	sadd.s32 $0xFFFFFC00, s16;
	[tilespmem:v8+s17+$0x0 ss:$0x1] =	vst.idx.msk $0xffff, v9  }
0x32: {  	[tilespmem:s18], [sflag:$0x2] =	stream.indirect_vreg.gather [hbm:s2], $0x80, v10, vm0, $0x38;
	[tilespmem:$0x18300] =	vst v63  }
0x33: {  	s31 =	sadd.s32 $0x10, s15  }
0x34: {  	[tilespmem:s16], [sflag:$0x2] =	stream.indirect_vreg.gather [hbm:s2], $0x80, v10, vm1, $0x38;
	[tilespmem:$0x18300] =	vst v63  }
0x35: {  	s17 =	simm.s32 $0x10;
	s18 =	simm.s32 $0x80;
	v9 =	vld.msk [tilespmem:s31+$0x0 ss:$0x1], $0xffff  }
.LBB2_3:
0x36: {  	p1 =	sne.s32 s18, $0x3C0;
	_ =	sdelay $0x4  }
0x37: {  	vm2 =	vgt.s32 v9, $0x0  }
0x38: {  	v9 =	vnsel vm2, $0x0, v9  }
0x39: {  	v9 =	vmin.u32 v9, $0x1FFFF  }
0x3a: {  	v10 =	vshll.u32 v9, $0x3  }
0x3b: {  	v10 =	vand.u32 $0xFFFF0, v10;
	_ =	sdelay $0x2  }
0x3c: {  	s16 =	sadd.s32 $0x800, s16  }
.Ltmp3:
0x3d: {  	s19 =	sshra.s32 s18, $0x2;
	s20 =	sadd.s32 $0xFFFFFC00, s16;
	v9 =	vand.u32 $0x1, v9;
	(pc) =	sbr.rel @p1 .LBB2_3-.Ltmp3, $4  }
0x3e: {  	[tilespmem:v8+s17+$0x0 ss:$0x1] =	vst.idx.msk $0xffff, v9;
	[tilespmem:s20], [sflag:$0x2] =	stream.indirect_vreg.gather [hbm:s2], $0x80, v10, vm0, $0x38  }
0x3f: {  	s20 =	sadd.s32 s19, s15;
	s17 =	smov.u32 s19  }
0x40: {  	[tilespmem:s16], [sflag:$0x2] =	stream.indirect_vreg.gather [hbm:s2], $0x80, v10, vm1, $0x38;
	[tilespmem:$0x18300] =	vst v63  }
0x41: {  	s18 =	sadd.s32 $0x40, s18;
	v9 =	vld.msk [tilespmem:s20+$0x0 ss:$0x1], $0xffff  }
0x42: {  	_ =	sdelay $0x3  }
0x43: {  	vm2 =	vgt.s32 v9, $0x0  }
0x44: {  	v9 =	vnsel vm2, $0x0, v9  }
0x45: {  	v9 =	vmin.u32 v9, $0x1FFFF  }
0x46: {  	v10 =	vshll.u32 v9, $0x3  }
0x47: {  	v10 =	vand.u32 $0xFFFF0, v10;
	_ =	sdelay $0x2  }
0x48: {  	s15 =	sadd.s32 $0x800, s16;
	v9 =	vand.u32 $0x1, v9  }
0x49: {  	s16 =	sadd.s32 $0xFFFFFC00, s15;
	[tilespmem:v8+s17+$0x0 ss:$0x1] =	vst.idx.msk $0xffff, v9  }
0x4a: {  	[tilespmem:s16], [sflag:$0x2] =	stream.indirect_vreg.gather [hbm:s2], $0x80, v10, vm0, $0x38;
	[tilespmem:$0x18300] =	vst v63  }
0x4b: {  	_ = 	snop  }
0x4c: {  	[tilespmem:s15], [sflag:$0x2] =	stream.indirect_vreg.gather [hbm:s2], $0x80, v10, vm1, $0x38;
	[tilespmem:$0x18300] =	vst v63  }
.LBB2_5:
0x4d: {  	p1 =	sgt.u32 s11, $0x12  }
.Ltmp4:
0x4e: {  	_ = 	snop;
	(pc) =	sbr.rel @p1 .LBB2_7-.Ltmp4, $1  }
0x4f: {  	_ =	sdelay $0x3  }
0x50: {  	s15 =	sshll.u32 s4, s11  }
0x51: {  	s15 =	sand.u32 $0x40003, s15  }
0x52: {  	p1 =	sne.s32 s15, $0x0  }
.Ltmp5:
0x53: {  	_ = 	snop;
	(pc) =	sbr.rel @p1 .LBB2_12-.Ltmp5, $1  }
0x54: {  	_ =	sdelay $0x3  }
.LBB2_7:
0x55: {  	s16 =	sadd.s32 $0xFFFFFFFE, s11  }
0x56: {  	s15 =	smulhi.u32 $0xAAAAAAAB, s16  }
0x57: {  	s17 =	simm.s32 $0x1;
	s30 =	sand.u32 $0x1, s11  }
0x58: {  	_ =	swait.ge [sflag:s5], $0x8000;
	s17 =	simm.s32 @!p0 $0x0;
	s15 =	sshrl.u32 s15, $0x1  }
0x59: {  	s31 =	sshll.u32 s30, $0xF;
	[sflag:s5] =	ssyncset.done $0x0;
	s18 =	smul.u32 $0x3, s15  }
0x5a: {  	s29 =	sshll.u32 s17, $0xE;
	s17 =	sshll.u32 s30, $0xE;
	[sflag:s5] =	ssyncadd.s32 $0xFFFF8000  }
0x5b: {  	s19 =	sor.u32 $0x10300, s17;
	s16 =	ssub.s32 s16, s18;
	s18 =	sor.u32 $0x300, s31  }
0x5c: {  	s17 =	simm.s32 $0x0;
	s15 =	sor.u32 $0x10300, s29;
	v9 =	vmov s19;
	s16 =	sshll.u32 s16, $0x8;
	v8 =	vmov s18  }
.LBB2_8:
0x5d: {  	s18 =	sshll.u32 s17, $0x3  }
0x5e: {  	s18 =	sand.u32 $0x3FFFFFF8, s18  }
0x5f: {  	s18 =	sadd.s32 s18, s16  }
0x60: {  	v10 =	vld.msk [tilespmem:s18+$0x0 ss:$0x1], $0xff  }
0x61: {  	s21 =	sshll.u32 s17, $0xA  }
0x62: {  	s20 =	sand.u32 $0x3FFFFC00, s21  }
0x63: {  	v11 =	vld.idx.msk [tilespmem:v8+s20+$0x0 ss:$0x1], $0xffff  }
0x64: {  	v12 =	vld.idx.msk [tilespmem:v8+s20+$0x80 ss:$0x1], $0xffff  }
0x65: {  	v10 =	vshll.u32 v10, $0x4  }
0x66: {  	v13 =	vperm.xlane v10, v2  }
0x67: {  	v15 =	vperm.xlane v10, v1  }
0x68: {  	v20 =	vsub.s32 $0x10, v13  }
0x69: {  	v11 =	vshrl.u32 v11, v15;
	v12 =	vshll.u32 v12, v20  }
0x6a: {  	s22 =	sshll.u32 s17, $0x9;
	v14 =	vld.idx.msk [tilespmem:v8+s20+$0x10 ss:$0x1], $0xffff;
	v11 =	vand.u32 $0xFFFF, v11;
	v12 =	vand.u32 $0xFFFF0000, v12  }
0x6b: {  	v17 =	vld.idx.msk [tilespmem:v8+s20+$0x90 ss:$0x1], $0xffff;
	s18 =	sand.u32 $0x3FFFFE00, s22;
	v11 =	vor.u32 v11, v12  }
0x6c: {  	v63 =	vld.idx.msk [tilespmem:v8+s20+$0x20 ss:$0x1], $0xffff;
	[tilespmem:v9+s18+$0x0 ss:$0x1] =	vst.idx.msk $0xffff, v11  }
0x6d: {  	v59 =	vld.idx.msk [tilespmem:v8+s20+$0x100 ss:$0x1], $0xffff  }
0x6e: {  	v60 =	vld.idx.msk [tilespmem:v8+s20+$0x180 ss:$0x1], $0xffff  }
0x6f: {  	v25 =	vld.idx.msk [tilespmem:v8+s20+$0xA0 ss:$0x1], $0xffff  }
0x70: {  	v23 =	vld.idx.msk [tilespmem:v8+s20+$0x30 ss:$0x1], $0xffff;
	v16 =	vperm.xlane v10, v4  }
0x71: {  	v33 =	vld.idx.msk [tilespmem:v8+s20+$0x40 ss:$0x1], $0xffff;
	v11 =	vperm.xlane v10, v3  }
0x72: {  	v38 =	vld.idx.msk [tilespmem:v8+s20+$0x50 ss:$0x1], $0xffff;
	v19 =	vsub.s32 $0x10, v16  }
0x73: {  	v53 =	vld.idx.msk [tilespmem:v8+s20+$0x60 ss:$0x1], $0xffff;
	v61 =	vshrl.u32 v14, v15;
	v12 =	vshrl.u32 v59, v11;
	v13 =	vshll.u32 v60, v19  }
0x74: {  	v54 =	vld.idx.msk [tilespmem:v8+s20+$0xE0 ss:$0x1], $0xffff;
	v62 =	vshll.u32 v17, v20;
	v12 =	vand.u32 $0xFFFF, v12;
	v13 =	vand.u32 $0xFFFF0000, v13  }
0x75: {  	v56 =	vld.idx.msk [tilespmem:v8+s20+$0x70 ss:$0x1], $0xffff;
	v18 =	vand.u32 $0xFFFF, v61;
	v24 =	vand.u32 $0xFFFF0000, v62;
	v12 =	vor.u32 v12, v13  }
0x76: {  	[tilespmem:v9+s18+$0x80 ss:$0x1] =	vst.idx.msk $0xffff, v12;
	v12 =	vor.u32 v18, v24;
	v24 =	vld.idx.msk [tilespmem:v8+s20+$0xB0 ss:$0x1], $0xffff  }
0x77: {  	v21 =	vld.idx.msk [tilespmem:v8+s20+$0x200 ss:$0x1], $0xffff  }
0x78: {  	v16 =	vshrl.u32 v63, v15;
	v14 =	vshll.u32 v25, v20;
	v26 =	vld.idx.msk [tilespmem:v8+s20+$0x280 ss:$0x1], $0xffff  }
0x79: {  	v57 =	vld.idx.msk [tilespmem:v8+s20+$0xF0 ss:$0x1], $0xffff;
	v16 =	vand.u32 $0xFFFF, v16;
	v14 =	vand.u32 $0xFFFF0000, v14;
	[tilespmem:v9+s18+$0x10 ss:$0x1] =	vst.idx.msk $0xffff, v12  }
0x7a: {  	v14 =	vor.u32 v16, v14;
	v18 =	vperm.xlane v10, v5;
	v12 =	vld.idx.msk [tilespmem:v8+s20+$0x110 ss:$0x1], $0xffff  }
0x7b: {  	v36 =	vshrl.u32 v23, v15;
	v17 =	vperm.xlane v10, v0;
	[tilespmem:v9+s18+$0x20 ss:$0x1] =	vst.idx.msk $0xffff, v14;
	v22 =	vld.idx.msk [tilespmem:v8+s20+$0x190 ss:$0x1], $0xffff  }
0x7c: {  	v46 =	vshrl.u32 v38, v15;
	v39 =	vand.u32 $0xFFFF, v36;
	v29 =	vld.idx.msk [tilespmem:v8+s20+$0x120 ss:$0x1], $0xffff;
	v18 =	vsub.s32 $0x10, v18  }
0x7d: {  	s19 =	sor.u32 $0x1, s17;
	v31 =	vld.idx.msk [tilespmem:v8+s20+$0x1A0 ss:$0x1], $0xffff;
	v37 =	vshll.u32 v24, v20;
	v21 =	vshrl.u32 v21, v17;
	v13 =	vshll.u32 v26, v18  }
0x7e: {  	s23 =	sshll.u32 s19, $0xA;
	v25 =	vld.idx.msk [tilespmem:v8+s20+$0xC0 ss:$0x1], $0xffff;
	v23 =	vand.u32 $0xFFFF0000, v37;
	v27 =	vand.u32 $0xFFFF, v21;
	v13 =	vand.u32 $0xFFFF0000, v13  }
0x7f: {  	s22 =	sand.u32 $0x3FFFFC00, s23;
	v12 =	vshrl.u32 v12, v11;
	v23 =	vor.u32 v39, v23;
	v13 =	vor.u32 v27, v13;
	v27 =	vld.idx.msk [tilespmem:v8+s20+$0xD0 ss:$0x1], $0xffff  }
0x80: {  	v28 =	vshll.u32 v22, v19;
	[tilespmem:v9+s18+$0x30 ss:$0x1] =	vst.idx.msk $0xffff, v23;
	v23 =	vand.u32 $0xFFFF, v46;
	v46 =	vld.idx.msk [tilespmem:v8+s22+$0x10 ss:$0x1], $0xffff  }
0x81: {  	v16 =	vshrl.u32 v29, v11;
	v30 =	vand.u32 $0xFFFF, v12;
	v14 =	vand.u32 $0xFFFF0000, v28;
	v28 =	vld.idx.msk [tilespmem:v8+s20+$0x130 ss:$0x1], $0xffff  }
0x82: {  	v21 =	vshll.u32 v31, v19;
	[tilespmem:v9+s18+$0x100 ss:$0x1] =	vst.idx.msk $0xffff, v13;
	v14 =	vor.u32 v30, v14;
	v43 =	vld.idx.msk [tilespmem:v8+s20+$0x1B0 ss:$0x1], $0xffff  }
0x83: {  	v16 =	vand.u32 $0xFFFF, v16;
	v21 =	vand.u32 $0xFFFF0000, v21;
	v12 =	vld.idx.msk [tilespmem:v8+s20+$0x300 ss:$0x1], $0xffff;
	[tilespmem:v9+s18+$0x90 ss:$0x1] =	vst.idx.msk $0xffff, v14  }
0x84: {  	v16 =	vor.u32 v16, v21;
	v14 =	vld.idx.msk [tilespmem:v8+s20+$0x210 ss:$0x1], $0xffff  }
0x85: {  	v25 =	vshll.u32 v25, v20;
	v21 =	vshrl.u32 v33, v15;
	[tilespmem:v9+s18+$0xA0 ss:$0x1] =	vst.idx.msk $0xffff, v16;
	v32 =	vld.idx.msk [tilespmem:v8+s20+$0x290 ss:$0x1], $0xffff  }
0x86: {  	v40 =	vand.u32 $0xFFFF0000, v25;
	v21 =	vand.u32 $0xFFFF, v21;
	v35 =	vld.idx.msk [tilespmem:v8+s20+$0x220 ss:$0x1], $0xffff  }
0x87: {  	v26 =	vld.idx.msk [tilespmem:v8+s20+$0x2A0 ss:$0x1], $0xffff;
	v21 =	vor.u32 v21, v40  }
0x88: {  	s21 =	sshll.u32 s19, $0x3;
	v13 =	vld.idx.msk [tilespmem:v8+s20+$0x380 ss:$0x1], $0xffff;
	[tilespmem:v9+s18+$0x40 ss:$0x1] =	vst.idx.msk $0xffff, v21;
	v47 =	vshll.u32 v27, v20  }
0x89: {  	s21 =	sand.u32 $0x3FFFFFF8, s21;
	v45 =	vld.idx.msk [tilespmem:v8+s20+$0x140 ss:$0x1], $0xffff;
	v24 =	vand.u32 $0xFFFF0000, v47  }
0x8a: {  	s21 =	sadd.s32 s21, s16;
	v48 =	vld.idx.msk [tilespmem:v8+s20+$0x1C0 ss:$0x1], $0xffff;
	v50 =	vshll.u32 v43, v19;
	v23 =	vor.u32 v23, v24  }
0x8b: {  	v49 =	vshrl.u32 v28, v11;
	v43 =	vld.msk [tilespmem:s21+$0x0 ss:$0x1], $0xff;
	v24 =	vand.u32 $0xFFFF0000, v50;
	v14 =	vshrl.u32 v14, v17;
	[tilespmem:v9+s18+$0x50 ss:$0x1] =	vst.idx.msk $0xffff, v23  }
0x8c: {  	v34 =	vshll.u32 v32, v18;
	v22 =	vshrl.u32 v35, v17;
	v41 =	vshll.u32 v26, v18;
	v51 =	vld.idx.msk [tilespmem:v8+s20+$0x150 ss:$0x1], $0xffff  }
0x8d: {  	v23 =	vand.u32 $0xFFFF, v49;
	v22 =	vand.u32 $0xFFFF, v22;
	v42 =	vand.u32 $0xFFFF0000, v41;
	v52 =	vld.idx.msk [tilespmem:v8+s20+$0x1D0 ss:$0x1], $0xffff  }
0x8e: {  	v23 =	vor.u32 v23, v24;
	v44 =	vor.u32 v22, v42;
	v22 =	vshrl.u32 v45, v11;
	v45 =	vld.idx.msk [tilespmem:v8+s22+$0x80 ss:$0x1], $0xffff  }
0x8f: {  	v14 =	vand.u32 $0xFFFF, v14;
	v16 =	vand.u32 $0xFFFF0000, v34;
	v21 =	vshll.u32 v48, v19;
	[tilespmem:v9+s18+$0xB0 ss:$0x1] =	vst.idx.msk $0xffff, v23;
	v48 =	vld.idx.msk [tilespmem:v8+s22+$0x90 ss:$0x1], $0xffff  }
0x90: {  	v14 =	vor.u32 v14, v16;
	v29 =	vld.idx.msk [tilespmem:v8+s20+$0x230 ss:$0x1], $0xffff  }
0x91: {  	[tilespmem:v9+s18+$0x110 ss:$0x1] =	vst.idx.msk $0xffff, v14;
	v55 =	vld.idx.msk [tilespmem:v8+s20+$0x2B0 ss:$0x1], $0xffff  }
0x92: {  	[tilespmem:v9+s18+$0x120 ss:$0x1] =	vst.idx.msk $0xffff, v44;
	v44 =	vld.idx.msk [tilespmem:v8+s22+$0x0 ss:$0x1], $0xffff  }
0x93: {  	v16 =	vld.idx.msk [tilespmem:v8+s20+$0x310 ss:$0x1], $0xffff  }
0x94: {  	v22 =	vand.u32 $0xFFFF, v22;
	v21 =	vand.u32 $0xFFFF0000, v21;
	v14 =	vld.idx.msk [tilespmem:v8+s20+$0x390 ss:$0x1], $0xffff  }
0x95: {  	v24 =	vshrl.u32 v53, v15;
	v23 =	vshll.u32 v54, v20;
	v27 =	vld.idx.msk [tilespmem:v8+s20+$0x320 ss:$0x1], $0xffff;
	v21 =	vor.u32 v22, v21  }
0x96: {  	v24 =	vand.u32 $0xFFFF, v24;
	v23 =	vand.u32 $0xFFFF0000, v23;
	v26 =	vld.idx.msk [tilespmem:v8+s20+$0x3A0 ss:$0x1], $0xffff;
	[tilespmem:v9+s18+$0xC0 ss:$0x1] =	vst.idx.msk $0xffff, v21  }
0x97: {  	v15 =	vshrl.u32 v56, v15;
	v20 =	vshll.u32 v57, v20;
	v23 =	vor.u32 v24, v23;
	v21 =	vld.idx.msk [tilespmem:v8+s20+$0x240 ss:$0x1], $0xffff  }
0x98: {  	v15 =	vand.u32 $0xFFFF, v15;
	v20 =	vand.u32 $0xFFFF0000, v20;
	[tilespmem:v9+s18+$0x60 ss:$0x1] =	vst.idx.msk $0xffff, v23;
	v30 =	vld.idx.msk [tilespmem:v8+s20+$0x2C0 ss:$0x1], $0xffff  }
0x99: {  	v15 =	vor.u32 v15, v20;
	v61 =	vld.idx.msk [tilespmem:v8+s20+$0x160 ss:$0x1], $0xffff  }
0x9a: {  	[tilespmem:v9+s18+$0x70 ss:$0x1] =	vst.idx.msk $0xffff, v15;
	v25 =	vshrl.u32 v51, v11;
	v28 =	vshll.u32 v52, v19;
	v63 =	vld.idx.msk [tilespmem:v8+s20+$0x1E0 ss:$0x1], $0xffff  }
0x9b: {  	v39 =	vld.idx.msk [tilespmem:v8+s20+$0x170 ss:$0x1], $0xffff;
	v25 =	vand.u32 $0xFFFF, v25;
	v28 =	vand.u32 $0xFFFF0000, v28  }
0x9c: {  	v42 =	vld.idx.msk [tilespmem:v8+s20+$0x1F0 ss:$0x1], $0xffff;
	v25 =	vor.u32 v25, v28;
	v29 =	vshrl.u32 v29, v17;
	v22 =	vshll.u32 v55, v18  }
0x9d: {  	v51 =	vld.idx.msk [tilespmem:v8+s22+$0x20 ss:$0x1], $0xffff;
	[tilespmem:v9+s18+$0xD0 ss:$0x1] =	vst.idx.msk $0xffff, v25;
	v58 =	vand.u32 $0xFFFF, v29;
	v22 =	vand.u32 $0xFFFF0000, v22  }
0x9e: {  	v31 =	vld.idx.msk [tilespmem:v8+s20+$0x250 ss:$0x1], $0xffff;
	v22 =	vor.u32 v58, v22;
	v21 =	vshrl.u32 v21, v17;
	v60 =	vshll.u32 v30, v18  }
0x9f: {  	v59 =	vld.idx.msk [tilespmem:v8+s20+$0x2D0 ss:$0x1], $0xffff;
	[tilespmem:v9+s18+$0x130 ss:$0x1] =	vst.idx.msk $0xffff, v22;
	v21 =	vand.u32 $0xFFFF, v21;
	v62 =	vand.u32 $0xFFFF0000, v60  }
0xa0: {  	v37 =	vshrl.u32 v61, v11;
	v38 =	vshll.u32 v63, v19;
	v33 =	vld.idx.msk [tilespmem:v8+s20+$0x330 ss:$0x1], $0xffff;
	v21 =	vor.u32 v21, v62  }
0xa1: {  	v32 =	vld.idx.msk [tilespmem:v8+s20+$0x3B0 ss:$0x1], $0xffff;
	v40 =	vand.u32 $0xFFFF, v37;
	v41 =	vand.u32 $0xFFFF0000, v38;
	[tilespmem:v9+s18+$0x140 ss:$0x1] =	vst.idx.msk $0xffff, v21  }
0xa2: {  	v11 =	vshrl.u32 v39, v11;
	v19 =	vshll.u32 v42, v19;
	v20 =	vor.u32 v40, v41;
	v30 =	vld.idx.msk [tilespmem:v8+s20+$0x340 ss:$0x1], $0xffff  }
0xa3: {  	v23 =	vand.u32 $0xFFFF, v11;
	v19 =	vand.u32 $0xFFFF0000, v19;
	v11 =	vshll.u32 v43, $0x4;
	[tilespmem:v9+s18+$0xE0 ss:$0x1] =	vst.idx.msk $0xffff, v20;
	v28 =	vld.idx.msk [tilespmem:v8+s20+$0x3C0 ss:$0x1], $0xffff  }
0xa4: {  	v19 =	vor.u32 v23, v19;
	v47 =	vperm.xlane v11, v2;
	v39 =	vperm.xlane v11, v1;
	v20 =	vld.idx.msk [tilespmem:v8+s20+$0x260 ss:$0x1], $0xffff  }
0xa5: {  	[tilespmem:v9+s18+$0xF0 ss:$0x1] =	vst.idx.msk $0xffff, v19;
	v25 =	vshrl.u32 v31, v17;
	v35 =	vshll.u32 v59, v18;
	v49 =	vld.idx.msk [tilespmem:v8+s20+$0x2E0 ss:$0x1], $0xffff  }
0xa6: {  	v19 =	vld.idx.msk [tilespmem:v8+s20+$0x270 ss:$0x1], $0xffff;
	v40 =	vsub.s32 $0x10, v47;
	v34 =	vand.u32 $0xFFFF, v25;
	v36 =	vand.u32 $0xFFFF0000, v35  }
0xa7: {  	v50 =	vshrl.u32 v44, v39;
	v54 =	vld.idx.msk [tilespmem:v8+s20+$0x2F0 ss:$0x1], $0xffff;
	v22 =	vshll.u32 v45, v40;
	v15 =	vor.u32 v34, v36  }
0xa8: {  	s19 =	sshll.u32 s19, $0x9;
	v23 =	vand.u32 $0xFFFF, v50;
	v22 =	vand.u32 $0xFFFF0000, v22;
	v34 =	vld.idx.msk [tilespmem:v8+s22+$0xA0 ss:$0x1], $0xffff;
	[tilespmem:v9+s18+$0x150 ss:$0x1] =	vst.idx.msk $0xffff, v15  }
0xa9: {  	s19 =	sand.u32 $0x3FFFFE00, s19;
	v21 =	vshrl.u32 v46, v39;
	v52 =	vshll.u32 v48, v40;
	v22 =	vor.u32 v23, v22;
	v15 =	vld.idx.msk [tilespmem:v8+s20+$0x350 ss:$0x1], $0xffff  }
0xaa: {  	v21 =	vand.u32 $0xFFFF, v21;
	v55 =	vand.u32 $0xFFFF0000, v52;
	v25 =	vld.idx.msk [tilespmem:v8+s20+$0x3D0 ss:$0x1], $0xffff;
	[tilespmem:v9+s19+$0x0 ss:$0x1] =	vst.idx.msk $0xffff, v22  }
0xab: {  	v21 =	vor.u32 v21, v55;
	v57 =	vld.idx.msk [tilespmem:v8+s22+$0x100 ss:$0x1], $0xffff  }
0xac: {  	[tilespmem:v9+s19+$0x10 ss:$0x1] =	vst.idx.msk $0xffff, v21;
	v58 =	vld.idx.msk [tilespmem:v8+s22+$0x180 ss:$0x1], $0xffff  }
0xad: {  	v35 =	vld.idx.msk [tilespmem:v8+s22+$0x110 ss:$0x1], $0xffff  }
0xae: {  	v62 =	vperm.xlane v11, v4;
	v20 =	vshrl.u32 v20, v17;
	v53 =	vshll.u32 v49, v18;
	v63 =	vld.idx.msk [tilespmem:v8+s22+$0x190 ss:$0x1], $0xffff  }
0xaf: {  	v18 =	vshll.u32 v54, v18;
	v54 =	vld.idx.msk [tilespmem:v8+s22+$0xB0 ss:$0x1], $0xffff;
	v20 =	vand.u32 $0xFFFF, v20;
	v56 =	vand.u32 $0xFFFF0000, v53  }
0xb0: {  	v60 =	vshrl.u32 v51, v39;
	v59 =	vshrl.u32 v19, v17;
	v53 =	vld.idx.msk [tilespmem:v8+s22+$0x30 ss:$0x1], $0xffff;
	v20 =	vor.u32 v20, v56  }
0xb1: {  	v21 =	vand.u32 $0xFFFF, v59;
	v18 =	vand.u32 $0xFFFF0000, v18;
	v61 =	vshll.u32 v34, v40;
	v56 =	vld.idx.msk [tilespmem:v8+s22+$0x40 ss:$0x1], $0xffff;
	[tilespmem:v9+s18+$0x160 ss:$0x1] =	vst.idx.msk $0xffff, v20  }
0xb2: {  	v34 =	vand.u32 $0xFFFF, v60;
	v18 =	vor.u32 v21, v18;
	v19 =	vand.u32 $0xFFFF0000, v61;
	v17 =	vld.idx.msk [tilespmem:v8+s20+$0x360 ss:$0x1], $0xffff  }
0xb3: {  	v37 =	vperm.xlane v11, v3;
	[tilespmem:v9+s18+$0x170 ss:$0x1] =	vst.idx.msk $0xffff, v18;
	v23 =	vor.u32 v34, v19;
	v19 =	vld.idx.msk [tilespmem:v8+s20+$0x3E0 ss:$0x1], $0xffff  }
0xb4: {  	v38 =	vsub.s32 $0x10, v62;
	v24 =	vld.idx.msk [tilespmem:v8+s20+$0x3F0 ss:$0x1], $0xffff  }
0xb5: {  	[tilespmem:v9+s19+$0x20 ss:$0x1] =	vst.idx.msk $0xffff, v23;
	v36 =	vshrl.u32 v57, v37;
	v41 =	vshll.u32 v58, v38;
	v23 =	vld.idx.msk [tilespmem:v8+s20+$0x370 ss:$0x1], $0xffff  }
0xb6: {  	v42 =	vld.idx.msk [tilespmem:v8+s22+$0x120 ss:$0x1], $0xffff;
	v43 =	vand.u32 $0xFFFF, v36;
	v44 =	vand.u32 $0xFFFF0000, v41  }
0xb7: {  	v46 =	vshrl.u32 v35, v37;
	v47 =	vshll.u32 v63, v38;
	v45 =	vld.idx.msk [tilespmem:v8+s22+$0x1A0 ss:$0x1], $0xffff;
	v18 =	vor.u32 v43, v44  }
0xb8: {  	v48 =	vand.u32 $0xFFFF, v46;
	v49 =	vand.u32 $0xFFFF0000, v47;
	v43 =	vld.idx.msk [tilespmem:v8+s22+$0xC0 ss:$0x1], $0xffff;
	[tilespmem:v9+s19+$0x80 ss:$0x1] =	vst.idx.msk $0xffff, v18  }
0xb9: {  	v18 =	vor.u32 v48, v49;
	v50 =	vld.idx.msk [tilespmem:v8+s22+$0x200 ss:$0x1], $0xffff  }
0xba: {  	v52 =	vperm.xlane v11, v5;
	v51 =	vld.idx.msk [tilespmem:v8+s22+$0x280 ss:$0x1], $0xffff;
	[tilespmem:v9+s19+$0x90 ss:$0x1] =	vst.idx.msk $0xffff, v18  }
0xbb: {  	v34 =	vperm.xlane v11, v0;
	v18 =	vld.idx.msk [tilespmem:v8+s22+$0x210 ss:$0x1], $0xffff  }
0xbc: {  	v35 =	vsub.s32 $0x10, v52;
	v63 =	vperm.xlane v10, v7;
	v10 =	vperm.xlane v10, v6;
	v36 =	vld.idx.msk [tilespmem:v8+s22+$0x290 ss:$0x1], $0xffff  }
0xbd: {  	v58 =	vshrl.u32 v53, v39;
	v47 =	vld.idx.msk [tilespmem:v8+s22+$0x70 ss:$0x1], $0xffff;
	v22 =	vshrl.u32 v42, v37;
	v21 =	vshll.u32 v45, v38  }
0xbe: {  	v59 =	vand.u32 $0xFFFF, v58;
	v58 =	vld.idx.msk [tilespmem:v8+s22+$0x60 ss:$0x1], $0xffff;
	v22 =	vand.u32 $0xFFFF, v22;
	v21 =	vand.u32 $0xFFFF0000, v21  }
0xbf: {  	v45 =	vld.idx.msk [tilespmem:v8+s22+$0xD0 ss:$0x1], $0xffff;
	v21 =	vor.u32 v22, v21;
	v29 =	vshrl.u32 v50, v34;
	v20 =	vshll.u32 v51, v35  }
0xc0: {  	[tilespmem:v9+s19+$0xA0 ss:$0x1] =	vst.idx.msk $0xffff, v21;
	v50 =	vshrl.u32 v56, v39;
	v51 =	vshll.u32 v43, v40;
	v29 =	vand.u32 $0xFFFF, v29  }
0xc1: {  	v41 =	vld.idx.msk [tilespmem:v8+s22+$0x220 ss:$0x1], $0xffff;
	v20 =	vand.u32 $0xFFFF0000, v20;
	v18 =	vshrl.u32 v18, v34;
	v55 =	vshll.u32 v36, v35  }
0xc2: {  	v42 =	vld.idx.msk [tilespmem:v8+s22+$0x2A0 ss:$0x1], $0xffff;
	v20 =	vor.u32 v29, v20;
	v18 =	vand.u32 $0xFFFF, v18;
	v57 =	vand.u32 $0xFFFF0000, v55  }
0xc3: {  	v53 =	vand.u32 $0xFFFF, v50;
	v44 =	vand.u32 $0xFFFF0000, v51;
	[tilespmem:v9+s19+$0x100 ss:$0x1] =	vst.idx.msk $0xffff, v20;
	v18 =	vor.u32 v18, v57;
	v57 =	vld.idx.msk [tilespmem:v8+s22+$0x50 ss:$0x1], $0xffff  }
0xc4: {  	s24 =	sor.u32 $0x2, s17;
	v12 =	vshrl.u32 v12, v10;
	v21 =	vshll.u32 v54, v40;
	v54 =	vor.u32 v53, v44;
	v31 =	vld.idx.msk [tilespmem:v8+s22+$0x300 ss:$0x1], $0xffff  }
0xc5: {  	s25 =	sshll.u32 s24, $0x3;
	v27 =	vshrl.u32 v27, v10;
	v36 =	vsub.s32 $0x10, v63;
	[tilespmem:v9+s19+$0x40 ss:$0x1] =	vst.idx.msk $0xffff, v54;
	v29 =	vld.idx.msk [tilespmem:v8+s22+$0x380 ss:$0x1], $0xffff  }
0xc6: {  	s21 =	sand.u32 $0x3FFFFFF8, s25;
	v60 =	vand.u32 $0xFFFF0000, v21;
	v13 =	vshll.u32 v13, v36;
	v55 =	vshrl.u32 v16, v10;
	v56 =	vld.idx.msk [tilespmem:v8+s22+$0x1C0 ss:$0x1], $0xffff  }
0xc7: {  	s21 =	sadd.s32 s21, s16;
	v12 =	vand.u32 $0xFFFF, v12;
	v13 =	vand.u32 $0xFFFF0000, v13;
	[tilespmem:v9+s19+$0x110 ss:$0x1] =	vst.idx.msk $0xffff, v18;
	v18 =	vor.u32 v59, v60;
	v60 =	vld.idx.msk [tilespmem:v8+s22+$0xE0 ss:$0x1], $0xffff  }
0xc8: {  	v33 =	vshrl.u32 v33, v10;
	v12 =	vor.u32 v12, v13;
	v13 =	vand.u32 $0xFFFF, v55;
	v55 =	vld.msk [tilespmem:s21+$0x0 ss:$0x1], $0xff  }
0xc9: {  	v30 =	vshrl.u32 v30, v10;
	v15 =	vshrl.u32 v15, v10;
	v22 =	vld.idx.msk [tilespmem:v8+s22+$0x310 ss:$0x1], $0xffff;
	[tilespmem:v9+s19+$0x30 ss:$0x1] =	vst.idx.msk $0xffff, v18  }
0xca: {  	v33 =	vand.u32 $0xFFFF, v33;
	v30 =	vand.u32 $0xFFFF, v30;
	v17 =	vshrl.u32 v17, v10;
	v49 =	vld.idx.msk [tilespmem:v8+s22+$0x130 ss:$0x1], $0xffff  }
0xcb: {  	v14 =	vshll.u32 v14, v36;
	v26 =	vshll.u32 v26, v36;
	v45 =	vshll.u32 v45, v40;
	v52 =	vld.idx.msk [tilespmem:v8+s22+$0x1B0 ss:$0x1], $0xffff  }
0xcc: {  	s26 =	sshll.u32 s24, $0xA;
	v14 =	vand.u32 $0xFFFF0000, v14;
	v20 =	vld.idx.msk [tilespmem:v8+s22+$0x390 ss:$0x1], $0xffff;
	v61 =	vshrl.u32 v41, v34;
	v62 =	vshll.u32 v42, v35  }
0xcd: {  	s21 =	sand.u32 $0x3FFFFC00, s26;
	v46 =	vor.u32 v13, v14;
	v42 =	vld.idx.msk [tilespmem:v8+s22+$0x140 ss:$0x1], $0xffff;
	v21 =	vand.u32 $0xFFFF, v61;
	v41 =	vand.u32 $0xFFFF0000, v62  }
0xce: {  	[tilespmem:v9+s18+$0x190 ss:$0x1] =	vst.idx.msk $0xffff, v46;
	v46 =	vld.idx.msk [tilespmem:v8+s21+$0xD0 ss:$0x1], $0xffff;
	v48 =	vor.u32 v21, v41;
	v44 =	vshrl.u32 v57, v39  }
0xcf: {  	v32 =	vshll.u32 v32, v36;
	v45 =	vand.u32 $0xFFFF0000, v45;
	[tilespmem:v9+s19+$0x120 ss:$0x1] =	vst.idx.msk $0xffff, v48;
	v44 =	vand.u32 $0xFFFF, v44;
	v48 =	vld.idx.msk [tilespmem:v8+s22+$0xF0 ss:$0x1], $0xffff  }
0xd0: {  	v21 =	vld.idx.msk [tilespmem:v8+s22+$0x320 ss:$0x1], $0xffff;
	v13 =	vor.u32 v44, v45;
	v41 =	vshrl.u32 v49, v37;
	v43 =	vshll.u32 v52, v38  }
0xd1: {  	v26 =	vand.u32 $0xFFFF0000, v26;
	v18 =	vld.idx.msk [tilespmem:v8+s22+$0x3A0 ss:$0x1], $0xffff;
	[tilespmem:v9+s19+$0x50 ss:$0x1] =	vst.idx.msk $0xffff, v13;
	v41 =	vand.u32 $0xFFFF, v41;
	v43 =	vand.u32 $0xFFFF0000, v43  }
0xd2: {  	v16 =	vshll.u32 v56, v38;
	v62 =	vshrl.u32 v42, v37;
	v51 =	vld.idx.msk [tilespmem:v8+s22+$0x150 ss:$0x1], $0xffff;
	v41 =	vor.u32 v41, v43  }
0xd3: {  	v59 =	vand.u32 $0xFFFF, v27;
	v16 =	vand.u32 $0xFFFF0000, v16;
	v52 =	vld.idx.msk [tilespmem:v8+s22+$0x1D0 ss:$0x1], $0xffff;
	[tilespmem:v9+s19+$0xB0 ss:$0x1] =	vst.idx.msk $0xffff, v41;
	v41 =	vand.u32 $0xFFFF, v62  }
0xd4: {  	v14 =	vshll.u32 v60, v40;
	v43 =	vshrl.u32 v58, v39;
	v61 =	vld.idx.msk [tilespmem:v8+s22+$0x230 ss:$0x1], $0xffff;
	v16 =	vor.u32 v41, v16  }
0xd5: {  	v14 =	vand.u32 $0xFFFF0000, v14;
	v39 =	vshrl.u32 v47, v39;
	v43 =	vand.u32 $0xFFFF, v43;
	v63 =	vld.idx.msk [tilespmem:v8+s22+$0x2B0 ss:$0x1], $0xffff;
	[tilespmem:v9+s19+$0xC0 ss:$0x1] =	vst.idx.msk $0xffff, v16  }
0xd6: {  	v41 =	vor.u32 v59, v26;
	v14 =	vor.u32 v43, v14;
	v26 =	vshll.u32 v48, v40;
	v49 =	vld.idx.msk [tilespmem:v8+s22+$0x240 ss:$0x1], $0xffff  }
0xd7: {  	v28 =	vshll.u32 v28, v36;
	v39 =	vand.u32 $0xFFFF, v39;
	[tilespmem:v9+s19+$0x60 ss:$0x1] =	vst.idx.msk $0xffff, v14;
	v40 =	vand.u32 $0xFFFF0000, v26;
	v50 =	vld.idx.msk [tilespmem:v8+s22+$0x2C0 ss:$0x1], $0xffff  }
0xd8: {  	v25 =	vshll.u32 v25, v36;
	v19 =	vshll.u32 v19, v36;
	v53 =	vld.idx.msk [tilespmem:v8+s22+$0x160 ss:$0x1], $0xffff;
	v40 =	vor.u32 v39, v40  }
0xd9: {  	v10 =	vshrl.u32 v23, v10;
	v32 =	vand.u32 $0xFFFF0000, v32;
	v28 =	vand.u32 $0xFFFF0000, v28;
	v54 =	vld.idx.msk [tilespmem:v8+s22+$0x1E0 ss:$0x1], $0xffff;
	[tilespmem:v9+s19+$0x70 ss:$0x1] =	vst.idx.msk $0xffff, v40  }
0xda: {  	v57 =	vshrl.u32 v51, v37;
	v58 =	vld.idx.msk [tilespmem:v8+s22+$0x1F0 ss:$0x1], $0xffff;
	v27 =	vshrl.u32 v61, v34;
	v42 =	vshll.u32 v63, v35  }
0xdb: {  	v14 =	vshll.u32 v52, v38;
	v40 =	vld.idx.msk [tilespmem:v8+s22+$0x170 ss:$0x1], $0xffff;
	v27 =	vand.u32 $0xFFFF, v27;
	v42 =	vand.u32 $0xFFFF0000, v42  }
0xdc: {  	v59 =	vld.idx.msk [tilespmem:v8+s21+$0x0 ss:$0x1], $0xffff;
	v14 =	vand.u32 $0xFFFF0000, v14;
	v27 =	vor.u32 v27, v42;
	v16 =	vshrl.u32 v49, v34  }
0xdd: {  	v63 =	vld.idx.msk [tilespmem:v8+s21+$0x80 ss:$0x1], $0xffff;
	v13 =	vshll.u32 v50, v35;
	v42 =	vshrl.u32 v53, v37;
	[tilespmem:v9+s19+$0x130 ss:$0x1] =	vst.idx.msk $0xffff, v27  }
0xde: {  	v56 =	vand.u32 $0xFFFF, v16;
	v16 =	vand.u32 $0xFFFF, v57;
	v27 =	vshll.u32 v54, v38;
	v26 =	vld.idx.msk [tilespmem:v8+s22+$0x330 ss:$0x1], $0xffff  }
0xdf: {  	v60 =	vor.u32 v16, v14;
	v62 =	vand.u32 $0xFFFF0000, v27;
	v27 =	vld.idx.msk [tilespmem:v8+s22+$0x3B0 ss:$0x1], $0xffff;
	v53 =	vshll.u32 v58, v38  }
0xe0: {  	v13 =	vand.u32 $0xFFFF0000, v13;
	v52 =	vshrl.u32 v40, v37;
	[tilespmem:v9+s19+$0xD0 ss:$0x1] =	vst.idx.msk $0xffff, v60;
	v37 =	vand.u32 $0xFFFF0000, v53;
	v53 =	vld.idx.msk [tilespmem:v8+s21+$0x10 ss:$0x1], $0xffff  }
0xe1: {  	v39 =	vor.u32 v33, v32;
	v61 =	vand.u32 $0xFFFF, v42;
	v48 =	vor.u32 v56, v13;
	v49 =	vld.idx.msk [tilespmem:v8+s22+$0x250 ss:$0x1], $0xffff  }
0xe2: {  	v16 =	vshll.u32 v55, $0x4;
	v47 =	vor.u32 v61, v62;
	[tilespmem:v9+s19+$0x140 ss:$0x1] =	vst.idx.msk $0xffff, v48;
	v33 =	vand.u32 $0xFFFF, v52;
	v51 =	vld.idx.msk [tilespmem:v8+s22+$0x2D0 ss:$0x1], $0xffff  }
0xe3: {  	v50 =	vperm.xlane v16, v2;
	[tilespmem:v9+s19+$0xE0 ss:$0x1] =	vst.idx.msk $0xffff, v47;
	v37 =	vor.u32 v33, v37;
	v33 =	vld.idx.msk [tilespmem:v8+s22+$0x340 ss:$0x1], $0xffff  }
0xe4: {  	v25 =	vand.u32 $0xFFFF0000, v25;
	v19 =	vand.u32 $0xFFFF0000, v19;
	v13 =	vperm.xlane v16, v1;
	v54 =	vld.idx.msk [tilespmem:v8+s22+$0x260 ss:$0x1], $0xffff  }
0xe5: {  	v10 =	vand.u32 $0xFFFF, v10;
	v61 =	vand.u32 $0xFFFF, v15;
	v14 =	vsub.s32 $0x10, v50;
	v55 =	vld.idx.msk [tilespmem:v8+s22+$0x2E0 ss:$0x1], $0xffff;
	[tilespmem:v9+s19+$0xF0 ss:$0x1] =	vst.idx.msk $0xffff, v37  }
0xe6: {  	v40 =	vor.u32 v61, v25;
	v56 =	vshrl.u32 v59, v13;
	v42 =	vshll.u32 v63, v14;
	v59 =	vld.idx.msk [tilespmem:v8+s22+$0x270 ss:$0x1], $0xffff  }
0xe7: {  	s20 =	sshll.u32 s24, $0x9;
	v57 =	vand.u32 $0xFFFF, v56;
	v63 =	vld.idx.msk [tilespmem:v8+s22+$0x2F0 ss:$0x1], $0xffff;
	v58 =	vand.u32 $0xFFFF0000, v42;
	v42 =	vor.u32 v30, v28  }
0xe8: {  	s20 =	sand.u32 $0x3FFFFE00, s20;
	v56 =	vld.idx.msk [tilespmem:v8+s21+$0x90 ss:$0x1], $0xffff;
	v60 =	vor.u32 v57, v58;
	[tilespmem:v9+s18+$0x1C0 ss:$0x1] =	vst.idx.msk $0xffff, v42;
	v42 =	vshll.u32 v46, v14  }
0xe9: {  	v62 =	vshrl.u32 v49, v34;
	[tilespmem:v9+s20+$0x0 ss:$0x1] =	vst.idx.msk $0xffff, v60;
	v48 =	vshll.u32 v51, v35;
	v42 =	vand.u32 $0xFFFF0000, v42  }
0xea: {  	[tilespmem:v9+s18+$0x180 ss:$0x1] =	vst.idx.msk $0xffff, v12;
	v15 =	vand.u32 $0xFFFF, v62;
	v49 =	vld.idx.msk [tilespmem:v8+s21+$0x100 ss:$0x1], $0xffff;
	v30 =	vand.u32 $0xFFFF0000, v48;
	v50 =	vshrl.u32 v54, v34  }
0xeb: {  	v12 =	vshll.u32 v55, v35;
	v51 =	vld.idx.msk [tilespmem:v8+s21+$0x180 ss:$0x1], $0xffff;
	v55 =	vperm.xlane v16, v4;
	v48 =	vand.u32 $0xFFFF, v17  }
0xec: {  	v37 =	vld.idx.msk [tilespmem:v8+s22+$0x3C0 ss:$0x1], $0xffff;
	v17 =	vperm.xlane v11, v6;
	v15 =	vor.u32 v15, v30;
	v52 =	vand.u32 $0xFFFF, v50  }
0xed: {  	v12 =	vand.u32 $0xFFFF0000, v12;
	v28 =	vshrl.u32 v59, v34;
	v32 =	vshll.u32 v63, v35;
	[tilespmem:v9+s19+$0x150 ss:$0x1] =	vst.idx.msk $0xffff, v15  }
0xee: {  	v54 =	vor.u32 v52, v12;
	v12 =	vperm.xlane v16, v3;
	v15 =	vsub.s32 $0x10, v55;
	v55 =	vld.idx.msk [tilespmem:v8+s21+$0xA0 ss:$0x1], $0xffff  }
0xef: {  	v59 =	vshrl.u32 v53, v13;
	v60 =	vshll.u32 v56, v14;
	v28 =	vand.u32 $0xFFFF, v28;
	v34 =	vld.idx.msk [tilespmem:v8+s22+$0x350 ss:$0x1], $0xffff  }
0xf0: {  	v35 =	vand.u32 $0xFFFF0000, v32;
	v32 =	vld.idx.msk [tilespmem:v8+s22+$0x3D0 ss:$0x1], $0xffff;
	v58 =	vshrl.u32 v49, v12;
	v38 =	vshll.u32 v51, v15  }
0xf1: {  	[tilespmem:v9+s19+$0x160 ss:$0x1] =	vst.idx.msk $0xffff, v54;
	v57 =	vor.u32 v28, v35;
	v54 =	vld.idx.msk [tilespmem:v8+s21+$0x20 ss:$0x1], $0xffff;
	v35 =	vand.u32 $0xFFFF, v58;
	v38 =	vand.u32 $0xFFFF0000, v38  }
0xf2: {  	v61 =	vand.u32 $0xFFFF, v59;
	v62 =	vand.u32 $0xFFFF0000, v60;
	v58 =	vld.idx.msk [tilespmem:v8+s21+$0x30 ss:$0x1], $0xffff;
	v35 =	vor.u32 v35, v38  }
0xf3: {  	v50 =	vshll.u32 v24, v36;
	[tilespmem:v9+s20+$0x80 ss:$0x1] =	vst.idx.msk $0xffff, v35;
	v35 =	vor.u32 v61, v62;
	v61 =	vld.idx.msk [tilespmem:v8+s21+$0xB0 ss:$0x1], $0xffff  }
0xf4: {  	v11 =	vperm.xlane v11, v7;
	v19 =	vor.u32 v48, v19;
	v23 =	vand.u32 $0xFFFF0000, v50;
	v62 =	vld.idx.msk [tilespmem:v8+s21+$0x40 ss:$0x1], $0xffff  }
0xf5: {  	v52 =	vperm.xlane v16, v5;
	v31 =	vshrl.u32 v31, v17;
	v22 =	vshrl.u32 v22, v17;
	v63 =	vld.idx.msk [tilespmem:v8+s21+$0x200 ss:$0x1], $0xffff  }
0xf6: {  	v21 =	vshrl.u32 v21, v17;
	v26 =	vshrl.u32 v26, v17;
	v49 =	vld.idx.msk [tilespmem:v8+s21+$0x280 ss:$0x1], $0xffff;
	[tilespmem:v9+s20+$0x10 ss:$0x1] =	vst.idx.msk $0xffff, v35  }
0xf7: {  	[tilespmem:v9+s18+$0x1A0 ss:$0x1] =	vst.idx.msk $0xffff, v41;
	v31 =	vand.u32 $0xFFFF, v31;
	v22 =	vand.u32 $0xFFFF, v22;
	v38 =	vor.u32 v10, v23;
	v51 =	vld.idx.msk [tilespmem:v8+s21+$0x110 ss:$0x1], $0xffff  }
0xf8: {  	[tilespmem:v9+s19+$0x170 ss:$0x1] =	vst.idx.msk $0xffff, v57;
	v10 =	vperm.xlane v16, v0;
	v23 =	vsub.s32 $0x10, v11;
	v11 =	vsub.s32 $0x10, v52;
	v53 =	vld.idx.msk [tilespmem:v8+s21+$0x190 ss:$0x1], $0xffff  }
0xf9: {  	v28 =	vld.idx.msk [tilespmem:v8+s22+$0x360 ss:$0x1], $0xffff;
	v29 =	vshll.u32 v29, v23;
	v50 =	vshrl.u32 v54, v13;
	v44 =	vshrl.u32 v58, v13  }
0xfa: {  	v30 =	vld.idx.msk [tilespmem:v8+s22+$0x3E0 ss:$0x1], $0xffff;
	v44 =	vand.u32 $0xFFFF, v44;
	v43 =	vshll.u32 v61, v14;
	v41 =	vshrl.u32 v62, v13  }
0xfb: {  	v25 =	vld.idx.msk [tilespmem:v8+s22+$0x370 ss:$0x1], $0xffff;
	v56 =	vshrl.u32 v63, v10;
	v57 =	vshll.u32 v49, v11;
	v63 =	vand.u32 $0xFFFF0000, v29  }
0xfc: {  	[tilespmem:v9+s18+$0x1B0 ss:$0x1] =	vst.idx.msk $0xffff, v39;
	v62 =	vld.idx.msk [tilespmem:v8+s21+$0x50 ss:$0x1], $0xffff;
	v43 =	vand.u32 $0xFFFF0000, v43;
	v59 =	vand.u32 $0xFFFF, v56;
	v60 =	vand.u32 $0xFFFF0000, v57  }
0xfd: {  	v49 =	vld.idx.msk [tilespmem:v8+s21+$0xC0 ss:$0x1], $0xffff;
	v24 =	vshrl.u32 v51, v12;
	v36 =	vshll.u32 v53, v15;
	v43 =	vor.u32 v44, v43  }
0xfe: {  	v29 =	vld.idx.msk [tilespmem:v8+s22+$0x3F0 ss:$0x1], $0xffff;
	v39 =	vor.u32 v59, v60;
	v24 =	vand.u32 $0xFFFF, v24;
	v48 =	vand.u32 $0xFFFF0000, v36;
	[tilespmem:v9+s20+$0x30 ss:$0x1] =	vst.idx.msk $0xffff, v43  }
0xff: {  	v35 =	vshll.u32 v55, v14;
	[tilespmem:v9+s20+$0x100 ss:$0x1] =	vst.idx.msk $0xffff, v39;
	v24 =	vor.u32 v24, v48;
	v55 =	vld.idx.msk [tilespmem:v8+s21+$0x130 ss:$0x1], $0xffff  }
0x100: {  	v21 =	vand.u32 $0xFFFF, v21;
	v35 =	vand.u32 $0xFFFF0000, v35;
	v39 =	vand.u32 $0xFFFF, v50;
	v56 =	vld.idx.msk [tilespmem:v8+s21+$0x1B0 ss:$0x1], $0xffff;
	[tilespmem:v9+s20+$0x90 ss:$0x1] =	vst.idx.msk $0xffff, v24  }
0x101: {  	v20 =	vshll.u32 v20, v23;
	v18 =	vshll.u32 v18, v23;
	v35 =	vor.u32 v39, v35;
	v51 =	vld.idx.msk [tilespmem:v8+s21+$0x210 ss:$0x1], $0xffff  }
0x102: {  	v27 =	vshll.u32 v27, v23;
	v20 =	vand.u32 $0xFFFF0000, v20;
	v18 =	vand.u32 $0xFFFF0000, v18;
	[tilespmem:v9+s20+$0x20 ss:$0x1] =	vst.idx.msk $0xffff, v35;
	v52 =	vld.idx.msk [tilespmem:v8+s21+$0x290 ss:$0x1], $0xffff  }
0x103: {  	v20 =	vor.u32 v22, v20;
	v18 =	vor.u32 v21, v18;
	v36 =	vshll.u32 v49, v14;
	v53 =	vld.idx.msk [tilespmem:v8+s21+$0x120 ss:$0x1], $0xffff  }
0x104: {  	v41 =	vand.u32 $0xFFFF, v41;
	v31 =	vor.u32 v31, v63;
	v54 =	vld.idx.msk [tilespmem:v8+s21+$0x1A0 ss:$0x1], $0xffff;
	v36 =	vand.u32 $0xFFFF0000, v36  }
0x105: {  	v44 =	vld.idx.msk [tilespmem:v8+s21+$0xE0 ss:$0x1], $0xffff;
	v36 =	vor.u32 v41, v36;
	v41 =	vshrl.u32 v55, v12;
	v22 =	vshll.u32 v56, v15  }
0x106: {  	v24 =	vld.idx.msk [tilespmem:v8+s21+$0x300 ss:$0x1], $0xffff;
	[tilespmem:v9+s20+$0x40 ss:$0x1] =	vst.idx.msk $0xffff, v36;
	v47 =	vand.u32 $0xFFFF, v41;
	v22 =	vand.u32 $0xFFFF0000, v22;
	v57 =	vshrl.u32 v51, v10  }
0x107: {  	v58 =	vld.idx.msk [tilespmem:v8+s21+$0x140 ss:$0x1], $0xffff;
	v35 =	vshll.u32 v52, v11;
	v21 =	vor.u32 v47, v22;
	v51 =	vshrl.u32 v62, v13  }
0x108: {  	v59 =	vld.idx.msk [tilespmem:v8+s21+$0x1C0 ss:$0x1], $0xffff;
	v36 =	vand.u32 $0xFFFF, v57;
	v35 =	vand.u32 $0xFFFF0000, v35;
	v60 =	vshrl.u32 v53, v12  }
0x109: {  	v61 =	vshll.u32 v54, v15;
	[tilespmem:v9+s20+$0xB0 ss:$0x1] =	vst.idx.msk $0xffff, v21;
	v35 =	vor.u32 v36, v35;
	v36 =	vld.idx.msk [tilespmem:v8+s21+$0x380 ss:$0x1], $0xffff  }
0x10a: {  	v41 =	vand.u32 $0xFFFF, v51;
	v53 =	vand.u32 $0xFFFF, v26;
	v54 =	vand.u32 $0xFFFF0000, v27;
	v50 =	vld.idx.msk [tilespmem:v8+s21+$0x230 ss:$0x1], $0xffff  }
0x10b: {  	[tilespmem:v9+s18+$0x1D0 ss:$0x1] =	vst.idx.msk $0xffff, v40;
	v63 =	vand.u32 $0xFFFF, v60;
	v45 =	vand.u32 $0xFFFF0000, v61;
	v52 =	vld.idx.msk [tilespmem:v8+s21+$0x2B0 ss:$0x1], $0xffff;
	v55 =	vor.u32 v41, v42  }
0x10c: {  	v42 =	vor.u32 v53, v54;
	v53 =	vshll.u32 v44, v14;
	v44 =	vld.idx.msk [tilespmem:v8+s21+$0x70 ss:$0x1], $0xffff;
	[tilespmem:v9+s20+$0x110 ss:$0x1] =	vst.idx.msk $0xffff, v35  }
0x10d: {  	v34 =	vshrl.u32 v34, v17;
	v35 =	vor.u32 v63, v45;
	[tilespmem:v9+s20+$0x50 ss:$0x1] =	vst.idx.msk $0xffff, v55;
	v63 =	vld.idx.msk [tilespmem:v8+s21+$0x60 ss:$0x1], $0xffff  }
0x10e: {  	v28 =	vshrl.u32 v28, v17;
	v30 =	vshll.u32 v30, v23;
	[tilespmem:v9+s20+$0xA0 ss:$0x1] =	vst.idx.msk $0xffff, v35;
	v27 =	vld.idx.msk [tilespmem:v8+s21+$0x150 ss:$0x1], $0xffff  }
0x10f: {  	[tilespmem:v9+s18+$0x1E0 ss:$0x1] =	vst.idx.msk $0xffff, v19;
	v32 =	vshll.u32 v32, v23;
	v28 =	vand.u32 $0xFFFF, v28;
	v30 =	vand.u32 $0xFFFF0000, v30;
	v48 =	vld.idx.msk [tilespmem:v8+s21+$0x220 ss:$0x1], $0xffff  }
0x110: {  	v28 =	vor.u32 v28, v30;
	v39 =	vshrl.u32 v58, v12;
	v40 =	vshll.u32 v59, v15;
	v49 =	vld.idx.msk [tilespmem:v8+s21+$0x2A0 ss:$0x1], $0xffff  }
0x111: {  	[tilespmem:v9+s18+$0x1F0 ss:$0x1] =	vst.idx.msk $0xffff, v38;
	v57 =	vshrl.u32 v33, v17;
	v35 =	vld.idx.msk [tilespmem:v8+s21+$0x310 ss:$0x1], $0xffff;
	v39 =	vand.u32 $0xFFFF, v39;
	v40 =	vand.u32 $0xFFFF0000, v40  }
0x112: {  	s28 =	sor.u32 $0x3, s17;
	v17 =	vshrl.u32 v25, v17;
	v59 =	vshll.u32 v37, v23;
	v60 =	vld.idx.msk [tilespmem:v8+s21+$0x1D0 ss:$0x1], $0xffff;
	v39 =	vor.u32 v39, v40  }
0x113: {  	s29 =	sshll.u32 s28, $0x3;
	v37 =	vand.u32 $0xFFFF0000, v53;
	[tilespmem:v9+s20+$0xC0 ss:$0x1] =	vst.idx.msk $0xffff, v39;
	v61 =	vshrl.u32 v50, v10;
	v62 =	vshll.u32 v52, v11  }
0x114: {  	s18 =	sand.u32 $0x3FFFFFF8, s29;
	v56 =	vld.idx.msk [tilespmem:v8+s21+$0x240 ss:$0x1], $0xffff;
	v43 =	vand.u32 $0xFFFF0000, v62;
	v52 =	vshrl.u32 v63, v13;
	v22 =	vshrl.u32 v48, v10  }
0x115: {  	s30 =	sshll.u32 s28, $0xA;
	s18 =	sadd.s32 s18, s16;
	v58 =	vld.idx.msk [tilespmem:v8+s21+$0x2C0 ss:$0x1], $0xffff;
	v21 =	vshll.u32 v49, v11;
	v48 =	vshrl.u32 v27, v12;
	v27 =	vand.u32 $0xFFFF, v52  }
0x116: {  	[tilespmem:v9+s19+$0x1A0 ss:$0x1] =	vst.idx.msk $0xffff, v18;
	v62 =	vld.msk [tilespmem:s18+$0x0 ss:$0x1], $0xff;
	s18 =	sand.u32 $0x3FFFFC00, s30;
	v22 =	vand.u32 $0xFFFF, v22;
	v21 =	vand.u32 $0xFFFF0000, v21;
	v27 =	vor.u32 v27, v37  }
0x117: {  	v40 =	vand.u32 $0xFFFF, v61;
	v50 =	vand.u32 $0xFFFF, v48;
	v48 =	vld.idx.msk [tilespmem:v8+s18+$0x80 ss:$0x1], $0xffff;
	v21 =	vor.u32 v22, v21;
	[tilespmem:v9+s20+$0x60 ss:$0x1] =	vst.idx.msk $0xffff, v27  }
0x118: {  	v32 =	vand.u32 $0xFFFF0000, v32;
	v19 =	vand.u32 $0xFFFF, v57;
	[tilespmem:v9+s20+$0x120 ss:$0x1] =	vst.idx.msk $0xffff, v21;
	v21 =	vor.u32 v40, v43;
	v40 =	vld.idx.msk [tilespmem:v8+s21+$0x390 ss:$0x1], $0xffff  }
0x119: {  	[tilespmem:v9+s19+$0x180 ss:$0x1] =	vst.idx.msk $0xffff, v31;
	v54 =	vand.u32 $0xFFFF, v34;
	v33 =	vand.u32 $0xFFFF0000, v59;
	v59 =	vperm.xlane v16, v7;
	v57 =	vld.idx.msk [tilespmem:v8+s21+$0x160 ss:$0x1], $0xffff  }
0x11a: {  	v31 =	vor.u32 v54, v32;
	[tilespmem:v9+s19+$0x1B0 ss:$0x1] =	vst.idx.msk $0xffff, v42;
	v49 =	vshll.u32 v60, v15;
	v60 =	vld.idx.msk [tilespmem:v8+s21+$0x1E0 ss:$0x1], $0xffff  }
0x11b: {  	v33 =	vor.u32 v19, v33;
	v18 =	vsub.s32 $0x10, v59;
	v26 =	vshll.u32 v58, v11;
	v41 =	vld.idx.msk [tilespmem:v8+s21+$0x320 ss:$0x1], $0xffff  }
0x11c: {  	v34 =	vshrl.u32 v44, v13;
	v45 =	vshrl.u32 v56, v10;
	v47 =	vand.u32 $0xFFFF0000, v26;
	v26 =	vld.idx.msk [tilespmem:v8+s21+$0x3A0 ss:$0x1], $0xffff  }
0x11d: {  	v61 =	vand.u32 $0xFFFF, v17;
	v17 =	vperm.xlane v16, v6;
	[tilespmem:v9+s20+$0x130 ss:$0x1] =	vst.idx.msk $0xffff, v21;
	v46 =	vand.u32 $0xFFFF, v45;
	v45 =	vld.idx.msk [tilespmem:v8+s21+$0xF0 ss:$0x1], $0xffff  }
0x11e: {  	v42 =	vshll.u32 v36, v18;
	v51 =	vand.u32 $0xFFFF0000, v49;
	v19 =	vor.u32 v46, v47;
	v22 =	vld.idx.msk [tilespmem:v8+s21+$0x330 ss:$0x1], $0xffff  }
0x11f: {  	v34 =	vand.u32 $0xFFFF, v34;
	v21 =	vld.idx.msk [tilespmem:v8+s21+$0x3B0 ss:$0x1], $0xffff;
	[tilespmem:v9+s20+$0x140 ss:$0x1] =	vst.idx.msk $0xffff, v19;
	v19 =	vor.u32 v50, v51  }
0x120: {  	v63 =	vshrl.u32 v24, v17;
	v35 =	vshrl.u32 v35, v17;
	v46 =	vld.idx.msk [tilespmem:v8+s18+$0x0 ss:$0x1], $0xffff;
	[tilespmem:v9+s20+$0xD0 ss:$0x1] =	vst.idx.msk $0xffff, v19  }
0x121: {  	v52 =	vand.u32 $0xFFFF0000, v42;
	v55 =	vld.idx.msk [tilespmem:v8+s21+$0x250 ss:$0x1], $0xffff;
	v32 =	vshrl.u32 v57, v12;
	v25 =	vshll.u32 v60, v15  }
0x122: {  	[tilespmem:v9+s19+$0x190 ss:$0x1] =	vst.idx.msk $0xffff, v20;
	v58 =	vshll.u32 v29, v23;
	v56 =	vld.idx.msk [tilespmem:v8+s21+$0x2D0 ss:$0x1], $0xffff;
	v47 =	vand.u32 $0xFFFF, v32;
	v25 =	vand.u32 $0xFFFF0000, v25  }
0x123: {  	[tilespmem:v9+s19+$0x1E0 ss:$0x1] =	vst.idx.msk $0xffff, v28;
	v16 =	vshll.u32 v62, $0x4;
	v29 =	vand.u32 $0xFFFF0000, v58;
	v51 =	vld.idx.msk [tilespmem:v8+s18+$0x10 ss:$0x1], $0xffff;
	v50 =	vor.u32 v47, v25  }
0x124: {  	v54 =	vperm.xlane v16, v2;
	v19 =	vld.idx.msk [tilespmem:v8+s21+$0x340 ss:$0x1], $0xffff;
	v14 =	vshll.u32 v45, v14;
	[tilespmem:v9+s20+$0xE0 ss:$0x1] =	vst.idx.msk $0xffff, v50  }
0x125: {  	v13 =	vperm.xlane v16, v1;
	v29 =	vor.u32 v61, v29;
	v36 =	vand.u32 $0xFFFF0000, v14;
	v58 =	vld.idx.msk [tilespmem:v8+s21+$0x2E0 ss:$0x1], $0xffff  }
0x126: {  	v60 =	vshll.u32 v40, v18;
	v57 =	vor.u32 v34, v36;
	v43 =	vshrl.u32 v55, v10;
	v55 =	vld.idx.msk [tilespmem:v8+s18+$0x90 ss:$0x1], $0xffff  }
0x127: {  	v49 =	vand.u32 $0xFFFF, v63;
	v14 =	vsub.s32 $0x10, v54;
	[tilespmem:v9+s20+$0x70 ss:$0x1] =	vst.idx.msk $0xffff, v57;
	v27 =	vshll.u32 v56, v11;
	v56 =	vld.idx.msk [tilespmem:v8+s21+$0x260 ss:$0x1], $0xffff  }
0x128: {  	v59 =	vshrl.u32 v46, v13;
	v46 =	vperm.xlane v16, v4;
	v32 =	vshll.u32 v48, v14;
	v61 =	vld.idx.msk [tilespmem:v8+s21+$0x170 ss:$0x1], $0xffff  }
0x129: {  	s22 =	sshll.u32 s28, $0x9;
	[tilespmem:v9+s19+$0x1D0 ss:$0x1] =	vst.idx.msk $0xffff, v31;
	v36 =	vand.u32 $0xFFFF, v59;
	v25 =	vshrl.u32 v51, v13;
	v32 =	vand.u32 $0xFFFF0000, v32;
	v62 =	vld.idx.msk [tilespmem:v8+s21+$0x1F0 ss:$0x1], $0xffff  }
0x12a: {  	s22 =	sand.u32 $0x3FFFFE00, s22;
	[tilespmem:v9+s19+$0x1C0 ss:$0x1] =	vst.idx.msk $0xffff, v33;
	v20 =	vld.idx.msk [tilespmem:v8+s21+$0x3C0 ss:$0x1], $0xffff;
	v32 =	vor.u32 v36, v32;
	v30 =	vand.u32 $0xFFFF, v43;
	v27 =	vand.u32 $0xFFFF0000, v27  }
0x12b: {  	v53 =	vand.u32 $0xFFFF, v35;
	v48 =	vld.idx.msk [tilespmem:v8+s18+$0x20 ss:$0x1], $0xffff;
	v25 =	vand.u32 $0xFFFF, v25;
	[tilespmem:v9+s22+$0x0 ss:$0x1] =	vst.idx.msk $0xffff, v32;
	v27 =	vor.u32 v30, v27  }
0x12c: {  	v63 =	vld.idx.msk [tilespmem:v8+s18+$0x100 ss:$0x1], $0xffff;
	[tilespmem:v9+s20+$0x150 ss:$0x1] =	vst.idx.msk $0xffff, v27;
	v27 =	vor.u32 v49, v52;
	v34 =	vshll.u32 v58, v11  }
0x12d: {  	v40 =	vld.idx.msk [tilespmem:v8+s18+$0x180 ss:$0x1], $0xffff;
	v35 =	vshll.u32 v55, v14;
	v31 =	vshrl.u32 v56, v10;
	v44 =	vand.u32 $0xFFFF0000, v34  }
0x12e: {  	v51 =	vld.idx.msk [tilespmem:v8+s18+$0xA0 ss:$0x1], $0xffff;
	v36 =	vshrl.u32 v61, v12;
	v15 =	vshll.u32 v62, v15;
	v35 =	vand.u32 $0xFFFF0000, v35  }
0x12f: {  	v23 =	vld.idx.msk [tilespmem:v8+s21+$0x350 ss:$0x1], $0xffff;
	v12 =	vperm.xlane v16, v3;
	v43 =	vand.u32 $0xFFFF, v31;
	v25 =	vor.u32 v25, v35  }
0x130: {  	v24 =	vld.idx.msk [tilespmem:v8+s21+$0x3D0 ss:$0x1], $0xffff;
	v49 =	vand.u32 $0xFFFF, v36;
	v50 =	vand.u32 $0xFFFF0000, v15;
	v28 =	vor.u32 v43, v44;
	[tilespmem:v9+s22+$0x10 ss:$0x1] =	vst.idx.msk $0xffff, v25  }
0x131: {  	v15 =	vsub.s32 $0x10, v46;
	[tilespmem:v9+s20+$0x160 ss:$0x1] =	vst.idx.msk $0xffff, v28;
	v28 =	vor.u32 v49, v50;
	v50 =	vld.idx.msk [tilespmem:v8+s18+$0xB0 ss:$0x1], $0xffff  }
0x132: {  	v37 =	vand.u32 $0xFFFF0000, v60;
	v33 =	vshrl.u32 v63, v12;
	v35 =	vshll.u32 v40, v15;
	v45 =	vld.idx.msk [tilespmem:v8+s18+$0x110 ss:$0x1], $0xffff  }
0x133: {  	v30 =	vor.u32 v53, v37;
	v52 =	vand.u32 $0xFFFF, v33;
	v53 =	vand.u32 $0xFFFF0000, v35;
	v47 =	vld.idx.msk [tilespmem:v8+s18+$0x190 ss:$0x1], $0xffff;
	[tilespmem:v9+s20+$0xF0 ss:$0x1] =	vst.idx.msk $0xffff, v28  }
0x134: {  	v28 =	vor.u32 v52, v53;
	v57 =	vld.idx.msk [tilespmem:v8+s21+$0x2F0 ss:$0x1], $0xffff  }
0x135: {  	v38 =	vld.idx.msk [tilespmem:v8+s21+$0x360 ss:$0x1], $0xffff;
	[tilespmem:v9+s22+$0x80 ss:$0x1] =	vst.idx.msk $0xffff, v28  }
0x136: {  	v42 =	vshrl.u32 v41, v17;
	v26 =	vshll.u32 v26, v18;
	v32 =	vshrl.u32 v48, v13;
	v61 =	vld.idx.msk [tilespmem:v8+s18+$0x280 ss:$0x1], $0xffff  }
0x137: {  	v22 =	vshrl.u32 v22, v17;
	v62 =	vand.u32 $0xFFFF, v32;
	v31 =	vshll.u32 v51, v14;
	v54 =	vld.idx.msk [tilespmem:v8+s21+$0x270 ss:$0x1], $0xffff  }
0x138: {  	v40 =	vperm.xlane v16, v5;
	v36 =	vld.idx.msk [tilespmem:v8+s21+$0x3E0 ss:$0x1], $0xffff;
	v55 =	vshrl.u32 v45, v12;
	v56 =	vshll.u32 v47, v15  }
0x139: {  	v60 =	vld.idx.msk [tilespmem:v8+s18+$0x200 ss:$0x1], $0xffff;
	v58 =	vand.u32 $0xFFFF, v55;
	v59 =	vand.u32 $0xFFFF0000, v56;
	v11 =	vshll.u32 v57, v11  }
0x13a: {  	v47 =	vld.idx.msk [tilespmem:v8+s18+$0x30 ss:$0x1], $0xffff;
	v28 =	vor.u32 v58, v59;
	v44 =	vand.u32 $0xFFFF0000, v11;
	v11 =	vsub.s32 $0x10, v40  }
0x13b: {  	v31 =	vand.u32 $0xFFFF0000, v31;
	v25 =	vand.u32 $0xFFFF, v42;
	[tilespmem:v9+s22+$0x90 ss:$0x1] =	vst.idx.msk $0xffff, v28;
	v33 =	vshll.u32 v61, v11;
	v61 =	vld.idx.msk [tilespmem:v8+s18+$0x40 ss:$0x1], $0xffff  }
0x13c: {  	v42 =	vshrl.u32 v54, v10;
	v10 =	vperm.xlane v16, v0;
	v28 =	vor.u32 v62, v31;
	v63 =	vld.idx.msk [tilespmem:v8+s18+$0x210 ss:$0x1], $0xffff  }
0x13d: {  	v21 =	vshll.u32 v21, v18;
	v22 =	vand.u32 $0xFFFF, v22;
	v41 =	vld.idx.msk [tilespmem:v8+s18+$0x290 ss:$0x1], $0xffff;
	[tilespmem:v9+s22+$0x20 ss:$0x1] =	vst.idx.msk $0xffff, v28  }
0x13e: {  	v21 =	vand.u32 $0xFFFF0000, v21;
	v46 =	vshrl.u32 v60, v10;
	v28 =	vand.u32 $0xFFFF, v42;
	v43 =	vld.idx.msk [tilespmem:v8+s18+$0x120 ss:$0x1], $0xffff  }
0x13f: {  	v48 =	vand.u32 $0xFFFF, v46;
	v49 =	vand.u32 $0xFFFF0000, v33;
	v45 =	vld.idx.msk [tilespmem:v8+s18+$0x1A0 ss:$0x1], $0xffff;
	v28 =	vor.u32 v28, v44  }
0x140: {  	v20 =	vshll.u32 v20, v18;
	[tilespmem:v9+s20+$0x170 ss:$0x1] =	vst.idx.msk $0xffff, v28;
	v28 =	vor.u32 v48, v49;
	v48 =	vld.idx.msk [tilespmem:v8+s18+$0xD0 ss:$0x1], $0xffff  }
0x141: {  	[tilespmem:v9+s19+$0x1F0 ss:$0x1] =	vst.idx.msk $0xffff, v29;
	v26 =	vand.u32 $0xFFFF0000, v26;
	v21 =	vor.u32 v22, v21;
	v20 =	vand.u32 $0xFFFF0000, v20;
	v49 =	vld.idx.msk [tilespmem:v8+s18+$0x60 ss:$0x1], $0xffff  }
0x142: {  	[tilespmem:v9+s20+$0x1B0 ss:$0x1] =	vst.idx.msk $0xffff, v21;
	v33 =	vshll.u32 v50, v14;
	v34 =	vshrl.u32 v47, v13;
	v51 =	vld.idx.msk [tilespmem:v8+s21+$0x370 ss:$0x1], $0xffff  }
0x143: {  	[tilespmem:v9+s20+$0x190 ss:$0x1] =	vst.idx.msk $0xffff, v30;
	v25 =	vor.u32 v25, v26;
	v60 =	vand.u32 $0xFFFF0000, v33;
	v59 =	vand.u32 $0xFFFF, v34;
	v53 =	vld.idx.msk [tilespmem:v8+s21+$0x3F0 ss:$0x1], $0xffff  }
0x144: {  	v23 =	vshrl.u32 v23, v17;
	[tilespmem:v9+s22+$0x100 ss:$0x1] =	vst.idx.msk $0xffff, v28;
	v62 =	vor.u32 v59, v60;
	v59 =	vld.idx.msk [tilespmem:v8+s18+$0x70 ss:$0x1], $0xffff  }
0x145: {  	v56 =	vshrl.u32 v19, v17;
	v40 =	vand.u32 $0xFFFF, v23;
	v44 =	vshll.u32 v36, v18;
	v29 =	vld.idx.msk [tilespmem:v8+s18+$0x300 ss:$0x1], $0xffff  }
0x146: {  	[tilespmem:v9+s20+$0x180 ss:$0x1] =	vst.idx.msk $0xffff, v27;
	v47 =	vand.u32 $0xFFFF0000, v44;
	v28 =	vand.u32 $0xFFFF, v56;
	v33 =	vshrl.u32 v61, v13;
	v61 =	vld.idx.msk [tilespmem:v8+s18+$0xF0 ss:$0x1], $0xffff  }
0x147: {  	[tilespmem:v9+s22+$0x30 ss:$0x1] =	vst.idx.msk $0xffff, v62;
	v20 =	vor.u32 v28, v20;
	v26 =	vshrl.u32 v63, v10;
	v63 =	vld.idx.msk [tilespmem:v8+s18+$0xC0 ss:$0x1], $0xffff  }
0x148: {  	v52 =	vshll.u32 v41, v11;
	v41 =	vshll.u32 v24, v18;
	v42 =	vld.idx.msk [tilespmem:v8+s18+$0x130 ss:$0x1], $0xffff;
	v50 =	vand.u32 $0xFFFF, v33  }
0x149: {  	[tilespmem:v9+s20+$0x1A0 ss:$0x1] =	vst.idx.msk $0xffff, v25;
	v54 =	vand.u32 $0xFFFF, v26;
	v55 =	vand.u32 $0xFFFF0000, v52;
	v58 =	vshrl.u32 v43, v12;
	v26 =	vld.idx.msk [tilespmem:v8+s18+$0x380 ss:$0x1], $0xffff  }
0x14a: {  	v31 =	vshll.u32 v45, v15;
	v23 =	vand.u32 $0xFFFF0000, v41;
	v43 =	vshrl.u32 v38, v17;
	v45 =	vld.idx.msk [tilespmem:v8+s18+$0x50 ss:$0x1], $0xffff  }
0x14b: {  	v57 =	vor.u32 v54, v55;
	v22 =	vand.u32 $0xFFFF, v58;
	v17 =	vshrl.u32 v51, v17;
	v51 =	vld.idx.msk [tilespmem:v8+s18+$0xE0 ss:$0x1], $0xffff  }
0x14c: {  	v31 =	vand.u32 $0xFFFF0000, v31;
	v46 =	vand.u32 $0xFFFF, v43;
	[tilespmem:v9+s22+$0x110 ss:$0x1] =	vst.idx.msk $0xffff, v57;
	v18 =	vshll.u32 v53, v18;
	v53 =	vld.idx.msk [tilespmem:v8+s18+$0x1B0 ss:$0x1], $0xffff  }
0x14d: {  	v30 =	vshll.u32 v48, v14;
	v60 =	vshrl.u32 v49, v13;
	v22 =	vor.u32 v22, v31;
	v19 =	vld.idx.msk [tilespmem:v8+s18+$0x310 ss:$0x1], $0xffff  }
0x14e: {  	[tilespmem:v9+s22+$0xA0 ss:$0x1] =	vst.idx.msk $0xffff, v22;
	v22 =	vor.u32 v40, v23;
	v17 =	vand.u32 $0xFFFF, v17;
	v27 =	vshll.u32 v63, v14  }
0x14f: {  	[tilespmem:v9+s20+$0x1C0 ss:$0x1] =	vst.idx.msk $0xffff, v20;
	v18 =	vand.u32 $0xFFFF0000, v18;
	v23 =	vor.u32 v46, v47;
	v41 =	vld.idx.msk [tilespmem:v8+s18+$0x390 ss:$0x1], $0xffff;
	v27 =	vand.u32 $0xFFFF0000, v27  }
0x150: {  	v39 =	vld.idx.msk [tilespmem:v8+s18+$0x220 ss:$0x1], $0xffff;
	[tilespmem:v9+s20+$0x1D0 ss:$0x1] =	vst.idx.msk $0xffff, v22;
	v55 =	vshrl.u32 v45, v13;
	v52 =	vor.u32 v50, v27  }
0x151: {  	v58 =	vand.u32 $0xFFFF0000, v30;
	v18 =	vor.u32 v17, v18;
	v54 =	vld.idx.msk [tilespmem:v8+s18+$0x2A0 ss:$0x1], $0xffff;
	v57 =	vand.u32 $0xFFFF, v55;
	[tilespmem:v9+s22+$0x40 ss:$0x1] =	vst.idx.msk $0xffff, v52  }
0x152: {  	[tilespmem:v9+s20+$0x1E0 ss:$0x1] =	vst.idx.msk $0xffff, v23;
	v24 =	vor.u32 v57, v58;
	v32 =	vshll.u32 v51, v14;
	v21 =	vld.idx.msk [tilespmem:v8+s18+$0x140 ss:$0x1], $0xffff  }
0x153: {  	v28 =	vand.u32 $0xFFFF, v60;
	v56 =	vshrl.u32 v42, v12;
	[tilespmem:v9+s22+$0x50 ss:$0x1] =	vst.idx.msk $0xffff, v24;
	v62 =	vld.idx.msk [tilespmem:v8+s18+$0x1C0 ss:$0x1], $0xffff;
	v32 =	vand.u32 $0xFFFF0000, v32  }
0x154: {  	[tilespmem:v9+s20+$0x1F0 ss:$0x1] =	vst.idx.msk $0xffff, v18;
	v25 =	vshll.u32 v53, v15;
	v34 =	vor.u32 v28, v32;
	v35 =	vld.idx.msk [tilespmem:v8+s18+$0x150 ss:$0x1], $0xffff  }
0x155: {  	v20 =	vand.u32 $0xFFFF, v56;
	v13 =	vshrl.u32 v59, v13;
	v63 =	vand.u32 $0xFFFF0000, v25;
	v36 =	vld.idx.msk [tilespmem:v8+s18+$0x1D0 ss:$0x1], $0xffff;
	[tilespmem:v9+s22+$0x60 ss:$0x1] =	vst.idx.msk $0xffff, v34  }
0x156: {  	v14 =	vshll.u32 v61, v14;
	v20 =	vor.u32 v20, v63;
	v38 =	vshrl.u32 v39, v10;
	v39 =	vld.idx.msk [tilespmem:v8+s18+$0x160 ss:$0x1], $0xffff  }
0x157: {  	v13 =	vand.u32 $0xFFFF, v13;
	v14 =	vand.u32 $0xFFFF0000, v14;
	[tilespmem:v9+s22+$0xB0 ss:$0x1] =	vst.idx.msk $0xffff, v20;
	v40 =	vld.idx.msk [tilespmem:v8+s18+$0x1E0 ss:$0x1], $0xffff  }
0x158: {  	v13 =	vor.u32 v13, v14;
	v42 =	vld.idx.msk [tilespmem:v8+s18+$0x230 ss:$0x1], $0xffff;
	v21 =	vshrl.u32 v21, v12;
	v24 =	vshll.u32 v62, v15  }
0x159: {  	v17 =	vperm.xlane v16, v6;
	[tilespmem:v9+s22+$0x70 ss:$0x1] =	vst.idx.msk $0xffff, v13;
	v44 =	vld.idx.msk [tilespmem:v8+s18+$0x2B0 ss:$0x1], $0xffff;
	v21 =	vand.u32 $0xFFFF, v21;
	v43 =	vand.u32 $0xFFFF0000, v24  }
0x15a: {  	v48 =	vld.idx.msk [tilespmem:v8+s18+$0x170 ss:$0x1], $0xffff;
	v45 =	vshrl.u32 v35, v12;
	v47 =	vshll.u32 v36, v15;
	v21 =	vor.u32 v21, v43  }
0x15b: {  	v16 =	vperm.xlane v16, v7;
	v51 =	vld.idx.msk [tilespmem:v8+s18+$0x1F0 ss:$0x1], $0xffff;
	v46 =	vand.u32 $0xFFFF, v45;
	[tilespmem:v9+s22+$0xC0 ss:$0x1] =	vst.idx.msk $0xffff, v21;
	v21 =	vand.u32 $0xFFFF0000, v47  }
0x15c: {  	v49 =	vshrl.u32 v39, v12;
	v50 =	vshll.u32 v40, v15;
	v13 =	vor.u32 v46, v21;
	v52 =	vld.idx.msk [tilespmem:v8+s18+$0x240 ss:$0x1], $0xffff  }
0x15d: {  	v27 =	vshll.u32 v54, v11;
	v53 =	vand.u32 $0xFFFF, v49;
	v54 =	vand.u32 $0xFFFF0000, v50;
	v56 =	vld.idx.msk [tilespmem:v8+s18+$0x2C0 ss:$0x1], $0xffff;
	[tilespmem:v9+s22+$0xD0 ss:$0x1] =	vst.idx.msk $0xffff, v13  }
0x15e: {  	v37 =	vshrl.u32 v29, v17;
	v16 =	vsub.s32 $0x10, v16;
	v21 =	vor.u32 v53, v54;
	v57 =	vld.idx.msk [tilespmem:v8+s18+$0x250 ss:$0x1], $0xffff  }
0x15f: {  	v26 =	vshll.u32 v26, v16;
	v55 =	vand.u32 $0xFFFF, v38;
	v27 =	vand.u32 $0xFFFF0000, v27;
	[tilespmem:v9+s22+$0xE0 ss:$0x1] =	vst.idx.msk $0xffff, v21;
	v58 =	vld.idx.msk [tilespmem:v8+s18+$0x2D0 ss:$0x1], $0xffff  }
0x160: {  	v12 =	vshrl.u32 v48, v12;
	v15 =	vshll.u32 v51, v15;
	v13 =	vor.u32 v55, v27;
	v59 =	vld.idx.msk [tilespmem:v8+s18+$0x260 ss:$0x1], $0xffff  }
0x161: {  	v25 =	vand.u32 $0xFFFF, v37;
	v12 =	vand.u32 $0xFFFF, v12;
	v15 =	vand.u32 $0xFFFF0000, v15;
	[tilespmem:v9+s22+$0x120 ss:$0x1] =	vst.idx.msk $0xffff, v13;
	v61 =	vld.idx.msk [tilespmem:v8+s18+$0x2E0 ss:$0x1], $0xffff  }
0x162: {  	v14 =	vshrl.u32 v42, v10;
	v23 =	vshll.u32 v44, v11;
	v12 =	vor.u32 v12, v15;
	v62 =	vld.idx.msk [tilespmem:v8+s18+$0x320 ss:$0x1], $0xffff  }
0x163: {  	v26 =	vand.u32 $0xFFFF0000, v26;
	v14 =	vand.u32 $0xFFFF, v14;
	v60 =	vand.u32 $0xFFFF0000, v23;
	[tilespmem:v9+s22+$0xF0 ss:$0x1] =	vst.idx.msk $0xffff, v12;
	v63 =	vld.idx.msk [tilespmem:v8+s18+$0x3A0 ss:$0x1], $0xffff  }
0x164: {  	v13 =	vor.u32 v14, v60;
	v31 =	vld.idx.msk [tilespmem:v8+s18+$0x270 ss:$0x1], $0xffff;
	v18 =	vshrl.u32 v52, v10;
	v24 =	vshll.u32 v56, v11  }
0x165: {  	v19 =	vshrl.u32 v19, v17;
	[tilespmem:v9+s22+$0x130 ss:$0x1] =	vst.idx.msk $0xffff, v13;
	v34 =	vld.idx.msk [tilespmem:v8+s18+$0x2F0 ss:$0x1], $0xffff;
	v28 =	vand.u32 $0xFFFF, v18;
	v29 =	vand.u32 $0xFFFF0000, v24  }
0x166: {  	v35 =	vld.idx.msk [tilespmem:v8+s18+$0x330 ss:$0x1], $0xffff;
	v30 =	vshrl.u32 v57, v10;
	v12 =	vor.u32 v28, v29;
	v33 =	vshll.u32 v58, v11  }
0x167: {  	v19 =	vand.u32 $0xFFFF, v19;
	v37 =	vld.idx.msk [tilespmem:v8+s18+$0x3B0 ss:$0x1], $0xffff;
	v32 =	vand.u32 $0xFFFF, v30;
	v18 =	vand.u32 $0xFFFF0000, v33;
	[tilespmem:v9+s22+$0x140 ss:$0x1] =	vst.idx.msk $0xffff, v12  }
0x168: {  	v27 =	vshrl.u32 v59, v10;
	v23 =	vshll.u32 v61, v11;
	v36 =	vor.u32 v32, v18;
	v40 =	vld.idx.msk [tilespmem:v8+s18+$0x340 ss:$0x1], $0xffff  }
0x169: {  	v20 =	vshll.u32 v41, v16;
	v38 =	vand.u32 $0xFFFF, v27;
	v23 =	vand.u32 $0xFFFF0000, v23;
	v41 =	vld.idx.msk [tilespmem:v8+s18+$0x3C0 ss:$0x1], $0xffff;
	[tilespmem:v9+s22+$0x150 ss:$0x1] =	vst.idx.msk $0xffff, v36  }
0x16a: {  	v10 =	vshrl.u32 v31, v10;
	v11 =	vshll.u32 v34, v11;
	v39 =	vor.u32 v38, v23;
	v42 =	vld.idx.msk [tilespmem:v8+s18+$0x350 ss:$0x1], $0xffff  }
0x16b: {  	v20 =	vand.u32 $0xFFFF0000, v20;
	v10 =	vand.u32 $0xFFFF, v10;
	v11 =	vand.u32 $0xFFFF0000, v11;
	v43 =	vld.idx.msk [tilespmem:v8+s18+$0x3D0 ss:$0x1], $0xffff;
	[tilespmem:v9+s22+$0x160 ss:$0x1] =	vst.idx.msk $0xffff, v39  }
0x16c: {  	v25 =	vor.u32 v25, v26;
	v19 =	vor.u32 v19, v20;
	v10 =	vor.u32 v10, v11;
	v46 =	vld.idx.msk [tilespmem:v8+s18+$0x360 ss:$0x1], $0xffff  }
0x16d: {  	v44 =	vshrl.u32 v62, v17;
	v45 =	vshll.u32 v63, v16;
	[tilespmem:v9+s22+$0x170 ss:$0x1] =	vst.idx.msk $0xffff, v10;
	v49 =	vld.idx.msk [tilespmem:v8+s18+$0x3E0 ss:$0x1], $0xffff  }
0x16e: {  	[tilespmem:v9+s22+$0x180 ss:$0x1] =	vst.idx.msk $0xffff, v25;
	v47 =	vand.u32 $0xFFFF0000, v45;
	v50 =	vshll.u32 v37, v16;
	v11 =	vand.u32 $0xFFFF, v44;
	v51 =	vld.idx.msk [tilespmem:v8+s18+$0x370 ss:$0x1], $0xffff  }
0x16f: {  	v48 =	vshrl.u32 v35, v17;
	v12 =	vand.u32 $0xFFFF0000, v50;
	v10 =	vor.u32 v11, v47;
	v54 =	vld.idx.msk [tilespmem:v8+s18+$0x3F0 ss:$0x1], $0xffff  }
0x170: {  	[tilespmem:v9+s22+$0x190 ss:$0x1] =	vst.idx.msk $0xffff, v19;
	v11 =	vand.u32 $0xFFFF, v48;
	v52 =	vshrl.u32 v40, v17;
	v53 =	vshll.u32 v41, v16  }
0x171: {  	v11 =	vor.u32 v11, v12;
	[tilespmem:v9+s22+$0x1A0 ss:$0x1] =	vst.idx.msk $0xffff, v10;
	v55 =	vand.u32 $0xFFFF, v52;
	v56 =	vand.u32 $0xFFFF0000, v53  }
0x172: {  	v12 =	vor.u32 v55, v56;
	v57 =	vshrl.u32 v42, v17;
	v58 =	vshll.u32 v43, v16  }
0x173: {  	p1 =	slt.u32 s17, $0x1C;
	[tilespmem:v9+s22+$0x1B0 ss:$0x1] =	vst.idx.msk $0xffff, v11;
	v10 =	vand.u32 $0xFFFF, v57;
	v59 =	vand.u32 $0xFFFF0000, v58;
	v15 =	vshrl.u32 v46, v17  }
.Ltmp6:
0x174: {  	v60 =	vshll.u32 v49, v16;
	v13 =	vshrl.u32 v51, v17;
	v62 =	vshll.u32 v54, v16;
	(pc) =	sbr.rel @p1 .LBB2_8-.Ltmp6, $4  }
0x175: {  	[tilespmem:v9+s22+$0x1C0 ss:$0x1] =	vst.idx.msk $0xffff, v12;
	v10 =	vor.u32 v10, v59;
	v11 =	vand.u32 $0xFFFF, v15;
	v61 =	vand.u32 $0xFFFF0000, v60  }
0x176: {  	v63 =	vand.u32 $0xFFFF0000, v62;
	[tilespmem:v9+s22+$0x1D0 ss:$0x1] =	vst.idx.msk $0xffff, v10;
	v10 =	vor.u32 v11, v61;
	v11 =	vand.u32 $0xFFFF, v13  }
0x177: {  	s31 =	sadd.s32 $0x4, s17;
	[tilespmem:v9+s22+$0x1E0 ss:$0x1] =	vst.idx.msk $0xffff, v10;
	v10 =	vor.u32 v11, v63  }
0x178: {  	s17 =	smov.u32 s31;
	[tilespmem:v9+s22+$0x1F0 ss:$0x1] =	vst.idx.msk $0xffff, v10  }
0x179: {  	s14 =	sshll.u32 s14, $0x3  }
0x17a: {  	s14 =	sadd.s32 s14, s7  }
0x17b: {  	s16 =	simm.s32 $0x40;
	s17 =	sadd.s32 $0x200, s15;
	s18 =	sadd.s32 $0x0, s14  }
.LBB2_10:
0x17c: {  	[hbm:s18] =	stream.linear.scatter [tilespmem:s15], [sflag:$0x3], $0x200, $0x38;
	[tilespmem:$0x18300] =	vst v63  }
0x17d: {  	s18 =	smov.u32 s16;
	s15 =	smov.u32 s17;
	p1 =	sne.s32 s16, $0x7C0  }
.Ltmp7:
0x17e: {  	s16 =	sadd.s32 $0x40, s16;
	(pc) =	sbr.rel @p1 .LBB2_10-.Ltmp7, $2  }
0x17f: {  	_ =	sdelay $0x2  }
0x180: {  	s17 =	sadd.s32 $0x200, s17;
	s18 =	sadd.s32 s18, s14  }
.Ltmp8:
0x181: {  	(pc) =	sbr.rel .LBB2_12-.Ltmp8, $2  }
0x182: {  	_ =	sdelay $0x2  }
0x183: {  	[hbm:s18] =	stream.linear.scatter [tilespmem:s15], [sflag:$0x3], $0x200, $0x38;
	[tilespmem:$0x18300] =	vst v63  }
.LBB2_13:
0x184: {  	_ =	sfence.sel $0x180000  }
0x185: {  	s2 =	simm.s32 $0x1;
	[bflag:$0x0] =	sbarrier.arrive $0xFFFF  }
0x186: {  	s30 =	simm.s32 $0x2;
	[sflag:s2] =	ssyncpa.u1 $0x1  }
0x187: {  	s31 =	simm.s32 $0x3;
	[sflag:s30] =	ssyncpa.u1 $0x1  }
0x188: {  	[sflag:s31] =	ssyncpa.u1 $0x1  }
0x189: {  	p0 =	sne.s32 s1, $0x0;
	_ =	strace $0x90000056  }
0x18a: {  	s0 =	sadd.s32 @!p0 $0x100000, s0;
	[bflag:$0x2] =	sbarrier.arrive $0xFFFF  }
0x18b: {  	[sflag:s0] =	ssyncadd.tile.s32 @!p0 $0x1;
	_ =	shalt  }
.Lfunc_end2:
_tile_overlayer_lowered:
.L_overlay_start_2:
0x18c: {  	(tag) =	ssettag $0x2  }
0x18d: {  	s0 =	rddreg [dreg:$0x0];
	s2 =	stileid.u32  }
0x18e: {  	s1 =	rddreg [dreg:$0x1];
	p0 =	sne.s32 s2, $0x0  }
0x18f: {  	s3 =	rddreg [dreg:$0x2];
	[bflag:$0x3] =	sbarrier.arrive $0xFFFF;
	s2 =	simm.s32 @!p0 $0x1C01  }
0x190: {  	[timem:s3], [sflag:s2] =	dma.local @!p0 [hbm:s0], s1  }
0x191: {  	s0 =	simm.s32 @!p0 $0x1  }
0x192: {  	_ =	swait.ge @!p0 [sflag:s0], s1  }
0x193: {  	s1 =	ssub.s32 @!p0 $0x0, s1;
	[sflag:s0] =	ssyncset.done @!p0 $0x0  }
0x194: {  	[sflag:s0] =	ssyncadd.s32 @!p0 s1  }
0x195: {  	[bflag:$0x3] =	sbarrier.arrive $0xFFFF  }
0x196: {  	_ =	shalt  }

// kernel: sparse-core-data-format-call.1.cloned.1.call-start
scs
called_computation.1_lowered:
.L_overlay_start_0:
0x0: {  	s2 =	sld [smem:$0x3FD9]  }
0x1: {  	s3 =	sld [smem:$0x3FFE];
	_ =	sdelay $0x1  }
0x2: {  	s1 =	srdreg.scid  }
0x3: {  	s0 =	sand.u32 $0x1, s1  }
0x4: {  	s18 =	sshll.u32 s0, $0xA;
	s2 =	sadd.s32 s3, s2  }
0x5: {  	s2 =	sadd.s32 s2, s18  }
0x6: {  	[smem:$0x3FC5] =	sst s2  }
0x7: {  	_ = 	snop  }
0x8: {  	(tm) =	ssettm $0x1  }
0x9: {  	s19 =	sld [smem:$0x3FFB];
	_ =	sdelay $0x3  }
0xa: {  	_ =	strace s19  }
0xb: {  	s2 =	sld [smem:$0x3FFC];
	_ =	sdelay $0x3  }
0xc: {  	_ =	strace s2  }
0xd: {  	s2 =	sld [smem:$0x3FFD];
	_ =	sdelay $0x3  }
0xe: {  	_ =	strace s2  }
0xf: {  	_ =	strace $0x8FFFFFFF  }
0x10: {  	s20 =	sld [smem:$0x3FDB];
	_ =	sdelay $0x1  }
0x11: {  	s21 =	simm.s32 $_scs_section_size  }
0x12: {  	s4 =	simm.s32 $_size__tile_overlayer_lowered;
	s5 =	simm.s32 $_tile_overlayer_lowered  }
0x13: {  	s6 =	simm.s32 $0x1BFF;
	s22 =	sshll.u32 s5, $0x1;
	s3 =	sadd.s32 s21, s20  }
0x14: {  	s23 =	simm.s32 $0x0;
	s4 =	sshll.u32 s4, $0x1;
	s5 =	sadd.s32 s22, s3  }
0x15: {  	[timem:s23], [sflag:s6] =	dma.local [hbm:s5], s4  }
0x16: {  	_ =	swait.ge [sflag:s6], s4  }
0x17: {  	s4 =	ssub.s32 $0x0, s4;
	[sflag:s6] =	ssyncset.done $0x0  }
0x18: {  	[sflag:s6] =	ssyncadd.s32 s4;
	_ =	sdelay $0x1  }
0x19: {  	s24 =	simm.s32 $0x1B8B  }
0x1a: {  	_ =	swait.ge [sflag:s24], $0x1  }
0x1b: {  	[sflag:s24] =	ssyncset.done $0x0  }
0x1c: {  	[sflag:s24] =	ssyncadd.s32 $0xFFFFFFFF  }
0x1d: {  	s4 =	sld [smem:$0x0]  }
0x1e: {  	s5 =	sand.u32 $0xFFFFFFFE, s1  }
0x1f: {  	p0 =	sne.s32 s1, s5  }
0x20: {  	s5 =	sshll.u32 @p0 s5, $0xE  }
0x21: {  	s5 =	sadd.s32 @p0 $0x11B8D, s5;
	s6 =	sshll.u32 @p0 s4, $0x11  }
0x22: {  	s5 =	sor.u32 @p0 s6, s5  }
0x23: {  	[sflag:s5] =	ssyncadd.remote.s32 @p0 $0x1;
	_ =	sdelay $0x1  }
0x24: {  	s5 =	simm.s32 @p0 $0x1B8D  }
0x25: {  	_ =	swait.eq @p0 [sflag:s5], $0x1  }
0x26: {  	[sflag:s5] =	ssyncadd.s32 @p0 $0xFFFFFFFF  }
0x27: {  	s6 =	sshll.u32 @!p0 s1, $0xE  }
0x28: {  	s6 =	sor.u32 @!p0 $0x4000, s6;
	s5 =	simm.s32 @!p0 $0x1B8D  }
0x29: {  	s4 =	sshll.u32 @!p0 s4, $0x11;
	s6 =	sadd.s32 @!p0 $0x11B8D, s6;
	_ =	swait.eq @!p0 [sflag:s5], $0x1  }
0x2a: {  	s4 =	sor.u32 @!p0 s4, s6;
	[sflag:s5] =	ssyncadd.s32 @!p0 $0xFFFFFFFF  }
0x2b: {  	s26 =	simm.s32 $0x1B8E;
	s25 =	sld [smem:$0x3FFE];
	[sflag:s4] =	ssyncadd.remote.s32 @!p0 $0x1  }
0x2c: {  	s27 =	simm.s32 $execute0_lowered;
	[smem:$0x3FD2] =	sst s26  }
0x2d: {  	s5 =	sshll.u32 s27, $0x1;
	_ =	strace $0x80000049;
	[dreg:$0x1] =	wrdreg $0xFFFFFFFF  }
0x2e: {  	s28 =	simm.s32 $_size_execute0_lowered;
	s3 =	sadd.s32 s3, s5;
	[dreg:$0x0] =	wrdreg $0x0  }
0x2f: {  	s5 =	sshll.u32 s28, $0x1;
	[dreg:$0x2] =	wrdreg s3  }
0x30: {  	[dreg:$0x3] =	wrdreg s5  }
0x31: {  	[dreg:$0x4] =	wrdreg $0xC0  }
0x32: {  	_ =	task [dreg:s23], $0x5FFFF  }
0x33: {  	[dreg:$0x1] =	wrdreg $0xFFFFFFFF  }
0x34: {  	[dreg:$0x0] =	wrdreg $0x60  }
0x35: {  	[dreg:$0x2] =	wrdreg s25  }
0x36: {  	[dreg:$0x3] =	wrdreg $0xA  }
0x37: {  	_ =	task.clear_ibuf [dreg:s23], $0x4FFFF;
	_ =	strace $0x90000049  }
0x38: {  	s29 =	simm.s32 $0xA;
	_ =	strace $0x8000004B  }
0x39: {  	_ =	swait.ge [sflag:s29], $0x1  }
0x3a: {  	[sflag:s29] =	ssyncadd.s32 $0xFFFFFFFF  }
0x3b: {  	_ =	strace $0x9000004B  }
0x3c: {  	_ =	sfence  }
0x3d: {  	s30 =	sld [smem:$0x0];
	_ =	sdelay $0x2  }
0x3e: {  	s31 =	sshll.u32 s1, $0xD;
	s1 =	sshrl.u32 s1, $0x2  }
0x3f: {  	s4 =	sand.u32 $0x4000, s31;
	s1 =	sadd.s32 s1, s30  }
0x40: {  	s0 =	sor.u32 s4, s0;
	s1 =	sshll.u32 s1, $0x11  }
0x41: {  	s0 =	sor.u32 s1, s0  }
0x42: {  	s0 =	sadd.s32 $0x8F2B, s0  }
0x43: {  	[sflag:s0] =	ssyncadd.remote.s32 $0x1  }
0x44: {  	_ =	sfence.sel $0xFFFF  }
0x45: {  	[dreg:$0x0] =	wrdreg $0xFFFFFFFF;
	(pc) =	sbr.abs _section_cstart, $3  }
0x46: {  	[dreg:$0x1] =	wrdreg $0xFFFFFFFF  }
0x47: {  	_ =	task.clear_ibuf [dreg:s23], $0x2FFFF;
	_ =	strace $0x9FFFFFFF  }
0x48: {  	(tm) =	ssettm $0x7FFFFFFF  }
0x49: {  	_ =	shalt  }
tec
execute0_lowered:
.L_overlay_start_1:
0x0: {  	(tag) =	ssettag $0x1  }
0x1: {  	s1 =	rddreg [dreg:$0x0]  }
0x2: {  	s0 =	rddreg [dreg:$0x1]  }
0x3: {  	s3 =	srdreg.scid;
	_ =	strace $0x8000004A;
	s5 =	simm.s32 $0x1  }
0x4: {  	s8 =	simm.s32 $0x2;
	s9 =	simm.s32 $0x0;
	s14 =	simm.s32 $0x0  }
0x5: {  	s15 =	simm.s32 $0x0;
	s16 =	simm.s32 $0x0;
	s11 =	simm.s32 $0x0  }
0x6: {  	s13 =	stileid.u32;
	s10 =	simm.s32 $0x0;
	s3 =	sand.u32 $0x1, s3  }
.Ltmp0:
0x7: {  	s2 =	sadd.s32 $0xAC0E00, s1;
	s6 =	ssub.s32 $0x2, s3;
	(pc) =	sbr.rel .LBB1_1-.Ltmp0, $4  }
0x8: {  	s4 =	sadd.s32 $0x100E00, s1;
	s1 =	stileid.u32;
	s7 =	sshrl.u32 s6, $0x1  }
0x9: {  	[sflag:s5] =	ssyncpa.u1 $0x0;
	s6 =	ssub.s32 s6, s7;
	s7 =	sadd.s32 s3, s7  }
0xa: {  	[sflag:s8] =	ssyncpa.u1 $0x0;
	s8 =	simm.s32 $0x0;
	s7 =	sshll.u32 s7, $0x4  }
0xb: {  	s12 =	smov.u32 s3;
	s6 =	sshll.u32 s6, $0x4;
	s7 =	ssub.s32 $0x22, s7  }
.LBB1_4:
0xc: {  	[tilespmem:s17+$0xFFFFFFF0] =	vst v0  }
0xd: {  	[tilespmem:s17+$0x0] =	vst v1;
	s16 =	sshll.u32 s16, $0xF  }
0xe: {  	[tilespmem:s17+$0x10] =	vst v2;
	s15 =	sshll.u32 s15, $0x13;
	s14 =	sshll.u32 s14, $0x3;
	s16 =	sadd.s32 s4, s16  }
0xf: {  	[tilespmem:s17+$0x20] =	vst v4;
	s14 =	sand.u32 $0x7FF0, s14;
	s15 =	sadd.s32 s15, s16  }
0x10: {  	[tilespmem:s17+$0xFFFFFFC0] =	vst v3;
	s14 =	sadd.s32 s14, s15  }
0x11: {  	[hbm4b:s14+s8] =	stream.linear.scatter [tilespmem:s18], [sflag:$0x2], $0x4000, $0x38;
	[tilespmem:$0x10000] =	vst v63  }
.LBB1_5:
0x12: {  	s17 =	sadd.s32 $0x100, s11  }
0x13: {  	s14 =	sadd.s32 $0x2, s12;
	s18 =	smov.u32 s12;
	p1 =	sgt.s32 s17, $0xFFF  }
0x14: {  	s18 =	smov.u32 @p1 s14  }
0x15: {  	s20 =	smov.u32 s13;
	s14 =	sadd.s32 $0x10, s13;
	p2 =	sgt.s32 s18, $0x1  }
0x16: {  	p0 =	slt.u32 s10, $0x2;
	s20 =	smov.u32 @p2 s14  }
0x17: {  	s10 =	sadd.s32 $0x1, s10;
	s17 =	simm.s32 @p1 $0x0;
	p1 =	sgt.s32 s20, $0xF  }
0x18: {  	s20 =	smov.u32 @p1 s1;
	p1 =	sne.s32 s10, s7  }
.Ltmp1:
0x19: {  	s19 =	simm.s32 @!p0 $0x2;
	(pc) =	sbr.rel @!p1 .LBB1_6-.Ltmp1, $4  }
0x1a: {  	s15 =	smov.u32 s12;
	_ =	swait.ge @!p0 [sflag:s19], $0x4000  }
0x1b: {  	s16 =	smov.u32 s13;
	s9 =	sadd.s32 $0x8000, s9;
	[sflag:s19] =	ssyncset.done @!p0 $0x0  }
0x1c: {  	s18 =	smov.u32 @p2 s3;
	s14 =	smov.u32 s11;
	[sflag:s19] =	ssyncadd.s32 @!p0 $0xFFFFC000  }
0x1d: {  	s11 =	smov.u32 s17;
	s12 =	smov.u32 s18;
	s13 =	smov.u32 s20  }
.LBB1_1:
0x1e: {  	p0 =	sge.u32 s10, s6  }
0x1f: {  	s31 =	sadd.s32 $0xFFFFFFFF, s10;
	s17 =	sxor.u32 @!p0 $0xFFFFFFFF, s10;
	s18 =	sshll.u32 @!p0 s13, $0x10  }
0x20: {  	s19 =	sshll.u32 @!p0 s12, $0xF;
	s20 =	sshll.u32 @!p0 s11, $0x3;
	s18 =	sadd.s32 @!p0 s2, s18  }
0x21: {  	s20 =	sand.u32 @!p0 $0x7FF0, s20;
	s17 =	sshll.u32 @!p0 s17, $0xE;
	s18 =	sadd.s32 @!p0 s19, s18  }
0x22: {  	s17 =	sand.u32 @!p0 $0x4000, s17;
	s19 =	simm.s32 @!p0 $0x0;
	s18 =	sadd.s32 @!p0 s20, s18  }
0x23: {  	[tilespmem:s17], [sflag:$0x1] =	stream.linear.gather @!p0 [hbm4b:s18+s19], $0x4000, $0x38;
	[tilespmem:$0x10000] =	vst v63  }
0x24: {  	p0 =	sge.u32 s31, s6  }
.Ltmp2:
0x25: {  	_ = 	snop;
	(pc) =	sbr.rel @p0 .LBB1_5-.Ltmp2, $1  }
0x26: {  	_ =	sdelay $0x3  }
0x27: {  	s17 =	sshrl.u32 s9, $0x1;
	_ =	swait.ge [sflag:s5], $0x4000  }
0x28: {  	s17 =	sand.u32 $0x4000, s17;
	[sflag:s5] =	ssyncset.done $0x0  }
0x29: {  	s20 =	sor.u32 $0x40, s17;
	[sflag:s5] =	ssyncadd.s32 $0xFFFFC000  }
0x2a: {  	v3 =	vld [tilespmem:s20+$0x30]  }
0x2b: {  	v4 =	vld [tilespmem:s20+$0xFFFFFFD0]  }
0x2c: {  	v5 =	vld [tilespmem:s20+$0xFFFFFFE0]  }
0x2d: {  	v0 =	vld [tilespmem:s20+$0xFFFFFFF0]  }
0x2e: {  	s17 =	sor.u32 $0x8040, s17;
	v1 =	vld [tilespmem:s20+$0x0]  }
0x2f: {  	s18 =	sshll.u32 s10, $0xE;
	v2 =	vld [tilespmem:s20+$0x10];
	[tilespmem:s17+$0x30] =	vst v3  }
0x30: {  	s18 =	sand.u32 $0x4000, s18;
	[tilespmem:s17+$0xFFFFFFD0] =	vst v4;
	v4 =	vld [tilespmem:s20+$0x20]  }
0x31: {  	s19 =	simm.s32 $0x0;
	s18 =	sor.u32 $0x8000, s18;
	v3 =	vld [tilespmem:s20+$0xFFFFFFC0];
	[tilespmem:s17+$0xFFFFFFE0] =	vst v5;
	s20 =	sadd.s32 $0x80, s20  }
.LBB1_3:
0x32: {  	v5 =	vld [tilespmem:s20+$0x30];
	s19 =	sadd.s32 $0x2, s19;
	[tilespmem:s17+$0xFFFFFFF0] =	vst v0  }
0x33: {  	v6 =	vld [tilespmem:s20+$0xFFFFFFD0];
	p0 =	slt.u32 s19, $0xFE;
	[tilespmem:s17+$0x0] =	vst v1  }
0x34: {  	v7 =	vld [tilespmem:s20+$0xFFFFFFE0];
	[tilespmem:s17+$0x10] =	vst v2  }
.Ltmp3:
0x35: {  	v0 =	vld [tilespmem:s20+$0xFFFFFFF0];
	[tilespmem:s17+$0x20] =	vst v4;
	(pc) =	sbr.rel @p0 .LBB1_3-.Ltmp3, $4  }
0x36: {  	v1 =	vld [tilespmem:s20+$0x0];
	[tilespmem:s17+$0xFFFFFFC0] =	vst v3;
	s17 =	sadd.s32 $0x80, s17  }
0x37: {  	v2 =	vld [tilespmem:s20+$0x10];
	[tilespmem:s17+$0x30] =	vst v5  }
0x38: {  	[tilespmem:s17+$0xFFFFFFD0] =	vst v6;
	v4 =	vld [tilespmem:s20+$0x20]  }
0x39: {  	v3 =	vld [tilespmem:s20+$0xFFFFFFC0];
	[tilespmem:s17+$0xFFFFFFE0] =	vst v7;
	s20 =	sadd.s32 $0x80, s20  }
.Ltmp4:
0x3a: {  	_ = 	snop;
	(pc) =	sbr.rel .LBB1_4-.Ltmp4, $1  }
0x3b: {  	_ =	sdelay $0x3  }
.LBB1_6:
0x3c: {  	_ =	sfence.sel $0x180000  }
0x3d: {  	s2 =	simm.s32 $0x1;
	[bflag:$0x0] =	sbarrier.arrive $0xFFFF  }
0x3e: {  	s31 =	simm.s32 $0x2;
	[sflag:s2] =	ssyncpa.u1 $0x1  }
0x3f: {  	[sflag:s31] =	ssyncpa.u1 $0x1  }
0x40: {  	p0 =	sne.s32 s1, $0x0;
	_ =	strace $0x9000004A  }
0x41: {  	s0 =	sadd.s32 @!p0 $0x100000, s0;
	[bflag:$0x2] =	sbarrier.arrive $0xFFFF  }
0x42: {  	[sflag:s0] =	ssyncadd.tile.s32 @!p0 $0x1;
	_ =	shalt  }
.Lfunc_end1:
_tile_overlayer_lowered:
.L_overlay_start_2:
0x43: {  	(tag) =	ssettag $0x2  }
0x44: {  	s0 =	rddreg [dreg:$0x0];
	s2 =	stileid.u32  }
0x45: {  	s1 =	rddreg [dreg:$0x1];
	p0 =	sne.s32 s2, $0x0  }
0x46: {  	s3 =	rddreg [dreg:$0x2];
	[bflag:$0x3] =	sbarrier.arrive $0xFFFF;
	s2 =	simm.s32 @!p0 $0x1C01  }
0x47: {  	[timem:s3], [sflag:s2] =	dma.local @!p0 [hbm:s0], s1  }
0x48: {  	s0 =	simm.s32 @!p0 $0x1  }
0x49: {  	_ =	swait.ge @!p0 [sflag:s0], s1  }
0x4a: {  	s1 =	ssub.s32 @!p0 $0x0, s1;
	[sflag:s0] =	ssyncset.done @!p0 $0x0  }
0x4b: {  	[sflag:s0] =	ssyncadd.s32 @!p0 s1  }
0x4c: {  	[bflag:$0x3] =	sbarrier.arrive $0xFFFF  }
0x4d: {  	_ =	shalt  }

// kernel: sparse-core-data-format-call.2.cloned.1.call-start
scs
called_computation.2_lowered:
.L_overlay_start_0:
0x0: {  	s1 =	sld [smem:$0x3FD9]  }
0x1: {  	s2 =	sld [smem:$0x3FFE];
	_ =	sdelay $0x1  }
0x2: {  	s3 =	srdreg.scid  }
0x3: {  	s0 =	sand.u32 $0x1, s3  }
0x4: {  	s17 =	sshll.u32 s0, $0xA;
	s1 =	sadd.s32 s2, s1  }
0x5: {  	s1 =	sadd.s32 s1, s17  }
0x6: {  	[smem:$0x3FC5] =	sst s1  }
0x7: {  	_ = 	snop  }
0x8: {  	(tm) =	ssettm $0x1  }
0x9: {  	s18 =	sld [smem:$0x3FFB];
	_ =	sdelay $0x3  }
0xa: {  	_ =	strace s18  }
0xb: {  	s1 =	sld [smem:$0x3FFC];
	_ =	sdelay $0x3  }
0xc: {  	_ =	strace s1  }
0xd: {  	s1 =	sld [smem:$0x3FFD];
	_ =	sdelay $0x3  }
0xe: {  	_ =	strace s1  }
0xf: {  	_ =	strace $0x8FFFFFFF  }
0x10: {  	s19 =	sld [smem:$0x3FDB];
	_ =	sdelay $0x1  }
0x11: {  	s20 =	simm.s32 $_scs_section_size  }
0x12: {  	s4 =	simm.s32 $_size__tile_overlayer_lowered;
	s5 =	simm.s32 $_tile_overlayer_lowered  }
0x13: {  	s23 =	simm.s32 $0x1BFF;
	s22 =	sshll.u32 s5, $0x1;
	s1 =	sadd.s32 s20, s19  }
0x14: {  	s6 =	simm.s32 $0x0;
	s21 =	sshll.u32 s4, $0x1;
	s4 =	sadd.s32 s22, s1  }
0x15: {  	[timem:s6], [sflag:s23] =	dma.local [hbm:s4], s21  }
0x16: {  	_ =	swait.ge [sflag:s23], s21  }
0x17: {  	s2 =	ssub.s32 $0x0, s21;
	[sflag:s23] =	ssyncset.done $0x0  }
0x18: {  	[sflag:s23] =	ssyncadd.s32 s2;
	_ =	sdelay $0x1  }
0x19: {  	s24 =	simm.s32 $0x1B8B  }
0x1a: {  	_ =	swait.ge [sflag:s24], $0x1  }
0x1b: {  	[sflag:s24] =	ssyncset.done $0x0  }
0x1c: {  	s26 =	simm.s32 $0x1B8E;
	s25 =	sld [smem:$0x3FFE];
	[sflag:s24] =	ssyncadd.s32 $0xFFFFFFFF  }
0x1d: {  	s27 =	simm.s32 $execute0_lowered;
	[smem:$0x3FD2] =	sst s26  }
0x1e: {  	s4 =	sshll.u32 s27, $0x1;
	_ =	strace $0x80000046;
	[dreg:$0x1] =	wrdreg $0xFFFFFFFF  }
0x1f: {  	s28 =	simm.s32 $_size_execute0_lowered;
	s1 =	sadd.s32 s1, s4;
	[dreg:$0x0] =	wrdreg $0x0  }
0x20: {  	s4 =	sshll.u32 s28, $0x1;
	[dreg:$0x2] =	wrdreg s1  }
0x21: {  	[dreg:$0x3] =	wrdreg s4  }
0x22: {  	[dreg:$0x4] =	wrdreg $0xC0  }
0x23: {  	_ =	task [dreg:s6], $0x5FFFF  }
0x24: {  	[dreg:$0x1] =	wrdreg $0xFFFFFFFF  }
0x25: {  	[dreg:$0x0] =	wrdreg $0x60  }
0x26: {  	[dreg:$0x2] =	wrdreg s25  }
0x27: {  	[dreg:$0x3] =	wrdreg $0xB  }
0x28: {  	_ =	task.clear_ibuf [dreg:s6], $0x4FFFF;
	_ =	strace $0x90000046  }
0x29: {  	s29 =	simm.s32 $0xB;
	_ =	strace $0x80000048  }
0x2a: {  	_ =	swait.ge [sflag:s29], $0x1  }
0x2b: {  	[sflag:s29] =	ssyncadd.s32 $0xFFFFFFFF  }
0x2c: {  	_ =	strace $0x90000048  }
0x2d: {  	_ =	sfence  }
0x2e: {  	s30 =	sld [smem:$0x0];
	_ =	sdelay $0x2  }
0x2f: {  	s31 =	sshll.u32 s3, $0xD;
	s3 =	sshrl.u32 s3, $0x2  }
0x30: {  	s2 =	sand.u32 $0x4000, s31;
	s1 =	sadd.s32 s3, s30  }
0x31: {  	s0 =	sor.u32 s2, s0;
	s1 =	sshll.u32 s1, $0x11  }
0x32: {  	s0 =	sor.u32 s1, s0  }
0x33: {  	s0 =	sadd.s32 $0x8F2B, s0  }
0x34: {  	[sflag:s0] =	ssyncadd.remote.s32 $0x1  }
0x35: {  	_ =	sfence.sel $0xFFFF  }
0x36: {  	[dreg:$0x0] =	wrdreg $0xFFFFFFFF;
	(pc) =	sbr.abs _section_cstart, $3  }
0x37: {  	[dreg:$0x1] =	wrdreg $0xFFFFFFFF  }
0x38: {  	_ =	task.clear_ibuf [dreg:s6], $0x2FFFF;
	_ =	strace $0x9FFFFFFF  }
0x39: {  	(tm) =	ssettm $0x7FFFFFFF  }
tec
execute0_lowered:
.L_overlay_start_1:
0x0: {  	(tag) =	ssettag $0x1  }
0x1: {  	s1 =	rddreg [dreg:$0x0]  }
0x2: {  	s0 =	rddreg [dreg:$0x1]  }
0x3: {  	s3 =	srdreg.scid;
	_ =	strace $0x80000047;
	s5 =	simm.s32 $0x1  }
0x4: {  	s8 =	simm.s32 $0x2;
	s9 =	simm.s32 $0x0;
	s14 =	simm.s32 $0x0  }
0x5: {  	s15 =	simm.s32 $0x0;
	s16 =	simm.s32 $0x0;
	s11 =	simm.s32 $0x0  }
0x6: {  	s13 =	stileid.u32;
	s10 =	simm.s32 $0x0;
	s3 =	sand.u32 $0x1, s3  }
.Ltmp0:
0x7: {  	s2 =	sadd.s32 $0x9C0E00, s1;
	s6 =	ssub.s32 $0x2, s3;
	(pc) =	sbr.rel .LBB1_1-.Ltmp0, $4  }
0x8: {  	s4 =	sadd.s32 $0xE00, s1;
	s1 =	stileid.u32;
	s7 =	sshrl.u32 s6, $0x1  }
0x9: {  	[sflag:s5] =	ssyncpa.u1 $0x0;
	s6 =	ssub.s32 s6, s7;
	s7 =	sadd.s32 s3, s7  }
0xa: {  	[sflag:s8] =	ssyncpa.u1 $0x0;
	s8 =	simm.s32 $0x0;
	s7 =	sshll.u32 s7, $0x4  }
0xb: {  	s12 =	smov.u32 s3;
	s6 =	sshll.u32 s6, $0x4;
	s7 =	ssub.s32 $0x22, s7  }
.LBB1_4:
0xc: {  	[tilespmem:s17+$0xFFFFFFF0] =	vst v0  }
0xd: {  	[tilespmem:s17+$0x0] =	vst v1;
	s16 =	sshll.u32 s16, $0xF  }
0xe: {  	[tilespmem:s17+$0x10] =	vst v2;
	s15 =	sshll.u32 s15, $0x13;
	s14 =	sshll.u32 s14, $0x3;
	s16 =	sadd.s32 s4, s16  }
0xf: {  	[tilespmem:s17+$0x20] =	vst v4;
	s14 =	sand.u32 $0x7FF0, s14;
	s15 =	sadd.s32 s15, s16  }
0x10: {  	[tilespmem:s17+$0xFFFFFFC0] =	vst v3;
	s14 =	sadd.s32 s14, s15  }
0x11: {  	[hbm4b:s14+s8] =	stream.linear.scatter [tilespmem:s18], [sflag:$0x2], $0x4000, $0x38;
	[tilespmem:$0x10000] =	vst v63  }
.LBB1_5:
0x12: {  	s17 =	sadd.s32 $0x100, s11  }
0x13: {  	s14 =	sadd.s32 $0x2, s12;
	s18 =	smov.u32 s12;
	p1 =	sgt.s32 s17, $0xFFF  }
0x14: {  	s18 =	smov.u32 @p1 s14  }
0x15: {  	s20 =	smov.u32 s13;
	s14 =	sadd.s32 $0x10, s13;
	p2 =	sgt.s32 s18, $0x1  }
0x16: {  	p0 =	slt.u32 s10, $0x2;
	s20 =	smov.u32 @p2 s14  }
0x17: {  	s10 =	sadd.s32 $0x1, s10;
	s17 =	simm.s32 @p1 $0x0;
	p1 =	sgt.s32 s20, $0xF  }
0x18: {  	s20 =	smov.u32 @p1 s1;
	p1 =	sne.s32 s10, s7  }
.Ltmp1:
0x19: {  	s19 =	simm.s32 @!p0 $0x2;
	(pc) =	sbr.rel @!p1 .LBB1_6-.Ltmp1, $4  }
0x1a: {  	s15 =	smov.u32 s12;
	_ =	swait.ge @!p0 [sflag:s19], $0x4000  }
0x1b: {  	s16 =	smov.u32 s13;
	s9 =	sadd.s32 $0x8000, s9;
	[sflag:s19] =	ssyncset.done @!p0 $0x0  }
0x1c: {  	s18 =	smov.u32 @p2 s3;
	s14 =	smov.u32 s11;
	[sflag:s19] =	ssyncadd.s32 @!p0 $0xFFFFC000  }
0x1d: {  	s11 =	smov.u32 s17;
	s12 =	smov.u32 s18;
	s13 =	smov.u32 s20  }
.LBB1_1:
0x1e: {  	p0 =	sge.u32 s10, s6  }
0x1f: {  	s31 =	sadd.s32 $0xFFFFFFFF, s10;
	s17 =	sxor.u32 @!p0 $0xFFFFFFFF, s10;
	s18 =	sshll.u32 @!p0 s13, $0x10  }
0x20: {  	s19 =	sshll.u32 @!p0 s12, $0xF;
	s20 =	sshll.u32 @!p0 s11, $0x3;
	s18 =	sadd.s32 @!p0 s2, s18  }
0x21: {  	s20 =	sand.u32 @!p0 $0x7FF0, s20;
	s17 =	sshll.u32 @!p0 s17, $0xE;
	s18 =	sadd.s32 @!p0 s19, s18  }
0x22: {  	s17 =	sand.u32 @!p0 $0x4000, s17;
	s19 =	simm.s32 @!p0 $0x0;
	s18 =	sadd.s32 @!p0 s20, s18  }
0x23: {  	[tilespmem:s17], [sflag:$0x1] =	stream.linear.gather @!p0 [hbm4b:s18+s19], $0x4000, $0x38;
	[tilespmem:$0x10000] =	vst v63  }
0x24: {  	p0 =	sge.u32 s31, s6  }
.Ltmp2:
0x25: {  	_ = 	snop;
	(pc) =	sbr.rel @p0 .LBB1_5-.Ltmp2, $1  }
0x26: {  	_ =	sdelay $0x3  }
0x27: {  	s17 =	sshrl.u32 s9, $0x1;
	_ =	swait.ge [sflag:s5], $0x4000  }
0x28: {  	s17 =	sand.u32 $0x4000, s17;
	[sflag:s5] =	ssyncset.done $0x0  }
0x29: {  	s20 =	sor.u32 $0x40, s17;
	[sflag:s5] =	ssyncadd.s32 $0xFFFFC000  }
0x2a: {  	v3 =	vld [tilespmem:s20+$0x30]  }
0x2b: {  	v4 =	vld [tilespmem:s20+$0xFFFFFFD0]  }
0x2c: {  	v5 =	vld [tilespmem:s20+$0xFFFFFFE0]  }
0x2d: {  	v0 =	vld [tilespmem:s20+$0xFFFFFFF0]  }
0x2e: {  	s17 =	sor.u32 $0x8040, s17;
	v1 =	vld [tilespmem:s20+$0x0]  }
0x2f: {  	s18 =	sshll.u32 s10, $0xE;
	v2 =	vld [tilespmem:s20+$0x10];
	[tilespmem:s17+$0x30] =	vst v3  }
0x30: {  	s18 =	sand.u32 $0x4000, s18;
	[tilespmem:s17+$0xFFFFFFD0] =	vst v4;
	v4 =	vld [tilespmem:s20+$0x20]  }
0x31: {  	s19 =	simm.s32 $0x0;
	s18 =	sor.u32 $0x8000, s18;
	v3 =	vld [tilespmem:s20+$0xFFFFFFC0];
	[tilespmem:s17+$0xFFFFFFE0] =	vst v5;
	s20 =	sadd.s32 $0x80, s20  }
.LBB1_3:
0x32: {  	v5 =	vld [tilespmem:s20+$0x30];
	s19 =	sadd.s32 $0x2, s19;
	[tilespmem:s17+$0xFFFFFFF0] =	vst v0  }
0x33: {  	v6 =	vld [tilespmem:s20+$0xFFFFFFD0];
	p0 =	slt.u32 s19, $0xFE;
	[tilespmem:s17+$0x0] =	vst v1  }
0x34: {  	v7 =	vld [tilespmem:s20+$0xFFFFFFE0];
	[tilespmem:s17+$0x10] =	vst v2  }
.Ltmp3:
0x35: {  	v0 =	vld [tilespmem:s20+$0xFFFFFFF0];
	[tilespmem:s17+$0x20] =	vst v4;
	(pc) =	sbr.rel @p0 .LBB1_3-.Ltmp3, $4  }
0x36: {  	v1 =	vld [tilespmem:s20+$0x0];
	[tilespmem:s17+$0xFFFFFFC0] =	vst v3;
	s17 =	sadd.s32 $0x80, s17  }
0x37: {  	v2 =	vld [tilespmem:s20+$0x10];
	[tilespmem:s17+$0x30] =	vst v5  }
0x38: {  	[tilespmem:s17+$0xFFFFFFD0] =	vst v6;
	v4 =	vld [tilespmem:s20+$0x20]  }
0x39: {  	v3 =	vld [tilespmem:s20+$0xFFFFFFC0];
	[tilespmem:s17+$0xFFFFFFE0] =	vst v7;
	s20 =	sadd.s32 $0x80, s20  }
.Ltmp4:
0x3a: {  	_ = 	snop;
	(pc) =	sbr.rel .LBB1_4-.Ltmp4, $1  }
0x3b: {  	_ =	sdelay $0x3  }
.LBB1_6:
0x3c: {  	_ =	sfence.sel $0x180000  }
0x3d: {  	s2 =	simm.s32 $0x1;
	[bflag:$0x0] =	sbarrier.arrive $0xFFFF  }
0x3e: {  	s31 =	simm.s32 $0x2;
	[sflag:s2] =	ssyncpa.u1 $0x1  }
0x3f: {  	[sflag:s31] =	ssyncpa.u1 $0x1  }
0x40: {  	p0 =	sne.s32 s1, $0x0;
	_ =	strace $0x90000047  }
0x41: {  	s0 =	sadd.s32 @!p0 $0x100000, s0;
	[bflag:$0x2] =	sbarrier.arrive $0xFFFF  }
0x42: {  	[sflag:s0] =	ssyncadd.tile.s32 @!p0 $0x1;
	_ =	shalt  }
.Lfunc_end1:
_tile_overlayer_lowered:
.L_overlay_start_2:
0x43: {  	(tag) =	ssettag $0x2  }
0x44: {  	s0 =	rddreg [dreg:$0x0];
	s2 =	stileid.u32  }
0x45: {  	s1 =	rddreg [dreg:$0x1];
	p0 =	sne.s32 s2, $0x0  }
0x46: {  	s3 =	rddreg [dreg:$0x2];
	[bflag:$0x3] =	sbarrier.arrive $0xFFFF;
	s2 =	simm.s32 @!p0 $0x1C01  }
0x47: {  	[timem:s3], [sflag:s2] =	dma.local @!p0 [hbm:s0], s1  }
0x48: {  	s0 =	simm.s32 @!p0 $0x1  }
0x49: {  	_ =	swait.ge @!p0 [sflag:s0], s1  }
0x4a: {  	s1 =	ssub.s32 @!p0 $0x0, s1;
	[sflag:s0] =	ssyncset.done @!p0 $0x0  }
0x4b: {  	[sflag:s0] =	ssyncadd.s32 @!p0 s1  }
0x4c: {  	[bflag:$0x3] =	sbarrier.arrive $0xFFFF  }
0x4d: {  	_ =	shalt  }

// kernel: sparse-core-data-format-call.3.cloned.1.call-start
scs
called_computation.3_lowered:
.L_overlay_start_0:
0x0: {  	s2 =	sld [smem:$0x3FD9]  }
0x1: {  	s3 =	sld [smem:$0x3FFE];
	_ =	sdelay $0x1  }
0x2: {  	s1 =	srdreg.scid  }
0x3: {  	s0 =	sand.u32 $0x1, s1  }
0x4: {  	s18 =	sshll.u32 s0, $0xA;
	s2 =	sadd.s32 s3, s2  }
0x5: {  	s2 =	sadd.s32 s2, s18  }
0x6: {  	[smem:$0x3FC5] =	sst s2  }
0x7: {  	_ = 	snop  }
0x8: {  	(tm) =	ssettm $0x1  }
0x9: {  	s19 =	sld [smem:$0x3FFB];
	_ =	sdelay $0x3  }
0xa: {  	_ =	strace s19  }
0xb: {  	s2 =	sld [smem:$0x3FFC];
	_ =	sdelay $0x3  }
0xc: {  	_ =	strace s2  }
0xd: {  	s2 =	sld [smem:$0x3FFD];
	_ =	sdelay $0x3  }
0xe: {  	_ =	strace s2  }
0xf: {  	_ =	strace $0x8FFFFFFF  }
0x10: {  	s20 =	sld [smem:$0x3FDB];
	_ =	sdelay $0x1  }
0x11: {  	s21 =	simm.s32 $_scs_section_size  }
0x12: {  	s4 =	simm.s32 $_size__tile_overlayer_lowered;
	s5 =	simm.s32 $_tile_overlayer_lowered  }
0x13: {  	s6 =	simm.s32 $0x1BFF;
	s22 =	sshll.u32 s5, $0x1;
	s3 =	sadd.s32 s21, s20  }
0x14: {  	s23 =	simm.s32 $0x0;
	s4 =	sshll.u32 s4, $0x1;
	s5 =	sadd.s32 s22, s3  }
0x15: {  	[timem:s23], [sflag:s6] =	dma.local [hbm:s5], s4  }
0x16: {  	_ =	swait.ge [sflag:s6], s4  }
0x17: {  	s4 =	ssub.s32 $0x0, s4;
	[sflag:s6] =	ssyncset.done $0x0  }
0x18: {  	[sflag:s6] =	ssyncadd.s32 s4;
	_ =	sdelay $0x1  }
0x19: {  	s24 =	simm.s32 $0x1B8B  }
0x1a: {  	_ =	swait.ge [sflag:s24], $0x1  }
0x1b: {  	[sflag:s24] =	ssyncset.done $0x0  }
0x1c: {  	[sflag:s24] =	ssyncadd.s32 $0xFFFFFFFF  }
0x1d: {  	s4 =	sld [smem:$0x0]  }
0x1e: {  	s5 =	sand.u32 $0xFFFFFFFE, s1  }
0x1f: {  	p0 =	sne.s32 s1, s5  }
0x20: {  	s5 =	sshll.u32 @p0 s5, $0xE  }
0x21: {  	s5 =	sadd.s32 @p0 $0x11B8D, s5;
	s6 =	sshll.u32 @p0 s4, $0x11  }
0x22: {  	s5 =	sor.u32 @p0 s6, s5  }
0x23: {  	[sflag:s5] =	ssyncadd.remote.s32 @p0 $0x1;
	_ =	sdelay $0x1  }
0x24: {  	s5 =	simm.s32 @p0 $0x1B8D  }
0x25: {  	_ =	swait.eq @p0 [sflag:s5], $0x1  }
0x26: {  	[sflag:s5] =	ssyncadd.s32 @p0 $0xFFFFFFFF  }
0x27: {  	s6 =	sshll.u32 @!p0 s1, $0xE  }
0x28: {  	s6 =	sor.u32 @!p0 $0x4000, s6;
	s5 =	simm.s32 @!p0 $0x1B8D  }
0x29: {  	s4 =	sshll.u32 @!p0 s4, $0x11;
	s6 =	sadd.s32 @!p0 $0x11B8D, s6;
	_ =	swait.eq @!p0 [sflag:s5], $0x1  }
0x2a: {  	s4 =	sor.u32 @!p0 s4, s6;
	[sflag:s5] =	ssyncadd.s32 @!p0 $0xFFFFFFFF  }
0x2b: {  	s26 =	simm.s32 $0x1B8E;
	s25 =	sld [smem:$0x3FFE];
	[sflag:s4] =	ssyncadd.remote.s32 @!p0 $0x1  }
0x2c: {  	s27 =	simm.s32 $execute0_lowered;
	[smem:$0x3FD2] =	sst s26  }
0x2d: {  	s5 =	sshll.u32 s27, $0x1;
	_ =	strace $0x8000004C;
	[dreg:$0x1] =	wrdreg $0xFFFFFFFF  }
0x2e: {  	s28 =	simm.s32 $_size_execute0_lowered;
	s3 =	sadd.s32 s3, s5;
	[dreg:$0x0] =	wrdreg $0x0  }
0x2f: {  	s5 =	sshll.u32 s28, $0x1;
	[dreg:$0x2] =	wrdreg s3  }
0x30: {  	[dreg:$0x3] =	wrdreg s5  }
0x31: {  	[dreg:$0x4] =	wrdreg $0xC0  }
0x32: {  	_ =	task [dreg:s23], $0x5FFFF  }
0x33: {  	[dreg:$0x1] =	wrdreg $0xFFFFFFFF  }
0x34: {  	[dreg:$0x0] =	wrdreg $0x60  }
0x35: {  	[dreg:$0x2] =	wrdreg s25  }
0x36: {  	[dreg:$0x3] =	wrdreg $0x9  }
0x37: {  	_ =	task.clear_ibuf [dreg:s23], $0x4FFFF;
	_ =	strace $0x9000004C  }
0x38: {  	s29 =	simm.s32 $0x9;
	_ =	strace $0x8000004E  }
0x39: {  	_ =	swait.ge [sflag:s29], $0x1  }
0x3a: {  	[sflag:s29] =	ssyncadd.s32 $0xFFFFFFFF  }
0x3b: {  	_ =	strace $0x9000004E  }
0x3c: {  	_ =	sfence  }
0x3d: {  	s30 =	sld [smem:$0x0];
	_ =	sdelay $0x2  }
0x3e: {  	s31 =	sshll.u32 s1, $0xD;
	s1 =	sshrl.u32 s1, $0x2  }
0x3f: {  	s4 =	sand.u32 $0x4000, s31;
	s1 =	sadd.s32 s1, s30  }
0x40: {  	s0 =	sor.u32 s4, s0;
	s1 =	sshll.u32 s1, $0x11  }
0x41: {  	s0 =	sor.u32 s1, s0  }
0x42: {  	s0 =	sadd.s32 $0x8F2B, s0  }
0x43: {  	[sflag:s0] =	ssyncadd.remote.s32 $0x1  }
0x44: {  	_ =	sfence.sel $0xFFFF  }
0x45: {  	[dreg:$0x0] =	wrdreg $0xFFFFFFFF;
	(pc) =	sbr.abs _section_cstart, $3  }
0x46: {  	[dreg:$0x1] =	wrdreg $0xFFFFFFFF  }
0x47: {  	_ =	task.clear_ibuf [dreg:s23], $0x2FFFF;
	_ =	strace $0x9FFFFFFF  }
0x48: {  	(tm) =	ssettm $0x7FFFFFFF  }
0x49: {  	_ =	shalt  }
tec
execute0_lowered:
.L_overlay_start_1:
0x0: {  	(tag) =	ssettag $0x1  }
0x1: {  	s1 =	rddreg [dreg:$0x0]  }
0x2: {  	s0 =	rddreg [dreg:$0x1]  }
0x3: {  	s3 =	srdreg.scid;
	_ =	strace $0x8000004D;
	s5 =	simm.s32 $0x1  }
0x4: {  	s8 =	simm.s32 $0x2;
	s9 =	simm.s32 $0x0;
	s14 =	simm.s32 $0x0  }
0x5: {  	s15 =	simm.s32 $0x0;
	s16 =	simm.s32 $0x0;
	s11 =	simm.s32 $0x0  }
0x6: {  	s13 =	stileid.u32;
	s10 =	simm.s32 $0x0;
	s3 =	sand.u32 $0x1, s3  }
.Ltmp0:
0x7: {  	s2 =	sadd.s32 $0xBC0E00, s1;
	s6 =	ssub.s32 $0x2, s3;
	(pc) =	sbr.rel .LBB1_1-.Ltmp0, $4  }
0x8: {  	s4 =	sadd.s32 $0x200E00, s1;
	s1 =	stileid.u32;
	s7 =	sshrl.u32 s6, $0x1  }
0x9: {  	[sflag:s5] =	ssyncpa.u1 $0x0;
	s6 =	ssub.s32 s6, s7;
	s7 =	sadd.s32 s3, s7  }
0xa: {  	[sflag:s8] =	ssyncpa.u1 $0x0;
	s8 =	simm.s32 $0x0;
	s7 =	sshll.u32 s7, $0x4  }
0xb: {  	s12 =	smov.u32 s3;
	s6 =	sshll.u32 s6, $0x4;
	s7 =	ssub.s32 $0x22, s7  }
.LBB1_4:
0xc: {  	[tilespmem:s17+$0xFFFFFFF0] =	vst v0  }
0xd: {  	[tilespmem:s17+$0x0] =	vst v1;
	s16 =	sshll.u32 s16, $0xF  }
0xe: {  	[tilespmem:s17+$0x10] =	vst v2;
	s15 =	sshll.u32 s15, $0x13;
	s14 =	sshll.u32 s14, $0x3;
	s16 =	sadd.s32 s4, s16  }
0xf: {  	[tilespmem:s17+$0x20] =	vst v4;
	s14 =	sand.u32 $0x7FF0, s14;
	s15 =	sadd.s32 s15, s16  }
0x10: {  	[tilespmem:s17+$0xFFFFFFC0] =	vst v3;
	s14 =	sadd.s32 s14, s15  }
0x11: {  	[hbm4b:s14+s8] =	stream.linear.scatter [tilespmem:s18], [sflag:$0x2], $0x4000, $0x38;
	[tilespmem:$0x10000] =	vst v63  }
.LBB1_5:
0x12: {  	s17 =	sadd.s32 $0x100, s11  }
0x13: {  	s14 =	sadd.s32 $0x2, s12;
	s18 =	smov.u32 s12;
	p1 =	sgt.s32 s17, $0xFFF  }
0x14: {  	s18 =	smov.u32 @p1 s14  }
0x15: {  	s20 =	smov.u32 s13;
	s14 =	sadd.s32 $0x10, s13;
	p2 =	sgt.s32 s18, $0x1  }
0x16: {  	p0 =	slt.u32 s10, $0x2;
	s20 =	smov.u32 @p2 s14  }
0x17: {  	s10 =	sadd.s32 $0x1, s10;
	s17 =	simm.s32 @p1 $0x0;
	p1 =	sgt.s32 s20, $0xF  }
0x18: {  	s20 =	smov.u32 @p1 s1;
	p1 =	sne.s32 s10, s7  }
.Ltmp1:
0x19: {  	s19 =	simm.s32 @!p0 $0x2;
	(pc) =	sbr.rel @!p1 .LBB1_6-.Ltmp1, $4  }
0x1a: {  	s15 =	smov.u32 s12;
	_ =	swait.ge @!p0 [sflag:s19], $0x4000  }
0x1b: {  	s16 =	smov.u32 s13;
	s9 =	sadd.s32 $0x8000, s9;
	[sflag:s19] =	ssyncset.done @!p0 $0x0  }
0x1c: {  	s18 =	smov.u32 @p2 s3;
	s14 =	smov.u32 s11;
	[sflag:s19] =	ssyncadd.s32 @!p0 $0xFFFFC000  }
0x1d: {  	s11 =	smov.u32 s17;
	s12 =	smov.u32 s18;
	s13 =	smov.u32 s20  }
.LBB1_1:
0x1e: {  	p0 =	sge.u32 s10, s6  }
0x1f: {  	s31 =	sadd.s32 $0xFFFFFFFF, s10;
	s17 =	sxor.u32 @!p0 $0xFFFFFFFF, s10;
	s18 =	sshll.u32 @!p0 s13, $0x10  }
0x20: {  	s19 =	sshll.u32 @!p0 s12, $0xF;
	s20 =	sshll.u32 @!p0 s11, $0x3;
	s18 =	sadd.s32 @!p0 s2, s18  }
0x21: {  	s20 =	sand.u32 @!p0 $0x7FF0, s20;
	s17 =	sshll.u32 @!p0 s17, $0xE;
	s18 =	sadd.s32 @!p0 s19, s18  }
0x22: {  	s17 =	sand.u32 @!p0 $0x4000, s17;
	s19 =	simm.s32 @!p0 $0x0;
	s18 =	sadd.s32 @!p0 s20, s18  }
0x23: {  	[tilespmem:s17], [sflag:$0x1] =	stream.linear.gather @!p0 [hbm4b:s18+s19], $0x4000, $0x38;
	[tilespmem:$0x10000] =	vst v63  }
0x24: {  	p0 =	sge.u32 s31, s6  }
.Ltmp2:
0x25: {  	_ = 	snop;
	(pc) =	sbr.rel @p0 .LBB1_5-.Ltmp2, $1  }
0x26: {  	_ =	sdelay $0x3  }
0x27: {  	s17 =	sshrl.u32 s9, $0x1;
	_ =	swait.ge [sflag:s5], $0x4000  }
0x28: {  	s17 =	sand.u32 $0x4000, s17;
	[sflag:s5] =	ssyncset.done $0x0  }
0x29: {  	s20 =	sor.u32 $0x40, s17;
	[sflag:s5] =	ssyncadd.s32 $0xFFFFC000  }
0x2a: {  	v3 =	vld [tilespmem:s20+$0x30]  }
0x2b: {  	v4 =	vld [tilespmem:s20+$0xFFFFFFD0]  }
0x2c: {  	v5 =	vld [tilespmem:s20+$0xFFFFFFE0]  }
0x2d: {  	v0 =	vld [tilespmem:s20+$0xFFFFFFF0]  }
0x2e: {  	s17 =	sor.u32 $0x8040, s17;
	v1 =	vld [tilespmem:s20+$0x0]  }
0x2f: {  	s18 =	sshll.u32 s10, $0xE;
	v2 =	vld [tilespmem:s20+$0x10];
	[tilespmem:s17+$0x30] =	vst v3  }
0x30: {  	s18 =	sand.u32 $0x4000, s18;
	[tilespmem:s17+$0xFFFFFFD0] =	vst v4;
	v4 =	vld [tilespmem:s20+$0x20]  }
0x31: {  	s19 =	simm.s32 $0x0;
	s18 =	sor.u32 $0x8000, s18;
	v3 =	vld [tilespmem:s20+$0xFFFFFFC0];
	[tilespmem:s17+$0xFFFFFFE0] =	vst v5;
	s20 =	sadd.s32 $0x80, s20  }
.LBB1_3:
0x32: {  	v5 =	vld [tilespmem:s20+$0x30];
	s19 =	sadd.s32 $0x2, s19;
	[tilespmem:s17+$0xFFFFFFF0] =	vst v0  }
0x33: {  	v6 =	vld [tilespmem:s20+$0xFFFFFFD0];
	p0 =	slt.u32 s19, $0xFE;
	[tilespmem:s17+$0x0] =	vst v1  }
0x34: {  	v7 =	vld [tilespmem:s20+$0xFFFFFFE0];
	[tilespmem:s17+$0x10] =	vst v2  }
.Ltmp3:
0x35: {  	v0 =	vld [tilespmem:s20+$0xFFFFFFF0];
	[tilespmem:s17+$0x20] =	vst v4;
	(pc) =	sbr.rel @p0 .LBB1_3-.Ltmp3, $4  }
0x36: {  	v1 =	vld [tilespmem:s20+$0x0];
	[tilespmem:s17+$0xFFFFFFC0] =	vst v3;
	s17 =	sadd.s32 $0x80, s17  }
0x37: {  	v2 =	vld [tilespmem:s20+$0x10];
	[tilespmem:s17+$0x30] =	vst v5  }
0x38: {  	[tilespmem:s17+$0xFFFFFFD0] =	vst v6;
	v4 =	vld [tilespmem:s20+$0x20]  }
0x39: {  	v3 =	vld [tilespmem:s20+$0xFFFFFFC0];
	[tilespmem:s17+$0xFFFFFFE0] =	vst v7;
	s20 =	sadd.s32 $0x80, s20  }
.Ltmp4:
0x3a: {  	_ = 	snop;
	(pc) =	sbr.rel .LBB1_4-.Ltmp4, $1  }
0x3b: {  	_ =	sdelay $0x3  }
.LBB1_6:
0x3c: {  	_ =	sfence.sel $0x180000  }
0x3d: {  	s2 =	simm.s32 $0x1;
	[bflag:$0x0] =	sbarrier.arrive $0xFFFF  }
0x3e: {  	s31 =	simm.s32 $0x2;
	[sflag:s2] =	ssyncpa.u1 $0x1  }
0x3f: {  	[sflag:s31] =	ssyncpa.u1 $0x1  }
0x40: {  	p0 =	sne.s32 s1, $0x0;
	_ =	strace $0x9000004D  }
0x41: {  	s0 =	sadd.s32 @!p0 $0x100000, s0;
	[bflag:$0x2] =	sbarrier.arrive $0xFFFF  }
0x42: {  	[sflag:s0] =	ssyncadd.tile.s32 @!p0 $0x1;
	_ =	shalt  }
.Lfunc_end1:
_tile_overlayer_lowered:
.L_overlay_start_2:
0x43: {  	(tag) =	ssettag $0x2  }
0x44: {  	s0 =	rddreg [dreg:$0x0];
	s2 =	stileid.u32  }
0x45: {  	s1 =	rddreg [dreg:$0x1];
	p0 =	sne.s32 s2, $0x0  }
0x46: {  	s3 =	rddreg [dreg:$0x2];
	[bflag:$0x3] =	sbarrier.arrive $0xFFFF;
	s2 =	simm.s32 @!p0 $0x1C01  }
0x47: {  	[timem:s3], [sflag:s2] =	dma.local @!p0 [hbm:s0], s1  }
0x48: {  	s0 =	simm.s32 @!p0 $0x1  }
0x49: {  	_ =	swait.ge @!p0 [sflag:s0], s1  }
0x4a: {  	s1 =	ssub.s32 @!p0 $0x0, s1;
	[sflag:s0] =	ssyncset.done @!p0 $0x0  }
0x4b: {  	[sflag:s0] =	ssyncadd.s32 @!p0 s1  }
0x4c: {  	[bflag:$0x3] =	sbarrier.arrive $0xFFFF  }
0x4d: {  	_ =	shalt  }

// kernel: sparse-core-data-format-call.cloned.1.call-start
scs
called_computation_lowered:
.L_overlay_start_0:
0x0: {  	s2 =	sld [smem:$0x3FD9]  }
0x1: {  	s3 =	sld [smem:$0x3FFE];
	_ =	sdelay $0x1  }
0x2: {  	s1 =	srdreg.scid  }
0x3: {  	s0 =	sand.u32 $0x1, s1  }
0x4: {  	s18 =	sshll.u32 s0, $0xA;
	s2 =	sadd.s32 s3, s2  }
0x5: {  	s2 =	sadd.s32 s2, s18  }
0x6: {  	[smem:$0x3FC5] =	sst s2  }
0x7: {  	_ = 	snop  }
0x8: {  	s2 =	sld [smem:$0x3FD0];
	(tm) =	ssettm $0x1  }
0x9: {  	s19 =	sld [smem:$0x3FFB];
	_ =	sdelay $0x3  }
0xa: {  	_ =	strace s19  }
0xb: {  	s3 =	sld [smem:$0x3FFC];
	_ =	sdelay $0x3  }
0xc: {  	_ =	strace s3  }
0xd: {  	s3 =	sld [smem:$0x3FFD];
	_ =	sdelay $0x3  }
0xe: {  	_ =	strace s3  }
0xf: {  	_ =	strace $0x8FFFFFFF  }
0x10: {  	s20 =	sld [smem:$0x3FDB];
	_ =	sdelay $0x1  }
0x11: {  	s4 =	simm.s32 $_scs_section_size  }
0x12: {  	s5 =	simm.s32 $_size__tile_overlayer_lowered;
	s6 =	simm.s32 $_tile_overlayer_lowered  }
0x13: {  	s23 =	simm.s32 $0x1BFF;
	s22 =	sshll.u32 s6, $0x1;
	s3 =	sadd.s32 s4, s20  }
0x14: {  	s7 =	simm.s32 $0x0;
	s21 =	sshll.u32 s5, $0x1;
	s5 =	sadd.s32 s22, s3  }
0x15: {  	[timem:s7], [sflag:s23] =	dma.local [hbm:s5], s21  }
0x16: {  	_ =	swait.ge [sflag:s23], s21  }
0x17: {  	s4 =	ssub.s32 $0x0, s21;
	[sflag:s23] =	ssyncset.done $0x0  }
0x18: {  	[sflag:s23] =	ssyncadd.s32 s4;
	_ =	sdelay $0x1  }
0x19: {  	s24 =	simm.s32 $0x1B8B  }
0x1a: {  	_ =	swait.ge [sflag:s24], $0x1  }
0x1b: {  	[sflag:s24] =	ssyncset.done $0x0  }
0x1c: {  	s26 =	simm.s32 $0x1B8E;
	s25 =	sld [smem:$0x3FFE];
	[sflag:s24] =	ssyncadd.s32 $0xFFFFFFFF  }
0x1d: {  	s27 =	simm.s32 $execute0_lowered;
	[smem:$0x3FD2] =	sst s26  }
0x1e: {  	s5 =	sshll.u32 s27, $0x1;
	_ =	strace $0x80000058;
	[dreg:$0x1] =	wrdreg $0xFFFFFFFF  }
0x1f: {  	s28 =	simm.s32 $_size_execute0_lowered;
	s3 =	sadd.s32 s3, s5;
	[dreg:$0x0] =	wrdreg $0x0  }
0x20: {  	s5 =	sshll.u32 s28, $0x1;
	[dreg:$0x2] =	wrdreg s3  }
0x21: {  	[dreg:$0x3] =	wrdreg s5  }
0x22: {  	[dreg:$0x4] =	wrdreg $0xC0  }
0x23: {  	_ =	task [dreg:s7], $0x5FFFF  }
0x24: {  	[dreg:$0x1] =	wrdreg $0xFFFFFFFF  }
0x25: {  	[dreg:$0x0] =	wrdreg $0x60  }
0x26: {  	[dreg:$0x2] =	wrdreg s2  }
0x27: {  	[dreg:$0x3] =	wrdreg s25  }
0x28: {  	[dreg:$0x4] =	wrdreg $0x9  }
0x29: {  	_ =	task.clear_ibuf [dreg:s7], $0x5FFFF;
	_ =	strace $0x90000058  }
0x2a: {  	s29 =	simm.s32 $0x9;
	_ =	strace $0x8000005A  }
0x2b: {  	_ =	swait.ge [sflag:s29], $0x1  }
0x2c: {  	[sflag:s29] =	ssyncadd.s32 $0xFFFFFFFF  }
0x2d: {  	_ =	strace $0x9000005A  }
0x2e: {  	_ =	sfence  }
0x2f: {  	s30 =	sld [smem:$0x0];
	_ =	sdelay $0x2  }
0x30: {  	s31 =	sshll.u32 s1, $0xD;
	s1 =	sshrl.u32 s1, $0x2  }
0x31: {  	s3 =	sand.u32 $0x4000, s31;
	s1 =	sadd.s32 s1, s30  }
0x32: {  	s0 =	sor.u32 s3, s0;
	s1 =	sshll.u32 s1, $0x11  }
0x33: {  	s0 =	sor.u32 s1, s0  }
0x34: {  	s0 =	sadd.s32 $0x8F2B, s0  }
0x35: {  	[sflag:s0] =	ssyncadd.remote.s32 $0x1  }
0x36: {  	_ =	sfence.sel $0xFFFF  }
0x37: {  	[dreg:$0x0] =	wrdreg $0xFFFFFFFF;
	(pc) =	sbr.abs _section_cstart, $3  }
0x38: {  	[dreg:$0x1] =	wrdreg $0xFFFFFFFF  }
0x39: {  	_ =	task.clear_ibuf [dreg:s7], $0x2FFFF;
	_ =	strace $0x9FFFFFFF  }
0x3a: {  	(tm) =	ssettm $0x7FFFFFFF  }
0x3b: {  	_ =	shalt  }
tec
execute0_lowered:
.L_overlay_start_1:
0x0: {  	(tag) =	ssettag $0x1  }
0x1: {  	s0 =	srdreg.scid  }
0x2: {  	s1 =	sshll.u32 s0, $0x4  }
0x3: {  	s2 =	rddreg [dreg:$0x0];
	s0 =	stileid.u32;
	s1 =	sand.u32 $0x10, s1  }
0x4: {  	s4 =	rddreg [dreg:$0x1];
	s7 =	simm.s32 $0x1;
	s1 =	sor.u32 s0, s1  }
0x5: {  	s8 =	simm.s32 $0x2;
	s9 =	simm.s32 $0x0;
	s3 =	sshll.u32 s1, $0x1  }
0x6: {  	s12 =	simm.s32 $0x0;
	s11 =	simm.s32 $0x0;
	s6 =	ssub.s32 $0x400, s3  }
.Ltmp0:
0x7: {  	s4 =	sadd.s32 $0xE00, s4;
	s5 =	sand.u32 $0x3E, s6;
	(pc) =	sbr.rel .LBB1_1-.Ltmp0, $4  }
0x8: {  	s1 =	rddreg [dreg:$0x2];
	_ =	strace $0x80000059;
	p0 =	sne.s32 s5, $0x0  }
0x9: {  	s6 =	sshrl.u32 s6, $0x6;
	s5 =	simm.s32 $0x1;
	s7 =	simm.s32 @!p0 $0x0  }
0xa: {  	s10 =	smov.u32 s3;
	[sflag:s5] =	ssyncpa.u1 $0x0;
	s6 =	sadd.s32 s7, s6  }
0xb: {  	[sflag:s8] =	ssyncpa.u1 $0x0;
	s8 =	simm.s32 $0x0;
	s7 =	sadd.s32 $0x1, s6  }
.LBB1_9:
0xc: {  	s14 =	sadd.s32 $0x40, s10  }
0xd: {  	p1 =	sgt.s32 s14, $0x3FF  }
0xe: {  	s14 =	smov.u32 @p1 s3;
	p1 =	sne.s32 s11, s7  }
.Ltmp1:
0xf: {  	p0 =	slt.u32 s11, $0x2;
	(pc) =	sbr.rel @!p1 .LBB1_10-.Ltmp1, $4  }
0x10: {  	s13 =	simm.s32 @!p0 $0x2  }
0x11: {  	s15 =	sadd.s32 $0x1, s11;
	_ =	swait.ge @!p0 [sflag:s13], $0x4000  }
0x12: {  	s12 =	smov.u32 s10;
	s9 =	sadd.s32 $0x8000, s9;
	[sflag:s13] =	ssyncset.done @!p0 $0x0  }
0x13: {  	s11 =	smov.u32 s15;
	s10 =	smov.u32 s14;
	[sflag:s13] =	ssyncadd.s32 @!p0 $0xFFFFC000  }
.LBB1_1:
0x14: {  	p0 =	sge.u32 s11, s6  }
0x15: {  	s13 =	sxor.u32 @!p0 $0xFFFFFFFF, s11  }
0x16: {  	s31 =	sadd.s32 $0xFFFFFFFF, s11;
	s14 =	sshll.u32 @!p0 s10, $0xA;
	s13 =	sshll.u32 @!p0 s13, $0xE  }
0x17: {  	s15 =	simm.s32 @!p0 $0x0;
	s14 =	sadd.s32 @!p0 s2, s14;
	s13 =	sand.u32 @!p0 $0x4000, s13  }
0x18: {  	[tilespmem:s13], [sflag:$0x1] =	stream.linear.gather @!p0 [hbm4b:s14+s15], $0x4000, $0x38;
	[tilespmem:$0x10000] =	vst v63  }
0x19: {  	p0 =	sge.u32 s31, s6  }
.Ltmp2:
0x1a: {  	_ = 	snop;
	(pc) =	sbr.rel @p0 .LBB1_9-.Ltmp2, $1  }
0x1b: {  	_ =	sdelay $0x3  }
0x1c: {  	s13 =	sshll.u32 s9, $0x1  }
0x1d: {  	_ =	swait.ge [sflag:s5], $0x4000;
	s14 =	sshll.u32 s11, $0xE;
	s16 =	simm.s32 $0x0  }
0x1e: {  	p1 =	por $0x1, $0x1;
	s13 =	sand.u32 $0x10000, s13;
	[sflag:s5] =	ssyncset.done $0x0  }
0x1f: {  	s14 =	sand.u32 $0x4000, s14;
	s15 =	sshrl.u32 s13, $0x2;
	[sflag:s5] =	ssyncadd.s32 $0xFFFFC000  }
0x20: {  	s13 =	sor.u32 $0x8000, s14;
	s14 =	sadd.s32 $0x400, s15;
	s15 =	sadd.s32 $0x8200, s15  }
.LBB1_3:
0x21: {  	s17 =	sshra.s32 s16, $0x2;
	p0 =	por p1, p1  }
0x22: {  	s18 =	simm.s32 $0x0;
	s16 =	sadd.s32 s17, s14;
	s17 =	sadd.s32 s17, s15  }
.LBB1_4:
0x23: {  	v0 =	vld [tilespmem:s16+$0xFFFFFC70]  }
0x24: {  	v1 =	vld [tilespmem:s16+$0x70]  }
0x25: {  	v2 =	vld [tilespmem:s16+$0x0]  }
0x26: {  	v3 =	vld [tilespmem:s16+$0xFFFFFC10]  }
0x27: {  	v4 =	vld [tilespmem:s16+$0x10]  }
0x28: {  	v5 =	vld [tilespmem:s16+$0xFFFFFC20]  }
0x29: {  	v7 =	vld [tilespmem:s16+$0x20]  }
0x2a: {  	v11 =	vld [tilespmem:s16+$0x30];
	v6 =	vunpack.i.l.s16.s32 v0;
	v8 =	vunpack.i.u.s16.s32 v0;
	v9 =	vunpack.i.u.s16.s32 v1  }
0x2b: {  	v10 =	vunpack.i.l.s16.s32 v1;
	v0 =	vunpack.i.u.s16.s32 v2;
	v1 =	vunpack.i.l.s16.s32 v2;
	v2 =	vld [tilespmem:s16+$0xFFFFFC30]  }
0x2c: {  	v8 =	vpack.i.b32.b16 v9, v8;
	v9 =	vunpack.i.u.s16.s32 v3;
	v3 =	vunpack.i.l.s16.s32 v3  }
0x2d: {  	v12 =	vld [tilespmem:s16+$0xFFFFFC40];
	v6 =	vpack.i.b32.b16 v10, v6;
	[tilespmem:s17+$0x70] =	vst v8;
	v8 =	vunpack.i.u.s16.s32 v4;
	v4 =	vunpack.i.l.s16.s32 v4  }
0x2e: {  	v13 =	vld [tilespmem:s16+$0x40];
	v10 =	vunpack.i.u.s16.s32 v5;
	v5 =	vunpack.i.l.s16.s32 v5;
	[tilespmem:s17+$0xFFFFFE70] =	vst v6;
	v3 =	vpack.i.b32.b16 v4, v3  }
0x2f: {  	v6 =	vunpack.i.l.s16.s32 v7;
	v4 =	vld [tilespmem:s16+$0xFFFFFC50];
	[tilespmem:s17+$0xFFFFFE10] =	vst v3;
	v3 =	vpack.i.b32.b16 v8, v9;
	v8 =	vunpack.i.u.s16.s32 v7  }
0x30: {  	v7 =	vunpack.i.l.s16.s32 v11;
	[tilespmem:s17+$0x10] =	vst v3;
	v3 =	vpack.i.b32.b16 v6, v5;
	v9 =	vunpack.i.u.s16.s32 v2;
	v6 =	vld [tilespmem:s16+$0x50]  }
0x31: {  	v5 =	vunpack.i.l.s16.s32 v2;
	v2 =	vld [tilespmem:s16+$0xFFFFFC60];
	[tilespmem:s17+$0xFFFFFE20] =	vst v3;
	v3 =	vpack.i.b32.b16 v8, v10;
	v10 =	vunpack.i.u.s16.s32 v11  }
0x32: {  	s21 =	simm.s32 $0x0;
	v11 =	vpack.i.b32.b16 v7, v5;
	v7 =	vunpack.i.u.s16.s32 v12;
	v8 =	vunpack.i.l.s16.s32 v12;
	[tilespmem:s17+$0x20] =	vst v3;
	v3 =	vld [tilespmem:s16+$0x60]  }
0x33: {  	s22 =	sadd.s32 $0x80, s16;
	s20 =	smov.u32 s17;
	s19 =	smov.u32 s17;
	v5 =	vld [tilespmem:s16+$0xFFFFFC00];
	[tilespmem:s17+$0xFFFFFE30] =	vst v11;
	v10 =	vpack.i.b32.b16 v10, v9;
	v9 =	vunpack.i.u.s16.s32 v13;
	v11 =	vunpack.i.l.s16.s32 v13  }
.LBB1_5:
0x34: {  	v12 =	vld [tilespmem:s22+$0xFFFFFC70];
	[tilespmem:s20+$0x30] =	vst v10;
	v8 =	vpack.i.b32.b16 v11, v8;
	v10 =	vunpack.i.u.s16.s32 v4;
	v4 =	vunpack.i.l.s16.s32 v4  }
0x35: {  	s21 =	sadd.s32 $0x2, s21;
	v7 =	vpack.i.b32.b16 v9, v7;
	v11 =	vld [tilespmem:s22+$0x70];
	[tilespmem:s20+$0xFFFFFE40] =	vst v8;
	v8 =	vunpack.i.u.s16.s32 v6;
	v6 =	vunpack.i.l.s16.s32 v6  }
0x36: {  	p1 =	slt.u32 s21, $0xE;
	v9 =	vld [tilespmem:s22+$0x0];
	[tilespmem:s20+$0x40] =	vst v7;
	v4 =	vpack.i.b32.b16 v6, v4;
	v6 =	vunpack.i.u.s16.s32 v2;
	v2 =	vunpack.i.l.s16.s32 v2  }
0x37: {  	v7 =	vld [tilespmem:s22+$0xFFFFFC10];
	[tilespmem:s20+$0xFFFFFE50] =	vst v4;
	v4 =	vpack.i.b32.b16 v8, v10;
	v8 =	vunpack.i.u.s16.s32 v3;
	v3 =	vunpack.i.l.s16.s32 v3  }
0x38: {  	v10 =	vld [tilespmem:s22+$0x10];
	v13 =	vunpack.i.u.s16.s32 v5;
	v5 =	vunpack.i.l.s16.s32 v5;
	[tilespmem:s20+$0x50] =	vst v4;
	v2 =	vpack.i.b32.b16 v3, v2  }
0x39: {  	v3 =	vld [tilespmem:s22+$0xFFFFFC20];
	v4 =	vunpack.i.l.s16.s32 v12;
	v1 =	vpack.i.b32.b16 v1, v5;
	v5 =	vpack.i.b32.b16 v0, v13;
	[tilespmem:s20+$0xFFFFFE60] =	vst v2  }
0x3a: {  	v12 =	vunpack.i.u.s16.s32 v12;
	v2 =	vld [tilespmem:s22+$0x20];
	v13 =	vunpack.i.u.s16.s32 v11;
	v11 =	vunpack.i.l.s16.s32 v11;
	[tilespmem:s20+$0xFFFFFE00] =	vst v1  }
0x3b: {  	s20 =	sadd.s32 $0x400, s20;
	v0 =	vunpack.i.u.s16.s32 v9;
	v1 =	vunpack.i.l.s16.s32 v9;
	v9 =	vld [tilespmem:s22+$0xFFFFFC30];
	v12 =	vpack.i.b32.b16 v13, v12;
	[tilespmem:s19+$0x0] =	vst v5  }
0x3c: {  	v6 =	vpack.i.b32.b16 v8, v6;
	v5 =	vunpack.i.u.s16.s32 v7;
	v7 =	vunpack.i.l.s16.s32 v7;
	v13 =	vld [tilespmem:s22+$0x30];
	[tilespmem:s20+$0x70] =	vst v12  }
0x3d: {  	v4 =	vpack.i.b32.b16 v11, v4;
	v8 =	vunpack.i.u.s16.s32 v10;
	v10 =	vunpack.i.l.s16.s32 v10;
	v12 =	vld [tilespmem:s22+$0xFFFFFC40];
	[tilespmem:s19+$0x60] =	vst v6;
	s19 =	smov.u32 s20  }
0x3e: {  	v6 =	vpack.i.b32.b16 v10, v7;
	v7 =	vunpack.i.u.s16.s32 v3;
	v3 =	vunpack.i.l.s16.s32 v3;
	v11 =	vld [tilespmem:s22+$0x40];
	[tilespmem:s20+$0xFFFFFE70] =	vst v4  }
.Ltmp3:
0x3f: {  	v5 =	vpack.i.b32.b16 v8, v5;
	[tilespmem:s20+$0xFFFFFE10] =	vst v6;
	v8 =	vunpack.i.u.s16.s32 v2;
	v2 =	vunpack.i.l.s16.s32 v2;
	v4 =	vld [tilespmem:s22+$0xFFFFFC50];
	(pc) =	sbr.rel @p1 .LBB1_5-.Ltmp3, $4  }
0x40: {  	[tilespmem:s20+$0x10] =	vst v5;
	v2 =	vpack.i.b32.b16 v2, v3;
	v10 =	vunpack.i.u.s16.s32 v9;
	v3 =	vunpack.i.l.s16.s32 v9;
	v6 =	vld [tilespmem:s22+$0x50]  }
0x41: {  	v5 =	vpack.i.b32.b16 v8, v7;
	[tilespmem:s20+$0xFFFFFE20] =	vst v2;
	v9 =	vunpack.i.u.s16.s32 v13;
	v7 =	vunpack.i.l.s16.s32 v13;
	v2 =	vld [tilespmem:s22+$0xFFFFFC60]  }
0x42: {  	[tilespmem:s20+$0x20] =	vst v5;
	v13 =	vpack.i.b32.b16 v7, v3;
	v7 =	vunpack.i.u.s16.s32 v12;
	v8 =	vunpack.i.l.s16.s32 v12;
	v3 =	vld [tilespmem:s22+$0x60]  }
0x43: {  	v10 =	vpack.i.b32.b16 v9, v10;
	v5 =	vld [tilespmem:s22+$0xFFFFFC00];
	[tilespmem:s20+$0xFFFFFE30] =	vst v13;
	v9 =	vunpack.i.u.s16.s32 v11;
	v11 =	vunpack.i.l.s16.s32 v11;
	s22 =	sadd.s32 $0x80, s22  }
0x44: {  	[tilespmem:s20+$0x30] =	vst v10;
	v8 =	vpack.i.b32.b16 v11, v8  }
0x45: {  	v51 =	vunpack.i.l.s16.s32 v4;
	v7 =	vpack.i.b32.b16 v9, v7;
	[tilespmem:s20+$0xFFFFFE40] =	vst v8;
	v52 =	vunpack.i.l.s16.s32 v6  }
0x46: {  	v53 =	vunpack.i.u.s16.s32 v4;
	v54 =	vunpack.i.u.s16.s32 v6;
	[tilespmem:s20+$0x40] =	vst v7;
	v55 =	vpack.i.b32.b16 v52, v51  }
0x47: {  	p1 =	slt.u32 s18, $0x6;
	v56 =	vunpack.i.l.s16.s32 v2;
	v4 =	vpack.i.b32.b16 v54, v53;
	[tilespmem:s20+$0xFFFFFE50] =	vst v55;
	v57 =	vunpack.i.l.s16.s32 v3  }
.Ltmp4:
0x48: {  	[tilespmem:s20+$0x50] =	vst v4;
	v58 =	vunpack.i.l.s16.s32 v5;
	v59 =	vpack.i.b32.b16 v57, v56;
	(pc) =	sbr.rel @p1 .LBB1_4-.Ltmp4, $4  }
0x49: {  	v61 =	vunpack.i.u.s16.s32 v2;
	v62 =	vunpack.i.u.s16.s32 v3;
	v1 =	vpack.i.b32.b16 v1, v58;
	[tilespmem:s20+$0xFFFFFE60] =	vst v59  }
0x4a: {  	v60 =	vunpack.i.u.s16.s32 v5;
	v63 =	vpack.i.b32.b16 v62, v61;
	[tilespmem:s20+$0xFFFFFE00] =	vst v1  }
0x4b: {  	s31 =	sadd.s32 $0x2, s18;
	v0 =	vpack.i.b32.b16 v0, v60;
	[tilespmem:s19+$0x60] =	vst v63  }
0x4c: {  	s16 =	sadd.s32 $0x800, s16;
	s17 =	sadd.s32 $0x80, s17;
	s18 =	smov.u32 s31;
	[tilespmem:s19+$0x0] =	vst v0  }
.Ltmp5:
0x4d: {  	(pc) =	sbr.rel @p0 .LBB1_3-.Ltmp5, $2  }
0x4e: {  	_ =	sdelay $0x2  }
0x4f: {  	s16 =	simm.s32 $0x8000;
	p1 =	por $0x0, $0x0  }
.Ltmp6:
0x50: {  	(pc) =	sbr.rel .LBB1_9-.Ltmp6, $4  }
0x51: {  	_ = 	snop  }
0x52: {  	s12 =	sshll.u32 s12, $0xA  }
0x53: {  	s12 =	sadd.s32 s4, s12  }
0x54: {  	[hbm4b:s12+s8] =	stream.linear.scatter [tilespmem:s13], [sflag:$0x2], $0x4000, $0x38;
	[tilespmem:$0x10000] =	vst v63  }
.LBB1_10:
0x55: {  	_ =	sfence.sel $0x180000  }
0x56: {  	s2 =	simm.s32 $0x1;
	[bflag:$0x0] =	sbarrier.arrive $0xFFFF  }
0x57: {  	s31 =	simm.s32 $0x2;
	[sflag:s2] =	ssyncpa.u1 $0x1  }
0x58: {  	[sflag:s31] =	ssyncpa.u1 $0x1  }
0x59: {  	p0 =	sne.s32 s0, $0x0;
	_ =	strace $0x90000059  }
0x5a: {  	s0 =	sadd.s32 @!p0 $0x100000, s1;
	[bflag:$0x2] =	sbarrier.arrive $0xFFFF  }
0x5b: {  	[sflag:s0] =	ssyncadd.tile.s32 @!p0 $0x1;
	_ =	shalt  }
.Lfunc_end1:
_tile_overlayer_lowered:
.L_overlay_start_2:
0x5c: {  	(tag) =	ssettag $0x2  }
0x5d: {  	s0 =	rddreg [dreg:$0x0];
	s2 =	stileid.u32  }
0x5e: {  	s1 =	rddreg [dreg:$0x1];
	p0 =	sne.s32 s2, $0x0  }
0x5f: {  	s3 =	rddreg [dreg:$0x2];
	[bflag:$0x3] =	sbarrier.arrive $0xFFFF;
	s2 =	simm.s32 @!p0 $0x1C01  }
0x60: {  	[timem:s3], [sflag:s2] =	dma.local @!p0 [hbm:s0], s1  }
0x61: {  	s0 =	simm.s32 @!p0 $0x1  }
0x62: {  	_ =	swait.ge @!p0 [sflag:s0], s1  }
0x63: {  	s1 =	ssub.s32 @!p0 $0x0, s1;
	[sflag:s0] =	ssyncset.done @!p0 $0x0  }
0x64: {  	[sflag:s0] =	ssyncadd.s32 @!p0 s1  }
0x65: {  	[bflag:$0x3] =	sbarrier.arrive $0xFFFF  }
0x66: {  	_ =	shalt  }

</sc_bundles>
